<compile_context>
chip_gen: v7x
topology: tpu7x:2x2x1
jax: 0.10.2.dev20260603
libtpu: 0.0.44.dev20260713+nightly
codegen_flags: <defaults>
</compile_context>

<pallas_src>
import functools

import numpy as np
import jax
import jax.numpy as jnp
from jax import lax
from jax.experimental import pallas as pl
from jax.experimental.pallas import tpu as pltpu
from jax.experimental.pallas import tpu_sc as plsc

V = 10242
Vp = 10368
Q = Vp // 4
GQ = Q // 16
GF = Vp // 16
NSTEP = 10


def _icosphere_faces(level=5):
    t = (1.0 + 5.0 ** 0.5) / 2.0
    verts = np.array([[-1, t, 0], [1, t, 0], [-1, -t, 0], [1, -t, 0],
                      [0, -1, t], [0, 1, t], [0, -1, -t], [0, 1, -t],
                      [t, 0, -1], [t, 0, 1], [-t, 0, -1], [-t, 0, 1]], dtype=np.float64)
    verts = verts / np.linalg.norm(verts, axis=1, keepdims=True)
    faces = np.array([[0, 11, 5], [0, 5, 1], [0, 1, 7], [0, 7, 10], [0, 10, 11],
                      [1, 5, 9], [5, 11, 4], [11, 10, 2], [10, 7, 6], [7, 1, 8],
                      [3, 9, 4], [3, 4, 2], [3, 2, 6], [3, 6, 8], [3, 8, 9],
                      [4, 9, 5], [2, 4, 11], [6, 2, 10], [8, 6, 7], [9, 8, 1]], dtype=np.int64)
    for _ in range(level):
        vlist = [v for v in verts]
        cache = {}
        def mid(a, b):
            key = (a, b) if a < b else (b, a)
            if key not in cache:
                m = (vlist[a] + vlist[b]) / 2.0
                m = m / np.linalg.norm(m)
                cache[key] = len(vlist)
                vlist.append(m)
            return cache[key]
        nf = []
        for a, b, c in faces:
            ab = mid(int(a), int(b)); bc = mid(int(b), int(c)); ca = mid(int(c), int(a))
            nf.extend([[a, ab, ca], [ab, b, bc], [ca, bc, c], [ab, bc, ca]])
        faces = np.array(nf, dtype=np.int64)
        verts = np.stack(vlist)
    return faces


@functools.cache
def _tables():
    faces = _icosphere_faces(5)
    succ = [dict() for _ in range(V)]
    for a, b, c in faces:
        for i, j, k in ((a, b, c), (b, c, a), (c, a, b)):
            succ[i][j] = k
    a_lh = np.zeros((6, Vp), np.int32)
    a_rh = np.zeros((6, Vp), np.int32)
    pm = np.zeros(Vp, np.float32)
    inv_deg = np.full(Vp, 1.0 / 6.0, np.float32)
    rings_lh = [None] * Vp
    rings_rh = [None] * Vp
    for i in range(V):
        d = succ[i]
        deg = len(d)
        inv_deg[i] = 1.0 / deg
        pm[i] = 6.0 - deg
        x = min(d.keys())
        ring = [x]
        for _ in range(deg - 1):
            ring.append(d[ring[-1]])
        rings_lh[i] = ring
        inv = {v: k for k, v in d.items()}
        x = min(inv.keys())
        ringr = [x]
        for _ in range(deg - 1):
            ringr.append(inv[ringr[-1]])
        rings_rh[i] = ringr
    for i in range(V, Vp):
        rings_lh[i] = [i]
        rings_rh[i] = [i]

    def _fill(tab, rings):
        for i in range(Vp):
            ring = rings[i]
            tab[:, i] = ring + [ring[0]] * (6 - len(ring))

    _fill(a_lh, rings_lh)
    _fill(a_rh, rings_rh)
    tab = np.stack([a_lh, a_rh], 0)
    return tab.reshape(-1), inv_deg, pm


_mesh = plsc.VectorSubcoreMesh(core_axis_name="c", subcore_axis_name="s",
                               num_cores=2, num_subcores=16)


@functools.partial(
    pl.kernel,
    out_type=(jax.ShapeDtypeStruct((8 * 3 * Vp,), jnp.float32),
              jax.ShapeDtypeStruct((8 * Vp,), jnp.float32)),
    mesh=_mesh,
    compiler_params=pltpu.CompilerParams(use_tc_tiling_on_sc=False,
                                         needs_layout_passes=False),
    scratch_types=[
        pltpu.VMEM((Vp,), jnp.float32),
        pltpu.VMEM((Vp,), jnp.float32),
        pltpu.VMEM((Vp,), jnp.float32),
        pltpu.VMEM((6 * Q,), jnp.int32),
        pltpu.VMEM((Q,), jnp.float32),
        pltpu.VMEM((Q,), jnp.float32),
        pltpu.VMEM((211 * 16,), jnp.float32),
        pltpu.VMEM((Q,), jnp.float32),
        pltpu.VMEM((Q,), jnp.float32),
        pltpu.VMEM((Q,), jnp.float32),
        pltpu.VMEM((Q,), jnp.float32),
        pltpu.VMEM_SHARED((4 * 3 * Vp,), jnp.float32),
    ],
)
def _sc_inflate(vp_hbm, tab_hbm, id_hbm, pm_hbm, w_hbm, outv_hbm, outs_hbm,
                vx, vy, vz, tabv, idv, pmv, wv, nxv, nyv, nzv, slv, spm):
    c = lax.axis_index("c")
    s = lax.axis_index("s")
    p = c * 4 + s // 4
    ploc = s // 4
    q = s % 4
    base = q * Q

    pltpu.sync_copy(vp_hbm.at[pl.ds((p * 3 + 0) * Vp, Vp)], vx)
    pltpu.sync_copy(vp_hbm.at[pl.ds((p * 3 + 1) * Vp, Vp)], vy)
    pltpu.sync_copy(vp_hbm.at[pl.ds((p * 3 + 2) * Vp, Vp)], vz)
    for r in range(6):
        pltpu.sync_copy(tab_hbm.at[pl.ds((c * 6 + r) * Vp + base, Q)],
                        tabv.at[pl.ds(r * Q, Q)])
    pltpu.sync_copy(id_hbm.at[pl.ds(base, Q)], idv)
    pltpu.sync_copy(pm_hbm.at[pl.ds(base, Q)], pmv)
    pltpu.sync_copy(w_hbm, wv)

    inf16 = jnp.full((16,), jnp.float32(np.inf))
    def mm_body(g, carry):
        mnx, mxx, mny, mxy, mnz, mxz = carry
        slg = pl.ds(g * 16, 16)
        x = vx[slg]; y = vy[slg]; z = vz[slg]
        return (jnp.minimum(mnx, x), jnp.maximum(mxx, x),
                jnp.minimum(mny, y), jnp.maximum(mxy, y),
                jnp.minimum(mnz, z), jnp.maximum(mxz, z))
    mnx, mxx, mny, mxy, mnz, mxz = lax.fori_loop(
        0, GF, mm_body, (inf16, -inf16, inf16, -inf16, inf16, -inf16))

    lane = lax.iota(jnp.int32, 16)
    def _splat_reduce(x, op):
        for sh in (8, 4, 2, 1):
            x = op(x, jnp.take_along_axis(x, lane ^ sh, axis=0))
        return x
    ctrs = []
    szs = []
    iszs = []
    for mn, mx in ((mnx, mxx), (mny, mxy), (mnz, mxz)):
        lo = _splat_reduce(mn, jnp.minimum)
        hi = _splat_reduce(mx, jnp.maximum)
        ctr = (lo + hi) * jnp.float32(0.5)
        ctrs.append(ctr)
        szs.append(hi - ctr)
        iszs.append(jnp.float32(1.0) / (hi - ctr))
    ctrx, ctry, ctrz = ctrs
    szx, szy, szz = szs
    iszx, iszy, iszz = iszs

    def nrm_body(g, carry):
        slg = pl.ds(g * 16, 16)
        vx[slg] = (vx[slg] - ctrx) * iszx
        vy[slg] = (vy[slg] - ctry) * iszy
        vz[slg] = (vz[slg] - ctrz) * iszz
        return carry
    lax.fori_loop(0, GF, nrm_body, 0)

    def zero_body(g, carry):
        slv[pl.ds(g * 16, 16)] = jnp.zeros((16,), jnp.float32)
        return carry
    lax.fori_loop(0, GQ, zero_body, 0)

    step = jnp.float32(0.1)
    def _geometry(g):
        sl16 = pl.ds(base + g * 16, 16)
        lsl = pl.ds(g * 16, 16)
        px = vx[sl16]; py = vy[sl16]; pz = vz[sl16]
        ax = []; ay = []; az = []
        for t6 in range(6):
            ia = tabv[pl.ds(t6 * Q + g * 16, 16)]
            ax.append(plsc.load_gather(vx, [ia]))
            ay.append(plsc.load_gather(vy, [ia]))
            az.append(plsc.load_gather(vz, [ia]))
        sx = ((ax[0] + ax[1]) + (ax[2] + ax[3])) + (ax[4] + ax[5])
        sy = ((ay[0] + ay[1]) + (ay[2] + ay[3])) + (ay[4] + ay[5])
        sz = ((az[0] + az[1]) + (az[2] + az[3])) + (az[4] + az[5])
        ux = [a - px for a in ax]
        uy = [a - py for a in ay]
        uz = [a - pz for a in az]
        cx = jnp.zeros((16,), jnp.float32)
        cy = cx; cz = cx
        for t6 in range(6):
            t7 = (t6 + 1) % 6
            cx = cx + (uy[t6] * uz[t7] - uz[t6] * uy[t7])
            cy = cy + (uz[t6] * ux[t7] - ux[t6] * uz[t7])
            cz = cz + (ux[t6] * uy[t7] - uy[t6] * ux[t7])
        iv = idv[lsl]; pm = pmv[lsl]
        l0 = (sx - pm * ax[0]) * iv - px
        l1 = (sy - pm * ay[0]) * iv - py
        l2 = (sz - pm * az[0]) * iv - pz
        ss = cx * cx + cy * cy + cz * cz
        ii = jnp.int32(0x5F3759DF) - (plsc.bitcast(ss, jnp.int32) >> 1)
        yv = plsc.bitcast(ii, jnp.float32)
        hs = jnp.float32(0.5) * ss
        for _ in range(3):
            yv = yv * (jnp.float32(1.5) - hs * yv * yv)
        n0 = cx * yv; n1 = cy * yv; n2 = cz * yv
        return (px, py, pz, n0, n1, n2, l0, l1, l2)

    UN = 3
    def step_body(t, carry):
        def grp_body(h):
            gs = [UN * h + u for u in range(UN)]
            fs = [_geometry(g) for g in gs]
            d0 = [wv[pl.ds(208 * 16, 16)]] * UN
            d1 = [wv[pl.ds(209 * 16, 16)]] * UN
            d2 = [wv[pl.ds(210 * 16, 16)]] * UN
            for k in range(16):
                wb1 = wv[pl.ds((144 + k) * 16, 16)]
                acc = [wb1] * UN
                for j in range(9):
                    w1 = wv[pl.ds((j * 16 + k) * 16, 16)]
                    acc = [acc[u] + fs[u][j] * w1 for u in range(UN)]
                hk = [jnp.maximum(a, jnp.float32(0.0)) for a in acc]
                w20 = wv[pl.ds((160 + k * 3 + 0) * 16, 16)]
                w21 = wv[pl.ds((160 + k * 3 + 1) * 16, 16)]
                w22 = wv[pl.ds((160 + k * 3 + 2) * 16, 16)]
                d0 = [d0[u] + hk[u] * w20 for u in range(UN)]
                d1 = [d1[u] + hk[u] * w21 for u in range(UN)]
                d2 = [d2[u] + hk[u] * w22 for u in range(UN)]
            for u in range(UN):
                f = fs[u]
                lsl = pl.ds(gs[u] * 16, 16)
                nxv[lsl] = f[0] + step * d0[u]
                nyv[lsl] = f[1] + step * d1[u]
                nzv[lsl] = f[2] + step * d2[u]
                slv[lsl] = slv[lsl] + step * (f[3] * d0[u] + f[4] * d1[u]
                                              + f[5] * d2[u])
        plsc.parallel_loop(0, GQ // UN, 1)(grp_body)
        if True:
            pltpu.sync_copy(nxv, spm.at[pl.ds((ploc * 3 + 0) * Vp + base, Q)])
            pltpu.sync_copy(nyv, spm.at[pl.ds((ploc * 3 + 1) * Vp + base, Q)])
            pltpu.sync_copy(nzv, spm.at[pl.ds((ploc * 3 + 2) * Vp + base, Q)])
            plsc.subcore_barrier()
            pltpu.sync_copy(spm.at[pl.ds((ploc * 3 + 0) * Vp, Vp)], vx)
            pltpu.sync_copy(spm.at[pl.ds((ploc * 3 + 1) * Vp, Vp)], vy)
            pltpu.sync_copy(spm.at[pl.ds((ploc * 3 + 2) * Vp, Vp)], vz)
            plsc.subcore_barrier()
        return carry
    lax.fori_loop(0, NSTEP, step_body, 0)

    def out_body(g, carry):
        sl16 = pl.ds(base + g * 16, 16)
        lsl = pl.ds(g * 16, 16)
        nxv[lsl] = vx[sl16] * szx
        nyv[lsl] = vy[sl16] * szy
        nzv[lsl] = vz[sl16] * szz
        return carry
    lax.fori_loop(0, GQ, out_body, 0)
    pltpu.sync_copy(nxv, outv_hbm.at[pl.ds((p * 3 + 0) * Vp + base, Q)])
    pltpu.sync_copy(nyv, outv_hbm.at[pl.ds((p * 3 + 1) * Vp + base, Q)])
    pltpu.sync_copy(nzv, outv_hbm.at[pl.ds((p * 3 + 2) * Vp + base, Q)])
    pltpu.sync_copy(slv, outs_hbm.at[pl.ds(p * Vp + base, Q)])


def kernel(lh_vertices, rh_vertices, W1, b1, W2, b2, faces, src, dst):
    tab_np, inv_deg_np, coef_np = _tables()
    v_all = jnp.concatenate([lh_vertices, rh_vertices], 0)
    pad = jnp.broadcast_to(v_all[:, :1, :], (8, Vp - V, 3))
    vp = jnp.concatenate([v_all, pad], 1).transpose(0, 2, 1)
    wflat = jnp.concatenate([W1.reshape(-1), b1, W2.reshape(-1), b2])
    wvec = jnp.broadcast_to(wflat[:, None], (211, 16))
    outv, outs = _sc_inflate(vp.reshape(-1), jnp.asarray(tab_np),
                             jnp.asarray(inv_deg_np), jnp.asarray(coef_np),
                             wvec.reshape(-1))
    outv = outv.reshape(8, 3, Vp)
    outs = outs.reshape(8, Vp)
    lv = outv[0:4, :, :V].transpose(0, 2, 1)
    rv = outv[4:8, :, :V].transpose(0, 2, 1)
    ls = outs[0:4, :V]
    rs = outs[4:8, :V]
    return jnp.concatenate([lv, rv, ls[..., None], rs[..., None]], axis=-1)

# --- scband reference (transcript-rebuilt; emitter-appended) ---
"""Pipeline reference for scband-brain-inflate-6459630813500 (READ-ONLY COPY).

The authoritative reference and input builder live on the scoring server;
editing this copy changes nothing except your own understanding.
"""

import jax, jax.numpy as jnp
import numpy as np

def _build_icosphere(level):
    t = (1.0 + 5.0 ** 0.5) / 2.0
    verts = np.array([[-1, t, 0], [1, t, 0], [-1, -t, 0], [1, -t, 0],
                      [0, -1, t], [0, 1, t], [0, -1, -t], [0, 1, -t],
                      [t, 0, -1], [t, 0, 1], [-t, 0, -1], [-t, 0, 1]], dtype=np.float64)
    verts = verts / np.linalg.norm(verts, axis=1, keepdims=True)
    faces = np.array([[0, 11, 5], [0, 5, 1], [0, 1, 7], [0, 7, 10], [0, 10, 11],
                      [1, 5, 9], [5, 11, 4], [11, 10, 2], [10, 7, 6], [7, 1, 8],
                      [3, 9, 4], [3, 4, 2], [3, 2, 6], [3, 6, 8], [3, 8, 9],
                      [4, 9, 5], [2, 4, 11], [6, 2, 10], [8, 6, 7], [9, 8, 1]], dtype=np.int64)
    for _ in range(level):
        vlist = [v for v in verts]
        cache = {}
        def mid(a, b):
            key = (a, b) if a < b else (b, a)
            if key not in cache:
                m = (vlist[a] + vlist[b]) / 2.0
                m = m / np.linalg.norm(m)
                cache[key] = len(vlist)
                vlist.append(m)
            return cache[key]
        nf = []
        for a, b, c in faces:
            ab = mid(int(a), int(b)); bc = mid(int(b), int(c)); ca = mid(int(c), int(a))
            nf.extend([[a, ab, ca], [ab, b, bc], [ca, bc, c], [ab, bc, ca]])
        faces = np.array(nf, dtype=np.int64)
        verts = np.stack(vlist)
    return verts, faces

def setup_inputs(seed: int = 0):
    key = jax.random.key(seed)
    _, faces = _build_icosphere(5)
    V = 10242
    B = 4
    src = np.concatenate([faces[:, 0], faces[:, 1], faces[:, 2]])
    dst = np.concatenate([faces[:, 1], faces[:, 2], faces[:, 0]])
    ks = jax.random.split(key, 6)
    lh = jax.random.normal(ks[0], (B, V, 3), dtype=jnp.float32)
    rh = jax.random.normal(ks[1], (B, V, 3), dtype=jnp.float32)
    W1 = jax.random.normal(ks[2], (9, 16), dtype=jnp.float32) * 0.2
    b1 = jnp.zeros((16,), dtype=jnp.float32)
    W2 = jax.random.normal(ks[3], (16, 3), dtype=jnp.float32) * 0.2
    b2 = jnp.zeros((3,), dtype=jnp.float32)
    return {"lh_vertices": lh, "rh_vertices": rh, "W1": W1, "b1": b1, "W2": W2, "b2": b2,
            "faces": jnp.asarray(faces), "src": jnp.asarray(src), "dst": jnp.asarray(dst)}

def _vertex_normals(v, faces):
    p0 = v[:, faces[:, 0]]; p1 = v[:, faces[:, 1]]; p2 = v[:, faces[:, 2]]
    fn = jnp.cross(p1 - p0, p2 - p0)
    vn = jnp.zeros_like(v)
    vn = vn.at[:, faces[:, 0]].add(fn)
    vn = vn.at[:, faces[:, 1]].add(fn)
    vn = vn.at[:, faces[:, 2]].add(fn)
    return vn / (jnp.linalg.norm(vn, axis=-1, keepdims=True) + 1e-8)

def _laplacian(v, src, dst, V, deg):
    nbr = jnp.zeros_like(v).at[:, dst].add(v[:, src])
    return nbr / deg[None, :, None] - v

def reference(lh_vertices, rh_vertices, W1, b1, W2, b2, faces, src, dst):
    V = lh_vertices.shape[1]
    deg = jax.ops.segment_sum(jnp.ones(src.shape[0], jnp.float32), dst, num_segments=V)
    n_steps = 10
    step = 1.0 / n_steps
    def normalize(v):
        lo = v.min(axis=1, keepdims=True); hi = v.max(axis=1, keepdims=True)
        center = (lo + hi) / 2.0
        size = hi - center
        return (v - center) / size, center, size
    def run(v, f):
        sulc = jnp.zeros(v.shape[:2], v.dtype)
        for _ in range(n_steps):
            nrm = _vertex_normals(v, f)
            lbo = _laplacian(v, src, dst, V, deg)
            feat = jnp.concatenate([v, nrm, lbo], axis=-1)
            h = jax.nn.relu(feat @ W1 + b1)
            dV = h @ W2 + b2
            v = v + step * dV
            sulc = sulc + step * jnp.sum(feat[..., 3:6] * dV, axis=-1)
        return v, sulc
    outs = []
    for v, f in ((lh_vertices, faces), (rh_vertices, faces[:, ::-1])):
        vn, center, size = normalize(v)
        vd, sulc = run(vn, f)
        outs.append((vd * size, sulc))
    (lv, ls), (rv, rs) = outs
    return jnp.concatenate([lv, rv, ls[..., None], rs[..., None]], axis=-1)

if __name__ == "__main__":
    import jax
    _d = setup_inputs()
    print(jax.jit(kernel)(*tuple(_d.values())))

</pallas_src>

<mosaic_0001>
#map = affine_map<(d0, d1) -> (0)>
module attributes {stable_mosaic.version = 14 : i64} {
  func.func @_sc_inflate(%arg0: i32, %arg1: i32, %arg2: memref<248832xf32, #tpu.memory_space<hbm>>, %arg3: memref<124416xi32, #tpu.memory_space<hbm>>, %arg4: memref<10368xf32, #tpu.memory_space<hbm>>, %arg5: memref<10368xf32, #tpu.memory_space<hbm>>, %arg6: memref<3376xf32, #tpu.memory_space<hbm>>, %arg7: memref<248832xf32, #tpu.memory_space<hbm>>, %arg8: memref<82944xf32, #tpu.memory_space<hbm>>, %arg9: memref<10368xf32, #tpu.memory_space<vmem>>, %arg10: memref<10368xf32, #tpu.memory_space<vmem>>, %arg11: memref<10368xf32, #tpu.memory_space<vmem>>, %arg12: memref<15552xi32, #tpu.memory_space<vmem>>, %arg13: memref<2592xf32, #tpu.memory_space<vmem>>, %arg14: memref<2592xf32, #tpu.memory_space<vmem>>, %arg15: memref<3376xf32, #tpu.memory_space<vmem>>, %arg16: memref<2592xf32, #tpu.memory_space<vmem>>, %arg17: memref<2592xf32, #tpu.memory_space<vmem>>, %arg18: memref<2592xf32, #tpu.memory_space<vmem>>, %arg19: memref<2592xf32, #tpu.memory_space<vmem>>, %arg20: memref<124416xf32, #tpu.memory_space<vmem_shared>>) attributes {dimension_semantics = [#tpu.dimension_semantics<core_parallel>, #tpu.dimension_semantics<subcore_parallel>], iteration_bounds = array<i64: 2, 16>, scalar_prefetch = 0 : i64, scratch_operands = 12 : i64, tpu.core_type = #tpu.core_type<sc_vector_subcore>, window_params = [{transform_indices = #map}, {transform_indices = #map}, {transform_indices = #map}, {transform_indices = #map}, {transform_indices = #map}, {transform_indices = #map}, {transform_indices = #map}]} {
    %mul3A = arith.constant 4 : i32
    %mul3A_0 = arith.muli %arg0, %mul3A : i32
    %jit3A = arith.constant 4 : i32
    %div3A = arith.divsi %arg1, %jit3A : i32
    %sign3A = arith.constant 0 : i32
    %sign3A_1 = arith.cmpi sgt, %arg1, %sign3A : i32
    %sign3A_2 = arith.extui %sign3A_1 : i1 to i32
    %sign3A_3 = arith.constant 0 : i32
    %sign3A_4 = arith.cmpi slt, %arg1, %sign3A_3 : i32
    %sign3A_5 = arith.extui %sign3A_4 : i1 to i32
    %sign3A_6 = arith.subi %sign3A_2, %sign3A_5 : i32
    %sign3A_7 = arith.constant 0 : i32
    %sign3A_8 = arith.cmpi sgt, %jit3A, %sign3A_7 : i32
    %sign3A_9 = arith.extui %sign3A_8 : i1 to i32
    %sign3A_10 = arith.constant 0 : i32
    %sign3A_11 = arith.cmpi slt, %jit3A, %sign3A_10 : i32
    %sign3A_12 = arith.extui %sign3A_11 : i1 to i32
    %sign3A_13 = arith.subi %sign3A_9, %sign3A_12 : i32
    %ne3A = arith.cmpi ne, %sign3A_6, %sign3A_13 : i32
    %rem3A = arith.remsi %arg1, %jit3A : i32
    %ne3A_14 = arith.constant 0 : i32
    %ne3A_15 = arith.cmpi ne, %rem3A, %ne3A_14 : i32
    %and3A = arith.andi %ne3A, %ne3A_15 : i1
    %sub3A = arith.constant 1 : i32
    %sub3A_16 = arith.subi %div3A, %sub3A : i32
    %select_n3A = arith.select %and3A, %sub3A_16, %div3A : i32
    %add3A = arith.addi %mul3A_0, %select_n3A : i32
    %jit3A_17 = arith.constant 4 : i32
    %div3A_18 = arith.divsi %arg1, %jit3A_17 : i32
    %sign3A_19 = arith.constant 0 : i32
    %sign3A_20 = arith.cmpi sgt, %arg1, %sign3A_19 : i32
    %sign3A_21 = arith.extui %sign3A_20 : i1 to i32
    %sign3A_22 = arith.constant 0 : i32
    %sign3A_23 = arith.cmpi slt, %arg1, %sign3A_22 : i32
    %sign3A_24 = arith.extui %sign3A_23 : i1 to i32
    %sign3A_25 = arith.subi %sign3A_21, %sign3A_24 : i32
    %sign3A_26 = arith.constant 0 : i32
    %sign3A_27 = arith.cmpi sgt, %jit3A_17, %sign3A_26 : i32
    %sign3A_28 = arith.extui %sign3A_27 : i1 to i32
    %sign3A_29 = arith.constant 0 : i32
    %sign3A_30 = arith.cmpi slt, %jit3A_17, %sign3A_29 : i32
    %sign3A_31 = arith.extui %sign3A_30 : i1 to i32
    %sign3A_32 = arith.subi %sign3A_28, %sign3A_31 : i32
    %ne3A_33 = arith.cmpi ne, %sign3A_25, %sign3A_32 : i32
    %rem3A_34 = arith.remsi %arg1, %jit3A_17 : i32
    %ne3A_35 = arith.constant 0 : i32
    %ne3A_36 = arith.cmpi ne, %rem3A_34, %ne3A_35 : i32
    %and3A_37 = arith.andi %ne3A_33, %ne3A_36 : i1
    %sub3A_38 = arith.constant 1 : i32
    %sub3A_39 = arith.subi %div3A_18, %sub3A_38 : i32
    %select_n3A_40 = arith.select %and3A_37, %sub3A_39, %div3A_18 : i32
    %jit3A_41 = arith.constant 4 : i32
    %eq3A = arith.constant 0 : i32
    %eq3A_42 = arith.cmpi eq, %jit3A_41, %eq3A : i32
    %jit3A_43 = arith.constant 1 : i32
    %select_n3A_44 = arith.select %eq3A_42, %jit3A_43, %jit3A_41 : i32
    %rem3A_45 = arith.remsi %arg1, %select_n3A_44 : i32
    %ne3A_46 = arith.constant 0 : i32
    %ne3A_47 = arith.cmpi ne, %rem3A_45, %ne3A_46 : i32
    %lt3A = arith.constant 0 : i32
    %lt3A_48 = arith.cmpi slt, %rem3A_45, %lt3A : i32
    %lt3A_49 = arith.constant 0 : i32
    %lt3A_50 = arith.cmpi slt, %select_n3A_44, %lt3A_49 : i32
    %ne3A_51 = arith.xori %lt3A_48, %lt3A_50 : i1
    %and3A_52 = arith.andi %ne3A_51, %ne3A_47 : i1
    %add3A_53 = arith.addi %rem3A_45, %select_n3A_44 : i32
    %select_n3A_54 = arith.select %and3A_52, %add3A_53, %rem3A_45 : i32
    %mul3A_55 = arith.constant 2592 : i32
    %mul3A_56 = arith.muli %select_n3A_54, %mul3A_55 : i32
    %mul3A_57 = arith.constant 3 : i32
    %mul3A_58 = arith.muli %add3A, %mul3A_57 : i32
    %add3A_59 = arith.constant 0 : i32
    %add3A_60 = arith.addi %mul3A_58, %add3A_59 : i32
    %mul3A_61 = arith.constant 10368 : i32
    %mul3A_62 = arith.muli %add3A_60, %mul3A_61 : i32
    "tpu.region"() ({
      %run_scoped3A = tpu.sem_alloc : memref<!tpu.dma_semaphore, #tpu.memory_space<semaphore_mem>>
      %dma_start3A = tpu.memref_slice %arg2[%mul3A_62] : memref<248832xf32, #tpu.memory_space<hbm>> -> memref<10368xf32, #tpu.memory_space<hbm>>
      %dma_start3A_538 = tpu.memref_slice %arg2[%mul3A_62] : memref<248832xf32, #tpu.memory_space<hbm>> -> memref<10368xf32, #tpu.memory_space<hbm>>
      tpu.enqueue_dma source(%dma_start3A_538 : memref<10368xf32, #tpu.memory_space<hbm>>) target(%arg9 : memref<10368xf32, #tpu.memory_space<vmem>>) target_semaphore(%run_scoped3A : memref<!tpu.dma_semaphore, #tpu.memory_space<semaphore_mem>>)
      %dma_wait3A = tpu.memref_slice %arg2[%mul3A_62] : memref<248832xf32, #tpu.memory_space<hbm>> -> memref<10368xf32, #tpu.memory_space<hbm>>
      %dma_wait3A_539 = tpu.memref_slice %arg2[%mul3A_62] : memref<248832xf32, #tpu.memory_space<hbm>> -> memref<10368xf32, #tpu.memory_space<hbm>>
      tpu.wait_dma2 semaphore(%run_scoped3A : memref<!tpu.dma_semaphore, #tpu.memory_space<semaphore_mem>>) src(%dma_wait3A_539 : memref<10368xf32, #tpu.memory_space<hbm>>) dst(%arg9 : memref<10368xf32, #tpu.memory_space<vmem>>)
      tpu.yield
    }) : () -> ()
    %mul3A_63 = arith.constant 3 : i32
    %mul3A_64 = arith.muli %add3A, %mul3A_63 : i32
    %add3A_65 = arith.constant 1 : i32
    %add3A_66 = arith.addi %mul3A_64, %add3A_65 : i32
    %mul3A_67 = arith.constant 10368 : i32
    %mul3A_68 = arith.muli %add3A_66, %mul3A_67 : i32
    "tpu.region"() ({
      %run_scoped3A = tpu.sem_alloc : memref<!tpu.dma_semaphore, #tpu.memory_space<semaphore_mem>>
      %dma_start3A = tpu.memref_slice %arg2[%mul3A_68] : memref<248832xf32, #tpu.memory_space<hbm>> -> memref<10368xf32, #tpu.memory_space<hbm>>
      %dma_start3A_538 = tpu.memref_slice %arg2[%mul3A_68] : memref<248832xf32, #tpu.memory_space<hbm>> -> memref<10368xf32, #tpu.memory_space<hbm>>
      tpu.enqueue_dma source(%dma_start3A_538 : memref<10368xf32, #tpu.memory_space<hbm>>) target(%arg10 : memref<10368xf32, #tpu.memory_space<vmem>>) target_semaphore(%run_scoped3A : memref<!tpu.dma_semaphore, #tpu.memory_space<semaphore_mem>>)
      %dma_wait3A = tpu.memref_slice %arg2[%mul3A_68] : memref<248832xf32, #tpu.memory_space<hbm>> -> memref<10368xf32, #tpu.memory_space<hbm>>
      %dma_wait3A_539 = tpu.memref_slice %arg2[%mul3A_68] : memref<248832xf32, #tpu.memory_space<hbm>> -> memref<10368xf32, #tpu.memory_space<hbm>>
      tpu.wait_dma2 semaphore(%run_scoped3A : memref<!tpu.dma_semaphore, #tpu.memory_space<semaphore_mem>>) src(%dma_wait3A_539 : memref<10368xf32, #tpu.memory_space<hbm>>) dst(%arg10 : memref<10368xf32, #tpu.memory_space<vmem>>)
      tpu.yield
    }) : () -> ()
    %mul3A_69 = arith.constant 3 : i32
    %mul3A_70 = arith.muli %add3A, %mul3A_69 : i32
    %add3A_71 = arith.constant 2 : i32
    %add3A_72 = arith.addi %mul3A_70, %add3A_71 : i32
    %mul3A_73 = arith.constant 10368 : i32
    %mul3A_74 = arith.muli %add3A_72, %mul3A_73 : i32
    "tpu.region"() ({
      %run_scoped3A = tpu.sem_alloc : memref<!tpu.dma_semaphore, #tpu.memory_space<semaphore_mem>>
      %dma_start3A = tpu.memref_slice %arg2[%mul3A_74] : memref<248832xf32, #tpu.memory_space<hbm>> -> memref<10368xf32, #tpu.memory_space<hbm>>
      %dma_start3A_538 = tpu.memref_slice %arg2[%mul3A_74] : memref<248832xf32, #tpu.memory_space<hbm>> -> memref<10368xf32, #tpu.memory_space<hbm>>
      tpu.enqueue_dma source(%dma_start3A_538 : memref<10368xf32, #tpu.memory_space<hbm>>) target(%arg11 : memref<10368xf32, #tpu.memory_space<vmem>>) target_semaphore(%run_scoped3A : memref<!tpu.dma_semaphore, #tpu.memory_space<semaphore_mem>>)
      %dma_wait3A = tpu.memref_slice %arg2[%mul3A_74] : memref<248832xf32, #tpu.memory_space<hbm>> -> memref<10368xf32, #tpu.memory_space<hbm>>
      %dma_wait3A_539 = tpu.memref_slice %arg2[%mul3A_74] : memref<248832xf32, #tpu.memory_space<hbm>> -> memref<10368xf32, #tpu.memory_space<hbm>>
      tpu.wait_dma2 semaphore(%run_scoped3A : memref<!tpu.dma_semaphore, #tpu.memory_space<semaphore_mem>>) src(%dma_wait3A_539 : memref<10368xf32, #tpu.memory_space<hbm>>) dst(%arg11 : memref<10368xf32, #tpu.memory_space<vmem>>)
      tpu.yield
    }) : () -> ()
    %mul3A_75 = arith.constant 6 : i32
    %mul3A_76 = arith.muli %arg0, %mul3A_75 : i32
    %add3A_77 = arith.constant 0 : i32
    %add3A_78 = arith.addi %mul3A_76, %add3A_77 : i32
    %mul3A_79 = arith.constant 10368 : i32
    %mul3A_80 = arith.muli %add3A_78, %mul3A_79 : i32
    %add3A_81 = arith.addi %mul3A_80, %mul3A_56 : i32
    "tpu.region"() ({
      %run_scoped3A = tpu.sem_alloc : memref<!tpu.dma_semaphore, #tpu.memory_space<semaphore_mem>>
      %dma_start3A = arith.constant 0 : i32
      %dma_start3A_538 = tpu.memref_slice %arg12[%dma_start3A] : memref<15552xi32, #tpu.memory_space<vmem>> -> memref<2592xi32, #tpu.memory_space<vmem>>
      %dma_start3A_539 = tpu.memref_slice %arg3[%add3A_81] : memref<124416xi32, #tpu.memory_space<hbm>> -> memref<2592xi32, #tpu.memory_space<hbm>>
      %dma_start3A_540 = arith.constant 0 : i32
      %dma_start3A_541 = tpu.memref_slice %arg12[%dma_start3A_540] : memref<15552xi32, #tpu.memory_space<vmem>> -> memref<2592xi32, #tpu.memory_space<vmem>>
      %dma_start3A_542 = tpu.memref_slice %arg3[%add3A_81] : memref<124416xi32, #tpu.memory_space<hbm>> -> memref<2592xi32, #tpu.memory_space<hbm>>
      tpu.enqueue_dma source(%dma_start3A_542 : memref<2592xi32, #tpu.memory_space<hbm>>) target(%dma_start3A_541 : memref<2592xi32, #tpu.memory_space<vmem>>) target_semaphore(%run_scoped3A : memref<!tpu.dma_semaphore, #tpu.memory_space<semaphore_mem>>)
      %dma_wait3A = arith.constant 0 : i32
      %dma_wait3A_543 = tpu.memref_slice %arg12[%dma_wait3A] : memref<15552xi32, #tpu.memory_space<vmem>> -> memref<2592xi32, #tpu.memory_space<vmem>>
      %dma_wait3A_544 = tpu.memref_slice %arg3[%add3A_81] : memref<124416xi32, #tpu.memory_space<hbm>> -> memref<2592xi32, #tpu.memory_space<hbm>>
      %dma_wait3A_545 = arith.constant 0 : i32
      %dma_wait3A_546 = tpu.memref_slice %arg12[%dma_wait3A_545] : memref<15552xi32, #tpu.memory_space<vmem>> -> memref<2592xi32, #tpu.memory_space<vmem>>
      %dma_wait3A_547 = tpu.memref_slice %arg3[%add3A_81] : memref<124416xi32, #tpu.memory_space<hbm>> -> memref<2592xi32, #tpu.memory_space<hbm>>
      tpu.wait_dma2 semaphore(%run_scoped3A : memref<!tpu.dma_semaphore, #tpu.memory_space<semaphore_mem>>) src(%dma_wait3A_547 : memref<2592xi32, #tpu.memory_space<hbm>>) dst(%dma_wait3A_546 : memref<2592xi32, #tpu.memory_space<vmem>>)
      tpu.yield
    }) : () -> ()
    %mul3A_82 = arith.constant 6 : i32
    %mul3A_83 = arith.muli %arg0, %mul3A_82 : i32
    %add3A_84 = arith.constant 1 : i32
    %add3A_85 = arith.addi %mul3A_83, %add3A_84 : i32
    %mul3A_86 = arith.constant 10368 : i32
    %mul3A_87 = arith.muli %add3A_85, %mul3A_86 : i32
    %add3A_88 = arith.addi %mul3A_87, %mul3A_56 : i32
    "tpu.region"() ({
      %run_scoped3A = tpu.sem_alloc : memref<!tpu.dma_semaphore, #tpu.memory_space<semaphore_mem>>
      %dma_start3A = arith.constant 2592 : i32
      %dma_start3A_538 = tpu.memref_slice %arg12[%dma_start3A] : memref<15552xi32, #tpu.memory_space<vmem>> -> memref<2592xi32, #tpu.memory_space<vmem>>
      %dma_start3A_539 = tpu.memref_slice %arg3[%add3A_88] : memref<124416xi32, #tpu.memory_space<hbm>> -> memref<2592xi32, #tpu.memory_space<hbm>>
      %dma_start3A_540 = arith.constant 2592 : i32
      %dma_start3A_541 = tpu.memref_slice %arg12[%dma_start3A_540] : memref<15552xi32, #tpu.memory_space<vmem>> -> memref<2592xi32, #tpu.memory_space<vmem>>
      %dma_start3A_542 = tpu.memref_slice %arg3[%add3A_88] : memref<124416xi32, #tpu.memory_space<hbm>> -> memref<2592xi32, #tpu.memory_space<hbm>>
      tpu.enqueue_dma source(%dma_start3A_542 : memref<2592xi32, #tpu.memory_space<hbm>>) target(%dma_start3A_541 : memref<2592xi32, #tpu.memory_space<vmem>>) target_semaphore(%run_scoped3A : memref<!tpu.dma_semaphore, #tpu.memory_space<semaphore_mem>>)
      %dma_wait3A = arith.constant 2592 : i32
      %dma_wait3A_543 = tpu.memref_slice %arg12[%dma_wait3A] : memref<15552xi32, #tpu.memory_space<vmem>> -> memref<2592xi32, #tpu.memory_space<vmem>>
      %dma_wait3A_544 = tpu.memref_slice %arg3[%add3A_88] : memref<124416xi32, #tpu.memory_space<hbm>> -> memref<2592xi32, #tpu.memory_space<hbm>>
      %dma_wait3A_545 = arith.constant 2592 : i32
      %dma_wait3A_546 = tpu.memref_slice %arg12[%dma_wait3A_545] : memref<15552xi32, #tpu.memory_space<vmem>> -> memref<2592xi32, #tpu.memory_space<vmem>>
      %dma_wait3A_547 = tpu.memref_slice %arg3[%add3A_88] : memref<124416xi32, #tpu.memory_space<hbm>> -> memref<2592xi32, #tpu.memory_space<hbm>>
      tpu.wait_dma2 semaphore(%run_scoped3A : memref<!tpu.dma_semaphore, #tpu.memory_space<semaphore_mem>>) src(%dma_wait3A_547 : memref<2592xi32, #tpu.memory_space<hbm>>) dst(%dma_wait3A_546 : memref<2592xi32, #tpu.memory_space<vmem>>)
      tpu.yield
    }) : () -> ()
    %mul3A_89 = arith.constant 6 : i32
    %mul3A_90 = arith.muli %arg0, %mul3A_89 : i32
    %add3A_91 = arith.constant 2 : i32
    %add3A_92 = arith.addi %mul3A_90, %add3A_91 : i32
    %mul3A_93 = arith.constant 10368 : i32
    %mul3A_94 = arith.muli %add3A_92, %mul3A_93 : i32
    %add3A_95 = arith.addi %mul3A_94, %mul3A_56 : i32
    "tpu.region"() ({
      %run_scoped3A = tpu.sem_alloc : memref<!tpu.dma_semaphore, #tpu.memory_space<semaphore_mem>>
      %dma_start3A = arith.constant 5184 : i32
      %dma_start3A_538 = tpu.memref_slice %arg12[%dma_start3A] : memref<15552xi32, #tpu.memory_space<vmem>> -> memref<2592xi32, #tpu.memory_space<vmem>>
      %dma_start3A_539 = tpu.memref_slice %arg3[%add3A_95] : memref<124416xi32, #tpu.memory_space<hbm>> -> memref<2592xi32, #tpu.memory_space<hbm>>
      %dma_start3A_540 = arith.constant 5184 : i32
      %dma_start3A_541 = tpu.memref_slice %arg12[%dma_start3A_540] : memref<15552xi32, #tpu.memory_space<vmem>> -> memref<2592xi32, #tpu.memory_space<vmem>>
      %dma_start3A_542 = tpu.memref_slice %arg3[%add3A_95] : memref<124416xi32, #tpu.memory_space<hbm>> -> memref<2592xi32, #tpu.memory_space<hbm>>
      tpu.enqueue_dma source(%dma_start3A_542 : memref<2592xi32, #tpu.memory_space<hbm>>) target(%dma_start3A_541 : memref<2592xi32, #tpu.memory_space<vmem>>) target_semaphore(%run_scoped3A : memref<!tpu.dma_semaphore, #tpu.memory_space<semaphore_mem>>)
      %dma_wait3A = arith.constant 5184 : i32
      %dma_wait3A_543 = tpu.memref_slice %arg12[%dma_wait3A] : memref<15552xi32, #tpu.memory_space<vmem>> -> memref<2592xi32, #tpu.memory_space<vmem>>
      %dma_wait3A_544 = tpu.memref_slice %arg3[%add3A_95] : memref<124416xi32, #tpu.memory_space<hbm>> -> memref<2592xi32, #tpu.memory_space<hbm>>
      %dma_wait3A_545 = arith.constant 5184 : i32
      %dma_wait3A_546 = tpu.memref_slice %arg12[%dma_wait3A_545] : memref<15552xi32, #tpu.memory_space<vmem>> -> memref<2592xi32, #tpu.memory_space<vmem>>
      %dma_wait3A_547 = tpu.memref_slice %arg3[%add3A_95] : memref<124416xi32, #tpu.memory_space<hbm>> -> memref<2592xi32, #tpu.memory_space<hbm>>
      tpu.wait_dma2 semaphore(%run_scoped3A : memref<!tpu.dma_semaphore, #tpu.memory_space<semaphore_mem>>) src(%dma_wait3A_547 : memref<2592xi32, #tpu.memory_space<hbm>>) dst(%dma_wait3A_546 : memref<2592xi32, #tpu.memory_space<vmem>>)
      tpu.yield
    }) : () -> ()
    %mul3A_96 = arith.constant 6 : i32
    %mul3A_97 = arith.muli %arg0, %mul3A_96 : i32
    %add3A_98 = arith.constant 3 : i32
    %add3A_99 = arith.addi %mul3A_97, %add3A_98 : i32
    %mul3A_100 = arith.constant 10368 : i32
    %mul3A_101 = arith.muli %add3A_99, %mul3A_100 : i32
    %add3A_102 = arith.addi %mul3A_101, %mul3A_56 : i32
    "tpu.region"() ({
      %run_scoped3A = tpu.sem_alloc : memref<!tpu.dma_semaphore, #tpu.memory_space<semaphore_mem>>
      %dma_start3A = arith.constant 7776 : i32
      %dma_start3A_538 = tpu.memref_slice %arg12[%dma_start3A] : memref<15552xi32, #tpu.memory_space<vmem>> -> memref<2592xi32, #tpu.memory_space<vmem>>
      %dma_start3A_539 = tpu.memref_slice %arg3[%add3A_102] : memref<124416xi32, #tpu.memory_space<hbm>> -> memref<2592xi32, #tpu.memory_space<hbm>>
      %dma_start3A_540 = arith.constant 7776 : i32
      %dma_start3A_541 = tpu.memref_slice %arg12[%dma_start3A_540] : memref<15552xi32, #tpu.memory_space<vmem>> -> memref<2592xi32, #tpu.memory_space<vmem>>
      %dma_start3A_542 = tpu.memref_slice %arg3[%add3A_102] : memref<124416xi32, #tpu.memory_space<hbm>> -> memref<2592xi32, #tpu.memory_space<hbm>>
      tpu.enqueue_dma source(%dma_start3A_542 : memref<2592xi32, #tpu.memory_space<hbm>>) target(%dma_start3A_541 : memref<2592xi32, #tpu.memory_space<vmem>>) target_semaphore(%run_scoped3A : memref<!tpu.dma_semaphore, #tpu.memory_space<semaphore_mem>>)
      %dma_wait3A = arith.constant 7776 : i32
      %dma_wait3A_543 = tpu.memref_slice %arg12[%dma_wait3A] : memref<15552xi32, #tpu.memory_space<vmem>> -> memref<2592xi32, #tpu.memory_space<vmem>>
      %dma_wait3A_544 = tpu.memref_slice %arg3[%add3A_102] : memref<124416xi32, #tpu.memory_space<hbm>> -> memref<2592xi32, #tpu.memory_space<hbm>>
      %dma_wait3A_545 = arith.constant 7776 : i32
      %dma_wait3A_546 = tpu.memref_slice %arg12[%dma_wait3A_545] : memref<15552xi32, #tpu.memory_space<vmem>> -> memref<2592xi32, #tpu.memory_space<vmem>>
      %dma_wait3A_547 = tpu.memref_slice %arg3[%add3A_102] : memref<124416xi32, #tpu.memory_space<hbm>> -> memref<2592xi32, #tpu.memory_space<hbm>>
      tpu.wait_dma2 semaphore(%run_scoped3A : memref<!tpu.dma_semaphore, #tpu.memory_space<semaphore_mem>>) src(%dma_wait3A_547 : memref<2592xi32, #tpu.memory_space<hbm>>) dst(%dma_wait3A_546 : memref<2592xi32, #tpu.memory_space<vmem>>)
      tpu.yield
    }) : () -> ()
    %mul3A_103 = arith.constant 6 : i32
    %mul3A_104 = arith.muli %arg0, %mul3A_103 : i32
    %add3A_105 = arith.constant 4 : i32
    %add3A_106 = arith.addi %mul3A_104, %add3A_105 : i32
    %mul3A_107 = arith.constant 10368 : i32
    %mul3A_108 = arith.muli %add3A_106, %mul3A_107 : i32
    %add3A_109 = arith.addi %mul3A_108, %mul3A_56 : i32
    "tpu.region"() ({
      %run_scoped3A = tpu.sem_alloc : memref<!tpu.dma_semaphore, #tpu.memory_space<semaphore_mem>>
      %dma_start3A = arith.constant 10368 : i32
      %dma_start3A_538 = tpu.memref_slice %arg12[%dma_start3A] : memref<15552xi32, #tpu.memory_space<vmem>> -> memref<2592xi32, #tpu.memory_space<vmem>>
      %dma_start3A_539 = tpu.memref_slice %arg3[%add3A_109] : memref<124416xi32, #tpu.memory_space<hbm>> -> memref<2592xi32, #tpu.memory_space<hbm>>
      %dma_start3A_540 = arith.constant 10368 : i32
      %dma_start3A_541 = tpu.memref_slice %arg12[%dma_start3A_540] : memref<15552xi32, #tpu.memory_space<vmem>> -> memref<2592xi32, #tpu.memory_space<vmem>>
      %dma_start3A_542 = tpu.memref_slice %arg3[%add3A_109] : memref<124416xi32, #tpu.memory_space<hbm>> -> memref<2592xi32, #tpu.memory_space<hbm>>
      tpu.enqueue_dma source(%dma_start3A_542 : memref<2592xi32, #tpu.memory_space<hbm>>) target(%dma_start3A_541 : memref<2592xi32, #tpu.memory_space<vmem>>) target_semaphore(%run_scoped3A : memref<!tpu.dma_semaphore, #tpu.memory_space<semaphore_mem>>)
      %dma_wait3A = arith.constant 10368 : i32
      %dma_wait3A_543 = tpu.memref_slice %arg12[%dma_wait3A] : memref<15552xi32, #tpu.memory_space<vmem>> -> memref<2592xi32, #tpu.memory_space<vmem>>
      %dma_wait3A_544 = tpu.memref_slice %arg3[%add3A_109] : memref<124416xi32, #tpu.memory_space<hbm>> -> memref<2592xi32, #tpu.memory_space<hbm>>
      %dma_wait3A_545 = arith.constant 10368 : i32
      %dma_wait3A_546 = tpu.memref_slice %arg12[%dma_wait3A_545] : memref<15552xi32, #tpu.memory_space<vmem>> -> memref<2592xi32, #tpu.memory_space<vmem>>
      %dma_wait3A_547 = tpu.memref_slice %arg3[%add3A_109] : memref<124416xi32, #tpu.memory_space<hbm>> -> memref<2592xi32, #tpu.memory_space<hbm>>
      tpu.wait_dma2 semaphore(%run_scoped3A : memref<!tpu.dma_semaphore, #tpu.memory_space<semaphore_mem>>) src(%dma_wait3A_547 : memref<2592xi32, #tpu.memory_space<hbm>>) dst(%dma_wait3A_546 : memref<2592xi32, #tpu.memory_space<vmem>>)
      tpu.yield
    }) : () -> ()
    %mul3A_110 = arith.constant 6 : i32
    %mul3A_111 = arith.muli %arg0, %mul3A_110 : i32
    %add3A_112 = arith.constant 5 : i32
    %add3A_113 = arith.addi %mul3A_111, %add3A_112 : i32
    %mul3A_114 = arith.constant 10368 : i32
    %mul3A_115 = arith.muli %add3A_113, %mul3A_114 : i32
    %add3A_116 = arith.addi %mul3A_115, %mul3A_56 : i32
    "tpu.region"() ({
      %run_scoped3A = tpu.sem_alloc : memref<!tpu.dma_semaphore, #tpu.memory_space<semaphore_mem>>
      %dma_start3A = arith.constant 12960 : i32
      %dma_start3A_538 = tpu.memref_slice %arg12[%dma_start3A] : memref<15552xi32, #tpu.memory_space<vmem>> -> memref<2592xi32, #tpu.memory_space<vmem>>
      %dma_start3A_539 = tpu.memref_slice %arg3[%add3A_116] : memref<124416xi32, #tpu.memory_space<hbm>> -> memref<2592xi32, #tpu.memory_space<hbm>>
      %dma_start3A_540 = arith.constant 12960 : i32
      %dma_start3A_541 = tpu.memref_slice %arg12[%dma_start3A_540] : memref<15552xi32, #tpu.memory_space<vmem>> -> memref<2592xi32, #tpu.memory_space<vmem>>
      %dma_start3A_542 = tpu.memref_slice %arg3[%add3A_116] : memref<124416xi32, #tpu.memory_space<hbm>> -> memref<2592xi32, #tpu.memory_space<hbm>>
      tpu.enqueue_dma source(%dma_start3A_542 : memref<2592xi32, #tpu.memory_space<hbm>>) target(%dma_start3A_541 : memref<2592xi32, #tpu.memory_space<vmem>>) target_semaphore(%run_scoped3A : memref<!tpu.dma_semaphore, #tpu.memory_space<semaphore_mem>>)
      %dma_wait3A = arith.constant 12960 : i32
      %dma_wait3A_543 = tpu.memref_slice %arg12[%dma_wait3A] : memref<15552xi32, #tpu.memory_space<vmem>> -> memref<2592xi32, #tpu.memory_space<vmem>>
      %dma_wait3A_544 = tpu.memref_slice %arg3[%add3A_116] : memref<124416xi32, #tpu.memory_space<hbm>> -> memref<2592xi32, #tpu.memory_space<hbm>>
      %dma_wait3A_545 = arith.constant 12960 : i32
      %dma_wait3A_546 = tpu.memref_slice %arg12[%dma_wait3A_545] : memref<15552xi32, #tpu.memory_space<vmem>> -> memref<2592xi32, #tpu.memory_space<vmem>>
      %dma_wait3A_547 = tpu.memref_slice %arg3[%add3A_116] : memref<124416xi32, #tpu.memory_space<hbm>> -> memref<2592xi32, #tpu.memory_space<hbm>>
      tpu.wait_dma2 semaphore(%run_scoped3A : memref<!tpu.dma_semaphore, #tpu.memory_space<semaphore_mem>>) src(%dma_wait3A_547 : memref<2592xi32, #tpu.memory_space<hbm>>) dst(%dma_wait3A_546 : memref<2592xi32, #tpu.memory_space<vmem>>)
      tpu.yield
    }) : () -> ()
    "tpu.region"() ({
      %run_scoped3A = tpu.sem_alloc : memref<!tpu.dma_semaphore, #tpu.memory_space<semaphore_mem>>
      %dma_start3A = tpu.memref_slice %arg4[%mul3A_56] : memref<10368xf32, #tpu.memory_space<hbm>> -> memref<2592xf32, #tpu.memory_space<hbm>>
      %dma_start3A_538 = tpu.memref_slice %arg4[%mul3A_56] : memref<10368xf32, #tpu.memory_space<hbm>> -> memref<2592xf32, #tpu.memory_space<hbm>>
      tpu.enqueue_dma source(%dma_start3A_538 : memref<2592xf32, #tpu.memory_space<hbm>>) target(%arg13 : memref<2592xf32, #tpu.memory_space<vmem>>) target_semaphore(%run_scoped3A : memref<!tpu.dma_semaphore, #tpu.memory_space<semaphore_mem>>)
      %dma_wait3A = tpu.memref_slice %arg4[%mul3A_56] : memref<10368xf32, #tpu.memory_space<hbm>> -> memref<2592xf32, #tpu.memory_space<hbm>>
      %dma_wait3A_539 = tpu.memref_slice %arg4[%mul3A_56] : memref<10368xf32, #tpu.memory_space<hbm>> -> memref<2592xf32, #tpu.memory_space<hbm>>
      tpu.wait_dma2 semaphore(%run_scoped3A : memref<!tpu.dma_semaphore, #tpu.memory_space<semaphore_mem>>) src(%dma_wait3A_539 : memref<2592xf32, #tpu.memory_space<hbm>>) dst(%arg13 : memref<2592xf32, #tpu.memory_space<vmem>>)
      tpu.yield
    }) : () -> ()
    "tpu.region"() ({
      %run_scoped3A = tpu.sem_alloc : memref<!tpu.dma_semaphore, #tpu.memory_space<semaphore_mem>>
      %dma_start3A = tpu.memref_slice %arg5[%mul3A_56] : memref<10368xf32, #tpu.memory_space<hbm>> -> memref<2592xf32, #tpu.memory_space<hbm>>
      %dma_start3A_538 = tpu.memref_slice %arg5[%mul3A_56] : memref<10368xf32, #tpu.memory_space<hbm>> -> memref<2592xf32, #tpu.memory_space<hbm>>
      tpu.enqueue_dma source(%dma_start3A_538 : memref<2592xf32, #tpu.memory_space<hbm>>) target(%arg14 : memref<2592xf32, #tpu.memory_space<vmem>>) target_semaphore(%run_scoped3A : memref<!tpu.dma_semaphore, #tpu.memory_space<semaphore_mem>>)
      %dma_wait3A = tpu.memref_slice %arg5[%mul3A_56] : memref<10368xf32, #tpu.memory_space<hbm>> -> memref<2592xf32, #tpu.memory_space<hbm>>
      %dma_wait3A_539 = tpu.memref_slice %arg5[%mul3A_56] : memref<10368xf32, #tpu.memory_space<hbm>> -> memref<2592xf32, #tpu.memory_space<hbm>>
      tpu.wait_dma2 semaphore(%run_scoped3A : memref<!tpu.dma_semaphore, #tpu.memory_space<semaphore_mem>>) src(%dma_wait3A_539 : memref<2592xf32, #tpu.memory_space<hbm>>) dst(%arg14 : memref<2592xf32, #tpu.memory_space<vmem>>)
      tpu.yield
    }) : () -> ()
    "tpu.region"() ({
      %run_scoped3A = tpu.sem_alloc : memref<!tpu.dma_semaphore, #tpu.memory_space<semaphore_mem>>
      tpu.enqueue_dma source(%arg6 : memref<3376xf32, #tpu.memory_space<hbm>>) target(%arg15 : memref<3376xf32, #tpu.memory_space<vmem>>) target_semaphore(%run_scoped3A : memref<!tpu.dma_semaphore, #tpu.memory_space<semaphore_mem>>)
      tpu.wait_dma2 semaphore(%run_scoped3A : memref<!tpu.dma_semaphore, #tpu.memory_space<semaphore_mem>>) src(%arg6 : memref<3376xf32, #tpu.memory_space<hbm>>) dst(%arg15 : memref<3376xf32, #tpu.memory_space<vmem>>)
      tpu.yield
    }) : () -> ()
    %broadcast_in_dim3A = arith.constant 0x7F800000 : f32
    %broadcast_in_dim3A_117 = vector.broadcast %broadcast_in_dim3A : f32 to vector<16xf32>
    %neg3A = arith.constant 0.000000e+00 : f32
    %neg3A_118 = vector.broadcast %neg3A : f32 to vector<16xf32>
    %neg3A_119 = arith.subf %neg3A_118, %broadcast_in_dim3A_117 : vector<16xf32>
    %neg3A_120 = arith.constant 0.000000e+00 : f32
    %neg3A_121 = vector.broadcast %neg3A_120 : f32 to vector<16xf32>
    %neg3A_122 = arith.subf %neg3A_121, %broadcast_in_dim3A_117 : vector<16xf32>
    %neg3A_123 = arith.constant 0.000000e+00 : f32
    %neg3A_124 = vector.broadcast %neg3A_123 : f32 to vector<16xf32>
    %neg3A_125 = arith.subf %neg3A_124, %broadcast_in_dim3A_117 : vector<16xf32>
    %scan3A = arith.constant 0 : i32
    %scan3A_126 = arith.constant 648 : i32
    %scan3A_127 = arith.addi %scan3A, %scan3A_126 : i32
    %scan3A_128 = arith.constant 1 : i32
    %scan3A_129:6 = scf.for %scan3A_538 = %scan3A to %scan3A_127 step %scan3A_128 iter_args(%scan3A_539 = %broadcast_in_dim3A_117, %scan3A_540 = %neg3A_119, %scan3A_541 = %broadcast_in_dim3A_117, %scan3A_542 = %neg3A_122, %scan3A_543 = %broadcast_in_dim3A_117, %scan3A_544 = %neg3A_125) -> (vector<16xf32>, vector<16xf32>, vector<16xf32>, vector<16xf32>, vector<16xf32>, vector<16xf32>)  : i32 {
      %mul3A_545 = arith.constant 16 : i32
      %mul3A_546 = arith.muli %scan3A_538, %mul3A_545 : i32
      %get3A = arith.index_cast %mul3A_546 : i32 to index
      %get3A_547 = tpu.vector_load %arg9[%get3A] {strides = array<i32>} : memref<10368xf32, #tpu.memory_space<vmem>>, vector<16xf32>,
      %get3A_548 = arith.index_cast %mul3A_546 : i32 to index
      %get3A_549 = tpu.vector_load %arg10[%get3A_548] {strides = array<i32>} : memref<10368xf32, #tpu.memory_space<vmem>>, vector<16xf32>,
      %get3A_550 = arith.index_cast %mul3A_546 : i32 to index
      %get3A_551 = tpu.vector_load %arg11[%get3A_550] {strides = array<i32>} : memref<10368xf32, #tpu.memory_space<vmem>>, vector<16xf32>,
      %min3A_552 = arith.minimumf %scan3A_539, %get3A_547 : vector<16xf32>
      %max3A_553 = arith.maximumf %scan3A_540, %get3A_547 : vector<16xf32>
      %min3A_554 = arith.minimumf %scan3A_541, %get3A_549 : vector<16xf32>
      %max3A_555 = arith.maximumf %scan3A_542, %get3A_549 : vector<16xf32>
      %min3A_556 = arith.minimumf %scan3A_543, %get3A_551 : vector<16xf32>
      %max3A_557 = arith.maximumf %scan3A_544, %get3A_551 : vector<16xf32>
      scf.yield %min3A_552, %max3A_553, %min3A_554, %max3A_555, %min3A_556, %max3A_557 : vector<16xf32>, vector<16xf32>, vector<16xf32>, vector<16xf32>, vector<16xf32>, vector<16xf32>
    }
    %scan3A_130 = arith.constant 648 : i32
    %iota3A = tpu.iota {dimensions = array<i32: 0>} : vector<16xi32>
    %xor3A = arith.constant 8 : i32
    %xor3A_131 = vector.broadcast %xor3A : i32 to vector<16xi32>
    %xor3A_132 = arith.xori %iota3A, %xor3A_131 : vector<16xi32>
    %lt3A_133 = arith.constant 0 : i32
    %lt3A_134 = vector.broadcast %lt3A_133 : i32 to vector<16xi32>
    %lt3A_135 = arith.cmpi slt, %xor3A_132, %lt3A_134 : vector<16xi32>
    %add3A_136 = arith.constant 16 : i32
    %add3A_137 = vector.broadcast %add3A_136 : i32 to vector<16xi32>
    %add3A_138 = arith.addi %xor3A_132, %add3A_137 : vector<16xi32>
    %select_n3A_139 = arith.select %lt3A_135, %add3A_138, %xor3A_132 : vector<16xi1>, vector<16xi32>
    %reshape3A = vector.shape_cast %select_n3A_139 : vector<16xi32> to vector<16x1xi32>
    %gather3A = vector.shape_cast %reshape3A : vector<16x1xi32> to vector<16xi32>
    %gather3A_140 = tpu.dynamic_gather %scan3A_129#0[%gather3A] in [0] : vector<16xf32>, vector<16xi32> -> vector<16xf32>
    %min3A = arith.minimumf %scan3A_129#0, %gather3A_140 : vector<16xf32>
    %xor3A_141 = arith.constant 4 : i32
    %xor3A_142 = vector.broadcast %xor3A_141 : i32 to vector<16xi32>
    %xor3A_143 = arith.xori %iota3A, %xor3A_142 : vector<16xi32>
    %lt3A_144 = arith.constant 0 : i32
    %lt3A_145 = vector.broadcast %lt3A_144 : i32 to vector<16xi32>
    %lt3A_146 = arith.cmpi slt, %xor3A_143, %lt3A_145 : vector<16xi32>
    %add3A_147 = arith.constant 16 : i32
    %add3A_148 = vector.broadcast %add3A_147 : i32 to vector<16xi32>
    %add3A_149 = arith.addi %xor3A_143, %add3A_148 : vector<16xi32>
    %select_n3A_150 = arith.select %lt3A_146, %add3A_149, %xor3A_143 : vector<16xi1>, vector<16xi32>
    %reshape3A_151 = vector.shape_cast %select_n3A_150 : vector<16xi32> to vector<16x1xi32>
    %gather3A_152 = vector.shape_cast %reshape3A_151 : vector<16x1xi32> to vector<16xi32>
    %gather3A_153 = tpu.dynamic_gather %min3A[%gather3A_152] in [0] : vector<16xf32>, vector<16xi32> -> vector<16xf32>
    %min3A_154 = arith.minimumf %min3A, %gather3A_153 : vector<16xf32>
    %xor3A_155 = arith.constant 2 : i32
    %xor3A_156 = vector.broadcast %xor3A_155 : i32 to vector<16xi32>
    %xor3A_157 = arith.xori %iota3A, %xor3A_156 : vector<16xi32>
    %lt3A_158 = arith.constant 0 : i32
    %lt3A_159 = vector.broadcast %lt3A_158 : i32 to vector<16xi32>
    %lt3A_160 = arith.cmpi slt, %xor3A_157, %lt3A_159 : vector<16xi32>
    %add3A_161 = arith.constant 16 : i32
    %add3A_162 = vector.broadcast %add3A_161 : i32 to vector<16xi32>
    %add3A_163 = arith.addi %xor3A_157, %add3A_162 : vector<16xi32>
    %select_n3A_164 = arith.select %lt3A_160, %add3A_163, %xor3A_157 : vector<16xi1>, vector<16xi32>
    %reshape3A_165 = vector.shape_cast %select_n3A_164 : vector<16xi32> to vector<16x1xi32>
    %gather3A_166 = vector.shape_cast %reshape3A_165 : vector<16x1xi32> to vector<16xi32>
    %gather3A_167 = tpu.dynamic_gather %min3A_154[%gather3A_166] in [0] : vector<16xf32>, vector<16xi32> -> vector<16xf32>
    %min3A_168 = arith.minimumf %min3A_154, %gather3A_167 : vector<16xf32>
    %xor3A_169 = arith.constant 1 : i32
    %xor3A_170 = vector.broadcast %xor3A_169 : i32 to vector<16xi32>
    %xor3A_171 = arith.xori %iota3A, %xor3A_170 : vector<16xi32>
    %lt3A_172 = arith.constant 0 : i32
    %lt3A_173 = vector.broadcast %lt3A_172 : i32 to vector<16xi32>
    %lt3A_174 = arith.cmpi slt, %xor3A_171, %lt3A_173 : vector<16xi32>
    %add3A_175 = arith.constant 16 : i32
    %add3A_176 = vector.broadcast %add3A_175 : i32 to vector<16xi32>
    %add3A_177 = arith.addi %xor3A_171, %add3A_176 : vector<16xi32>
    %select_n3A_178 = arith.select %lt3A_174, %add3A_177, %xor3A_171 : vector<16xi1>, vector<16xi32>
    %reshape3A_179 = vector.shape_cast %select_n3A_178 : vector<16xi32> to vector<16x1xi32>
    %gather3A_180 = vector.shape_cast %reshape3A_179 : vector<16x1xi32> to vector<16xi32>
    %gather3A_181 = tpu.dynamic_gather %min3A_168[%gather3A_180] in [0] : vector<16xf32>, vector<16xi32> -> vector<16xf32>
    %min3A_182 = arith.minimumf %min3A_168, %gather3A_181 : vector<16xf32>
    %xor3A_183 = arith.constant 8 : i32
    %xor3A_184 = vector.broadcast %xor3A_183 : i32 to vector<16xi32>
    %xor3A_185 = arith.xori %iota3A, %xor3A_184 : vector<16xi32>
    %lt3A_186 = arith.constant 0 : i32
    %lt3A_187 = vector.broadcast %lt3A_186 : i32 to vector<16xi32>
    %lt3A_188 = arith.cmpi slt, %xor3A_185, %lt3A_187 : vector<16xi32>
    %add3A_189 = arith.constant 16 : i32
    %add3A_190 = vector.broadcast %add3A_189 : i32 to vector<16xi32>
    %add3A_191 = arith.addi %xor3A_185, %add3A_190 : vector<16xi32>
    %select_n3A_192 = arith.select %lt3A_188, %add3A_191, %xor3A_185 : vector<16xi1>, vector<16xi32>
    %reshape3A_193 = vector.shape_cast %select_n3A_192 : vector<16xi32> to vector<16x1xi32>
    %gather3A_194 = vector.shape_cast %reshape3A_193 : vector<16x1xi32> to vector<16xi32>
    %gather3A_195 = tpu.dynamic_gather %scan3A_129#1[%gather3A_194] in [0] : vector<16xf32>, vector<16xi32> -> vector<16xf32>
    %max3A = arith.maximumf %scan3A_129#1, %gather3A_195 : vector<16xf32>
    %xor3A_196 = arith.constant 4 : i32
    %xor3A_197 = vector.broadcast %xor3A_196 : i32 to vector<16xi32>
    %xor3A_198 = arith.xori %iota3A, %xor3A_197 : vector<16xi32>
    %lt3A_199 = arith.constant 0 : i32
    %lt3A_200 = vector.broadcast %lt3A_199 : i32 to vector<16xi32>
    %lt3A_201 = arith.cmpi slt, %xor3A_198, %lt3A_200 : vector<16xi32>
    %add3A_202 = arith.constant 16 : i32
    %add3A_203 = vector.broadcast %add3A_202 : i32 to vector<16xi32>
    %add3A_204 = arith.addi %xor3A_198, %add3A_203 : vector<16xi32>
    %select_n3A_205 = arith.select %lt3A_201, %add3A_204, %xor3A_198 : vector<16xi1>, vector<16xi32>
    %reshape3A_206 = vector.shape_cast %select_n3A_205 : vector<16xi32> to vector<16x1xi32>
    %gather3A_207 = vector.shape_cast %reshape3A_206 : vector<16x1xi32> to vector<16xi32>
    %gather3A_208 = tpu.dynamic_gather %max3A[%gather3A_207] in [0] : vector<16xf32>, vector<16xi32> -> vector<16xf32>
    %max3A_209 = arith.maximumf %max3A, %gather3A_208 : vector<16xf32>
    %xor3A_210 = arith.constant 2 : i32
    %xor3A_211 = vector.broadcast %xor3A_210 : i32 to vector<16xi32>
    %xor3A_212 = arith.xori %iota3A, %xor3A_211 : vector<16xi32>
    %lt3A_213 = arith.constant 0 : i32
    %lt3A_214 = vector.broadcast %lt3A_213 : i32 to vector<16xi32>
    %lt3A_215 = arith.cmpi slt, %xor3A_212, %lt3A_214 : vector<16xi32>
    %add3A_216 = arith.constant 16 : i32
    %add3A_217 = vector.broadcast %add3A_216 : i32 to vector<16xi32>
    %add3A_218 = arith.addi %xor3A_212, %add3A_217 : vector<16xi32>
    %select_n3A_219 = arith.select %lt3A_215, %add3A_218, %xor3A_212 : vector<16xi1>, vector<16xi32>
    %reshape3A_220 = vector.shape_cast %select_n3A_219 : vector<16xi32> to vector<16x1xi32>
    %gather3A_221 = vector.shape_cast %reshape3A_220 : vector<16x1xi32> to vector<16xi32>
    %gather3A_222 = tpu.dynamic_gather %max3A_209[%gather3A_221] in [0] : vector<16xf32>, vector<16xi32> -> vector<16xf32>
    %max3A_223 = arith.maximumf %max3A_209, %gather3A_222 : vector<16xf32>
    %xor3A_224 = arith.constant 1 : i32
    %xor3A_225 = vector.broadcast %xor3A_224 : i32 to vector<16xi32>
    %xor3A_226 = arith.xori %iota3A, %xor3A_225 : vector<16xi32>
    %lt3A_227 = arith.constant 0 : i32
    %lt3A_228 = vector.broadcast %lt3A_227 : i32 to vector<16xi32>
    %lt3A_229 = arith.cmpi slt, %xor3A_226, %lt3A_228 : vector<16xi32>
    %add3A_230 = arith.constant 16 : i32
    %add3A_231 = vector.broadcast %add3A_230 : i32 to vector<16xi32>
    %add3A_232 = arith.addi %xor3A_226, %add3A_231 : vector<16xi32>
    %select_n3A_233 = arith.select %lt3A_229, %add3A_232, %xor3A_226 : vector<16xi1>, vector<16xi32>
    %reshape3A_234 = vector.shape_cast %select_n3A_233 : vector<16xi32> to vector<16x1xi32>
    %gather3A_235 = vector.shape_cast %reshape3A_234 : vector<16x1xi32> to vector<16xi32>
    %gather3A_236 = tpu.dynamic_gather %max3A_223[%gather3A_235] in [0] : vector<16xf32>, vector<16xi32> -> vector<16xf32>
    %max3A_237 = arith.maximumf %max3A_223, %gather3A_236 : vector<16xf32>
    %add3A_238 = arith.addf %min3A_182, %max3A_237 : vector<16xf32>
    %mul3A_239 = arith.constant 5.000000e-01 : f32
    %mul3A_240 = vector.broadcast %mul3A_239 : f32 to vector<16xf32>
    %mul3A_241 = arith.mulf %add3A_238, %mul3A_240 : vector<16xf32>
    %sub3A_242 = arith.subf %max3A_237, %mul3A_241 : vector<16xf32>
    %sub3A_243 = arith.subf %max3A_237, %mul3A_241 : vector<16xf32>
    %div3A_244 = arith.constant 1.000000e+00 : f32
    %div3A_245 = vector.broadcast %div3A_244 : f32 to vector<16xf32>
    %div3A_246 = arith.divf %div3A_245, %sub3A_243 : vector<16xf32>
    %xor3A_247 = arith.constant 8 : i32
    %xor3A_248 = vector.broadcast %xor3A_247 : i32 to vector<16xi32>
    %xor3A_249 = arith.xori %iota3A, %xor3A_248 : vector<16xi32>
    %lt3A_250 = arith.constant 0 : i32
    %lt3A_251 = vector.broadcast %lt3A_250 : i32 to vector<16xi32>
    %lt3A_252 = arith.cmpi slt, %xor3A_249, %lt3A_251 : vector<16xi32>
    %add3A_253 = arith.constant 16 : i32
    %add3A_254 = vector.broadcast %add3A_253 : i32 to vector<16xi32>
    %add3A_255 = arith.addi %xor3A_249, %add3A_254 : vector<16xi32>
    %select_n3A_256 = arith.select %lt3A_252, %add3A_255, %xor3A_249 : vector<16xi1>, vector<16xi32>
    %reshape3A_257 = vector.shape_cast %select_n3A_256 : vector<16xi32> to vector<16x1xi32>
    %gather3A_258 = vector.shape_cast %reshape3A_257 : vector<16x1xi32> to vector<16xi32>
    %gather3A_259 = tpu.dynamic_gather %scan3A_129#2[%gather3A_258] in [0] : vector<16xf32>, vector<16xi32> -> vector<16xf32>
    %min3A_260 = arith.minimumf %scan3A_129#2, %gather3A_259 : vector<16xf32>
    %xor3A_261 = arith.constant 4 : i32
    %xor3A_262 = vector.broadcast %xor3A_261 : i32 to vector<16xi32>
    %xor3A_263 = arith.xori %iota3A, %xor3A_262 : vector<16xi32>
    %lt3A_264 = arith.constant 0 : i32
    %lt3A_265 = vector.broadcast %lt3A_264 : i32 to vector<16xi32>
    %lt3A_266 = arith.cmpi slt, %xor3A_263, %lt3A_265 : vector<16xi32>
    %add3A_267 = arith.constant 16 : i32
    %add3A_268 = vector.broadcast %add3A_267 : i32 to vector<16xi32>
    %add3A_269 = arith.addi %xor3A_263, %add3A_268 : vector<16xi32>
    %select_n3A_270 = arith.select %lt3A_266, %add3A_269, %xor3A_263 : vector<16xi1>, vector<16xi32>
    %reshape3A_271 = vector.shape_cast %select_n3A_270 : vector<16xi32> to vector<16x1xi32>
    %gather3A_272 = vector.shape_cast %reshape3A_271 : vector<16x1xi32> to vector<16xi32>
    %gather3A_273 = tpu.dynamic_gather %min3A_260[%gather3A_272] in [0] : vector<16xf32>, vector<16xi32> -> vector<16xf32>
    %min3A_274 = arith.minimumf %min3A_260, %gather3A_273 : vector<16xf32>
    %xor3A_275 = arith.constant 2 : i32
    %xor3A_276 = vector.broadcast %xor3A_275 : i32 to vector<16xi32>
    %xor3A_277 = arith.xori %iota3A, %xor3A_276 : vector<16xi32>
    %lt3A_278 = arith.constant 0 : i32
    %lt3A_279 = vector.broadcast %lt3A_278 : i32 to vector<16xi32>
    %lt3A_280 = arith.cmpi slt, %xor3A_277, %lt3A_279 : vector<16xi32>
    %add3A_281 = arith.constant 16 : i32
    %add3A_282 = vector.broadcast %add3A_281 : i32 to vector<16xi32>
    %add3A_283 = arith.addi %xor3A_277, %add3A_282 : vector<16xi32>
    %select_n3A_284 = arith.select %lt3A_280, %add3A_283, %xor3A_277 : vector<16xi1>, vector<16xi32>
    %reshape3A_285 = vector.shape_cast %select_n3A_284 : vector<16xi32> to vector<16x1xi32>
    %gather3A_286 = vector.shape_cast %reshape3A_285 : vector<16x1xi32> to vector<16xi32>
    %gather3A_287 = tpu.dynamic_gather %min3A_274[%gather3A_286] in [0] : vector<16xf32>, vector<16xi32> -> vector<16xf32>
    %min3A_288 = arith.minimumf %min3A_274, %gather3A_287 : vector<16xf32>
    %xor3A_289 = arith.constant 1 : i32
    %xor3A_290 = vector.broadcast %xor3A_289 : i32 to vector<16xi32>
    %xor3A_291 = arith.xori %iota3A, %xor3A_290 : vector<16xi32>
    %lt3A_292 = arith.constant 0 : i32
    %lt3A_293 = vector.broadcast %lt3A_292 : i32 to vector<16xi32>
    %lt3A_294 = arith.cmpi slt, %xor3A_291, %lt3A_293 : vector<16xi32>
    %add3A_295 = arith.constant 16 : i32
    %add3A_296 = vector.broadcast %add3A_295 : i32 to vector<16xi32>
    %add3A_297 = arith.addi %xor3A_291, %add3A_296 : vector<16xi32>
    %select_n3A_298 = arith.select %lt3A_294, %add3A_297, %xor3A_291 : vector<16xi1>, vector<16xi32>
    %reshape3A_299 = vector.shape_cast %select_n3A_298 : vector<16xi32> to vector<16x1xi32>
    %gather3A_300 = vector.shape_cast %reshape3A_299 : vector<16x1xi32> to vector<16xi32>
    %gather3A_301 = tpu.dynamic_gather %min3A_288[%gather3A_300] in [0] : vector<16xf32>, vector<16xi32> -> vector<16xf32>
    %min3A_302 = arith.minimumf %min3A_288, %gather3A_301 : vector<16xf32>
    %xor3A_303 = arith.constant 8 : i32
    %xor3A_304 = vector.broadcast %xor3A_303 : i32 to vector<16xi32>
    %xor3A_305 = arith.xori %iota3A, %xor3A_304 : vector<16xi32>
    %lt3A_306 = arith.constant 0 : i32
    %lt3A_307 = vector.broadcast %lt3A_306 : i32 to vector<16xi32>
    %lt3A_308 = arith.cmpi slt, %xor3A_305, %lt3A_307 : vector<16xi32>
    %add3A_309 = arith.constant 16 : i32
    %add3A_310 = vector.broadcast %add3A_309 : i32 to vector<16xi32>
    %add3A_311 = arith.addi %xor3A_305, %add3A_310 : vector<16xi32>
    %select_n3A_312 = arith.select %lt3A_308, %add3A_311, %xor3A_305 : vector<16xi1>, vector<16xi32>
    %reshape3A_313 = vector.shape_cast %select_n3A_312 : vector<16xi32> to vector<16x1xi32>
    %gather3A_314 = vector.shape_cast %reshape3A_313 : vector<16x1xi32> to vector<16xi32>
    %gather3A_315 = tpu.dynamic_gather %scan3A_129#3[%gather3A_314] in [0] : vector<16xf32>, vector<16xi32> -> vector<16xf32>
    %max3A_316 = arith.maximumf %scan3A_129#3, %gather3A_315 : vector<16xf32>
    %xor3A_317 = arith.constant 4 : i32
    %xor3A_318 = vector.broadcast %xor3A_317 : i32 to vector<16xi32>
    %xor3A_319 = arith.xori %iota3A, %xor3A_318 : vector<16xi32>
    %lt3A_320 = arith.constant 0 : i32
    %lt3A_321 = vector.broadcast %lt3A_320 : i32 to vector<16xi32>
    %lt3A_322 = arith.cmpi slt, %xor3A_319, %lt3A_321 : vector<16xi32>
    %add3A_323 = arith.constant 16 : i32
    %add3A_324 = vector.broadcast %add3A_323 : i32 to vector<16xi32>
    %add3A_325 = arith.addi %xor3A_319, %add3A_324 : vector<16xi32>
    %select_n3A_326 = arith.select %lt3A_322, %add3A_325, %xor3A_319 : vector<16xi1>, vector<16xi32>
    %reshape3A_327 = vector.shape_cast %select_n3A_326 : vector<16xi32> to vector<16x1xi32>
    %gather3A_328 = vector.shape_cast %reshape3A_327 : vector<16x1xi32> to vector<16xi32>
    %gather3A_329 = tpu.dynamic_gather %max3A_316[%gather3A_328] in [0] : vector<16xf32>, vector<16xi32> -> vector<16xf32>
    %max3A_330 = arith.maximumf %max3A_316, %gather3A_329 : vector<16xf32>
    %xor3A_331 = arith.constant 2 : i32
    %xor3A_332 = vector.broadcast %xor3A_331 : i32 to vector<16xi32>
    %xor3A_333 = arith.xori %iota3A, %xor3A_332 : vector<16xi32>
    %lt3A_334 = arith.constant 0 : i32
    %lt3A_335 = vector.broadcast %lt3A_334 : i32 to vector<16xi32>
    %lt3A_336 = arith.cmpi slt, %xor3A_333, %lt3A_335 : vector<16xi32>
    %add3A_337 = arith.constant 16 : i32
    %add3A_338 = vector.broadcast %add3A_337 : i32 to vector<16xi32>
    %add3A_339 = arith.addi %xor3A_333, %add3A_338 : vector<16xi32>
    %select_n3A_340 = arith.select %lt3A_336, %add3A_339, %xor3A_333 : vector<16xi1>, vector<16xi32>
    %reshape3A_341 = vector.shape_cast %select_n3A_340 : vector<16xi32> to vector<16x1xi32>
    %gather3A_342 = vector.shape_cast %reshape3A_341 : vector<16x1xi32> to vector<16xi32>
    %gather3A_343 = tpu.dynamic_gather %max3A_330[%gather3A_342] in [0] : vector<16xf32>, vector<16xi32> -> vector<16xf32>
    %max3A_344 = arith.maximumf %max3A_330, %gather3A_343 : vector<16xf32>
    %xor3A_345 = arith.constant 1 : i32
    %xor3A_346 = vector.broadcast %xor3A_345 : i32 to vector<16xi32>
    %xor3A_347 = arith.xori %iota3A, %xor3A_346 : vector<16xi32>
    %lt3A_348 = arith.constant 0 : i32
    %lt3A_349 = vector.broadcast %lt3A_348 : i32 to vector<16xi32>
    %lt3A_350 = arith.cmpi slt, %xor3A_347, %lt3A_349 : vector<16xi32>
    %add3A_351 = arith.constant 16 : i32
    %add3A_352 = vector.broadcast %add3A_351 : i32 to vector<16xi32>
    %add3A_353 = arith.addi %xor3A_347, %add3A_352 : vector<16xi32>
    %select_n3A_354 = arith.select %lt3A_350, %add3A_353, %xor3A_347 : vector<16xi1>, vector<16xi32>
    %reshape3A_355 = vector.shape_cast %select_n3A_354 : vector<16xi32> to vector<16x1xi32>
    %gather3A_356 = vector.shape_cast %reshape3A_355 : vector<16x1xi32> to vector<16xi32>
    %gather3A_357 = tpu.dynamic_gather %max3A_344[%gather3A_356] in [0] : vector<16xf32>, vector<16xi32> -> vector<16xf32>
    %max3A_358 = arith.maximumf %max3A_344, %gather3A_357 : vector<16xf32>
    %add3A_359 = arith.addf %min3A_302, %max3A_358 : vector<16xf32>
    %mul3A_360 = arith.constant 5.000000e-01 : f32
    %mul3A_361 = vector.broadcast %mul3A_360 : f32 to vector<16xf32>
    %mul3A_362 = arith.mulf %add3A_359, %mul3A_361 : vector<16xf32>
    %sub3A_363 = arith.subf %max3A_358, %mul3A_362 : vector<16xf32>
    %sub3A_364 = arith.subf %max3A_358, %mul3A_362 : vector<16xf32>
    %div3A_365 = arith.constant 1.000000e+00 : f32
    %div3A_366 = vector.broadcast %div3A_365 : f32 to vector<16xf32>
    %div3A_367 = arith.divf %div3A_366, %sub3A_364 : vector<16xf32>
    %xor3A_368 = arith.constant 8 : i32
    %xor3A_369 = vector.broadcast %xor3A_368 : i32 to vector<16xi32>
    %xor3A_370 = arith.xori %iota3A, %xor3A_369 : vector<16xi32>
    %lt3A_371 = arith.constant 0 : i32
    %lt3A_372 = vector.broadcast %lt3A_371 : i32 to vector<16xi32>
    %lt3A_373 = arith.cmpi slt, %xor3A_370, %lt3A_372 : vector<16xi32>
    %add3A_374 = arith.constant 16 : i32
    %add3A_375 = vector.broadcast %add3A_374 : i32 to vector<16xi32>
    %add3A_376 = arith.addi %xor3A_370, %add3A_375 : vector<16xi32>
    %select_n3A_377 = arith.select %lt3A_373, %add3A_376, %xor3A_370 : vector<16xi1>, vector<16xi32>
    %reshape3A_378 = vector.shape_cast %select_n3A_377 : vector<16xi32> to vector<16x1xi32>
    %gather3A_379 = vector.shape_cast %reshape3A_378 : vector<16x1xi32> to vector<16xi32>
    %gather3A_380 = tpu.dynamic_gather %scan3A_129#4[%gather3A_379] in [0] : vector<16xf32>, vector<16xi32> -> vector<16xf32>
    %min3A_381 = arith.minimumf %scan3A_129#4, %gather3A_380 : vector<16xf32>
    %xor3A_382 = arith.constant 4 : i32
    %xor3A_383 = vector.broadcast %xor3A_382 : i32 to vector<16xi32>
    %xor3A_384 = arith.xori %iota3A, %xor3A_383 : vector<16xi32>
    %lt3A_385 = arith.constant 0 : i32
    %lt3A_386 = vector.broadcast %lt3A_385 : i32 to vector<16xi32>
    %lt3A_387 = arith.cmpi slt, %xor3A_384, %lt3A_386 : vector<16xi32>
    %add3A_388 = arith.constant 16 : i32
    %add3A_389 = vector.broadcast %add3A_388 : i32 to vector<16xi32>
    %add3A_390 = arith.addi %xor3A_384, %add3A_389 : vector<16xi32>
    %select_n3A_391 = arith.select %lt3A_387, %add3A_390, %xor3A_384 : vector<16xi1>, vector<16xi32>
    %reshape3A_392 = vector.shape_cast %select_n3A_391 : vector<16xi32> to vector<16x1xi32>
    %gather3A_393 = vector.shape_cast %reshape3A_392 : vector<16x1xi32> to vector<16xi32>
    %gather3A_394 = tpu.dynamic_gather %min3A_381[%gather3A_393] in [0] : vector<16xf32>, vector<16xi32> -> vector<16xf32>
    %min3A_395 = arith.minimumf %min3A_381, %gather3A_394 : vector<16xf32>
    %xor3A_396 = arith.constant 2 : i32
    %xor3A_397 = vector.broadcast %xor3A_396 : i32 to vector<16xi32>
    %xor3A_398 = arith.xori %iota3A, %xor3A_397 : vector<16xi32>
    %lt3A_399 = arith.constant 0 : i32
    %lt3A_400 = vector.broadcast %lt3A_399 : i32 to vector<16xi32>
    %lt3A_401 = arith.cmpi slt, %xor3A_398, %lt3A_400 : vector<16xi32>
    %add3A_402 = arith.constant 16 : i32
    %add3A_403 = vector.broadcast %add3A_402 : i32 to vector<16xi32>
    %add3A_404 = arith.addi %xor3A_398, %add3A_403 : vector<16xi32>
    %select_n3A_405 = arith.select %lt3A_401, %add3A_404, %xor3A_398 : vector<16xi1>, vector<16xi32>
    %reshape3A_406 = vector.shape_cast %select_n3A_405 : vector<16xi32> to vector<16x1xi32>
    %gather3A_407 = vector.shape_cast %reshape3A_406 : vector<16x1xi32> to vector<16xi32>
    %gather3A_408 = tpu.dynamic_gather %min3A_395[%gather3A_407] in [0] : vector<16xf32>, vector<16xi32> -> vector<16xf32>
    %min3A_409 = arith.minimumf %min3A_395, %gather3A_408 : vector<16xf32>
    %xor3A_410 = arith.constant 1 : i32
    %xor3A_411 = vector.broadcast %xor3A_410 : i32 to vector<16xi32>
    %xor3A_412 = arith.xori %iota3A, %xor3A_411 : vector<16xi32>
    %lt3A_413 = arith.constant 0 : i32
    %lt3A_414 = vector.broadcast %lt3A_413 : i32 to vector<16xi32>
    %lt3A_415 = arith.cmpi slt, %xor3A_412, %lt3A_414 : vector<16xi32>
    %add3A_416 = arith.constant 16 : i32
    %add3A_417 = vector.broadcast %add3A_416 : i32 to vector<16xi32>
    %add3A_418 = arith.addi %xor3A_412, %add3A_417 : vector<16xi32>
    %select_n3A_419 = arith.select %lt3A_415, %add3A_418, %xor3A_412 : vector<16xi1>, vector<16xi32>
    %reshape3A_420 = vector.shape_cast %select_n3A_419 : vector<16xi32> to vector<16x1xi32>
    %gather3A_421 = vector.shape_cast %reshape3A_420 : vector<16x1xi32> to vector<16xi32>
    %gather3A_422 = tpu.dynamic_gather %min3A_409[%gather3A_421] in [0] : vector<16xf32>, vector<16xi32> -> vector<16xf32>
    %min3A_423 = arith.minimumf %min3A_409, %gather3A_422 : vector<16xf32>
    %xor3A_424 = arith.constant 8 : i32
    %xor3A_425 = vector.broadcast %xor3A_424 : i32 to vector<16xi32>
    %xor3A_426 = arith.xori %iota3A, %xor3A_425 : vector<16xi32>
    %lt3A_427 = arith.constant 0 : i32
    %lt3A_428 = vector.broadcast %lt3A_427 : i32 to vector<16xi32>
    %lt3A_429 = arith.cmpi slt, %xor3A_426, %lt3A_428 : vector<16xi32>
    %add3A_430 = arith.constant 16 : i32
    %add3A_431 = vector.broadcast %add3A_430 : i32 to vector<16xi32>
    %add3A_432 = arith.addi %xor3A_426, %add3A_431 : vector<16xi32>
    %select_n3A_433 = arith.select %lt3A_429, %add3A_432, %xor3A_426 : vector<16xi1>, vector<16xi32>
    %reshape3A_434 = vector.shape_cast %select_n3A_433 : vector<16xi32> to vector<16x1xi32>
    %gather3A_435 = vector.shape_cast %reshape3A_434 : vector<16x1xi32> to vector<16xi32>
    %gather3A_436 = tpu.dynamic_gather %scan3A_129#5[%gather3A_435] in [0] : vector<16xf32>, vector<16xi32> -> vector<16xf32>
    %max3A_437 = arith.maximumf %scan3A_129#5, %gather3A_436 : vector<16xf32>
    %xor3A_438 = arith.constant 4 : i32
    %xor3A_439 = vector.broadcast %xor3A_438 : i32 to vector<16xi32>
    %xor3A_440 = arith.xori %iota3A, %xor3A_439 : vector<16xi32>
    %lt3A_441 = arith.constant 0 : i32
    %lt3A_442 = vector.broadcast %lt3A_441 : i32 to vector<16xi32>
    %lt3A_443 = arith.cmpi slt, %xor3A_440, %lt3A_442 : vector<16xi32>
    %add3A_444 = arith.constant 16 : i32
    %add3A_445 = vector.broadcast %add3A_444 : i32 to vector<16xi32>
    %add3A_446 = arith.addi %xor3A_440, %add3A_445 : vector<16xi32>
    %select_n3A_447 = arith.select %lt3A_443, %add3A_446, %xor3A_440 : vector<16xi1>, vector<16xi32>
    %reshape3A_448 = vector.shape_cast %select_n3A_447 : vector<16xi32> to vector<16x1xi32>
    %gather3A_449 = vector.shape_cast %reshape3A_448 : vector<16x1xi32> to vector<16xi32>
    %gather3A_450 = tpu.dynamic_gather %max3A_437[%gather3A_449] in [0] : vector<16xf32>, vector<16xi32> -> vector<16xf32>
    %max3A_451 = arith.maximumf %max3A_437, %gather3A_450 : vector<16xf32>
    %xor3A_452 = arith.constant 2 : i32
    %xor3A_453 = vector.broadcast %xor3A_452 : i32 to vector<16xi32>
    %xor3A_454 = arith.xori %iota3A, %xor3A_453 : vector<16xi32>
    %lt3A_455 = arith.constant 0 : i32
    %lt3A_456 = vector.broadcast %lt3A_455 : i32 to vector<16xi32>
    %lt3A_457 = arith.cmpi slt, %xor3A_454, %lt3A_456 : vector<16xi32>
    %add3A_458 = arith.constant 16 : i32
    %add3A_459 = vector.broadcast %add3A_458 : i32 to vector<16xi32>
    %add3A_460 = arith.addi %xor3A_454, %add3A_459 : vector<16xi32>
    %select_n3A_461 = arith.select %lt3A_457, %add3A_460, %xor3A_454 : vector<16xi1>, vector<16xi32>
    %reshape3A_462 = vector.shape_cast %select_n3A_461 : vector<16xi32> to vector<16x1xi32>
    %gather3A_463 = vector.shape_cast %reshape3A_462 : vector<16x1xi32> to vector<16xi32>
    %gather3A_464 = tpu.dynamic_gather %max3A_451[%gather3A_463] in [0] : vector<16xf32>, vector<16xi32> -> vector<16xf32>
    %max3A_465 = arith.maximumf %max3A_451, %gather3A_464 : vector<16xf32>
    %xor3A_466 = arith.constant 1 : i32
    %xor3A_467 = vector.broadcast %xor3A_466 : i32 to vector<16xi32>
    %xor3A_468 = arith.xori %iota3A, %xor3A_467 : vector<16xi32>
    %lt3A_469 = arith.constant 0 : i32
    %lt3A_470 = vector.broadcast %lt3A_469 : i32 to vector<16xi32>
    %lt3A_471 = arith.cmpi slt, %xor3A_468, %lt3A_470 : vector<16xi32>
    %add3A_472 = arith.constant 16 : i32
    %add3A_473 = vector.broadcast %add3A_472 : i32 to vector<16xi32>
    %add3A_474 = arith.addi %xor3A_468, %add3A_473 : vector<16xi32>
    %select_n3A_475 = arith.select %lt3A_471, %add3A_474, %xor3A_468 : vector<16xi1>, vector<16xi32>
    %reshape3A_476 = vector.shape_cast %select_n3A_475 : vector<16xi32> to vector<16x1xi32>
    %gather3A_477 = vector.shape_cast %reshape3A_476 : vector<16x1xi32> to vector<16xi32>
    %gather3A_478 = tpu.dynamic_gather %max3A_465[%gather3A_477] in [0] : vector<16xf32>, vector<16xi32> -> vector<16xf32>
    %max3A_479 = arith.maximumf %max3A_465, %gather3A_478 : vector<16xf32>
    %add3A_480 = arith.addf %min3A_423, %max3A_479 : vector<16xf32>
    %mul3A_481 = arith.constant 5.000000e-01 : f32
    %mul3A_482 = vector.broadcast %mul3A_481 : f32 to vector<16xf32>
    %mul3A_483 = arith.mulf %add3A_480, %mul3A_482 : vector<16xf32>
    %sub3A_484 = arith.subf %max3A_479, %mul3A_483 : vector<16xf32>
    %sub3A_485 = arith.subf %max3A_479, %mul3A_483 : vector<16xf32>
    %div3A_486 = arith.constant 1.000000e+00 : f32
    %div3A_487 = vector.broadcast %div3A_486 : f32 to vector<16xf32>
    %div3A_488 = arith.divf %div3A_487, %sub3A_485 : vector<16xf32>
    %scan3A_489 = arith.constant 0 : i32
    %scan3A_490 = arith.constant 0 : i32
    %scan3A_491 = arith.constant 648 : i32
    %scan3A_492 = arith.addi %scan3A_490, %scan3A_491 : i32
    %scan3A_493 = arith.constant 1 : i32
    scf.for %scan3A_538 = %scan3A_490 to %scan3A_492 step %scan3A_493  : i32 {
      %mul3A_539 = arith.constant 16 : i32
      %mul3A_540 = arith.muli %scan3A_538, %mul3A_539 : i32
      %get3A = arith.index_cast %mul3A_540 : i32 to index
      %get3A_541 = tpu.vector_load %arg9[%get3A] {strides = array<i32>} : memref<10368xf32, #tpu.memory_space<vmem>>, vector<16xf32>,
      %sub3A_542 = arith.subf %get3A_541, %mul3A_241 : vector<16xf32>
      %mul3A_543 = arith.mulf %sub3A_542, %div3A_246 : vector<16xf32>
      %swap3A = arith.index_cast %mul3A_540 : i32 to index
      %swap3A_544 = tpu.vector_load %arg9[%swap3A] {strides = array<i32>} : memref<10368xf32, #tpu.memory_space<vmem>>, vector<16xf32>,
      tpu.vector_store %arg9[%swap3A], %mul3A_543 {strides = array<i32>} : memref<10368xf32, #tpu.memory_space<vmem>>, vector<16xf32>,
      %get3A_545 = arith.index_cast %mul3A_540 : i32 to index
      %get3A_546 = tpu.vector_load %arg10[%get3A_545] {strides = array<i32>} : memref<10368xf32, #tpu.memory_space<vmem>>, vector<16xf32>,
      %sub3A_547 = arith.subf %get3A_546, %mul3A_362 : vector<16xf32>
      %mul3A_548 = arith.mulf %sub3A_547, %div3A_367 : vector<16xf32>
      %swap3A_549 = arith.index_cast %mul3A_540 : i32 to index
      %swap3A_550 = tpu.vector_load %arg10[%swap3A_549] {strides = array<i32>} : memref<10368xf32, #tpu.memory_space<vmem>>, vector<16xf32>,
      tpu.vector_store %arg10[%swap3A_549], %mul3A_548 {strides = array<i32>} : memref<10368xf32, #tpu.memory_space<vmem>>, vector<16xf32>,
      %get3A_551 = arith.index_cast %mul3A_540 : i32 to index
      %get3A_552 = tpu.vector_load %arg11[%get3A_551] {strides = array<i32>} : memref<10368xf32, #tpu.memory_space<vmem>>, vector<16xf32>,
      %sub3A_553 = arith.subf %get3A_552, %mul3A_483 : vector<16xf32>
      %mul3A_554 = arith.mulf %sub3A_553, %div3A_488 : vector<16xf32>
      %swap3A_555 = arith.index_cast %mul3A_540 : i32 to index
      %swap3A_556 = tpu.vector_load %arg11[%swap3A_555] {strides = array<i32>} : memref<10368xf32, #tpu.memory_space<vmem>>, vector<16xf32>,
      tpu.vector_store %arg11[%swap3A_555], %mul3A_554 {strides = array<i32>} : memref<10368xf32, #tpu.memory_space<vmem>>, vector<16xf32>,
    }
    %scan3A_494 = arith.constant 648 : i32
    %scan3A_495 = arith.constant 0 : i32
    %scan3A_496 = arith.constant 0 : i32
    %scan3A_497 = arith.constant 162 : i32
    %scan3A_498 = arith.addi %scan3A_496, %scan3A_497 : i32
    %scan3A_499 = arith.constant 1 : i32
    scf.for %scan3A_538 = %scan3A_496 to %scan3A_498 step %scan3A_499  : i32 {
      %broadcast_in_dim3A_539 = arith.constant 0.000000e+00 : f32
      %broadcast_in_dim3A_540 = vector.broadcast %broadcast_in_dim3A_539 : f32 to vector<16xf32>
      %mul3A_541 = arith.constant 16 : i32
      %mul3A_542 = arith.muli %scan3A_538, %mul3A_541 : i32
      %swap3A = arith.index_cast %mul3A_542 : i32 to index
      %swap3A_543 = tpu.vector_load %arg19[%swap3A] {strides = array<i32>} : memref<2592xf32, #tpu.memory_space<vmem>>, vector<16xf32>,
      tpu.vector_store %arg19[%swap3A], %broadcast_in_dim3A_540 {strides = array<i32>} : memref<2592xf32, #tpu.memory_space<vmem>>, vector<16xf32>,
    }
    %scan3A_500 = arith.constant 162 : i32
    %scan3A_501 = arith.constant 0 : i32
    %scan3A_502 = arith.constant 1.000000e-01 : f32
    %scan3A_503 = arith.constant 0 : i32
    %scan3A_504 = arith.constant 10 : i32
    %scan3A_505 = arith.addi %scan3A_503, %scan3A_504 : i32
    %scan3A_506 = arith.constant 1 : i32
    scf.for %scan3A_538 = %scan3A_503 to %scan3A_505 step %scan3A_506  : i32 {
      %parallel_loop3A = arith.constant 0 : i32
      %parallel_loop3A_539 = arith.constant 54 : i32
      %parallel_loop3A_540 = arith.constant 1 : i32
      scf.for %parallel_loop3A_581 = %parallel_loop3A to %parallel_loop3A_539 step %parallel_loop3A_540  : i32 {
        %parallel_loop3A_582 = arith.constant 3 : i32
        %parallel_loop3A_583 = arith.muli %parallel_loop3A_582, %parallel_loop3A_581 : i32
        %parallel_loop3A_584 = arith.constant 0 : i32
        %parallel_loop3A_585 = arith.addi %parallel_loop3A_583, %parallel_loop3A_584 : i32
        %parallel_loop3A_586 = arith.constant 3 : i32
        %parallel_loop3A_587 = arith.muli %parallel_loop3A_586, %parallel_loop3A_581 : i32
        %parallel_loop3A_588 = arith.constant 1 : i32
        %parallel_loop3A_589 = arith.addi %parallel_loop3A_587, %parallel_loop3A_588 : i32
        %parallel_loop3A_590 = arith.constant 3 : i32
        %parallel_loop3A_591 = arith.muli %parallel_loop3A_590, %parallel_loop3A_581 : i32
        %parallel_loop3A_592 = arith.constant 2 : i32
        %parallel_loop3A_593 = arith.addi %parallel_loop3A_591, %parallel_loop3A_592 : i32
        %parallel_loop3A_594 = arith.constant 16 : i32
        %parallel_loop3A_595 = arith.muli %parallel_loop3A_585, %parallel_loop3A_594 : i32
        %parallel_loop3A_596 = arith.addi %mul3A_56, %parallel_loop3A_595 : i32
        %parallel_loop3A_597 = arith.constant 16 : i32
        %parallel_loop3A_598 = arith.muli %parallel_loop3A_585, %parallel_loop3A_597 : i32
        %parallel_loop3A_599 = arith.index_cast %parallel_loop3A_596 : i32 to index
        %parallel_loop3A_600 = tpu.vector_load %arg9[%parallel_loop3A_599] {strides = array<i32>} : memref<10368xf32, #tpu.memory_space<vmem>>, vector<16xf32>,
        %parallel_loop3A_601 = arith.index_cast %parallel_loop3A_596 : i32 to index
        %parallel_loop3A_602 = tpu.vector_load %arg10[%parallel_loop3A_601] {strides = array<i32>} : memref<10368xf32, #tpu.memory_space<vmem>>, vector<16xf32>,
        %parallel_loop3A_603 = arith.index_cast %parallel_loop3A_596 : i32 to index
        %parallel_loop3A_604 = tpu.vector_load %arg11[%parallel_loop3A_603] {strides = array<i32>} : memref<10368xf32, #tpu.memory_space<vmem>>, vector<16xf32>,
        %parallel_loop3A_605 = arith.constant 16 : i32
        %parallel_loop3A_606 = arith.muli %parallel_loop3A_585, %parallel_loop3A_605 : i32
        %parallel_loop3A_607 = arith.constant 0 : i32
        %parallel_loop3A_608 = arith.addi %parallel_loop3A_607, %parallel_loop3A_606 : i32
        %parallel_loop3A_609 = arith.index_cast %parallel_loop3A_608 : i32 to index
        %parallel_loop3A_610 = tpu.vector_load %arg12[%parallel_loop3A_609] {strides = array<i32>} : memref<15552xi32, #tpu.memory_space<vmem>>, vector<16xi32>,
        %parallel_loop3A_611 = tpu.vector_load_idx %arg9[%parallel_loop3A_610] : memref<10368xf32, #tpu.memory_space<vmem>>[vector<16xi32>], vector<16xf32>,
        %parallel_loop3A_612 = tpu.vector_load_idx %arg10[%parallel_loop3A_610] : memref<10368xf32, #tpu.memory_space<vmem>>[vector<16xi32>], vector<16xf32>,
        %parallel_loop3A_613 = tpu.vector_load_idx %arg11[%parallel_loop3A_610] : memref<10368xf32, #tpu.memory_space<vmem>>[vector<16xi32>], vector<16xf32>,
        %parallel_loop3A_614 = arith.constant 16 : i32
        %parallel_loop3A_615 = arith.muli %parallel_loop3A_585, %parallel_loop3A_614 : i32
        %parallel_loop3A_616 = arith.constant 2592 : i32
        %parallel_loop3A_617 = arith.addi %parallel_loop3A_616, %parallel_loop3A_615 : i32
        %parallel_loop3A_618 = arith.index_cast %parallel_loop3A_617 : i32 to index
        %parallel_loop3A_619 = tpu.vector_load %arg12[%parallel_loop3A_618] {strides = array<i32>} : memref<15552xi32, #tpu.memory_space<vmem>>, vector<16xi32>,
        %parallel_loop3A_620 = tpu.vector_load_idx %arg9[%parallel_loop3A_619] : memref<10368xf32, #tpu.memory_space<vmem>>[vector<16xi32>], vector<16xf32>,
        %parallel_loop3A_621 = tpu.vector_load_idx %arg10[%parallel_loop3A_619] : memref<10368xf32, #tpu.memory_space<vmem>>[vector<16xi32>], vector<16xf32>,
        %parallel_loop3A_622 = tpu.vector_load_idx %arg11[%parallel_loop3A_619] : memref<10368xf32, #tpu.memory_space<vmem>>[vector<16xi32>], vector<16xf32>,
        %parallel_loop3A_623 = arith.constant 16 : i32
        %parallel_loop3A_624 = arith.muli %parallel_loop3A_585, %parallel_loop3A_623 : i32
        %parallel_loop3A_625 = arith.constant 5184 : i32
        %parallel_loop3A_626 = arith.addi %parallel_loop3A_625, %parallel_loop3A_624 : i32
        %parallel_loop3A_627 = arith.index_cast %parallel_loop3A_626 : i32 to index
        %parallel_loop3A_628 = tpu.vector_load %arg12[%parallel_loop3A_627] {strides = array<i32>} : memref<15552xi32, #tpu.memory_space<vmem>>, vector<16xi32>,
        %parallel_loop3A_629 = tpu.vector_load_idx %arg9[%parallel_loop3A_628] : memref<10368xf32, #tpu.memory_space<vmem>>[vector<16xi32>], vector<16xf32>,
        %parallel_loop3A_630 = tpu.vector_load_idx %arg10[%parallel_loop3A_628] : memref<10368xf32, #tpu.memory_space<vmem>>[vector<16xi32>], vector<16xf32>,
        %parallel_loop3A_631 = tpu.vector_load_idx %arg11[%parallel_loop3A_628] : memref<10368xf32, #tpu.memory_space<vmem>>[vector<16xi32>], vector<16xf32>,
        %parallel_loop3A_632 = arith.constant 16 : i32
        %parallel_loop3A_633 = arith.muli %parallel_loop3A_585, %parallel_loop3A_632 : i32
        %parallel_loop3A_634 = arith.constant 7776 : i32
        %parallel_loop3A_635 = arith.addi %parallel_loop3A_634, %parallel_loop3A_633 : i32
        %parallel_loop3A_636 = arith.index_cast %parallel_loop3A_635 : i32 to index
        %parallel_loop3A_637 = tpu.vector_load %arg12[%parallel_loop3A_636] {strides = array<i32>} : memref<15552xi32, #tpu.memory_space<vmem>>, vector<16xi32>,
        %parallel_loop3A_638 = tpu.vector_load_idx %arg9[%parallel_loop3A_637] : memref<10368xf32, #tpu.memory_space<vmem>>[vector<16xi32>], vector<16xf32>,
        %parallel_loop3A_639 = tpu.vector_load_idx %arg10[%parallel_loop3A_637] : memref<10368xf32, #tpu.memory_space<vmem>>[vector<16xi32>], vector<16xf32>,
        %parallel_loop3A_640 = tpu.vector_load_idx %arg11[%parallel_loop3A_637] : memref<10368xf32, #tpu.memory_space<vmem>>[vector<16xi32>], vector<16xf32>,
        %parallel_loop3A_641 = arith.constant 16 : i32
        %parallel_loop3A_642 = arith.muli %parallel_loop3A_585, %parallel_loop3A_641 : i32
        %parallel_loop3A_643 = arith.constant 10368 : i32
        %parallel_loop3A_644 = arith.addi %parallel_loop3A_643, %parallel_loop3A_642 : i32
        %parallel_loop3A_645 = arith.index_cast %parallel_loop3A_644 : i32 to index
        %parallel_loop3A_646 = tpu.vector_load %arg12[%parallel_loop3A_645] {strides = array<i32>} : memref<15552xi32, #tpu.memory_space<vmem>>, vector<16xi32>,
        %parallel_loop3A_647 = tpu.vector_load_idx %arg9[%parallel_loop3A_646] : memref<10368xf32, #tpu.memory_space<vmem>>[vector<16xi32>], vector<16xf32>,
        %parallel_loop3A_648 = tpu.vector_load_idx %arg10[%parallel_loop3A_646] : memref<10368xf32, #tpu.memory_space<vmem>>[vector<16xi32>], vector<16xf32>,
        %parallel_loop3A_649 = tpu.vector_load_idx %arg11[%parallel_loop3A_646] : memref<10368xf32, #tpu.memory_space<vmem>>[vector<16xi32>], vector<16xf32>,
        %parallel_loop3A_650 = arith.constant 16 : i32
        %parallel_loop3A_651 = arith.muli %parallel_loop3A_585, %parallel_loop3A_650 : i32
        %parallel_loop3A_652 = arith.constant 12960 : i32
        %parallel_loop3A_653 = arith.addi %parallel_loop3A_652, %parallel_loop3A_651 : i32
        %parallel_loop3A_654 = arith.index_cast %parallel_loop3A_653 : i32 to index
        %parallel_loop3A_655 = tpu.vector_load %arg12[%parallel_loop3A_654] {strides = array<i32>} : memref<15552xi32, #tpu.memory_space<vmem>>, vector<16xi32>,
        %parallel_loop3A_656 = tpu.vector_load_idx %arg9[%parallel_loop3A_655] : memref<10368xf32, #tpu.memory_space<vmem>>[vector<16xi32>], vector<16xf32>,
        %parallel_loop3A_657 = tpu.vector_load_idx %arg10[%parallel_loop3A_655] : memref<10368xf32, #tpu.memory_space<vmem>>[vector<16xi32>], vector<16xf32>,
        %parallel_loop3A_658 = tpu.vector_load_idx %arg11[%parallel_loop3A_655] : memref<10368xf32, #tpu.memory_space<vmem>>[vector<16xi32>], vector<16xf32>,
        %parallel_loop3A_659 = arith.addf %parallel_loop3A_611, %parallel_loop3A_620 : vector<16xf32>
        %parallel_loop3A_660 = arith.addf %parallel_loop3A_629, %parallel_loop3A_638 : vector<16xf32>
        %parallel_loop3A_661 = arith.addf %parallel_loop3A_659, %parallel_loop3A_660 : vector<16xf32>
        %parallel_loop3A_662 = arith.addf %parallel_loop3A_647, %parallel_loop3A_656 : vector<16xf32>
        %parallel_loop3A_663 = arith.addf %parallel_loop3A_661, %parallel_loop3A_662 : vector<16xf32>
        %parallel_loop3A_664 = arith.addf %parallel_loop3A_612, %parallel_loop3A_621 : vector<16xf32>
        %parallel_loop3A_665 = arith.addf %parallel_loop3A_630, %parallel_loop3A_639 : vector<16xf32>
        %parallel_loop3A_666 = arith.addf %parallel_loop3A_664, %parallel_loop3A_665 : vector<16xf32>
        %parallel_loop3A_667 = arith.addf %parallel_loop3A_648, %parallel_loop3A_657 : vector<16xf32>
        %parallel_loop3A_668 = arith.addf %parallel_loop3A_666, %parallel_loop3A_667 : vector<16xf32>
        %parallel_loop3A_669 = arith.addf %parallel_loop3A_613, %parallel_loop3A_622 : vector<16xf32>
        %parallel_loop3A_670 = arith.addf %parallel_loop3A_631, %parallel_loop3A_640 : vector<16xf32>
        %parallel_loop3A_671 = arith.addf %parallel_loop3A_669, %parallel_loop3A_670 : vector<16xf32>
        %parallel_loop3A_672 = arith.addf %parallel_loop3A_649, %parallel_loop3A_658 : vector<16xf32>
        %parallel_loop3A_673 = arith.addf %parallel_loop3A_671, %parallel_loop3A_672 : vector<16xf32>
        %parallel_loop3A_674 = arith.subf %parallel_loop3A_611, %parallel_loop3A_600 : vector<16xf32>
        %parallel_loop3A_675 = arith.subf %parallel_loop3A_620, %parallel_loop3A_600 : vector<16xf32>
        %parallel_loop3A_676 = arith.subf %parallel_loop3A_629, %parallel_loop3A_600 : vector<16xf32>
        %parallel_loop3A_677 = arith.subf %parallel_loop3A_638, %parallel_loop3A_600 : vector<16xf32>
        %parallel_loop3A_678 = arith.subf %parallel_loop3A_647, %parallel_loop3A_600 : vector<16xf32>
        %parallel_loop3A_679 = arith.subf %parallel_loop3A_656, %parallel_loop3A_600 : vector<16xf32>
        %parallel_loop3A_680 = arith.subf %parallel_loop3A_612, %parallel_loop3A_602 : vector<16xf32>
        %parallel_loop3A_681 = arith.subf %parallel_loop3A_621, %parallel_loop3A_602 : vector<16xf32>
        %parallel_loop3A_682 = arith.subf %parallel_loop3A_630, %parallel_loop3A_602 : vector<16xf32>
        %parallel_loop3A_683 = arith.subf %parallel_loop3A_639, %parallel_loop3A_602 : vector<16xf32>
        %parallel_loop3A_684 = arith.subf %parallel_loop3A_648, %parallel_loop3A_602 : vector<16xf32>
        %parallel_loop3A_685 = arith.subf %parallel_loop3A_657, %parallel_loop3A_602 : vector<16xf32>
        %parallel_loop3A_686 = arith.subf %parallel_loop3A_613, %parallel_loop3A_604 : vector<16xf32>
        %parallel_loop3A_687 = arith.subf %parallel_loop3A_622, %parallel_loop3A_604 : vector<16xf32>
        %parallel_loop3A_688 = arith.subf %parallel_loop3A_631, %parallel_loop3A_604 : vector<16xf32>
        %parallel_loop3A_689 = arith.subf %parallel_loop3A_640, %parallel_loop3A_604 : vector<16xf32>
        %parallel_loop3A_690 = arith.subf %parallel_loop3A_649, %parallel_loop3A_604 : vector<16xf32>
        %parallel_loop3A_691 = arith.subf %parallel_loop3A_658, %parallel_loop3A_604 : vector<16xf32>
        %parallel_loop3A_692 = arith.constant 0.000000e+00 : f32
        %parallel_loop3A_693 = vector.broadcast %parallel_loop3A_692 : f32 to vector<16xf32>
        %parallel_loop3A_694 = arith.mulf %parallel_loop3A_680, %parallel_loop3A_687 : vector<16xf32>
        %parallel_loop3A_695 = arith.mulf %parallel_loop3A_686, %parallel_loop3A_681 : vector<16xf32>
        %parallel_loop3A_696 = arith.subf %parallel_loop3A_694, %parallel_loop3A_695 : vector<16xf32>
        %parallel_loop3A_697 = arith.addf %parallel_loop3A_693, %parallel_loop3A_696 : vector<16xf32>
        %parallel_loop3A_698 = arith.mulf %parallel_loop3A_686, %parallel_loop3A_675 : vector<16xf32>
        %parallel_loop3A_699 = arith.mulf %parallel_loop3A_674, %parallel_loop3A_687 : vector<16xf32>
        %parallel_loop3A_700 = arith.subf %parallel_loop3A_698, %parallel_loop3A_699 : vector<16xf32>
        %parallel_loop3A_701 = arith.addf %parallel_loop3A_693, %parallel_loop3A_700 : vector<16xf32>
        %parallel_loop3A_702 = arith.mulf %parallel_loop3A_674, %parallel_loop3A_681 : vector<16xf32>
        %parallel_loop3A_703 = arith.mulf %parallel_loop3A_680, %parallel_loop3A_675 : vector<16xf32>
        %parallel_loop3A_704 = arith.subf %parallel_loop3A_702, %parallel_loop3A_703 : vector<16xf32>
        %parallel_loop3A_705 = arith.addf %parallel_loop3A_693, %parallel_loop3A_704 : vector<16xf32>
        %parallel_loop3A_706 = arith.mulf %parallel_loop3A_681, %parallel_loop3A_688 : vector<16xf32>
        %parallel_loop3A_707 = arith.mulf %parallel_loop3A_687, %parallel_loop3A_682 : vector<16xf32>
        %parallel_loop3A_708 = arith.subf %parallel_loop3A_706, %parallel_loop3A_707 : vector<16xf32>
        %parallel_loop3A_709 = arith.addf %parallel_loop3A_697, %parallel_loop3A_708 : vector<16xf32>
        %parallel_loop3A_710 = arith.mulf %parallel_loop3A_687, %parallel_loop3A_676 : vector<16xf32>
        %parallel_loop3A_711 = arith.mulf %parallel_loop3A_675, %parallel_loop3A_688 : vector<16xf32>
        %parallel_loop3A_712 = arith.subf %parallel_loop3A_710, %parallel_loop3A_711 : vector<16xf32>
        %parallel_loop3A_713 = arith.addf %parallel_loop3A_701, %parallel_loop3A_712 : vector<16xf32>
        %parallel_loop3A_714 = arith.mulf %parallel_loop3A_675, %parallel_loop3A_682 : vector<16xf32>
        %parallel_loop3A_715 = arith.mulf %parallel_loop3A_681, %parallel_loop3A_676 : vector<16xf32>
        %parallel_loop3A_716 = arith.subf %parallel_loop3A_714, %parallel_loop3A_715 : vector<16xf32>
        %parallel_loop3A_717 = arith.addf %parallel_loop3A_705, %parallel_loop3A_716 : vector<16xf32>
        %parallel_loop3A_718 = arith.mulf %parallel_loop3A_682, %parallel_loop3A_689 : vector<16xf32>
        %parallel_loop3A_719 = arith.mulf %parallel_loop3A_688, %parallel_loop3A_683 : vector<16xf32>
        %parallel_loop3A_720 = arith.subf %parallel_loop3A_718, %parallel_loop3A_719 : vector<16xf32>
        %parallel_loop3A_721 = arith.addf %parallel_loop3A_709, %parallel_loop3A_720 : vector<16xf32>
        %parallel_loop3A_722 = arith.mulf %parallel_loop3A_688, %parallel_loop3A_677 : vector<16xf32>
        %parallel_loop3A_723 = arith.mulf %parallel_loop3A_676, %parallel_loop3A_689 : vector<16xf32>
        %parallel_loop3A_724 = arith.subf %parallel_loop3A_722, %parallel_loop3A_723 : vector<16xf32>
        %parallel_loop3A_725 = arith.addf %parallel_loop3A_713, %parallel_loop3A_724 : vector<16xf32>
        %parallel_loop3A_726 = arith.mulf %parallel_loop3A_676, %parallel_loop3A_683 : vector<16xf32>
        %parallel_loop3A_727 = arith.mulf %parallel_loop3A_682, %parallel_loop3A_677 : vector<16xf32>
        %parallel_loop3A_728 = arith.subf %parallel_loop3A_726, %parallel_loop3A_727 : vector<16xf32>
        %parallel_loop3A_729 = arith.addf %parallel_loop3A_717, %parallel_loop3A_728 : vector<16xf32>
        %parallel_loop3A_730 = arith.mulf %parallel_loop3A_683, %parallel_loop3A_690 : vector<16xf32>
        %parallel_loop3A_731 = arith.mulf %parallel_loop3A_689, %parallel_loop3A_684 : vector<16xf32>
        %parallel_loop3A_732 = arith.subf %parallel_loop3A_730, %parallel_loop3A_731 : vector<16xf32>
        %parallel_loop3A_733 = arith.addf %parallel_loop3A_721, %parallel_loop3A_732 : vector<16xf32>
        %parallel_loop3A_734 = arith.mulf %parallel_loop3A_689, %parallel_loop3A_678 : vector<16xf32>
        %parallel_loop3A_735 = arith.mulf %parallel_loop3A_677, %parallel_loop3A_690 : vector<16xf32>
        %parallel_loop3A_736 = arith.subf %parallel_loop3A_734, %parallel_loop3A_735 : vector<16xf32>
        %parallel_loop3A_737 = arith.addf %parallel_loop3A_725, %parallel_loop3A_736 : vector<16xf32>
        %parallel_loop3A_738 = arith.mulf %parallel_loop3A_677, %parallel_loop3A_684 : vector<16xf32>
        %parallel_loop3A_739 = arith.mulf %parallel_loop3A_683, %parallel_loop3A_678 : vector<16xf32>
        %parallel_loop3A_740 = arith.subf %parallel_loop3A_738, %parallel_loop3A_739 : vector<16xf32>
        %parallel_loop3A_741 = arith.addf %parallel_loop3A_729, %parallel_loop3A_740 : vector<16xf32>
        %parallel_loop3A_742 = arith.mulf %parallel_loop3A_684, %parallel_loop3A_691 : vector<16xf32>
        %parallel_loop3A_743 = arith.mulf %parallel_loop3A_690, %parallel_loop3A_685 : vector<16xf32>
        %parallel_loop3A_744 = arith.subf %parallel_loop3A_742, %parallel_loop3A_743 : vector<16xf32>
        %parallel_loop3A_745 = arith.addf %parallel_loop3A_733, %parallel_loop3A_744 : vector<16xf32>
        %parallel_loop3A_746 = arith.mulf %parallel_loop3A_690, %parallel_loop3A_679 : vector<16xf32>
        %parallel_loop3A_747 = arith.mulf %parallel_loop3A_678, %parallel_loop3A_691 : vector<16xf32>
        %parallel_loop3A_748 = arith.subf %parallel_loop3A_746, %parallel_loop3A_747 : vector<16xf32>
        %parallel_loop3A_749 = arith.addf %parallel_loop3A_737, %parallel_loop3A_748 : vector<16xf32>
        %parallel_loop3A_750 = arith.mulf %parallel_loop3A_678, %parallel_loop3A_685 : vector<16xf32>
        %parallel_loop3A_751 = arith.mulf %parallel_loop3A_684, %parallel_loop3A_679 : vector<16xf32>
        %parallel_loop3A_752 = arith.subf %parallel_loop3A_750, %parallel_loop3A_751 : vector<16xf32>
        %parallel_loop3A_753 = arith.addf %parallel_loop3A_741, %parallel_loop3A_752 : vector<16xf32>
        %parallel_loop3A_754 = arith.mulf %parallel_loop3A_685, %parallel_loop3A_686 : vector<16xf32>
        %parallel_loop3A_755 = arith.mulf %parallel_loop3A_691, %parallel_loop3A_680 : vector<16xf32>
        %parallel_loop3A_756 = arith.subf %parallel_loop3A_754, %parallel_loop3A_755 : vector<16xf32>
        %parallel_loop3A_757 = arith.addf %parallel_loop3A_745, %parallel_loop3A_756 : vector<16xf32>
        %parallel_loop3A_758 = arith.mulf %parallel_loop3A_691, %parallel_loop3A_674 : vector<16xf32>
        %parallel_loop3A_759 = arith.mulf %parallel_loop3A_679, %parallel_loop3A_686 : vector<16xf32>
        %parallel_loop3A_760 = arith.subf %parallel_loop3A_758, %parallel_loop3A_759 : vector<16xf32>
        %parallel_loop3A_761 = arith.addf %parallel_loop3A_749, %parallel_loop3A_760 : vector<16xf32>
        %parallel_loop3A_762 = arith.mulf %parallel_loop3A_679, %parallel_loop3A_680 : vector<16xf32>
        %parallel_loop3A_763 = arith.mulf %parallel_loop3A_685, %parallel_loop3A_674 : vector<16xf32>
        %parallel_loop3A_764 = arith.subf %parallel_loop3A_762, %parallel_loop3A_763 : vector<16xf32>
        %parallel_loop3A_765 = arith.addf %parallel_loop3A_753, %parallel_loop3A_764 : vector<16xf32>
        %parallel_loop3A_766 = arith.index_cast %parallel_loop3A_598 : i32 to index
        %parallel_loop3A_767 = tpu.vector_load %arg13[%parallel_loop3A_766] {strides = array<i32>} : memref<2592xf32, #tpu.memory_space<vmem>>, vector<16xf32>,
        %parallel_loop3A_768 = arith.index_cast %parallel_loop3A_598 : i32 to index
        %parallel_loop3A_769 = tpu.vector_load %arg14[%parallel_loop3A_768] {strides = array<i32>} : memref<2592xf32, #tpu.memory_space<vmem>>, vector<16xf32>,
        %parallel_loop3A_770 = arith.mulf %parallel_loop3A_769, %parallel_loop3A_611 : vector<16xf32>
        %parallel_loop3A_771 = arith.subf %parallel_loop3A_663, %parallel_loop3A_770 : vector<16xf32>
        %parallel_loop3A_772 = arith.mulf %parallel_loop3A_771, %parallel_loop3A_767 : vector<16xf32>
        %parallel_loop3A_773 = arith.subf %parallel_loop3A_772, %parallel_loop3A_600 : vector<16xf32>
        %parallel_loop3A_774 = arith.mulf %parallel_loop3A_769, %parallel_loop3A_612 : vector<16xf32>
        %parallel_loop3A_775 = arith.subf %parallel_loop3A_668, %parallel_loop3A_774 : vector<16xf32>
        %parallel_loop3A_776 = arith.mulf %parallel_loop3A_775, %parallel_loop3A_767 : vector<16xf32>
        %parallel_loop3A_777 = arith.subf %parallel_loop3A_776, %parallel_loop3A_602 : vector<16xf32>
        %parallel_loop3A_778 = arith.mulf %parallel_loop3A_769, %parallel_loop3A_613 : vector<16xf32>
        %parallel_loop3A_779 = arith.subf %parallel_loop3A_673, %parallel_loop3A_778 : vector<16xf32>
        %parallel_loop3A_780 = arith.mulf %parallel_loop3A_779, %parallel_loop3A_767 : vector<16xf32>
        %parallel_loop3A_781 = arith.subf %parallel_loop3A_780, %parallel_loop3A_604 : vector<16xf32>
        %parallel_loop3A_782 = arith.mulf %parallel_loop3A_757, %parallel_loop3A_757 : vector<16xf32>
        %parallel_loop3A_783 = arith.mulf %parallel_loop3A_761, %parallel_loop3A_761 : vector<16xf32>
        %parallel_loop3A_784 = arith.addf %parallel_loop3A_782, %parallel_loop3A_783 : vector<16xf32>
        %parallel_loop3A_785 = arith.mulf %parallel_loop3A_765, %parallel_loop3A_765 : vector<16xf32>
        %parallel_loop3A_786 = arith.addf %parallel_loop3A_784, %parallel_loop3A_785 : vector<16xf32>
        %parallel_loop3A_787 = vector.bitcast %parallel_loop3A_786 : vector<16xf32> to vector<16xi32>
        %parallel_loop3A_788 = arith.constant 1 : i32
        %parallel_loop3A_789 = vector.broadcast %parallel_loop3A_788 : i32 to vector<16xi32>
        %parallel_loop3A_790 = arith.shrsi %parallel_loop3A_787, %parallel_loop3A_789 : vector<16xi32>
        %parallel_loop3A_791 = arith.constant 1597463007 : i32
        %parallel_loop3A_792 = vector.broadcast %parallel_loop3A_791 : i32 to vector<16xi32>
        %parallel_loop3A_793 = arith.subi %parallel_loop3A_792, %parallel_loop3A_790 : vector<16xi32>
        %parallel_loop3A_794 = vector.bitcast %parallel_loop3A_793 : vector<16xi32> to vector<16xf32>
        %parallel_loop3A_795 = arith.constant 5.000000e-01 : f32
        %parallel_loop3A_796 = vector.broadcast %parallel_loop3A_795 : f32 to vector<16xf32>
        %parallel_loop3A_797 = arith.mulf %parallel_loop3A_796, %parallel_loop3A_786 : vector<16xf32>
        %parallel_loop3A_798 = arith.mulf %parallel_loop3A_797, %parallel_loop3A_794 : vector<16xf32>
        %parallel_loop3A_799 = arith.mulf %parallel_loop3A_798, %parallel_loop3A_794 : vector<16xf32>
        %parallel_loop3A_800 = arith.constant 1.500000e+00 : f32
        %parallel_loop3A_801 = vector.broadcast %parallel_loop3A_800 : f32 to vector<16xf32>
        %parallel_loop3A_802 = arith.subf %parallel_loop3A_801, %parallel_loop3A_799 : vector<16xf32>
        %parallel_loop3A_803 = arith.mulf %parallel_loop3A_794, %parallel_loop3A_802 : vector<16xf32>
        %parallel_loop3A_804 = arith.mulf %parallel_loop3A_797, %parallel_loop3A_803 : vector<16xf32>
        %parallel_loop3A_805 = arith.mulf %parallel_loop3A_804, %parallel_loop3A_803 : vector<16xf32>
        %parallel_loop3A_806 = arith.constant 1.500000e+00 : f32
        %parallel_loop3A_807 = vector.broadcast %parallel_loop3A_806 : f32 to vector<16xf32>
        %parallel_loop3A_808 = arith.subf %parallel_loop3A_807, %parallel_loop3A_805 : vector<16xf32>
        %parallel_loop3A_809 = arith.mulf %parallel_loop3A_803, %parallel_loop3A_808 : vector<16xf32>
        %parallel_loop3A_810 = arith.mulf %parallel_loop3A_797, %parallel_loop3A_809 : vector<16xf32>
        %parallel_loop3A_811 = arith.mulf %parallel_loop3A_810, %parallel_loop3A_809 : vector<16xf32>
        %parallel_loop3A_812 = arith.constant 1.500000e+00 : f32
        %parallel_loop3A_813 = vector.broadcast %parallel_loop3A_812 : f32 to vector<16xf32>
        %parallel_loop3A_814 = arith.subf %parallel_loop3A_813, %parallel_loop3A_811 : vector<16xf32>
        %parallel_loop3A_815 = arith.mulf %parallel_loop3A_809, %parallel_loop3A_814 : vector<16xf32>
        %parallel_loop3A_816 = arith.mulf %parallel_loop3A_757, %parallel_loop3A_815 : vector<16xf32>
        %parallel_loop3A_817 = arith.mulf %parallel_loop3A_761, %parallel_loop3A_815 : vector<16xf32>
        %parallel_loop3A_818 = arith.mulf %parallel_loop3A_765, %parallel_loop3A_815 : vector<16xf32>
        %parallel_loop3A_819 = arith.constant 16 : i32
        %parallel_loop3A_820 = arith.muli %parallel_loop3A_589, %parallel_loop3A_819 : i32
        %parallel_loop3A_821 = arith.addi %mul3A_56, %parallel_loop3A_820 : i32
        %parallel_loop3A_822 = arith.constant 16 : i32
        %parallel_loop3A_823 = arith.muli %parallel_loop3A_589, %parallel_loop3A_822 : i32
        %parallel_loop3A_824 = arith.index_cast %parallel_loop3A_821 : i32 to index
        %parallel_loop3A_825 = tpu.vector_load %arg9[%parallel_loop3A_824] {strides = array<i32>} : memref<10368xf32, #tpu.memory_space<vmem>>, vector<16xf32>,
        %parallel_loop3A_826 = arith.index_cast %parallel_loop3A_821 : i32 to index
        %parallel_loop3A_827 = tpu.vector_load %arg10[%parallel_loop3A_826] {strides = array<i32>} : memref<10368xf32, #tpu.memory_space<vmem>>, vector<16xf32>,
        %parallel_loop3A_828 = arith.index_cast %parallel_loop3A_821 : i32 to index
        %parallel_loop3A_829 = tpu.vector_load %arg11[%parallel_loop3A_828] {strides = array<i32>} : memref<10368xf32, #tpu.memory_space<vmem>>, vector<16xf32>,
        %parallel_loop3A_830 = arith.constant 16 : i32
        %parallel_loop3A_831 = arith.muli %parallel_loop3A_589, %parallel_loop3A_830 : i32
        %parallel_loop3A_832 = arith.constant 0 : i32
        %parallel_loop3A_833 = arith.addi %parallel_loop3A_832, %parallel_loop3A_831 : i32
        %parallel_loop3A_834 = arith.index_cast %parallel_loop3A_833 : i32 to index
        %parallel_loop3A_835 = tpu.vector_load %arg12[%parallel_loop3A_834] {strides = array<i32>} : memref<15552xi32, #tpu.memory_space<vmem>>, vector<16xi32>,
        %parallel_loop3A_836 = tpu.vector_load_idx %arg9[%parallel_loop3A_835] : memref<10368xf32, #tpu.memory_space<vmem>>[vector<16xi32>], vector<16xf32>,
        %parallel_loop3A_837 = tpu.vector_load_idx %arg10[%parallel_loop3A_835] : memref<10368xf32, #tpu.memory_space<vmem>>[vector<16xi32>], vector<16xf32>,
        %parallel_loop3A_838 = tpu.vector_load_idx %arg11[%parallel_loop3A_835] : memref<10368xf32, #tpu.memory_space<vmem>>[vector<16xi32>], vector<16xf32>,
        %parallel_loop3A_839 = arith.constant 16 : i32
        %parallel_loop3A_840 = arith.muli %parallel_loop3A_589, %parallel_loop3A_839 : i32
        %parallel_loop3A_841 = arith.constant 2592 : i32
        %parallel_loop3A_842 = arith.addi %parallel_loop3A_841, %parallel_loop3A_840 : i32
        %parallel_loop3A_843 = arith.index_cast %parallel_loop3A_842 : i32 to index
        %parallel_loop3A_844 = tpu.vector_load %arg12[%parallel_loop3A_843] {strides = array<i32>} : memref<15552xi32, #tpu.memory_space<vmem>>, vector<16xi32>,
        %parallel_loop3A_845 = tpu.vector_load_idx %arg9[%parallel_loop3A_844] : memref<10368xf32, #tpu.memory_space<vmem>>[vector<16xi32>], vector<16xf32>,
        %parallel_loop3A_846 = tpu.vector_load_idx %arg10[%parallel_loop3A_844] : memref<10368xf32, #tpu.memory_space<vmem>>[vector<16xi32>], vector<16xf32>,
        %parallel_loop3A_847 = tpu.vector_load_idx %arg11[%parallel_loop3A_844] : memref<10368xf32, #tpu.memory_space<vmem>>[vector<16xi32>], vector<16xf32>,
        %parallel_loop3A_848 = arith.constant 16 : i32
        %parallel_loop3A_849 = arith.muli %parallel_loop3A_589, %parallel_loop3A_848 : i32
        %parallel_loop3A_850 = arith.constant 5184 : i32
        %parallel_loop3A_851 = arith.addi %parallel_loop3A_850, %parallel_loop3A_849 : i32
        %parallel_loop3A_852 = arith.index_cast %parallel_loop3A_851 : i32 to index
        %parallel_loop3A_853 = tpu.vector_load %arg12[%parallel_loop3A_852] {strides = array<i32>} : memref<15552xi32, #tpu.memory_space<vmem>>, vector<16xi32>,
        %parallel_loop3A_854 = tpu.vector_load_idx %arg9[%parallel_loop3A_853] : memref<10368xf32, #tpu.memory_space<vmem>>[vector<16xi32>], vector<16xf32>,
        %parallel_loop3A_855 = tpu.vector_load_idx %arg10[%parallel_loop3A_853] : memref<10368xf32, #tpu.memory_space<vmem>>[vector<16xi32>], vector<16xf32>,
        %parallel_loop3A_856 = tpu.vector_load_idx %arg11[%parallel_loop3A_853] : memref<10368xf32, #tpu.memory_space<vmem>>[vector<16xi32>], vector<16xf32>,
        %parallel_loop3A_857 = arith.constant 16 : i32
        %parallel_loop3A_858 = arith.muli %parallel_loop3A_589, %parallel_loop3A_857 : i32
        %parallel_loop3A_859 = arith.constant 7776 : i32
        %parallel_loop3A_860 = arith.addi %parallel_loop3A_859, %parallel_loop3A_858 : i32
        %parallel_loop3A_861 = arith.index_cast %parallel_loop3A_860 : i32 to index
        %parallel_loop3A_862 = tpu.vector_load %arg12[%parallel_loop3A_861] {strides = array<i32>} : memref<15552xi32, #tpu.memory_space<vmem>>, vector<16xi32>,
        %parallel_loop3A_863 = tpu.vector_load_idx %arg9[%parallel_loop3A_862] : memref<10368xf32, #tpu.memory_space<vmem>>[vector<16xi32>], vector<16xf32>,
        %parallel_loop3A_864 = tpu.vector_load_idx %arg10[%parallel_loop3A_862] : memref<10368xf32, #tpu.memory_space<vmem>>[vector<16xi32>], vector<16xf32>,
        %parallel_loop3A_865 = tpu.vector_load_idx %arg11[%parallel_loop3A_862] : memref<10368xf32, #tpu.memory_space<vmem>>[vector<16xi32>], vector<16xf32>,
        %parallel_loop3A_866 = arith.constant 16 : i32
        %parallel_loop3A_867 = arith.muli %parallel_loop3A_589, %parallel_loop3A_866 : i32
        %parallel_loop3A_868 = arith.constant 10368 : i32
        %parallel_loop3A_869 = arith.addi %parallel_loop3A_868, %parallel_loop3A_867 : i32
        %parallel_loop3A_870 = arith.index_cast %parallel_loop3A_869 : i32 to index
        %parallel_loop3A_871 = tpu.vector_load %arg12[%parallel_loop3A_870] {strides = array<i32>} : memref<15552xi32, #tpu.memory_space<vmem>>, vector<16xi32>,
        %parallel_loop3A_872 = tpu.vector_load_idx %arg9[%parallel_loop3A_871] : memref<10368xf32, #tpu.memory_space<vmem>>[vector<16xi32>], vector<16xf32>,
        %parallel_loop3A_873 = tpu.vector_load_idx %arg10[%parallel_loop3A_871] : memref<10368xf32, #tpu.memory_space<vmem>>[vector<16xi32>], vector<16xf32>,
        %parallel_loop3A_874 = tpu.vector_load_idx %arg11[%parallel_loop3A_871] : memref<10368xf32, #tpu.memory_space<vmem>>[vector<16xi32>], vector<16xf32>,
        %parallel_loop3A_875 = arith.constant 16 : i32
        %parallel_loop3A_876 = arith.muli %parallel_loop3A_589, %parallel_loop3A_875 : i32
        %parallel_loop3A_877 = arith.constant 12960 : i32
        %parallel_loop3A_878 = arith.addi %parallel_loop3A_877, %parallel_loop3A_876 : i32
        %parallel_loop3A_879 = arith.index_cast %parallel_loop3A_878 : i32 to index
        %parallel_loop3A_880 = tpu.vector_load %arg12[%parallel_loop3A_879] {strides = array<i32>} : memref<15552xi32, #tpu.memory_space<vmem>>, vector<16xi32>,
        %parallel_loop3A_881 = tpu.vector_load_idx %arg9[%parallel_loop3A_880] : memref<10368xf32, #tpu.memory_space<vmem>>[vector<16xi32>], vector<16xf32>,
        %parallel_loop3A_882 = tpu.vector_load_idx %arg10[%parallel_loop3A_880] : memref<10368xf32, #tpu.memory_space<vmem>>[vector<16xi32>], vector<16xf32>,
        %parallel_loop3A_883 = tpu.vector_load_idx %arg11[%parallel_loop3A_880] : memref<10368xf32, #tpu.memory_space<vmem>>[vector<16xi32>], vector<16xf32>,
        %parallel_loop3A_884 = arith.addf %parallel_loop3A_836, %parallel_loop3A_845 : vector<16xf32>
        %parallel_loop3A_885 = arith.addf %parallel_loop3A_854, %parallel_loop3A_863 : vector<16xf32>
        %parallel_loop3A_886 = arith.addf %parallel_loop3A_884, %parallel_loop3A_885 : vector<16xf32>
        %parallel_loop3A_887 = arith.addf %parallel_loop3A_872, %parallel_loop3A_881 : vector<16xf32>
        %parallel_loop3A_888 = arith.addf %parallel_loop3A_886, %parallel_loop3A_887 : vector<16xf32>
        %parallel_loop3A_889 = arith.addf %parallel_loop3A_837, %parallel_loop3A_846 : vector<16xf32>
        %parallel_loop3A_890 = arith.addf %parallel_loop3A_855, %parallel_loop3A_864 : vector<16xf32>
        %parallel_loop3A_891 = arith.addf %parallel_loop3A_889, %parallel_loop3A_890 : vector<16xf32>
        %parallel_loop3A_892 = arith.addf %parallel_loop3A_873, %parallel_loop3A_882 : vector<16xf32>
        %parallel_loop3A_893 = arith.addf %parallel_loop3A_891, %parallel_loop3A_892 : vector<16xf32>
        %parallel_loop3A_894 = arith.addf %parallel_loop3A_838, %parallel_loop3A_847 : vector<16xf32>
        %parallel_loop3A_895 = arith.addf %parallel_loop3A_856, %parallel_loop3A_865 : vector<16xf32>
        %parallel_loop3A_896 = arith.addf %parallel_loop3A_894, %parallel_loop3A_895 : vector<16xf32>
        %parallel_loop3A_897 = arith.addf %parallel_loop3A_874, %parallel_loop3A_883 : vector<16xf32>
        %parallel_loop3A_898 = arith.addf %parallel_loop3A_896, %parallel_loop3A_897 : vector<16xf32>
        %parallel_loop3A_899 = arith.subf %parallel_loop3A_836, %parallel_loop3A_825 : vector<16xf32>
        %parallel_loop3A_900 = arith.subf %parallel_loop3A_845, %parallel_loop3A_825 : vector<16xf32>
        %parallel_loop3A_901 = arith.subf %parallel_loop3A_854, %parallel_loop3A_825 : vector<16xf32>
        %parallel_loop3A_902 = arith.subf %parallel_loop3A_863, %parallel_loop3A_825 : vector<16xf32>
        %parallel_loop3A_903 = arith.subf %parallel_loop3A_872, %parallel_loop3A_825 : vector<16xf32>
        %parallel_loop3A_904 = arith.subf %parallel_loop3A_881, %parallel_loop3A_825 : vector<16xf32>
        %parallel_loop3A_905 = arith.subf %parallel_loop3A_837, %parallel_loop3A_827 : vector<16xf32>
        %parallel_loop3A_906 = arith.subf %parallel_loop3A_846, %parallel_loop3A_827 : vector<16xf32>
        %parallel_loop3A_907 = arith.subf %parallel_loop3A_855, %parallel_loop3A_827 : vector<16xf32>
        %parallel_loop3A_908 = arith.subf %parallel_loop3A_864, %parallel_loop3A_827 : vector<16xf32>
        %parallel_loop3A_909 = arith.subf %parallel_loop3A_873, %parallel_loop3A_827 : vector<16xf32>
        %parallel_loop3A_910 = arith.subf %parallel_loop3A_882, %parallel_loop3A_827 : vector<16xf32>
        %parallel_loop3A_911 = arith.subf %parallel_loop3A_838, %parallel_loop3A_829 : vector<16xf32>
        %parallel_loop3A_912 = arith.subf %parallel_loop3A_847, %parallel_loop3A_829 : vector<16xf32>
        %parallel_loop3A_913 = arith.subf %parallel_loop3A_856, %parallel_loop3A_829 : vector<16xf32>
        %parallel_loop3A_914 = arith.subf %parallel_loop3A_865, %parallel_loop3A_829 : vector<16xf32>
        %parallel_loop3A_915 = arith.subf %parallel_loop3A_874, %parallel_loop3A_829 : vector<16xf32>
        %parallel_loop3A_916 = arith.subf %parallel_loop3A_883, %parallel_loop3A_829 : vector<16xf32>
        %parallel_loop3A_917 = arith.constant 0.000000e+00 : f32
        %parallel_loop3A_918 = vector.broadcast %parallel_loop3A_917 : f32 to vector<16xf32>
        %parallel_loop3A_919 = arith.mulf %parallel_loop3A_905, %parallel_loop3A_912 : vector<16xf32>
        %parallel_loop3A_920 = arith.mulf %parallel_loop3A_911, %parallel_loop3A_906 : vector<16xf32>
        %parallel_loop3A_921 = arith.subf %parallel_loop3A_919, %parallel_loop3A_920 : vector<16xf32>
        %parallel_loop3A_922 = arith.addf %parallel_loop3A_918, %parallel_loop3A_921 : vector<16xf32>
        %parallel_loop3A_923 = arith.mulf %parallel_loop3A_911, %parallel_loop3A_900 : vector<16xf32>
        %parallel_loop3A_924 = arith.mulf %parallel_loop3A_899, %parallel_loop3A_912 : vector<16xf32>
        %parallel_loop3A_925 = arith.subf %parallel_loop3A_923, %parallel_loop3A_924 : vector<16xf32>
        %parallel_loop3A_926 = arith.addf %parallel_loop3A_918, %parallel_loop3A_925 : vector<16xf32>
        %parallel_loop3A_927 = arith.mulf %parallel_loop3A_899, %parallel_loop3A_906 : vector<16xf32>
        %parallel_loop3A_928 = arith.mulf %parallel_loop3A_905, %parallel_loop3A_900 : vector<16xf32>
        %parallel_loop3A_929 = arith.subf %parallel_loop3A_927, %parallel_loop3A_928 : vector<16xf32>
        %parallel_loop3A_930 = arith.addf %parallel_loop3A_918, %parallel_loop3A_929 : vector<16xf32>
        %parallel_loop3A_931 = arith.mulf %parallel_loop3A_906, %parallel_loop3A_913 : vector<16xf32>
        %parallel_loop3A_932 = arith.mulf %parallel_loop3A_912, %parallel_loop3A_907 : vector<16xf32>
        %parallel_loop3A_933 = arith.subf %parallel_loop3A_931, %parallel_loop3A_932 : vector<16xf32>
        %parallel_loop3A_934 = arith.addf %parallel_loop3A_922, %parallel_loop3A_933 : vector<16xf32>
        %parallel_loop3A_935 = arith.mulf %parallel_loop3A_912, %parallel_loop3A_901 : vector<16xf32>
        %parallel_loop3A_936 = arith.mulf %parallel_loop3A_900, %parallel_loop3A_913 : vector<16xf32>
        %parallel_loop3A_937 = arith.subf %parallel_loop3A_935, %parallel_loop3A_936 : vector<16xf32>
        %parallel_loop3A_938 = arith.addf %parallel_loop3A_926, %parallel_loop3A_937 : vector<16xf32>
        %parallel_loop3A_939 = arith.mulf %parallel_loop3A_900, %parallel_loop3A_907 : vector<16xf32>
        %parallel_loop3A_940 = arith.mulf %parallel_loop3A_906, %parallel_loop3A_901 : vector<16xf32>
        %parallel_loop3A_941 = arith.subf %parallel_loop3A_939, %parallel_loop3A_940 : vector<16xf32>
        %parallel_loop3A_942 = arith.addf %parallel_loop3A_930, %parallel_loop3A_941 : vector<16xf32>
        %parallel_loop3A_943 = arith.mulf %parallel_loop3A_907, %parallel_loop3A_914 : vector<16xf32>
        %parallel_loop3A_944 = arith.mulf %parallel_loop3A_913, %parallel_loop3A_908 : vector<16xf32>
        %parallel_loop3A_945 = arith.subf %parallel_loop3A_943, %parallel_loop3A_944 : vector<16xf32>
        %parallel_loop3A_946 = arith.addf %parallel_loop3A_934, %parallel_loop3A_945 : vector<16xf32>
        %parallel_loop3A_947 = arith.mulf %parallel_loop3A_913, %parallel_loop3A_902 : vector<16xf32>
        %parallel_loop3A_948 = arith.mulf %parallel_loop3A_901, %parallel_loop3A_914 : vector<16xf32>
        %parallel_loop3A_949 = arith.subf %parallel_loop3A_947, %parallel_loop3A_948 : vector<16xf32>
        %parallel_loop3A_950 = arith.addf %parallel_loop3A_938, %parallel_loop3A_949 : vector<16xf32>
        %parallel_loop3A_951 = arith.mulf %parallel_loop3A_901, %parallel_loop3A_908 : vector<16xf32>
        %parallel_loop3A_952 = arith.mulf %parallel_loop3A_907, %parallel_loop3A_902 : vector<16xf32>
        %parallel_loop3A_953 = arith.subf %parallel_loop3A_951, %parallel_loop3A_952 : vector<16xf32>
        %parallel_loop3A_954 = arith.addf %parallel_loop3A_942, %parallel_loop3A_953 : vector<16xf32>
        %parallel_loop3A_955 = arith.mulf %parallel_loop3A_908, %parallel_loop3A_915 : vector<16xf32>
        %parallel_loop3A_956 = arith.mulf %parallel_loop3A_914, %parallel_loop3A_909 : vector<16xf32>
        %parallel_loop3A_957 = arith.subf %parallel_loop3A_955, %parallel_loop3A_956 : vector<16xf32>
        %parallel_loop3A_958 = arith.addf %parallel_loop3A_946, %parallel_loop3A_957 : vector<16xf32>
        %parallel_loop3A_959 = arith.mulf %parallel_loop3A_914, %parallel_loop3A_903 : vector<16xf32>
        %parallel_loop3A_960 = arith.mulf %parallel_loop3A_902, %parallel_loop3A_915 : vector<16xf32>
        %parallel_loop3A_961 = arith.subf %parallel_loop3A_959, %parallel_loop3A_960 : vector<16xf32>
        %parallel_loop3A_962 = arith.addf %parallel_loop3A_950, %parallel_loop3A_961 : vector<16xf32>
        %parallel_loop3A_963 = arith.mulf %parallel_loop3A_902, %parallel_loop3A_909 : vector<16xf32>
        %parallel_loop3A_964 = arith.mulf %parallel_loop3A_908, %parallel_loop3A_903 : vector<16xf32>
        %parallel_loop3A_965 = arith.subf %parallel_loop3A_963, %parallel_loop3A_964 : vector<16xf32>
        %parallel_loop3A_966 = arith.addf %parallel_loop3A_954, %parallel_loop3A_965 : vector<16xf32>
        %parallel_loop3A_967 = arith.mulf %parallel_loop3A_909, %parallel_loop3A_916 : vector<16xf32>
        %parallel_loop3A_968 = arith.mulf %parallel_loop3A_915, %parallel_loop3A_910 : vector<16xf32>
        %parallel_loop3A_969 = arith.subf %parallel_loop3A_967, %parallel_loop3A_968 : vector<16xf32>
        %parallel_loop3A_970 = arith.addf %parallel_loop3A_958, %parallel_loop3A_969 : vector<16xf32>
        %parallel_loop3A_971 = arith.mulf %parallel_loop3A_915, %parallel_loop3A_904 : vector<16xf32>
        %parallel_loop3A_972 = arith.mulf %parallel_loop3A_903, %parallel_loop3A_916 : vector<16xf32>
        %parallel_loop3A_973 = arith.subf %parallel_loop3A_971, %parallel_loop3A_972 : vector<16xf32>
        %parallel_loop3A_974 = arith.addf %parallel_loop3A_962, %parallel_loop3A_973 : vector<16xf32>
        %parallel_loop3A_975 = arith.mulf %parallel_loop3A_903, %parallel_loop3A_910 : vector<16xf32>
        %parallel_loop3A_976 = arith.mulf %parallel_loop3A_909, %parallel_loop3A_904 : vector<16xf32>
        %parallel_loop3A_977 = arith.subf %parallel_loop3A_975, %parallel_loop3A_976 : vector<16xf32>
        %parallel_loop3A_978 = arith.addf %parallel_loop3A_966, %parallel_loop3A_977 : vector<16xf32>
        %parallel_loop3A_979 = arith.mulf %parallel_loop3A_910, %parallel_loop3A_911 : vector<16xf32>
        %parallel_loop3A_980 = arith.mulf %parallel_loop3A_916, %parallel_loop3A_905 : vector<16xf32>
        %parallel_loop3A_981 = arith.subf %parallel_loop3A_979, %parallel_loop3A_980 : vector<16xf32>
        %parallel_loop3A_982 = arith.addf %parallel_loop3A_970, %parallel_loop3A_981 : vector<16xf32>
        %parallel_loop3A_983 = arith.mulf %parallel_loop3A_916, %parallel_loop3A_899 : vector<16xf32>
        %parallel_loop3A_984 = arith.mulf %parallel_loop3A_904, %parallel_loop3A_911 : vector<16xf32>
        %parallel_loop3A_985 = arith.subf %parallel_loop3A_983, %parallel_loop3A_984 : vector<16xf32>
        %parallel_loop3A_986 = arith.addf %parallel_loop3A_974, %parallel_loop3A_985 : vector<16xf32>
        %parallel_loop3A_987 = arith.mulf %parallel_loop3A_904, %parallel_loop3A_905 : vector<16xf32>
        %parallel_loop3A_988 = arith.mulf %parallel_loop3A_910, %parallel_loop3A_899 : vector<16xf32>
        %parallel_loop3A_989 = arith.subf %parallel_loop3A_987, %parallel_loop3A_988 : vector<16xf32>
        %parallel_loop3A_990 = arith.addf %parallel_loop3A_978, %parallel_loop3A_989 : vector<16xf32>
        %parallel_loop3A_991 = arith.index_cast %parallel_loop3A_823 : i32 to index
        %parallel_loop3A_992 = tpu.vector_load %arg13[%parallel_loop3A_991] {strides = array<i32>} : memref<2592xf32, #tpu.memory_space<vmem>>, vector<16xf32>,
        %parallel_loop3A_993 = arith.index_cast %parallel_loop3A_823 : i32 to index
        %parallel_loop3A_994 = tpu.vector_load %arg14[%parallel_loop3A_993] {strides = array<i32>} : memref<2592xf32, #tpu.memory_space<vmem>>, vector<16xf32>,
        %parallel_loop3A_995 = arith.mulf %parallel_loop3A_994, %parallel_loop3A_836 : vector<16xf32>
        %parallel_loop3A_996 = arith.subf %parallel_loop3A_888, %parallel_loop3A_995 : vector<16xf32>
        %parallel_loop3A_997 = arith.mulf %parallel_loop3A_996, %parallel_loop3A_992 : vector<16xf32>
        %parallel_loop3A_998 = arith.subf %parallel_loop3A_997, %parallel_loop3A_825 : vector<16xf32>
        %parallel_loop3A_999 = arith.mulf %parallel_loop3A_994, %parallel_loop3A_837 : vector<16xf32>
        %parallel_loop3A_1000 = arith.subf %parallel_loop3A_893, %parallel_loop3A_999 : vector<16xf32>
        %parallel_loop3A_1001 = arith.mulf %parallel_loop3A_1000, %parallel_loop3A_992 : vector<16xf32>
        %parallel_loop3A_1002 = arith.subf %parallel_loop3A_1001, %parallel_loop3A_827 : vector<16xf32>
        %parallel_loop3A_1003 = arith.mulf %parallel_loop3A_994, %parallel_loop3A_838 : vector<16xf32>
        %parallel_loop3A_1004 = arith.subf %parallel_loop3A_898, %parallel_loop3A_1003 : vector<16xf32>
        %parallel_loop3A_1005 = arith.mulf %parallel_loop3A_1004, %parallel_loop3A_992 : vector<16xf32>
        %parallel_loop3A_1006 = arith.subf %parallel_loop3A_1005, %parallel_loop3A_829 : vector<16xf32>
        %parallel_loop3A_1007 = arith.mulf %parallel_loop3A_982, %parallel_loop3A_982 : vector<16xf32>
        %parallel_loop3A_1008 = arith.mulf %parallel_loop3A_986, %parallel_loop3A_986 : vector<16xf32>
        %parallel_loop3A_1009 = arith.addf %parallel_loop3A_1007, %parallel_loop3A_1008 : vector<16xf32>
        %parallel_loop3A_1010 = arith.mulf %parallel_loop3A_990, %parallel_loop3A_990 : vector<16xf32>
        %parallel_loop3A_1011 = arith.addf %parallel_loop3A_1009, %parallel_loop3A_1010 : vector<16xf32>
        %parallel_loop3A_1012 = vector.bitcast %parallel_loop3A_1011 : vector<16xf32> to vector<16xi32>
        %parallel_loop3A_1013 = arith.constant 1 : i32
        %parallel_loop3A_1014 = vector.broadcast %parallel_loop3A_1013 : i32 to vector<16xi32>
        %parallel_loop3A_1015 = arith.shrsi %parallel_loop3A_1012, %parallel_loop3A_1014 : vector<16xi32>
        %parallel_loop3A_1016 = arith.constant 1597463007 : i32
        %parallel_loop3A_1017 = vector.broadcast %parallel_loop3A_1016 : i32 to vector<16xi32>
        %parallel_loop3A_1018 = arith.subi %parallel_loop3A_1017, %parallel_loop3A_1015 : vector<16xi32>
        %parallel_loop3A_1019 = vector.bitcast %parallel_loop3A_1018 : vector<16xi32> to vector<16xf32>
        %parallel_loop3A_1020 = arith.constant 5.000000e-01 : f32
        %parallel_loop3A_1021 = vector.broadcast %parallel_loop3A_1020 : f32 to vector<16xf32>
        %parallel_loop3A_1022 = arith.mulf %parallel_loop3A_1021, %parallel_loop3A_1011 : vector<16xf32>
        %parallel_loop3A_1023 = arith.mulf %parallel_loop3A_1022, %parallel_loop3A_1019 : vector<16xf32>
        %parallel_loop3A_1024 = arith.mulf %parallel_loop3A_1023, %parallel_loop3A_1019 : vector<16xf32>
        %parallel_loop3A_1025 = arith.constant 1.500000e+00 : f32
        %parallel_loop3A_1026 = vector.broadcast %parallel_loop3A_1025 : f32 to vector<16xf32>
        %parallel_loop3A_1027 = arith.subf %parallel_loop3A_1026, %parallel_loop3A_1024 : vector<16xf32>
        %parallel_loop3A_1028 = arith.mulf %parallel_loop3A_1019, %parallel_loop3A_1027 : vector<16xf32>
        %parallel_loop3A_1029 = arith.mulf %parallel_loop3A_1022, %parallel_loop3A_1028 : vector<16xf32>
        %parallel_loop3A_1030 = arith.mulf %parallel_loop3A_1029, %parallel_loop3A_1028 : vector<16xf32>
        %parallel_loop3A_1031 = arith.constant 1.500000e+00 : f32
        %parallel_loop3A_1032 = vector.broadcast %parallel_loop3A_1031 : f32 to vector<16xf32>
        %parallel_loop3A_1033 = arith.subf %parallel_loop3A_1032, %parallel_loop3A_1030 : vector<16xf32>
        %parallel_loop3A_1034 = arith.mulf %parallel_loop3A_1028, %parallel_loop3A_1033 : vector<16xf32>
        %parallel_loop3A_1035 = arith.mulf %parallel_loop3A_1022, %parallel_loop3A_1034 : vector<16xf32>
        %parallel_loop3A_1036 = arith.mulf %parallel_loop3A_1035, %parallel_loop3A_1034 : vector<16xf32>
        %parallel_loop3A_1037 = arith.constant 1.500000e+00 : f32
        %parallel_loop3A_1038 = vector.broadcast %parallel_loop3A_1037 : f32 to vector<16xf32>
        %parallel_loop3A_1039 = arith.subf %parallel_loop3A_1038, %parallel_loop3A_1036 : vector<16xf32>
        %parallel_loop3A_1040 = arith.mulf %parallel_loop3A_1034, %parallel_loop3A_1039 : vector<16xf32>
        %parallel_loop3A_1041 = arith.mulf %parallel_loop3A_982, %parallel_loop3A_1040 : vector<16xf32>
        %parallel_loop3A_1042 = arith.mulf %parallel_loop3A_986, %parallel_loop3A_1040 : vector<16xf32>
        %parallel_loop3A_1043 = arith.mulf %parallel_loop3A_990, %parallel_loop3A_1040 : vector<16xf32>
        %parallel_loop3A_1044 = arith.constant 16 : i32
        %parallel_loop3A_1045 = arith.muli %parallel_loop3A_593, %parallel_loop3A_1044 : i32
        %parallel_loop3A_1046 = arith.addi %mul3A_56, %parallel_loop3A_1045 : i32
        %parallel_loop3A_1047 = arith.constant 16 : i32
        %parallel_loop3A_1048 = arith.muli %parallel_loop3A_593, %parallel_loop3A_1047 : i32
        %parallel_loop3A_1049 = arith.index_cast %parallel_loop3A_1046 : i32 to index
        %parallel_loop3A_1050 = tpu.vector_load %arg9[%parallel_loop3A_1049] {strides = array<i32>} : memref<10368xf32, #tpu.memory_space<vmem>>, vector<16xf32>,
        %parallel_loop3A_1051 = arith.index_cast %parallel_loop3A_1046 : i32 to index
        %parallel_loop3A_1052 = tpu.vector_load %arg10[%parallel_loop3A_1051] {strides = array<i32>} : memref<10368xf32, #tpu.memory_space<vmem>>, vector<16xf32>,
        %parallel_loop3A_1053 = arith.index_cast %parallel_loop3A_1046 : i32 to index
        %parallel_loop3A_1054 = tpu.vector_load %arg11[%parallel_loop3A_1053] {strides = array<i32>} : memref<10368xf32, #tpu.memory_space<vmem>>, vector<16xf32>,
        %parallel_loop3A_1055 = arith.constant 16 : i32
        %parallel_loop3A_1056 = arith.muli %parallel_loop3A_593, %parallel_loop3A_1055 : i32
        %parallel_loop3A_1057 = arith.constant 0 : i32
        %parallel_loop3A_1058 = arith.addi %parallel_loop3A_1057, %parallel_loop3A_1056 : i32
        %parallel_loop3A_1059 = arith.index_cast %parallel_loop3A_1058 : i32 to index
        %parallel_loop3A_1060 = tpu.vector_load %arg12[%parallel_loop3A_1059] {strides = array<i32>} : memref<15552xi32, #tpu.memory_space<vmem>>, vector<16xi32>,
        %parallel_loop3A_1061 = tpu.vector_load_idx %arg9[%parallel_loop3A_1060] : memref<10368xf32, #tpu.memory_space<vmem>>[vector<16xi32>], vector<16xf32>,
        %parallel_loop3A_1062 = tpu.vector_load_idx %arg10[%parallel_loop3A_1060] : memref<10368xf32, #tpu.memory_space<vmem>>[vector<16xi32>], vector<16xf32>,
        %parallel_loop3A_1063 = tpu.vector_load_idx %arg11[%parallel_loop3A_1060] : memref<10368xf32, #tpu.memory_space<vmem>>[vector<16xi32>], vector<16xf32>,
        %parallel_loop3A_1064 = arith.constant 16 : i32
        %parallel_loop3A_1065 = arith.muli %parallel_loop3A_593, %parallel_loop3A_1064 : i32
        %parallel_loop3A_1066 = arith.constant 2592 : i32
        %parallel_loop3A_1067 = arith.addi %parallel_loop3A_1066, %parallel_loop3A_1065 : i32
        %parallel_loop3A_1068 = arith.index_cast %parallel_loop3A_1067 : i32 to index
        %parallel_loop3A_1069 = tpu.vector_load %arg12[%parallel_loop3A_1068] {strides = array<i32>} : memref<15552xi32, #tpu.memory_space<vmem>>, vector<16xi32>,
        %parallel_loop3A_1070 = tpu.vector_load_idx %arg9[%parallel_loop3A_1069] : memref<10368xf32, #tpu.memory_space<vmem>>[vector<16xi32>], vector<16xf32>,
        %parallel_loop3A_1071 = tpu.vector_load_idx %arg10[%parallel_loop3A_1069] : memref<10368xf32, #tpu.memory_space<vmem>>[vector<16xi32>], vector<16xf32>,
        %parallel_loop3A_1072 = tpu.vector_load_idx %arg11[%parallel_loop3A_1069] : memref<10368xf32, #tpu.memory_space<vmem>>[vector<16xi32>], vector<16xf32>,
        %parallel_loop3A_1073 = arith.constant 16 : i32
        %parallel_loop3A_1074 = arith.muli %parallel_loop3A_593, %parallel_loop3A_1073 : i32
        %parallel_loop3A_1075 = arith.constant 5184 : i32
        %parallel_loop3A_1076 = arith.addi %parallel_loop3A_1075, %parallel_loop3A_1074 : i32
        %parallel_loop3A_1077 = arith.index_cast %parallel_loop3A_1076 : i32 to index
        %parallel_loop3A_1078 = tpu.vector_load %arg12[%parallel_loop3A_1077] {strides = array<i32>} : memref<15552xi32, #tpu.memory_space<vmem>>, vector<16xi32>,
        %parallel_loop3A_1079 = tpu.vector_load_idx %arg9[%parallel_loop3A_1078] : memref<10368xf32, #tpu.memory_space<vmem>>[vector<16xi32>], vector<16xf32>,
        %parallel_loop3A_1080 = tpu.vector_load_idx %arg10[%parallel_loop3A_1078] : memref<10368xf32, #tpu.memory_space<vmem>>[vector<16xi32>], vector<16xf32>,
        %parallel_loop3A_1081 = tpu.vector_load_idx %arg11[%parallel_loop3A_1078] : memref<10368xf32, #tpu.memory_space<vmem>>[vector<16xi32>], vector<16xf32>,
        %parallel_loop3A_1082 = arith.constant 16 : i32
        %parallel_loop3A_1083 = arith.muli %parallel_loop3A_593, %parallel_loop3A_1082 : i32
        %parallel_loop3A_1084 = arith.constant 7776 : i32
        %parallel_loop3A_1085 = arith.addi %parallel_loop3A_1084, %parallel_loop3A_1083 : i32
        %parallel_loop3A_1086 = arith.index_cast %parallel_loop3A_1085 : i32 to index
        %parallel_loop3A_1087 = tpu.vector_load %arg12[%parallel_loop3A_1086] {strides = array<i32>} : memref<15552xi32, #tpu.memory_space<vmem>>, vector<16xi32>,
        %parallel_loop3A_1088 = tpu.vector_load_idx %arg9[%parallel_loop3A_1087] : memref<10368xf32, #tpu.memory_space<vmem>>[vector<16xi32>], vector<16xf32>,
        %parallel_loop3A_1089 = tpu.vector_load_idx %arg10[%parallel_loop3A_1087] : memref<10368xf32, #tpu.memory_space<vmem>>[vector<16xi32>], vector<16xf32>,
        %parallel_loop3A_1090 = tpu.vector_load_idx %arg11[%parallel_loop3A_1087] : memref<10368xf32, #tpu.memory_space<vmem>>[vector<16xi32>], vector<16xf32>,
        %parallel_loop3A_1091 = arith.constant 16 : i32
        %parallel_loop3A_1092 = arith.muli %parallel_loop3A_593, %parallel_loop3A_1091 : i32
        %parallel_loop3A_1093 = arith.constant 10368 : i32
        %parallel_loop3A_1094 = arith.addi %parallel_loop3A_1093, %parallel_loop3A_1092 : i32
        %parallel_loop3A_1095 = arith.index_cast %parallel_loop3A_1094 : i32 to index
        %parallel_loop3A_1096 = tpu.vector_load %arg12[%parallel_loop3A_1095] {strides = array<i32>} : memref<15552xi32, #tpu.memory_space<vmem>>, vector<16xi32>,
        %parallel_loop3A_1097 = tpu.vector_load_idx %arg9[%parallel_loop3A_1096] : memref<10368xf32, #tpu.memory_space<vmem>>[vector<16xi32>], vector<16xf32>,
        %parallel_loop3A_1098 = tpu.vector_load_idx %arg10[%parallel_loop3A_1096] : memref<10368xf32, #tpu.memory_space<vmem>>[vector<16xi32>], vector<16xf32>,
        %parallel_loop3A_1099 = tpu.vector_load_idx %arg11[%parallel_loop3A_1096] : memref<10368xf32, #tpu.memory_space<vmem>>[vector<16xi32>], vector<16xf32>,
        %parallel_loop3A_1100 = arith.constant 16 : i32
        %parallel_loop3A_1101 = arith.muli %parallel_loop3A_593, %parallel_loop3A_1100 : i32
        %parallel_loop3A_1102 = arith.constant 12960 : i32
        %parallel_loop3A_1103 = arith.addi %parallel_loop3A_1102, %parallel_loop3A_1101 : i32
        %parallel_loop3A_1104 = arith.index_cast %parallel_loop3A_1103 : i32 to index
        %parallel_loop3A_1105 = tpu.vector_load %arg12[%parallel_loop3A_1104] {strides = array<i32>} : memref<15552xi32, #tpu.memory_space<vmem>>, vector<16xi32>,
        %parallel_loop3A_1106 = tpu.vector_load_idx %arg9[%parallel_loop3A_1105] : memref<10368xf32, #tpu.memory_space<vmem>>[vector<16xi32>], vector<16xf32>,
        %parallel_loop3A_1107 = tpu.vector_load_idx %arg10[%parallel_loop3A_1105] : memref<10368xf32, #tpu.memory_space<vmem>>[vector<16xi32>], vector<16xf32>,
        %parallel_loop3A_1108 = tpu.vector_load_idx %arg11[%parallel_loop3A_1105] : memref<10368xf32, #tpu.memory_space<vmem>>[vector<16xi32>], vector<16xf32>,
        %parallel_loop3A_1109 = arith.addf %parallel_loop3A_1061, %parallel_loop3A_1070 : vector<16xf32>
        %parallel_loop3A_1110 = arith.addf %parallel_loop3A_1079, %parallel_loop3A_1088 : vector<16xf32>
        %parallel_loop3A_1111 = arith.addf %parallel_loop3A_1109, %parallel_loop3A_1110 : vector<16xf32>
        %parallel_loop3A_1112 = arith.addf %parallel_loop3A_1097, %parallel_loop3A_1106 : vector<16xf32>
        %parallel_loop3A_1113 = arith.addf %parallel_loop3A_1111, %parallel_loop3A_1112 : vector<16xf32>
        %parallel_loop3A_1114 = arith.addf %parallel_loop3A_1062, %parallel_loop3A_1071 : vector<16xf32>
        %parallel_loop3A_1115 = arith.addf %parallel_loop3A_1080, %parallel_loop3A_1089 : vector<16xf32>
        %parallel_loop3A_1116 = arith.addf %parallel_loop3A_1114, %parallel_loop3A_1115 : vector<16xf32>
        %parallel_loop3A_1117 = arith.addf %parallel_loop3A_1098, %parallel_loop3A_1107 : vector<16xf32>
        %parallel_loop3A_1118 = arith.addf %parallel_loop3A_1116, %parallel_loop3A_1117 : vector<16xf32>
        %parallel_loop3A_1119 = arith.addf %parallel_loop3A_1063, %parallel_loop3A_1072 : vector<16xf32>
        %parallel_loop3A_1120 = arith.addf %parallel_loop3A_1081, %parallel_loop3A_1090 : vector<16xf32>
        %parallel_loop3A_1121 = arith.addf %parallel_loop3A_1119, %parallel_loop3A_1120 : vector<16xf32>
        %parallel_loop3A_1122 = arith.addf %parallel_loop3A_1099, %parallel_loop3A_1108 : vector<16xf32>
        %parallel_loop3A_1123 = arith.addf %parallel_loop3A_1121, %parallel_loop3A_1122 : vector<16xf32>
        %parallel_loop3A_1124 = arith.subf %parallel_loop3A_1061, %parallel_loop3A_1050 : vector<16xf32>
        %parallel_loop3A_1125 = arith.subf %parallel_loop3A_1070, %parallel_loop3A_1050 : vector<16xf32>
        %parallel_loop3A_1126 = arith.subf %parallel_loop3A_1079, %parallel_loop3A_1050 : vector<16xf32>
        %parallel_loop3A_1127 = arith.subf %parallel_loop3A_1088, %parallel_loop3A_1050 : vector<16xf32>
        %parallel_loop3A_1128 = arith.subf %parallel_loop3A_1097, %parallel_loop3A_1050 : vector<16xf32>
        %parallel_loop3A_1129 = arith.subf %parallel_loop3A_1106, %parallel_loop3A_1050 : vector<16xf32>
        %parallel_loop3A_1130 = arith.subf %parallel_loop3A_1062, %parallel_loop3A_1052 : vector<16xf32>
        %parallel_loop3A_1131 = arith.subf %parallel_loop3A_1071, %parallel_loop3A_1052 : vector<16xf32>
        %parallel_loop3A_1132 = arith.subf %parallel_loop3A_1080, %parallel_loop3A_1052 : vector<16xf32>
        %parallel_loop3A_1133 = arith.subf %parallel_loop3A_1089, %parallel_loop3A_1052 : vector<16xf32>
        %parallel_loop3A_1134 = arith.subf %parallel_loop3A_1098, %parallel_loop3A_1052 : vector<16xf32>
        %parallel_loop3A_1135 = arith.subf %parallel_loop3A_1107, %parallel_loop3A_1052 : vector<16xf32>
        %parallel_loop3A_1136 = arith.subf %parallel_loop3A_1063, %parallel_loop3A_1054 : vector<16xf32>
        %parallel_loop3A_1137 = arith.subf %parallel_loop3A_1072, %parallel_loop3A_1054 : vector<16xf32>
        %parallel_loop3A_1138 = arith.subf %parallel_loop3A_1081, %parallel_loop3A_1054 : vector<16xf32>
        %parallel_loop3A_1139 = arith.subf %parallel_loop3A_1090, %parallel_loop3A_1054 : vector<16xf32>
        %parallel_loop3A_1140 = arith.subf %parallel_loop3A_1099, %parallel_loop3A_1054 : vector<16xf32>
        %parallel_loop3A_1141 = arith.subf %parallel_loop3A_1108, %parallel_loop3A_1054 : vector<16xf32>
        %parallel_loop3A_1142 = arith.constant 0.000000e+00 : f32
        %parallel_loop3A_1143 = vector.broadcast %parallel_loop3A_1142 : f32 to vector<16xf32>
        %parallel_loop3A_1144 = arith.mulf %parallel_loop3A_1130, %parallel_loop3A_1137 : vector<16xf32>
        %parallel_loop3A_1145 = arith.mulf %parallel_loop3A_1136, %parallel_loop3A_1131 : vector<16xf32>
        %parallel_loop3A_1146 = arith.subf %parallel_loop3A_1144, %parallel_loop3A_1145 : vector<16xf32>
        %parallel_loop3A_1147 = arith.addf %parallel_loop3A_1143, %parallel_loop3A_1146 : vector<16xf32>
        %parallel_loop3A_1148 = arith.mulf %parallel_loop3A_1136, %parallel_loop3A_1125 : vector<16xf32>
        %parallel_loop3A_1149 = arith.mulf %parallel_loop3A_1124, %parallel_loop3A_1137 : vector<16xf32>
        %parallel_loop3A_1150 = arith.subf %parallel_loop3A_1148, %parallel_loop3A_1149 : vector<16xf32>
        %parallel_loop3A_1151 = arith.addf %parallel_loop3A_1143, %parallel_loop3A_1150 : vector<16xf32>
        %parallel_loop3A_1152 = arith.mulf %parallel_loop3A_1124, %parallel_loop3A_1131 : vector<16xf32>
        %parallel_loop3A_1153 = arith.mulf %parallel_loop3A_1130, %parallel_loop3A_1125 : vector<16xf32>
        %parallel_loop3A_1154 = arith.subf %parallel_loop3A_1152, %parallel_loop3A_1153 : vector<16xf32>
        %parallel_loop3A_1155 = arith.addf %parallel_loop3A_1143, %parallel_loop3A_1154 : vector<16xf32>
        %parallel_loop3A_1156 = arith.mulf %parallel_loop3A_1131, %parallel_loop3A_1138 : vector<16xf32>
        %parallel_loop3A_1157 = arith.mulf %parallel_loop3A_1137, %parallel_loop3A_1132 : vector<16xf32>
        %parallel_loop3A_1158 = arith.subf %parallel_loop3A_1156, %parallel_loop3A_1157 : vector<16xf32>
        %parallel_loop3A_1159 = arith.addf %parallel_loop3A_1147, %parallel_loop3A_1158 : vector<16xf32>
        %parallel_loop3A_1160 = arith.mulf %parallel_loop3A_1137, %parallel_loop3A_1126 : vector<16xf32>
        %parallel_loop3A_1161 = arith.mulf %parallel_loop3A_1125, %parallel_loop3A_1138 : vector<16xf32>
        %parallel_loop3A_1162 = arith.subf %parallel_loop3A_1160, %parallel_loop3A_1161 : vector<16xf32>
        %parallel_loop3A_1163 = arith.addf %parallel_loop3A_1151, %parallel_loop3A_1162 : vector<16xf32>
        %parallel_loop3A_1164 = arith.mulf %parallel_loop3A_1125, %parallel_loop3A_1132 : vector<16xf32>
        %parallel_loop3A_1165 = arith.mulf %parallel_loop3A_1131, %parallel_loop3A_1126 : vector<16xf32>
        %parallel_loop3A_1166 = arith.subf %parallel_loop3A_1164, %parallel_loop3A_1165 : vector<16xf32>
        %parallel_loop3A_1167 = arith.addf %parallel_loop3A_1155, %parallel_loop3A_1166 : vector<16xf32>
        %parallel_loop3A_1168 = arith.mulf %parallel_loop3A_1132, %parallel_loop3A_1139 : vector<16xf32>
        %parallel_loop3A_1169 = arith.mulf %parallel_loop3A_1138, %parallel_loop3A_1133 : vector<16xf32>
        %parallel_loop3A_1170 = arith.subf %parallel_loop3A_1168, %parallel_loop3A_1169 : vector<16xf32>
        %parallel_loop3A_1171 = arith.addf %parallel_loop3A_1159, %parallel_loop3A_1170 : vector<16xf32>
        %parallel_loop3A_1172 = arith.mulf %parallel_loop3A_1138, %parallel_loop3A_1127 : vector<16xf32>
        %parallel_loop3A_1173 = arith.mulf %parallel_loop3A_1126, %parallel_loop3A_1139 : vector<16xf32>
        %parallel_loop3A_1174 = arith.subf %parallel_loop3A_1172, %parallel_loop3A_1173 : vector<16xf32>
        %parallel_loop3A_1175 = arith.addf %parallel_loop3A_1163, %parallel_loop3A_1174 : vector<16xf32>
        %parallel_loop3A_1176 = arith.mulf %parallel_loop3A_1126, %parallel_loop3A_1133 : vector<16xf32>
        %parallel_loop3A_1177 = arith.mulf %parallel_loop3A_1132, %parallel_loop3A_1127 : vector<16xf32>
        %parallel_loop3A_1178 = arith.subf %parallel_loop3A_1176, %parallel_loop3A_1177 : vector<16xf32>
        %parallel_loop3A_1179 = arith.addf %parallel_loop3A_1167, %parallel_loop3A_1178 : vector<16xf32>
        %parallel_loop3A_1180 = arith.mulf %parallel_loop3A_1133, %parallel_loop3A_1140 : vector<16xf32>
        %parallel_loop3A_1181 = arith.mulf %parallel_loop3A_1139, %parallel_loop3A_1134 : vector<16xf32>
        %parallel_loop3A_1182 = arith.subf %parallel_loop3A_1180, %parallel_loop3A_1181 : vector<16xf32>
        %parallel_loop3A_1183 = arith.addf %parallel_loop3A_1171, %parallel_loop3A_1182 : vector<16xf32>
        %parallel_loop3A_1184 = arith.mulf %parallel_loop3A_1139, %parallel_loop3A_1128 : vector<16xf32>
        %parallel_loop3A_1185 = arith.mulf %parallel_loop3A_1127, %parallel_loop3A_1140 : vector<16xf32>
        %parallel_loop3A_1186 = arith.subf %parallel_loop3A_1184, %parallel_loop3A_1185 : vector<16xf32>
        %parallel_loop3A_1187 = arith.addf %parallel_loop3A_1175, %parallel_loop3A_1186 : vector<16xf32>
        %parallel_loop3A_1188 = arith.mulf %parallel_loop3A_1127, %parallel_loop3A_1134 : vector<16xf32>
        %parallel_loop3A_1189 = arith.mulf %parallel_loop3A_1133, %parallel_loop3A_1128 : vector<16xf32>
        %parallel_loop3A_1190 = arith.subf %parallel_loop3A_1188, %parallel_loop3A_1189 : vector<16xf32>
        %parallel_loop3A_1191 = arith.addf %parallel_loop3A_1179, %parallel_loop3A_1190 : vector<16xf32>
        %parallel_loop3A_1192 = arith.mulf %parallel_loop3A_1134, %parallel_loop3A_1141 : vector<16xf32>
        %parallel_loop3A_1193 = arith.mulf %parallel_loop3A_1140, %parallel_loop3A_1135 : vector<16xf32>
        %parallel_loop3A_1194 = arith.subf %parallel_loop3A_1192, %parallel_loop3A_1193 : vector<16xf32>
        %parallel_loop3A_1195 = arith.addf %parallel_loop3A_1183, %parallel_loop3A_1194 : vector<16xf32>
        %parallel_loop3A_1196 = arith.mulf %parallel_loop3A_1140, %parallel_loop3A_1129 : vector<16xf32>
        %parallel_loop3A_1197 = arith.mulf %parallel_loop3A_1128, %parallel_loop3A_1141 : vector<16xf32>
        %parallel_loop3A_1198 = arith.subf %parallel_loop3A_1196, %parallel_loop3A_1197 : vector<16xf32>
        %parallel_loop3A_1199 = arith.addf %parallel_loop3A_1187, %parallel_loop3A_1198 : vector<16xf32>
        %parallel_loop3A_1200 = arith.mulf %parallel_loop3A_1128, %parallel_loop3A_1135 : vector<16xf32>
        %parallel_loop3A_1201 = arith.mulf %parallel_loop3A_1134, %parallel_loop3A_1129 : vector<16xf32>
        %parallel_loop3A_1202 = arith.subf %parallel_loop3A_1200, %parallel_loop3A_1201 : vector<16xf32>
        %parallel_loop3A_1203 = arith.addf %parallel_loop3A_1191, %parallel_loop3A_1202 : vector<16xf32>
        %parallel_loop3A_1204 = arith.mulf %parallel_loop3A_1135, %parallel_loop3A_1136 : vector<16xf32>
        %parallel_loop3A_1205 = arith.mulf %parallel_loop3A_1141, %parallel_loop3A_1130 : vector<16xf32>
        %parallel_loop3A_1206 = arith.subf %parallel_loop3A_1204, %parallel_loop3A_1205 : vector<16xf32>
        %parallel_loop3A_1207 = arith.addf %parallel_loop3A_1195, %parallel_loop3A_1206 : vector<16xf32>
        %parallel_loop3A_1208 = arith.mulf %parallel_loop3A_1141, %parallel_loop3A_1124 : vector<16xf32>
        %parallel_loop3A_1209 = arith.mulf %parallel_loop3A_1129, %parallel_loop3A_1136 : vector<16xf32>
        %parallel_loop3A_1210 = arith.subf %parallel_loop3A_1208, %parallel_loop3A_1209 : vector<16xf32>
        %parallel_loop3A_1211 = arith.addf %parallel_loop3A_1199, %parallel_loop3A_1210 : vector<16xf32>
        %parallel_loop3A_1212 = arith.mulf %parallel_loop3A_1129, %parallel_loop3A_1130 : vector<16xf32>
        %parallel_loop3A_1213 = arith.mulf %parallel_loop3A_1135, %parallel_loop3A_1124 : vector<16xf32>
        %parallel_loop3A_1214 = arith.subf %parallel_loop3A_1212, %parallel_loop3A_1213 : vector<16xf32>
        %parallel_loop3A_1215 = arith.addf %parallel_loop3A_1203, %parallel_loop3A_1214 : vector<16xf32>
        %parallel_loop3A_1216 = arith.index_cast %parallel_loop3A_1048 : i32 to index
        %parallel_loop3A_1217 = tpu.vector_load %arg13[%parallel_loop3A_1216] {strides = array<i32>} : memref<2592xf32, #tpu.memory_space<vmem>>, vector<16xf32>,
        %parallel_loop3A_1218 = arith.index_cast %parallel_loop3A_1048 : i32 to index
        %parallel_loop3A_1219 = tpu.vector_load %arg14[%parallel_loop3A_1218] {strides = array<i32>} : memref<2592xf32, #tpu.memory_space<vmem>>, vector<16xf32>,
        %parallel_loop3A_1220 = arith.mulf %parallel_loop3A_1219, %parallel_loop3A_1061 : vector<16xf32>
        %parallel_loop3A_1221 = arith.subf %parallel_loop3A_1113, %parallel_loop3A_1220 : vector<16xf32>
        %parallel_loop3A_1222 = arith.mulf %parallel_loop3A_1221, %parallel_loop3A_1217 : vector<16xf32>
        %parallel_loop3A_1223 = arith.subf %parallel_loop3A_1222, %parallel_loop3A_1050 : vector<16xf32>
        %parallel_loop3A_1224 = arith.mulf %parallel_loop3A_1219, %parallel_loop3A_1062 : vector<16xf32>
        %parallel_loop3A_1225 = arith.subf %parallel_loop3A_1118, %parallel_loop3A_1224 : vector<16xf32>
        %parallel_loop3A_1226 = arith.mulf %parallel_loop3A_1225, %parallel_loop3A_1217 : vector<16xf32>
        %parallel_loop3A_1227 = arith.subf %parallel_loop3A_1226, %parallel_loop3A_1052 : vector<16xf32>
        %parallel_loop3A_1228 = arith.mulf %parallel_loop3A_1219, %parallel_loop3A_1063 : vector<16xf32>
        %parallel_loop3A_1229 = arith.subf %parallel_loop3A_1123, %parallel_loop3A_1228 : vector<16xf32>
        %parallel_loop3A_1230 = arith.mulf %parallel_loop3A_1229, %parallel_loop3A_1217 : vector<16xf32>
        %parallel_loop3A_1231 = arith.subf %parallel_loop3A_1230, %parallel_loop3A_1054 : vector<16xf32>
        %parallel_loop3A_1232 = arith.mulf %parallel_loop3A_1207, %parallel_loop3A_1207 : vector<16xf32>
        %parallel_loop3A_1233 = arith.mulf %parallel_loop3A_1211, %parallel_loop3A_1211 : vector<16xf32>
        %parallel_loop3A_1234 = arith.addf %parallel_loop3A_1232, %parallel_loop3A_1233 : vector<16xf32>
        %parallel_loop3A_1235 = arith.mulf %parallel_loop3A_1215, %parallel_loop3A_1215 : vector<16xf32>
        %parallel_loop3A_1236 = arith.addf %parallel_loop3A_1234, %parallel_loop3A_1235 : vector<16xf32>
        %parallel_loop3A_1237 = vector.bitcast %parallel_loop3A_1236 : vector<16xf32> to vector<16xi32>
        %parallel_loop3A_1238 = arith.constant 1 : i32
        %parallel_loop3A_1239 = vector.broadcast %parallel_loop3A_1238 : i32 to vector<16xi32>
        %parallel_loop3A_1240 = arith.shrsi %parallel_loop3A_1237, %parallel_loop3A_1239 : vector<16xi32>
        %parallel_loop3A_1241 = arith.constant 1597463007 : i32
        %parallel_loop3A_1242 = vector.broadcast %parallel_loop3A_1241 : i32 to vector<16xi32>
        %parallel_loop3A_1243 = arith.subi %parallel_loop3A_1242, %parallel_loop3A_1240 : vector<16xi32>
        %parallel_loop3A_1244 = vector.bitcast %parallel_loop3A_1243 : vector<16xi32> to vector<16xf32>
        %parallel_loop3A_1245 = arith.constant 5.000000e-01 : f32
        %parallel_loop3A_1246 = vector.broadcast %parallel_loop3A_1245 : f32 to vector<16xf32>
        %parallel_loop3A_1247 = arith.mulf %parallel_loop3A_1246, %parallel_loop3A_1236 : vector<16xf32>
        %parallel_loop3A_1248 = arith.mulf %parallel_loop3A_1247, %parallel_loop3A_1244 : vector<16xf32>
        %parallel_loop3A_1249 = arith.mulf %parallel_loop3A_1248, %parallel_loop3A_1244 : vector<16xf32>
        %parallel_loop3A_1250 = arith.constant 1.500000e+00 : f32
        %parallel_loop3A_1251 = vector.broadcast %parallel_loop3A_1250 : f32 to vector<16xf32>
        %parallel_loop3A_1252 = arith.subf %parallel_loop3A_1251, %parallel_loop3A_1249 : vector<16xf32>
        %parallel_loop3A_1253 = arith.mulf %parallel_loop3A_1244, %parallel_loop3A_1252 : vector<16xf32>
        %parallel_loop3A_1254 = arith.mulf %parallel_loop3A_1247, %parallel_loop3A_1253 : vector<16xf32>
        %parallel_loop3A_1255 = arith.mulf %parallel_loop3A_1254, %parallel_loop3A_1253 : vector<16xf32>
        %parallel_loop3A_1256 = arith.constant 1.500000e+00 : f32
        %parallel_loop3A_1257 = vector.broadcast %parallel_loop3A_1256 : f32 to vector<16xf32>
        %parallel_loop3A_1258 = arith.subf %parallel_loop3A_1257, %parallel_loop3A_1255 : vector<16xf32>
        %parallel_loop3A_1259 = arith.mulf %parallel_loop3A_1253, %parallel_loop3A_1258 : vector<16xf32>
        %parallel_loop3A_1260 = arith.mulf %parallel_loop3A_1247, %parallel_loop3A_1259 : vector<16xf32>
        %parallel_loop3A_1261 = arith.mulf %parallel_loop3A_1260, %parallel_loop3A_1259 : vector<16xf32>
        %parallel_loop3A_1262 = arith.constant 1.500000e+00 : f32
        %parallel_loop3A_1263 = vector.broadcast %parallel_loop3A_1262 : f32 to vector<16xf32>
        %parallel_loop3A_1264 = arith.subf %parallel_loop3A_1263, %parallel_loop3A_1261 : vector<16xf32>
        %parallel_loop3A_1265 = arith.mulf %parallel_loop3A_1259, %parallel_loop3A_1264 : vector<16xf32>
        %parallel_loop3A_1266 = arith.mulf %parallel_loop3A_1207, %parallel_loop3A_1265 : vector<16xf32>
        %parallel_loop3A_1267 = arith.mulf %parallel_loop3A_1211, %parallel_loop3A_1265 : vector<16xf32>
        %parallel_loop3A_1268 = arith.mulf %parallel_loop3A_1215, %parallel_loop3A_1265 : vector<16xf32>
        %parallel_loop3A_1269 = arith.constant 3328 : index
        %parallel_loop3A_1270 = tpu.vector_load %arg15[%parallel_loop3A_1269] {strides = array<i32>} : memref<3376xf32, #tpu.memory_space<vmem>>, vector<16xf32>,
        %parallel_loop3A_1271 = arith.constant 3344 : index
        %parallel_loop3A_1272 = tpu.vector_load %arg15[%parallel_loop3A_1271] {strides = array<i32>} : memref<3376xf32, #tpu.memory_space<vmem>>, vector<16xf32>,
        %parallel_loop3A_1273 = arith.constant 3360 : index
        %parallel_loop3A_1274 = tpu.vector_load %arg15[%parallel_loop3A_1273] {strides = array<i32>} : memref<3376xf32, #tpu.memory_space<vmem>>, vector<16xf32>,
        %parallel_loop3A_1275 = arith.constant 2304 : index
        %parallel_loop3A_1276 = tpu.vector_load %arg15[%parallel_loop3A_1275] {strides = array<i32>} : memref<3376xf32, #tpu.memory_space<vmem>>, vector<16xf32>,
        %parallel_loop3A_1277 = arith.constant 0 : index
        %parallel_loop3A_1278 = tpu.vector_load %arg15[%parallel_loop3A_1277] {strides = array<i32>} : memref<3376xf32, #tpu.memory_space<vmem>>, vector<16xf32>,
        %parallel_loop3A_1279 = arith.mulf %parallel_loop3A_600, %parallel_loop3A_1278 : vector<16xf32>
        %parallel_loop3A_1280 = arith.addf %parallel_loop3A_1276, %parallel_loop3A_1279 : vector<16xf32>
        %parallel_loop3A_1281 = arith.mulf %parallel_loop3A_825, %parallel_loop3A_1278 : vector<16xf32>
        %parallel_loop3A_1282 = arith.addf %parallel_loop3A_1276, %parallel_loop3A_1281 : vector<16xf32>
        %parallel_loop3A_1283 = arith.mulf %parallel_loop3A_1050, %parallel_loop3A_1278 : vector<16xf32>
        %parallel_loop3A_1284 = arith.addf %parallel_loop3A_1276, %parallel_loop3A_1283 : vector<16xf32>
        %parallel_loop3A_1285 = arith.constant 256 : index
        %parallel_loop3A_1286 = tpu.vector_load %arg15[%parallel_loop3A_1285] {strides = array<i32>} : memref<3376xf32, #tpu.memory_space<vmem>>, vector<16xf32>,
        %parallel_loop3A_1287 = arith.mulf %parallel_loop3A_602, %parallel_loop3A_1286 : vector<16xf32>
        %parallel_loop3A_1288 = arith.addf %parallel_loop3A_1280, %parallel_loop3A_1287 : vector<16xf32>
        %parallel_loop3A_1289 = arith.mulf %parallel_loop3A_827, %parallel_loop3A_1286 : vector<16xf32>
        %parallel_loop3A_1290 = arith.addf %parallel_loop3A_1282, %parallel_loop3A_1289 : vector<16xf32>
        %parallel_loop3A_1291 = arith.mulf %parallel_loop3A_1052, %parallel_loop3A_1286 : vector<16xf32>
        %parallel_loop3A_1292 = arith.addf %parallel_loop3A_1284, %parallel_loop3A_1291 : vector<16xf32>
        %parallel_loop3A_1293 = arith.constant 512 : index
        %parallel_loop3A_1294 = tpu.vector_load %arg15[%parallel_loop3A_1293] {strides = array<i32>} : memref<3376xf32, #tpu.memory_space<vmem>>, vector<16xf32>,
        %parallel_loop3A_1295 = arith.mulf %parallel_loop3A_604, %parallel_loop3A_1294 : vector<16xf32>
        %parallel_loop3A_1296 = arith.addf %parallel_loop3A_1288, %parallel_loop3A_1295 : vector<16xf32>
        %parallel_loop3A_1297 = arith.mulf %parallel_loop3A_829, %parallel_loop3A_1294 : vector<16xf32>
        %parallel_loop3A_1298 = arith.addf %parallel_loop3A_1290, %parallel_loop3A_1297 : vector<16xf32>
        %parallel_loop3A_1299 = arith.mulf %parallel_loop3A_1054, %parallel_loop3A_1294 : vector<16xf32>
        %parallel_loop3A_1300 = arith.addf %parallel_loop3A_1292, %parallel_loop3A_1299 : vector<16xf32>
        %parallel_loop3A_1301 = arith.constant 768 : index
        %parallel_loop3A_1302 = tpu.vector_load %arg15[%parallel_loop3A_1301] {strides = array<i32>} : memref<3376xf32, #tpu.memory_space<vmem>>, vector<16xf32>,
        %parallel_loop3A_1303 = arith.mulf %parallel_loop3A_816, %parallel_loop3A_1302 : vector<16xf32>
        %parallel_loop3A_1304 = arith.addf %parallel_loop3A_1296, %parallel_loop3A_1303 : vector<16xf32>
        %parallel_loop3A_1305 = arith.mulf %parallel_loop3A_1041, %parallel_loop3A_1302 : vector<16xf32>
        %parallel_loop3A_1306 = arith.addf %parallel_loop3A_1298, %parallel_loop3A_1305 : vector<16xf32>
        %parallel_loop3A_1307 = arith.mulf %parallel_loop3A_1266, %parallel_loop3A_1302 : vector<16xf32>
        %parallel_loop3A_1308 = arith.addf %parallel_loop3A_1300, %parallel_loop3A_1307 : vector<16xf32>
        %parallel_loop3A_1309 = arith.constant 1024 : index
        %parallel_loop3A_1310 = tpu.vector_load %arg15[%parallel_loop3A_1309] {strides = array<i32>} : memref<3376xf32, #tpu.memory_space<vmem>>, vector<16xf32>,
        %parallel_loop3A_1311 = arith.mulf %parallel_loop3A_817, %parallel_loop3A_1310 : vector<16xf32>
        %parallel_loop3A_1312 = arith.addf %parallel_loop3A_1304, %parallel_loop3A_1311 : vector<16xf32>
        %parallel_loop3A_1313 = arith.mulf %parallel_loop3A_1042, %parallel_loop3A_1310 : vector<16xf32>
        %parallel_loop3A_1314 = arith.addf %parallel_loop3A_1306, %parallel_loop3A_1313 : vector<16xf32>
        %parallel_loop3A_1315 = arith.mulf %parallel_loop3A_1267, %parallel_loop3A_1310 : vector<16xf32>
        %parallel_loop3A_1316 = arith.addf %parallel_loop3A_1308, %parallel_loop3A_1315 : vector<16xf32>
        %parallel_loop3A_1317 = arith.constant 1280 : index
        %parallel_loop3A_1318 = tpu.vector_load %arg15[%parallel_loop3A_1317] {strides = array<i32>} : memref<3376xf32, #tpu.memory_space<vmem>>, vector<16xf32>,
        %parallel_loop3A_1319 = arith.mulf %parallel_loop3A_818, %parallel_loop3A_1318 : vector<16xf32>
        %parallel_loop3A_1320 = arith.addf %parallel_loop3A_1312, %parallel_loop3A_1319 : vector<16xf32>
        %parallel_loop3A_1321 = arith.mulf %parallel_loop3A_1043, %parallel_loop3A_1318 : vector<16xf32>
        %parallel_loop3A_1322 = arith.addf %parallel_loop3A_1314, %parallel_loop3A_1321 : vector<16xf32>
        %parallel_loop3A_1323 = arith.mulf %parallel_loop3A_1268, %parallel_loop3A_1318 : vector<16xf32>
        %parallel_loop3A_1324 = arith.addf %parallel_loop3A_1316, %parallel_loop3A_1323 : vector<16xf32>
        %parallel_loop3A_1325 = arith.constant 1536 : index
        %parallel_loop3A_1326 = tpu.vector_load %arg15[%parallel_loop3A_1325] {strides = array<i32>} : memref<3376xf32, #tpu.memory_space<vmem>>, vector<16xf32>,
        %parallel_loop3A_1327 = arith.mulf %parallel_loop3A_773, %parallel_loop3A_1326 : vector<16xf32>
        %parallel_loop3A_1328 = arith.addf %parallel_loop3A_1320, %parallel_loop3A_1327 : vector<16xf32>
        %parallel_loop3A_1329 = arith.mulf %parallel_loop3A_998, %parallel_loop3A_1326 : vector<16xf32>
        %parallel_loop3A_1330 = arith.addf %parallel_loop3A_1322, %parallel_loop3A_1329 : vector<16xf32>
        %parallel_loop3A_1331 = arith.mulf %parallel_loop3A_1223, %parallel_loop3A_1326 : vector<16xf32>
        %parallel_loop3A_1332 = arith.addf %parallel_loop3A_1324, %parallel_loop3A_1331 : vector<16xf32>
        %parallel_loop3A_1333 = arith.constant 1792 : index
        %parallel_loop3A_1334 = tpu.vector_load %arg15[%parallel_loop3A_1333] {strides = array<i32>} : memref<3376xf32, #tpu.memory_space<vmem>>, vector<16xf32>,
        %parallel_loop3A_1335 = arith.mulf %parallel_loop3A_777, %parallel_loop3A_1334 : vector<16xf32>
        %parallel_loop3A_1336 = arith.addf %parallel_loop3A_1328, %parallel_loop3A_1335 : vector<16xf32>
        %parallel_loop3A_1337 = arith.mulf %parallel_loop3A_1002, %parallel_loop3A_1334 : vector<16xf32>
        %parallel_loop3A_1338 = arith.addf %parallel_loop3A_1330, %parallel_loop3A_1337 : vector<16xf32>
        %parallel_loop3A_1339 = arith.mulf %parallel_loop3A_1227, %parallel_loop3A_1334 : vector<16xf32>
        %parallel_loop3A_1340 = arith.addf %parallel_loop3A_1332, %parallel_loop3A_1339 : vector<16xf32>
        %parallel_loop3A_1341 = arith.constant 2048 : index
        %parallel_loop3A_1342 = tpu.vector_load %arg15[%parallel_loop3A_1341] {strides = array<i32>} : memref<3376xf32, #tpu.memory_space<vmem>>, vector<16xf32>,
        %parallel_loop3A_1343 = arith.mulf %parallel_loop3A_781, %parallel_loop3A_1342 : vector<16xf32>
        %parallel_loop3A_1344 = arith.addf %parallel_loop3A_1336, %parallel_loop3A_1343 : vector<16xf32>
        %parallel_loop3A_1345 = arith.mulf %parallel_loop3A_1006, %parallel_loop3A_1342 : vector<16xf32>
        %parallel_loop3A_1346 = arith.addf %parallel_loop3A_1338, %parallel_loop3A_1345 : vector<16xf32>
        %parallel_loop3A_1347 = arith.mulf %parallel_loop3A_1231, %parallel_loop3A_1342 : vector<16xf32>
        %parallel_loop3A_1348 = arith.addf %parallel_loop3A_1340, %parallel_loop3A_1347 : vector<16xf32>
        %parallel_loop3A_1349 = arith.constant 0.000000e+00 : f32
        %parallel_loop3A_1350 = vector.broadcast %parallel_loop3A_1349 : f32 to vector<16xf32>
        %parallel_loop3A_1351 = arith.maximumf %parallel_loop3A_1344, %parallel_loop3A_1350 : vector<16xf32>
        %parallel_loop3A_1352 = arith.constant 0.000000e+00 : f32
        %parallel_loop3A_1353 = vector.broadcast %parallel_loop3A_1352 : f32 to vector<16xf32>
        %parallel_loop3A_1354 = arith.maximumf %parallel_loop3A_1346, %parallel_loop3A_1353 : vector<16xf32>
        %parallel_loop3A_1355 = arith.constant 0.000000e+00 : f32
        %parallel_loop3A_1356 = vector.broadcast %parallel_loop3A_1355 : f32 to vector<16xf32>
        %parallel_loop3A_1357 = arith.maximumf %parallel_loop3A_1348, %parallel_loop3A_1356 : vector<16xf32>
        %parallel_loop3A_1358 = arith.constant 2560 : index
        %parallel_loop3A_1359 = tpu.vector_load %arg15[%parallel_loop3A_1358] {strides = array<i32>} : memref<3376xf32, #tpu.memory_space<vmem>>, vector<16xf32>,
        %parallel_loop3A_1360 = arith.constant 2576 : index
        %parallel_loop3A_1361 = tpu.vector_load %arg15[%parallel_loop3A_1360] {strides = array<i32>} : memref<3376xf32, #tpu.memory_space<vmem>>, vector<16xf32>,
        %parallel_loop3A_1362 = arith.constant 2592 : index
        %parallel_loop3A_1363 = tpu.vector_load %arg15[%parallel_loop3A_1362] {strides = array<i32>} : memref<3376xf32, #tpu.memory_space<vmem>>, vector<16xf32>,
        %parallel_loop3A_1364 = arith.mulf %parallel_loop3A_1351, %parallel_loop3A_1359 : vector<16xf32>
        %parallel_loop3A_1365 = arith.addf %parallel_loop3A_1270, %parallel_loop3A_1364 : vector<16xf32>
        %parallel_loop3A_1366 = arith.mulf %parallel_loop3A_1354, %parallel_loop3A_1359 : vector<16xf32>
        %parallel_loop3A_1367 = arith.addf %parallel_loop3A_1270, %parallel_loop3A_1366 : vector<16xf32>
        %parallel_loop3A_1368 = arith.mulf %parallel_loop3A_1357, %parallel_loop3A_1359 : vector<16xf32>
        %parallel_loop3A_1369 = arith.addf %parallel_loop3A_1270, %parallel_loop3A_1368 : vector<16xf32>
        %parallel_loop3A_1370 = arith.mulf %parallel_loop3A_1351, %parallel_loop3A_1361 : vector<16xf32>
        %parallel_loop3A_1371 = arith.addf %parallel_loop3A_1272, %parallel_loop3A_1370 : vector<16xf32>
        %parallel_loop3A_1372 = arith.mulf %parallel_loop3A_1354, %parallel_loop3A_1361 : vector<16xf32>
        %parallel_loop3A_1373 = arith.addf %parallel_loop3A_1272, %parallel_loop3A_1372 : vector<16xf32>
        %parallel_loop3A_1374 = arith.mulf %parallel_loop3A_1357, %parallel_loop3A_1361 : vector<16xf32>
        %parallel_loop3A_1375 = arith.addf %parallel_loop3A_1272, %parallel_loop3A_1374 : vector<16xf32>
        %parallel_loop3A_1376 = arith.mulf %parallel_loop3A_1351, %parallel_loop3A_1363 : vector<16xf32>
        %parallel_loop3A_1377 = arith.addf %parallel_loop3A_1274, %parallel_loop3A_1376 : vector<16xf32>
        %parallel_loop3A_1378 = arith.mulf %parallel_loop3A_1354, %parallel_loop3A_1363 : vector<16xf32>
        %parallel_loop3A_1379 = arith.addf %parallel_loop3A_1274, %parallel_loop3A_1378 : vector<16xf32>
        %parallel_loop3A_1380 = arith.mulf %parallel_loop3A_1357, %parallel_loop3A_1363 : vector<16xf32>
        %parallel_loop3A_1381 = arith.addf %parallel_loop3A_1274, %parallel_loop3A_1380 : vector<16xf32>
        %parallel_loop3A_1382 = arith.constant 2320 : index
        %parallel_loop3A_1383 = tpu.vector_load %arg15[%parallel_loop3A_1382] {strides = array<i32>} : memref<3376xf32, #tpu.memory_space<vmem>>, vector<16xf32>,
        %parallel_loop3A_1384 = arith.constant 16 : index
        %parallel_loop3A_1385 = tpu.vector_load %arg15[%parallel_loop3A_1384] {strides = array<i32>} : memref<3376xf32, #tpu.memory_space<vmem>>, vector<16xf32>,
        %parallel_loop3A_1386 = arith.mulf %parallel_loop3A_600, %parallel_loop3A_1385 : vector<16xf32>
        %parallel_loop3A_1387 = arith.addf %parallel_loop3A_1383, %parallel_loop3A_1386 : vector<16xf32>
        %parallel_loop3A_1388 = arith.mulf %parallel_loop3A_825, %parallel_loop3A_1385 : vector<16xf32>
        %parallel_loop3A_1389 = arith.addf %parallel_loop3A_1383, %parallel_loop3A_1388 : vector<16xf32>
        %parallel_loop3A_1390 = arith.mulf %parallel_loop3A_1050, %parallel_loop3A_1385 : vector<16xf32>
        %parallel_loop3A_1391 = arith.addf %parallel_loop3A_1383, %parallel_loop3A_1390 : vector<16xf32>
        %parallel_loop3A_1392 = arith.constant 272 : index
        %parallel_loop3A_1393 = tpu.vector_load %arg15[%parallel_loop3A_1392] {strides = array<i32>} : memref<3376xf32, #tpu.memory_space<vmem>>, vector<16xf32>,
        %parallel_loop3A_1394 = arith.mulf %parallel_loop3A_602, %parallel_loop3A_1393 : vector<16xf32>
        %parallel_loop3A_1395 = arith.addf %parallel_loop3A_1387, %parallel_loop3A_1394 : vector<16xf32>
        %parallel_loop3A_1396 = arith.mulf %parallel_loop3A_827, %parallel_loop3A_1393 : vector<16xf32>
        %parallel_loop3A_1397 = arith.addf %parallel_loop3A_1389, %parallel_loop3A_1396 : vector<16xf32>
        %parallel_loop3A_1398 = arith.mulf %parallel_loop3A_1052, %parallel_loop3A_1393 : vector<16xf32>
        %parallel_loop3A_1399 = arith.addf %parallel_loop3A_1391, %parallel_loop3A_1398 : vector<16xf32>
        %parallel_loop3A_1400 = arith.constant 528 : index
        %parallel_loop3A_1401 = tpu.vector_load %arg15[%parallel_loop3A_1400] {strides = array<i32>} : memref<3376xf32, #tpu.memory_space<vmem>>, vector<16xf32>,
        %parallel_loop3A_1402 = arith.mulf %parallel_loop3A_604, %parallel_loop3A_1401 : vector<16xf32>
        %parallel_loop3A_1403 = arith.addf %parallel_loop3A_1395, %parallel_loop3A_1402 : vector<16xf32>
        %parallel_loop3A_1404 = arith.mulf %parallel_loop3A_829, %parallel_loop3A_1401 : vector<16xf32>
        %parallel_loop3A_1405 = arith.addf %parallel_loop3A_1397, %parallel_loop3A_1404 : vector<16xf32>
        %parallel_loop3A_1406 = arith.mulf %parallel_loop3A_1054, %parallel_loop3A_1401 : vector<16xf32>
        %parallel_loop3A_1407 = arith.addf %parallel_loop3A_1399, %parallel_loop3A_1406 : vector<16xf32>
        %parallel_loop3A_1408 = arith.constant 784 : index
        %parallel_loop3A_1409 = tpu.vector_load %arg15[%parallel_loop3A_1408] {strides = array<i32>} : memref<3376xf32, #tpu.memory_space<vmem>>, vector<16xf32>,
        %parallel_loop3A_1410 = arith.mulf %parallel_loop3A_816, %parallel_loop3A_1409 : vector<16xf32>
        %parallel_loop3A_1411 = arith.addf %parallel_loop3A_1403, %parallel_loop3A_1410 : vector<16xf32>
        %parallel_loop3A_1412 = arith.mulf %parallel_loop3A_1041, %parallel_loop3A_1409 : vector<16xf32>
        %parallel_loop3A_1413 = arith.addf %parallel_loop3A_1405, %parallel_loop3A_1412 : vector<16xf32>
        %parallel_loop3A_1414 = arith.mulf %parallel_loop3A_1266, %parallel_loop3A_1409 : vector<16xf32>
        %parallel_loop3A_1415 = arith.addf %parallel_loop3A_1407, %parallel_loop3A_1414 : vector<16xf32>
        %parallel_loop3A_1416 = arith.constant 1040 : index
        %parallel_loop3A_1417 = tpu.vector_load %arg15[%parallel_loop3A_1416] {strides = array<i32>} : memref<3376xf32, #tpu.memory_space<vmem>>, vector<16xf32>,
        %parallel_loop3A_1418 = arith.mulf %parallel_loop3A_817, %parallel_loop3A_1417 : vector<16xf32>
        %parallel_loop3A_1419 = arith.addf %parallel_loop3A_1411, %parallel_loop3A_1418 : vector<16xf32>
        %parallel_loop3A_1420 = arith.mulf %parallel_loop3A_1042, %parallel_loop3A_1417 : vector<16xf32>
        %parallel_loop3A_1421 = arith.addf %parallel_loop3A_1413, %parallel_loop3A_1420 : vector<16xf32>
        %parallel_loop3A_1422 = arith.mulf %parallel_loop3A_1267, %parallel_loop3A_1417 : vector<16xf32>
        %parallel_loop3A_1423 = arith.addf %parallel_loop3A_1415, %parallel_loop3A_1422 : vector<16xf32>
        %parallel_loop3A_1424 = arith.constant 1296 : index
        %parallel_loop3A_1425 = tpu.vector_load %arg15[%parallel_loop3A_1424] {strides = array<i32>} : memref<3376xf32, #tpu.memory_space<vmem>>, vector<16xf32>,
        %parallel_loop3A_1426 = arith.mulf %parallel_loop3A_818, %parallel_loop3A_1425 : vector<16xf32>
        %parallel_loop3A_1427 = arith.addf %parallel_loop3A_1419, %parallel_loop3A_1426 : vector<16xf32>
        %parallel_loop3A_1428 = arith.mulf %parallel_loop3A_1043, %parallel_loop3A_1425 : vector<16xf32>
        %parallel_loop3A_1429 = arith.addf %parallel_loop3A_1421, %parallel_loop3A_1428 : vector<16xf32>
        %parallel_loop3A_1430 = arith.mulf %parallel_loop3A_1268, %parallel_loop3A_1425 : vector<16xf32>
        %parallel_loop3A_1431 = arith.addf %parallel_loop3A_1423, %parallel_loop3A_1430 : vector<16xf32>
        %parallel_loop3A_1432 = arith.constant 1552 : index
        %parallel_loop3A_1433 = tpu.vector_load %arg15[%parallel_loop3A_1432] {strides = array<i32>} : memref<3376xf32, #tpu.memory_space<vmem>>, vector<16xf32>,
        %parallel_loop3A_1434 = arith.mulf %parallel_loop3A_773, %parallel_loop3A_1433 : vector<16xf32>
        %parallel_loop3A_1435 = arith.addf %parallel_loop3A_1427, %parallel_loop3A_1434 : vector<16xf32>
        %parallel_loop3A_1436 = arith.mulf %parallel_loop3A_998, %parallel_loop3A_1433 : vector<16xf32>
        %parallel_loop3A_1437 = arith.addf %parallel_loop3A_1429, %parallel_loop3A_1436 : vector<16xf32>
        %parallel_loop3A_1438 = arith.mulf %parallel_loop3A_1223, %parallel_loop3A_1433 : vector<16xf32>
        %parallel_loop3A_1439 = arith.addf %parallel_loop3A_1431, %parallel_loop3A_1438 : vector<16xf32>
        %parallel_loop3A_1440 = arith.constant 1808 : index
        %parallel_loop3A_1441 = tpu.vector_load %arg15[%parallel_loop3A_1440] {strides = array<i32>} : memref<3376xf32, #tpu.memory_space<vmem>>, vector<16xf32>,
        %parallel_loop3A_1442 = arith.mulf %parallel_loop3A_777, %parallel_loop3A_1441 : vector<16xf32>
        %parallel_loop3A_1443 = arith.addf %parallel_loop3A_1435, %parallel_loop3A_1442 : vector<16xf32>
        %parallel_loop3A_1444 = arith.mulf %parallel_loop3A_1002, %parallel_loop3A_1441 : vector<16xf32>
        %parallel_loop3A_1445 = arith.addf %parallel_loop3A_1437, %parallel_loop3A_1444 : vector<16xf32>
        %parallel_loop3A_1446 = arith.mulf %parallel_loop3A_1227, %parallel_loop3A_1441 : vector<16xf32>
        %parallel_loop3A_1447 = arith.addf %parallel_loop3A_1439, %parallel_loop3A_1446 : vector<16xf32>
        %parallel_loop3A_1448 = arith.constant 2064 : index
        %parallel_loop3A_1449 = tpu.vector_load %arg15[%parallel_loop3A_1448] {strides = array<i32>} : memref<3376xf32, #tpu.memory_space<vmem>>, vector<16xf32>,
        %parallel_loop3A_1450 = arith.mulf %parallel_loop3A_781, %parallel_loop3A_1449 : vector<16xf32>
        %parallel_loop3A_1451 = arith.addf %parallel_loop3A_1443, %parallel_loop3A_1450 : vector<16xf32>
        %parallel_loop3A_1452 = arith.mulf %parallel_loop3A_1006, %parallel_loop3A_1449 : vector<16xf32>
        %parallel_loop3A_1453 = arith.addf %parallel_loop3A_1445, %parallel_loop3A_1452 : vector<16xf32>
        %parallel_loop3A_1454 = arith.mulf %parallel_loop3A_1231, %parallel_loop3A_1449 : vector<16xf32>
        %parallel_loop3A_1455 = arith.addf %parallel_loop3A_1447, %parallel_loop3A_1454 : vector<16xf32>
        %parallel_loop3A_1456 = arith.constant 0.000000e+00 : f32
        %parallel_loop3A_1457 = vector.broadcast %parallel_loop3A_1456 : f32 to vector<16xf32>
        %parallel_loop3A_1458 = arith.maximumf %parallel_loop3A_1451, %parallel_loop3A_1457 : vector<16xf32>
        %parallel_loop3A_1459 = arith.constant 0.000000e+00 : f32
        %parallel_loop3A_1460 = vector.broadcast %parallel_loop3A_1459 : f32 to vector<16xf32>
        %parallel_loop3A_1461 = arith.maximumf %parallel_loop3A_1453, %parallel_loop3A_1460 : vector<16xf32>
        %parallel_loop3A_1462 = arith.constant 0.000000e+00 : f32
        %parallel_loop3A_1463 = vector.broadcast %parallel_loop3A_1462 : f32 to vector<16xf32>
        %parallel_loop3A_1464 = arith.maximumf %parallel_loop3A_1455, %parallel_loop3A_1463 : vector<16xf32>
        %parallel_loop3A_1465 = arith.constant 2608 : index
        %parallel_loop3A_1466 = tpu.vector_load %arg15[%parallel_loop3A_1465] {strides = array<i32>} : memref<3376xf32, #tpu.memory_space<vmem>>, vector<16xf32>,
        %parallel_loop3A_1467 = arith.constant 2624 : index
        %parallel_loop3A_1468 = tpu.vector_load %arg15[%parallel_loop3A_1467] {strides = array<i32>} : memref<3376xf32, #tpu.memory_space<vmem>>, vector<16xf32>,
        %parallel_loop3A_1469 = arith.constant 2640 : index
        %parallel_loop3A_1470 = tpu.vector_load %arg15[%parallel_loop3A_1469] {strides = array<i32>} : memref<3376xf32, #tpu.memory_space<vmem>>, vector<16xf32>,
        %parallel_loop3A_1471 = arith.mulf %parallel_loop3A_1458, %parallel_loop3A_1466 : vector<16xf32>
        %parallel_loop3A_1472 = arith.addf %parallel_loop3A_1365, %parallel_loop3A_1471 : vector<16xf32>
        %parallel_loop3A_1473 = arith.mulf %parallel_loop3A_1461, %parallel_loop3A_1466 : vector<16xf32>
        %parallel_loop3A_1474 = arith.addf %parallel_loop3A_1367, %parallel_loop3A_1473 : vector<16xf32>
        %parallel_loop3A_1475 = arith.mulf %parallel_loop3A_1464, %parallel_loop3A_1466 : vector<16xf32>
        %parallel_loop3A_1476 = arith.addf %parallel_loop3A_1369, %parallel_loop3A_1475 : vector<16xf32>
        %parallel_loop3A_1477 = arith.mulf %parallel_loop3A_1458, %parallel_loop3A_1468 : vector<16xf32>
        %parallel_loop3A_1478 = arith.addf %parallel_loop3A_1371, %parallel_loop3A_1477 : vector<16xf32>
        %parallel_loop3A_1479 = arith.mulf %parallel_loop3A_1461, %parallel_loop3A_1468 : vector<16xf32>
        %parallel_loop3A_1480 = arith.addf %parallel_loop3A_1373, %parallel_loop3A_1479 : vector<16xf32>
        %parallel_loop3A_1481 = arith.mulf %parallel_loop3A_1464, %parallel_loop3A_1468 : vector<16xf32>
        %parallel_loop3A_1482 = arith.addf %parallel_loop3A_1375, %parallel_loop3A_1481 : vector<16xf32>
        %parallel_loop3A_1483 = arith.mulf %parallel_loop3A_1458, %parallel_loop3A_1470 : vector<16xf32>
        %parallel_loop3A_1484 = arith.addf %parallel_loop3A_1377, %parallel_loop3A_1483 : vector<16xf32>
        %parallel_loop3A_1485 = arith.mulf %parallel_loop3A_1461, %parallel_loop3A_1470 : vector<16xf32>
        %parallel_loop3A_1486 = arith.addf %parallel_loop3A_1379, %parallel_loop3A_1485 : vector<16xf32>
        %parallel_loop3A_1487 = arith.mulf %parallel_loop3A_1464, %parallel_loop3A_1470 : vector<16xf32>
        %parallel_loop3A_1488 = arith.addf %parallel_loop3A_1381, %parallel_loop3A_1487 : vector<16xf32>
        %parallel_loop3A_1489 = arith.constant 2336 : index
        %parallel_loop3A_1490 = tpu.vector_load %arg15[%parallel_loop3A_1489] {strides = array<i32>} : memref<3376xf32, #tpu.memory_space<vmem>>, vector<16xf32>,
        %parallel_loop3A_1491 = arith.constant 32 : index
        %parallel_loop3A_1492 = tpu.vector_load %arg15[%parallel_loop3A_1491] {strides = array<i32>} : memref<3376xf32, #tpu.memory_space<vmem>>, vector<16xf32>,
        %parallel_loop3A_1493 = arith.mulf %parallel_loop3A_600, %parallel_loop3A_1492 : vector<16xf32>
        %parallel_loop3A_1494 = arith.addf %parallel_loop3A_1490, %parallel_loop3A_1493 : vector<16xf32>
        %parallel_loop3A_1495 = arith.mulf %parallel_loop3A_825, %parallel_loop3A_1492 : vector<16xf32>
        %parallel_loop3A_1496 = arith.addf %parallel_loop3A_1490, %parallel_loop3A_1495 : vector<16xf32>
        %parallel_loop3A_1497 = arith.mulf %parallel_loop3A_1050, %parallel_loop3A_1492 : vector<16xf32>
        %parallel_loop3A_1498 = arith.addf %parallel_loop3A_1490, %parallel_loop3A_1497 : vector<16xf32>
        %parallel_loop3A_1499 = arith.constant 288 : index
        %parallel_loop3A_1500 = tpu.vector_load %arg15[%parallel_loop3A_1499] {strides = array<i32>} : memref<3376xf32, #tpu.memory_space<vmem>>, vector<16xf32>,
        %parallel_loop3A_1501 = arith.mulf %parallel_loop3A_602, %parallel_loop3A_1500 : vector<16xf32>
        %parallel_loop3A_1502 = arith.addf %parallel_loop3A_1494, %parallel_loop3A_1501 : vector<16xf32>
        %parallel_loop3A_1503 = arith.mulf %parallel_loop3A_827, %parallel_loop3A_1500 : vector<16xf32>
        %parallel_loop3A_1504 = arith.addf %parallel_loop3A_1496, %parallel_loop3A_1503 : vector<16xf32>
        %parallel_loop3A_1505 = arith.mulf %parallel_loop3A_1052, %parallel_loop3A_1500 : vector<16xf32>
        %parallel_loop3A_1506 = arith.addf %parallel_loop3A_1498, %parallel_loop3A_1505 : vector<16xf32>
        %parallel_loop3A_1507 = arith.constant 544 : index
        %parallel_loop3A_1508 = tpu.vector_load %arg15[%parallel_loop3A_1507] {strides = array<i32>} : memref<3376xf32, #tpu.memory_space<vmem>>, vector<16xf32>,
        %parallel_loop3A_1509 = arith.mulf %parallel_loop3A_604, %parallel_loop3A_1508 : vector<16xf32>
        %parallel_loop3A_1510 = arith.addf %parallel_loop3A_1502, %parallel_loop3A_1509 : vector<16xf32>
        %parallel_loop3A_1511 = arith.mulf %parallel_loop3A_829, %parallel_loop3A_1508 : vector<16xf32>
        %parallel_loop3A_1512 = arith.addf %parallel_loop3A_1504, %parallel_loop3A_1511 : vector<16xf32>
        %parallel_loop3A_1513 = arith.mulf %parallel_loop3A_1054, %parallel_loop3A_1508 : vector<16xf32>
        %parallel_loop3A_1514 = arith.addf %parallel_loop3A_1506, %parallel_loop3A_1513 : vector<16xf32>
        %parallel_loop3A_1515 = arith.constant 800 : index
        %parallel_loop3A_1516 = tpu.vector_load %arg15[%parallel_loop3A_1515] {strides = array<i32>} : memref<3376xf32, #tpu.memory_space<vmem>>, vector<16xf32>,
        %parallel_loop3A_1517 = arith.mulf %parallel_loop3A_816, %parallel_loop3A_1516 : vector<16xf32>
        %parallel_loop3A_1518 = arith.addf %parallel_loop3A_1510, %parallel_loop3A_1517 : vector<16xf32>
        %parallel_loop3A_1519 = arith.mulf %parallel_loop3A_1041, %parallel_loop3A_1516 : vector<16xf32>
        %parallel_loop3A_1520 = arith.addf %parallel_loop3A_1512, %parallel_loop3A_1519 : vector<16xf32>
        %parallel_loop3A_1521 = arith.mulf %parallel_loop3A_1266, %parallel_loop3A_1516 : vector<16xf32>
        %parallel_loop3A_1522 = arith.addf %parallel_loop3A_1514, %parallel_loop3A_1521 : vector<16xf32>
        %parallel_loop3A_1523 = arith.constant 1056 : index
        %parallel_loop3A_1524 = tpu.vector_load %arg15[%parallel_loop3A_1523] {strides = array<i32>} : memref<3376xf32, #tpu.memory_space<vmem>>, vector<16xf32>,
        %parallel_loop3A_1525 = arith.mulf %parallel_loop3A_817, %parallel_loop3A_1524 : vector<16xf32>
        %parallel_loop3A_1526 = arith.addf %parallel_loop3A_1518, %parallel_loop3A_1525 : vector<16xf32>
        %parallel_loop3A_1527 = arith.mulf %parallel_loop3A_1042, %parallel_loop3A_1524 : vector<16xf32>
        %parallel_loop3A_1528 = arith.addf %parallel_loop3A_1520, %parallel_loop3A_1527 : vector<16xf32>
        %parallel_loop3A_1529 = arith.mulf %parallel_loop3A_1267, %parallel_loop3A_1524 : vector<16xf32>
        %parallel_loop3A_1530 = arith.addf %parallel_loop3A_1522, %parallel_loop3A_1529 : vector<16xf32>
        %parallel_loop3A_1531 = arith.constant 1312 : index
        %parallel_loop3A_1532 = tpu.vector_load %arg15[%parallel_loop3A_1531] {strides = array<i32>} : memref<3376xf32, #tpu.memory_space<vmem>>, vector<16xf32>,
        %parallel_loop3A_1533 = arith.mulf %parallel_loop3A_818, %parallel_loop3A_1532 : vector<16xf32>
        %parallel_loop3A_1534 = arith.addf %parallel_loop3A_1526, %parallel_loop3A_1533 : vector<16xf32>
        %parallel_loop3A_1535 = arith.mulf %parallel_loop3A_1043, %parallel_loop3A_1532 : vector<16xf32>
        %parallel_loop3A_1536 = arith.addf %parallel_loop3A_1528, %parallel_loop3A_1535 : vector<16xf32>
        %parallel_loop3A_1537 = arith.mulf %parallel_loop3A_1268, %parallel_loop3A_1532 : vector<16xf32>
        %parallel_loop3A_1538 = arith.addf %parallel_loop3A_1530, %parallel_loop3A_1537 : vector<16xf32>
        %parallel_loop3A_1539 = arith.constant 1568 : index
        %parallel_loop3A_1540 = tpu.vector_load %arg15[%parallel_loop3A_1539] {strides = array<i32>} : memref<3376xf32, #tpu.memory_space<vmem>>, vector<16xf32>,
        %parallel_loop3A_1541 = arith.mulf %parallel_loop3A_773, %parallel_loop3A_1540 : vector<16xf32>
        %parallel_loop3A_1542 = arith.addf %parallel_loop3A_1534, %parallel_loop3A_1541 : vector<16xf32>
        %parallel_loop3A_1543 = arith.mulf %parallel_loop3A_998, %parallel_loop3A_1540 : vector<16xf32>
        %parallel_loop3A_1544 = arith.addf %parallel_loop3A_1536, %parallel_loop3A_1543 : vector<16xf32>
        %parallel_loop3A_1545 = arith.mulf %parallel_loop3A_1223, %parallel_loop3A_1540 : vector<16xf32>
        %parallel_loop3A_1546 = arith.addf %parallel_loop3A_1538, %parallel_loop3A_1545 : vector<16xf32>
        %parallel_loop3A_1547 = arith.constant 1824 : index
        %parallel_loop3A_1548 = tpu.vector_load %arg15[%parallel_loop3A_1547] {strides = array<i32>} : memref<3376xf32, #tpu.memory_space<vmem>>, vector<16xf32>,
        %parallel_loop3A_1549 = arith.mulf %parallel_loop3A_777, %parallel_loop3A_1548 : vector<16xf32>
        %parallel_loop3A_1550 = arith.addf %parallel_loop3A_1542, %parallel_loop3A_1549 : vector<16xf32>
        %parallel_loop3A_1551 = arith.mulf %parallel_loop3A_1002, %parallel_loop3A_1548 : vector<16xf32>
        %parallel_loop3A_1552 = arith.addf %parallel_loop3A_1544, %parallel_loop3A_1551 : vector<16xf32>
        %parallel_loop3A_1553 = arith.mulf %parallel_loop3A_1227, %parallel_loop3A_1548 : vector<16xf32>
        %parallel_loop3A_1554 = arith.addf %parallel_loop3A_1546, %parallel_loop3A_1553 : vector<16xf32>
        %parallel_loop3A_1555 = arith.constant 2080 : index
        %parallel_loop3A_1556 = tpu.vector_load %arg15[%parallel_loop3A_1555] {strides = array<i32>} : memref<3376xf32, #tpu.memory_space<vmem>>, vector<16xf32>,
        %parallel_loop3A_1557 = arith.mulf %parallel_loop3A_781, %parallel_loop3A_1556 : vector<16xf32>
        %parallel_loop3A_1558 = arith.addf %parallel_loop3A_1550, %parallel_loop3A_1557 : vector<16xf32>
        %parallel_loop3A_1559 = arith.mulf %parallel_loop3A_1006, %parallel_loop3A_1556 : vector<16xf32>
        %parallel_loop3A_1560 = arith.addf %parallel_loop3A_1552, %parallel_loop3A_1559 : vector<16xf32>
        %parallel_loop3A_1561 = arith.mulf %parallel_loop3A_1231, %parallel_loop3A_1556 : vector<16xf32>
        %parallel_loop3A_1562 = arith.addf %parallel_loop3A_1554, %parallel_loop3A_1561 : vector<16xf32>
        %parallel_loop3A_1563 = arith.constant 0.000000e+00 : f32
        %parallel_loop3A_1564 = vector.broadcast %parallel_loop3A_1563 : f32 to vector<16xf32>
        %parallel_loop3A_1565 = arith.maximumf %parallel_loop3A_1558, %parallel_loop3A_1564 : vector<16xf32>
        %parallel_loop3A_1566 = arith.constant 0.000000e+00 : f32
        %parallel_loop3A_1567 = vector.broadcast %parallel_loop3A_1566 : f32 to vector<16xf32>
        %parallel_loop3A_1568 = arith.maximumf %parallel_loop3A_1560, %parallel_loop3A_1567 : vector<16xf32>
        %parallel_loop3A_1569 = arith.constant 0.000000e+00 : f32
        %parallel_loop3A_1570 = vector.broadcast %parallel_loop3A_1569 : f32 to vector<16xf32>
        %parallel_loop3A_1571 = arith.maximumf %parallel_loop3A_1562, %parallel_loop3A_1570 : vector<16xf32>
        %parallel_loop3A_1572 = arith.constant 2656 : index
        %parallel_loop3A_1573 = tpu.vector_load %arg15[%parallel_loop3A_1572] {strides = array<i32>} : memref<3376xf32, #tpu.memory_space<vmem>>, vector<16xf32>,
        %parallel_loop3A_1574 = arith.constant 2672 : index
        %parallel_loop3A_1575 = tpu.vector_load %arg15[%parallel_loop3A_1574] {strides = array<i32>} : memref<3376xf32, #tpu.memory_space<vmem>>, vector<16xf32>,
        %parallel_loop3A_1576 = arith.constant 2688 : index
        %parallel_loop3A_1577 = tpu.vector_load %arg15[%parallel_loop3A_1576] {strides = array<i32>} : memref<3376xf32, #tpu.memory_space<vmem>>, vector<16xf32>,
        %parallel_loop3A_1578 = arith.mulf %parallel_loop3A_1565, %parallel_loop3A_1573 : vector<16xf32>
        %parallel_loop3A_1579 = arith.addf %parallel_loop3A_1472, %parallel_loop3A_1578 : vector<16xf32>
        %parallel_loop3A_1580 = arith.mulf %parallel_loop3A_1568, %parallel_loop3A_1573 : vector<16xf32>
        %parallel_loop3A_1581 = arith.addf %parallel_loop3A_1474, %parallel_loop3A_1580 : vector<16xf32>
        %parallel_loop3A_1582 = arith.mulf %parallel_loop3A_1571, %parallel_loop3A_1573 : vector<16xf32>
        %parallel_loop3A_1583 = arith.addf %parallel_loop3A_1476, %parallel_loop3A_1582 : vector<16xf32>
        %parallel_loop3A_1584 = arith.mulf %parallel_loop3A_1565, %parallel_loop3A_1575 : vector<16xf32>
        %parallel_loop3A_1585 = arith.addf %parallel_loop3A_1478, %parallel_loop3A_1584 : vector<16xf32>
        %parallel_loop3A_1586 = arith.mulf %parallel_loop3A_1568, %parallel_loop3A_1575 : vector<16xf32>
        %parallel_loop3A_1587 = arith.addf %parallel_loop3A_1480, %parallel_loop3A_1586 : vector<16xf32>
        %parallel_loop3A_1588 = arith.mulf %parallel_loop3A_1571, %parallel_loop3A_1575 : vector<16xf32>
        %parallel_loop3A_1589 = arith.addf %parallel_loop3A_1482, %parallel_loop3A_1588 : vector<16xf32>
        %parallel_loop3A_1590 = arith.mulf %parallel_loop3A_1565, %parallel_loop3A_1577 : vector<16xf32>
        %parallel_loop3A_1591 = arith.addf %parallel_loop3A_1484, %parallel_loop3A_1590 : vector<16xf32>
        %parallel_loop3A_1592 = arith.mulf %parallel_loop3A_1568, %parallel_loop3A_1577 : vector<16xf32>
        %parallel_loop3A_1593 = arith.addf %parallel_loop3A_1486, %parallel_loop3A_1592 : vector<16xf32>
        %parallel_loop3A_1594 = arith.mulf %parallel_loop3A_1571, %parallel_loop3A_1577 : vector<16xf32>
        %parallel_loop3A_1595 = arith.addf %parallel_loop3A_1488, %parallel_loop3A_1594 : vector<16xf32>
        %parallel_loop3A_1596 = arith.constant 2352 : index
        %parallel_loop3A_1597 = tpu.vector_load %arg15[%parallel_loop3A_1596] {strides = array<i32>} : memref<3376xf32, #tpu.memory_space<vmem>>, vector<16xf32>,
        %parallel_loop3A_1598 = arith.constant 48 : index
        %parallel_loop3A_1599 = tpu.vector_load %arg15[%parallel_loop3A_1598] {strides = array<i32>} : memref<3376xf32, #tpu.memory_space<vmem>>, vector<16xf32>,
        %parallel_loop3A_1600 = arith.mulf %parallel_loop3A_600, %parallel_loop3A_1599 : vector<16xf32>
        %parallel_loop3A_1601 = arith.addf %parallel_loop3A_1597, %parallel_loop3A_1600 : vector<16xf32>
        %parallel_loop3A_1602 = arith.mulf %parallel_loop3A_825, %parallel_loop3A_1599 : vector<16xf32>
        %parallel_loop3A_1603 = arith.addf %parallel_loop3A_1597, %parallel_loop3A_1602 : vector<16xf32>
        %parallel_loop3A_1604 = arith.mulf %parallel_loop3A_1050, %parallel_loop3A_1599 : vector<16xf32>
        %parallel_loop3A_1605 = arith.addf %parallel_loop3A_1597, %parallel_loop3A_1604 : vector<16xf32>
        %parallel_loop3A_1606 = arith.constant 304 : index
        %parallel_loop3A_1607 = tpu.vector_load %arg15[%parallel_loop3A_1606] {strides = array<i32>} : memref<3376xf32, #tpu.memory_space<vmem>>, vector<16xf32>,
        %parallel_loop3A_1608 = arith.mulf %parallel_loop3A_602, %parallel_loop3A_1607 : vector<16xf32>
        %parallel_loop3A_1609 = arith.addf %parallel_loop3A_1601, %parallel_loop3A_1608 : vector<16xf32>
        %parallel_loop3A_1610 = arith.mulf %parallel_loop3A_827, %parallel_loop3A_1607 : vector<16xf32>
        %parallel_loop3A_1611 = arith.addf %parallel_loop3A_1603, %parallel_loop3A_1610 : vector<16xf32>
        %parallel_loop3A_1612 = arith.mulf %parallel_loop3A_1052, %parallel_loop3A_1607 : vector<16xf32>
        %parallel_loop3A_1613 = arith.addf %parallel_loop3A_1605, %parallel_loop3A_1612 : vector<16xf32>
        %parallel_loop3A_1614 = arith.constant 560 : index
        %parallel_loop3A_1615 = tpu.vector_load %arg15[%parallel_loop3A_1614] {strides = array<i32>} : memref<3376xf32, #tpu.memory_space<vmem>>, vector<16xf32>,
        %parallel_loop3A_1616 = arith.mulf %parallel_loop3A_604, %parallel_loop3A_1615 : vector<16xf32>
        %parallel_loop3A_1617 = arith.addf %parallel_loop3A_1609, %parallel_loop3A_1616 : vector<16xf32>
        %parallel_loop3A_1618 = arith.mulf %parallel_loop3A_829, %parallel_loop3A_1615 : vector<16xf32>
        %parallel_loop3A_1619 = arith.addf %parallel_loop3A_1611, %parallel_loop3A_1618 : vector<16xf32>
        %parallel_loop3A_1620 = arith.mulf %parallel_loop3A_1054, %parallel_loop3A_1615 : vector<16xf32>
        %parallel_loop3A_1621 = arith.addf %parallel_loop3A_1613, %parallel_loop3A_1620 : vector<16xf32>
        %parallel_loop3A_1622 = arith.constant 816 : index
        %parallel_loop3A_1623 = tpu.vector_load %arg15[%parallel_loop3A_1622] {strides = array<i32>} : memref<3376xf32, #tpu.memory_space<vmem>>, vector<16xf32>,
        %parallel_loop3A_1624 = arith.mulf %parallel_loop3A_816, %parallel_loop3A_1623 : vector<16xf32>
        %parallel_loop3A_1625 = arith.addf %parallel_loop3A_1617, %parallel_loop3A_1624 : vector<16xf32>
        %parallel_loop3A_1626 = arith.mulf %parallel_loop3A_1041, %parallel_loop3A_1623 : vector<16xf32>
        %parallel_loop3A_1627 = arith.addf %parallel_loop3A_1619, %parallel_loop3A_1626 : vector<16xf32>
        %parallel_loop3A_1628 = arith.mulf %parallel_loop3A_1266, %parallel_loop3A_1623 : vector<16xf32>
        %parallel_loop3A_1629 = arith.addf %parallel_loop3A_1621, %parallel_loop3A_1628 : vector<16xf32>
        %parallel_loop3A_1630 = arith.constant 1072 : index
        %parallel_loop3A_1631 = tpu.vector_load %arg15[%parallel_loop3A_1630] {strides = array<i32>} : memref<3376xf32, #tpu.memory_space<vmem>>, vector<16xf32>,
        %parallel_loop3A_1632 = arith.mulf %parallel_loop3A_817, %parallel_loop3A_1631 : vector<16xf32>
        %parallel_loop3A_1633 = arith.addf %parallel_loop3A_1625, %parallel_loop3A_1632 : vector<16xf32>
        %parallel_loop3A_1634 = arith.mulf %parallel_loop3A_1042, %parallel_loop3A_1631 : vector<16xf32>
        %parallel_loop3A_1635 = arith.addf %parallel_loop3A_1627, %parallel_loop3A_1634 : vector<16xf32>
        %parallel_loop3A_1636 = arith.mulf %parallel_loop3A_1267, %parallel_loop3A_1631 : vector<16xf32>
        %parallel_loop3A_1637 = arith.addf %parallel_loop3A_1629, %parallel_loop3A_1636 : vector<16xf32>
        %parallel_loop3A_1638 = arith.constant 1328 : index
        %parallel_loop3A_1639 = tpu.vector_load %arg15[%parallel_loop3A_1638] {strides = array<i32>} : memref<3376xf32, #tpu.memory_space<vmem>>, vector<16xf32>,
        %parallel_loop3A_1640 = arith.mulf %parallel_loop3A_818, %parallel_loop3A_1639 : vector<16xf32>
        %parallel_loop3A_1641 = arith.addf %parallel_loop3A_1633, %parallel_loop3A_1640 : vector<16xf32>
        %parallel_loop3A_1642 = arith.mulf %parallel_loop3A_1043, %parallel_loop3A_1639 : vector<16xf32>
        %parallel_loop3A_1643 = arith.addf %parallel_loop3A_1635, %parallel_loop3A_1642 : vector<16xf32>
        %parallel_loop3A_1644 = arith.mulf %parallel_loop3A_1268, %parallel_loop3A_1639 : vector<16xf32>
        %parallel_loop3A_1645 = arith.addf %parallel_loop3A_1637, %parallel_loop3A_1644 : vector<16xf32>
        %parallel_loop3A_1646 = arith.constant 1584 : index
        %parallel_loop3A_1647 = tpu.vector_load %arg15[%parallel_loop3A_1646] {strides = array<i32>} : memref<3376xf32, #tpu.memory_space<vmem>>, vector<16xf32>,
        %parallel_loop3A_1648 = arith.mulf %parallel_loop3A_773, %parallel_loop3A_1647 : vector<16xf32>
        %parallel_loop3A_1649 = arith.addf %parallel_loop3A_1641, %parallel_loop3A_1648 : vector<16xf32>
        %parallel_loop3A_1650 = arith.mulf %parallel_loop3A_998, %parallel_loop3A_1647 : vector<16xf32>
        %parallel_loop3A_1651 = arith.addf %parallel_loop3A_1643, %parallel_loop3A_1650 : vector<16xf32>
        %parallel_loop3A_1652 = arith.mulf %parallel_loop3A_1223, %parallel_loop3A_1647 : vector<16xf32>
        %parallel_loop3A_1653 = arith.addf %parallel_loop3A_1645, %parallel_loop3A_1652 : vector<16xf32>
        %parallel_loop3A_1654 = arith.constant 1840 : index
        %parallel_loop3A_1655 = tpu.vector_load %arg15[%parallel_loop3A_1654] {strides = array<i32>} : memref<3376xf32, #tpu.memory_space<vmem>>, vector<16xf32>,
        %parallel_loop3A_1656 = arith.mulf %parallel_loop3A_777, %parallel_loop3A_1655 : vector<16xf32>
        %parallel_loop3A_1657 = arith.addf %parallel_loop3A_1649, %parallel_loop3A_1656 : vector<16xf32>
        %parallel_loop3A_1658 = arith.mulf %parallel_loop3A_1002, %parallel_loop3A_1655 : vector<16xf32>
        %parallel_loop3A_1659 = arith.addf %parallel_loop3A_1651, %parallel_loop3A_1658 : vector<16xf32>
        %parallel_loop3A_1660 = arith.mulf %parallel_loop3A_1227, %parallel_loop3A_1655 : vector<16xf32>
        %parallel_loop3A_1661 = arith.addf %parallel_loop3A_1653, %parallel_loop3A_1660 : vector<16xf32>
        %parallel_loop3A_1662 = arith.constant 2096 : index
        %parallel_loop3A_1663 = tpu.vector_load %arg15[%parallel_loop3A_1662] {strides = array<i32>} : memref<3376xf32, #tpu.memory_space<vmem>>, vector<16xf32>,
        %parallel_loop3A_1664 = arith.mulf %parallel_loop3A_781, %parallel_loop3A_1663 : vector<16xf32>
        %parallel_loop3A_1665 = arith.addf %parallel_loop3A_1657, %parallel_loop3A_1664 : vector<16xf32>
        %parallel_loop3A_1666 = arith.mulf %parallel_loop3A_1006, %parallel_loop3A_1663 : vector<16xf32>
        %parallel_loop3A_1667 = arith.addf %parallel_loop3A_1659, %parallel_loop3A_1666 : vector<16xf32>
        %parallel_loop3A_1668 = arith.mulf %parallel_loop3A_1231, %parallel_loop3A_1663 : vector<16xf32>
        %parallel_loop3A_1669 = arith.addf %parallel_loop3A_1661, %parallel_loop3A_1668 : vector<16xf32>
        %parallel_loop3A_1670 = arith.constant 0.000000e+00 : f32
        %parallel_loop3A_1671 = vector.broadcast %parallel_loop3A_1670 : f32 to vector<16xf32>
        %parallel_loop3A_1672 = arith.maximumf %parallel_loop3A_1665, %parallel_loop3A_1671 : vector<16xf32>
        %parallel_loop3A_1673 = arith.constant 0.000000e+00 : f32
        %parallel_loop3A_1674 = vector.broadcast %parallel_loop3A_1673 : f32 to vector<16xf32>
        %parallel_loop3A_1675 = arith.maximumf %parallel_loop3A_1667, %parallel_loop3A_1674 : vector<16xf32>
        %parallel_loop3A_1676 = arith.constant 0.000000e+00 : f32
        %parallel_loop3A_1677 = vector.broadcast %parallel_loop3A_1676 : f32 to vector<16xf32>
        %parallel_loop3A_1678 = arith.maximumf %parallel_loop3A_1669, %parallel_loop3A_1677 : vector<16xf32>
        %parallel_loop3A_1679 = arith.constant 2704 : index
        %parallel_loop3A_1680 = tpu.vector_load %arg15[%parallel_loop3A_1679] {strides = array<i32>} : memref<3376xf32, #tpu.memory_space<vmem>>, vector<16xf32>,
        %parallel_loop3A_1681 = arith.constant 2720 : index
        %parallel_loop3A_1682 = tpu.vector_load %arg15[%parallel_loop3A_1681] {strides = array<i32>} : memref<3376xf32, #tpu.memory_space<vmem>>, vector<16xf32>,
        %parallel_loop3A_1683 = arith.constant 2736 : index
        %parallel_loop3A_1684 = tpu.vector_load %arg15[%parallel_loop3A_1683] {strides = array<i32>} : memref<3376xf32, #tpu.memory_space<vmem>>, vector<16xf32>,
        %parallel_loop3A_1685 = arith.mulf %parallel_loop3A_1672, %parallel_loop3A_1680 : vector<16xf32>
        %parallel_loop3A_1686 = arith.addf %parallel_loop3A_1579, %parallel_loop3A_1685 : vector<16xf32>
        %parallel_loop3A_1687 = arith.mulf %parallel_loop3A_1675, %parallel_loop3A_1680 : vector<16xf32>
        %parallel_loop3A_1688 = arith.addf %parallel_loop3A_1581, %parallel_loop3A_1687 : vector<16xf32>
        %parallel_loop3A_1689 = arith.mulf %parallel_loop3A_1678, %parallel_loop3A_1680 : vector<16xf32>
        %parallel_loop3A_1690 = arith.addf %parallel_loop3A_1583, %parallel_loop3A_1689 : vector<16xf32>
        %parallel_loop3A_1691 = arith.mulf %parallel_loop3A_1672, %parallel_loop3A_1682 : vector<16xf32>
        %parallel_loop3A_1692 = arith.addf %parallel_loop3A_1585, %parallel_loop3A_1691 : vector<16xf32>
        %parallel_loop3A_1693 = arith.mulf %parallel_loop3A_1675, %parallel_loop3A_1682 : vector<16xf32>
        %parallel_loop3A_1694 = arith.addf %parallel_loop3A_1587, %parallel_loop3A_1693 : vector<16xf32>
        %parallel_loop3A_1695 = arith.mulf %parallel_loop3A_1678, %parallel_loop3A_1682 : vector<16xf32>
        %parallel_loop3A_1696 = arith.addf %parallel_loop3A_1589, %parallel_loop3A_1695 : vector<16xf32>
        %parallel_loop3A_1697 = arith.mulf %parallel_loop3A_1672, %parallel_loop3A_1684 : vector<16xf32>
        %parallel_loop3A_1698 = arith.addf %parallel_loop3A_1591, %parallel_loop3A_1697 : vector<16xf32>
        %parallel_loop3A_1699 = arith.mulf %parallel_loop3A_1675, %parallel_loop3A_1684 : vector<16xf32>
        %parallel_loop3A_1700 = arith.addf %parallel_loop3A_1593, %parallel_loop3A_1699 : vector<16xf32>
        %parallel_loop3A_1701 = arith.mulf %parallel_loop3A_1678, %parallel_loop3A_1684 : vector<16xf32>
        %parallel_loop3A_1702 = arith.addf %parallel_loop3A_1595, %parallel_loop3A_1701 : vector<16xf32>
        %parallel_loop3A_1703 = arith.constant 2368 : index
        %parallel_loop3A_1704 = tpu.vector_load %arg15[%parallel_loop3A_1703] {strides = array<i32>} : memref<3376xf32, #tpu.memory_space<vmem>>, vector<16xf32>,
        %parallel_loop3A_1705 = arith.constant 64 : index
        %parallel_loop3A_1706 = tpu.vector_load %arg15[%parallel_loop3A_1705] {strides = array<i32>} : memref<3376xf32, #tpu.memory_space<vmem>>, vector<16xf32>,
        %parallel_loop3A_1707 = arith.mulf %parallel_loop3A_600, %parallel_loop3A_1706 : vector<16xf32>
        %parallel_loop3A_1708 = arith.addf %parallel_loop3A_1704, %parallel_loop3A_1707 : vector<16xf32>
        %parallel_loop3A_1709 = arith.mulf %parallel_loop3A_825, %parallel_loop3A_1706 : vector<16xf32>
        %parallel_loop3A_1710 = arith.addf %parallel_loop3A_1704, %parallel_loop3A_1709 : vector<16xf32>
        %parallel_loop3A_1711 = arith.mulf %parallel_loop3A_1050, %parallel_loop3A_1706 : vector<16xf32>
        %parallel_loop3A_1712 = arith.addf %parallel_loop3A_1704, %parallel_loop3A_1711 : vector<16xf32>
        %parallel_loop3A_1713 = arith.constant 320 : index
        %parallel_loop3A_1714 = tpu.vector_load %arg15[%parallel_loop3A_1713] {strides = array<i32>} : memref<3376xf32, #tpu.memory_space<vmem>>, vector<16xf32>,
        %parallel_loop3A_1715 = arith.mulf %parallel_loop3A_602, %parallel_loop3A_1714 : vector<16xf32>
        %parallel_loop3A_1716 = arith.addf %parallel_loop3A_1708, %parallel_loop3A_1715 : vector<16xf32>
        %parallel_loop3A_1717 = arith.mulf %parallel_loop3A_827, %parallel_loop3A_1714 : vector<16xf32>
        %parallel_loop3A_1718 = arith.addf %parallel_loop3A_1710, %parallel_loop3A_1717 : vector<16xf32>
        %parallel_loop3A_1719 = arith.mulf %parallel_loop3A_1052, %parallel_loop3A_1714 : vector<16xf32>
        %parallel_loop3A_1720 = arith.addf %parallel_loop3A_1712, %parallel_loop3A_1719 : vector<16xf32>
        %parallel_loop3A_1721 = arith.constant 576 : index
        %parallel_loop3A_1722 = tpu.vector_load %arg15[%parallel_loop3A_1721] {strides = array<i32>} : memref<3376xf32, #tpu.memory_space<vmem>>, vector<16xf32>,
        %parallel_loop3A_1723 = arith.mulf %parallel_loop3A_604, %parallel_loop3A_1722 : vector<16xf32>
        %parallel_loop3A_1724 = arith.addf %parallel_loop3A_1716, %parallel_loop3A_1723 : vector<16xf32>
        %parallel_loop3A_1725 = arith.mulf %parallel_loop3A_829, %parallel_loop3A_1722 : vector<16xf32>
        %parallel_loop3A_1726 = arith.addf %parallel_loop3A_1718, %parallel_loop3A_1725 : vector<16xf32>
        %parallel_loop3A_1727 = arith.mulf %parallel_loop3A_1054, %parallel_loop3A_1722 : vector<16xf32>
        %parallel_loop3A_1728 = arith.addf %parallel_loop3A_1720, %parallel_loop3A_1727 : vector<16xf32>
        %parallel_loop3A_1729 = arith.constant 832 : index
        %parallel_loop3A_1730 = tpu.vector_load %arg15[%parallel_loop3A_1729] {strides = array<i32>} : memref<3376xf32, #tpu.memory_space<vmem>>, vector<16xf32>,
        %parallel_loop3A_1731 = arith.mulf %parallel_loop3A_816, %parallel_loop3A_1730 : vector<16xf32>
        %parallel_loop3A_1732 = arith.addf %parallel_loop3A_1724, %parallel_loop3A_1731 : vector<16xf32>
        %parallel_loop3A_1733 = arith.mulf %parallel_loop3A_1041, %parallel_loop3A_1730 : vector<16xf32>
        %parallel_loop3A_1734 = arith.addf %parallel_loop3A_1726, %parallel_loop3A_1733 : vector<16xf32>
        %parallel_loop3A_1735 = arith.mulf %parallel_loop3A_1266, %parallel_loop3A_1730 : vector<16xf32>
        %parallel_loop3A_1736 = arith.addf %parallel_loop3A_1728, %parallel_loop3A_1735 : vector<16xf32>
        %parallel_loop3A_1737 = arith.constant 1088 : index
        %parallel_loop3A_1738 = tpu.vector_load %arg15[%parallel_loop3A_1737] {strides = array<i32>} : memref<3376xf32, #tpu.memory_space<vmem>>, vector<16xf32>,
        %parallel_loop3A_1739 = arith.mulf %parallel_loop3A_817, %parallel_loop3A_1738 : vector<16xf32>
        %parallel_loop3A_1740 = arith.addf %parallel_loop3A_1732, %parallel_loop3A_1739 : vector<16xf32>
        %parallel_loop3A_1741 = arith.mulf %parallel_loop3A_1042, %parallel_loop3A_1738 : vector<16xf32>
        %parallel_loop3A_1742 = arith.addf %parallel_loop3A_1734, %parallel_loop3A_1741 : vector<16xf32>
        %parallel_loop3A_1743 = arith.mulf %parallel_loop3A_1267, %parallel_loop3A_1738 : vector<16xf32>
        %parallel_loop3A_1744 = arith.addf %parallel_loop3A_1736, %parallel_loop3A_1743 : vector<16xf32>
        %parallel_loop3A_1745 = arith.constant 1344 : index
        %parallel_loop3A_1746 = tpu.vector_load %arg15[%parallel_loop3A_1745] {strides = array<i32>} : memref<3376xf32, #tpu.memory_space<vmem>>, vector<16xf32>,
        %parallel_loop3A_1747 = arith.mulf %parallel_loop3A_818, %parallel_loop3A_1746 : vector<16xf32>
        %parallel_loop3A_1748 = arith.addf %parallel_loop3A_1740, %parallel_loop3A_1747 : vector<16xf32>
        %parallel_loop3A_1749 = arith.mulf %parallel_loop3A_1043, %parallel_loop3A_1746 : vector<16xf32>
        %parallel_loop3A_1750 = arith.addf %parallel_loop3A_1742, %parallel_loop3A_1749 : vector<16xf32>
        %parallel_loop3A_1751 = arith.mulf %parallel_loop3A_1268, %parallel_loop3A_1746 : vector<16xf32>
        %parallel_loop3A_1752 = arith.addf %parallel_loop3A_1744, %parallel_loop3A_1751 : vector<16xf32>
        %parallel_loop3A_1753 = arith.constant 1600 : index
        %parallel_loop3A_1754 = tpu.vector_load %arg15[%parallel_loop3A_1753] {strides = array<i32>} : memref<3376xf32, #tpu.memory_space<vmem>>, vector<16xf32>,
        %parallel_loop3A_1755 = arith.mulf %parallel_loop3A_773, %parallel_loop3A_1754 : vector<16xf32>
        %parallel_loop3A_1756 = arith.addf %parallel_loop3A_1748, %parallel_loop3A_1755 : vector<16xf32>
        %parallel_loop3A_1757 = arith.mulf %parallel_loop3A_998, %parallel_loop3A_1754 : vector<16xf32>
        %parallel_loop3A_1758 = arith.addf %parallel_loop3A_1750, %parallel_loop3A_1757 : vector<16xf32>
        %parallel_loop3A_1759 = arith.mulf %parallel_loop3A_1223, %parallel_loop3A_1754 : vector<16xf32>
        %parallel_loop3A_1760 = arith.addf %parallel_loop3A_1752, %parallel_loop3A_1759 : vector<16xf32>
        %parallel_loop3A_1761 = arith.constant 1856 : index
        %parallel_loop3A_1762 = tpu.vector_load %arg15[%parallel_loop3A_1761] {strides = array<i32>} : memref<3376xf32, #tpu.memory_space<vmem>>, vector<16xf32>,
        %parallel_loop3A_1763 = arith.mulf %parallel_loop3A_777, %parallel_loop3A_1762 : vector<16xf32>
        %parallel_loop3A_1764 = arith.addf %parallel_loop3A_1756, %parallel_loop3A_1763 : vector<16xf32>
        %parallel_loop3A_1765 = arith.mulf %parallel_loop3A_1002, %parallel_loop3A_1762 : vector<16xf32>
        %parallel_loop3A_1766 = arith.addf %parallel_loop3A_1758, %parallel_loop3A_1765 : vector<16xf32>
        %parallel_loop3A_1767 = arith.mulf %parallel_loop3A_1227, %parallel_loop3A_1762 : vector<16xf32>
        %parallel_loop3A_1768 = arith.addf %parallel_loop3A_1760, %parallel_loop3A_1767 : vector<16xf32>
        %parallel_loop3A_1769 = arith.constant 2112 : index
        %parallel_loop3A_1770 = tpu.vector_load %arg15[%parallel_loop3A_1769] {strides = array<i32>} : memref<3376xf32, #tpu.memory_space<vmem>>, vector<16xf32>,
        %parallel_loop3A_1771 = arith.mulf %parallel_loop3A_781, %parallel_loop3A_1770 : vector<16xf32>
        %parallel_loop3A_1772 = arith.addf %parallel_loop3A_1764, %parallel_loop3A_1771 : vector<16xf32>
        %parallel_loop3A_1773 = arith.mulf %parallel_loop3A_1006, %parallel_loop3A_1770 : vector<16xf32>
        %parallel_loop3A_1774 = arith.addf %parallel_loop3A_1766, %parallel_loop3A_1773 : vector<16xf32>
        %parallel_loop3A_1775 = arith.mulf %parallel_loop3A_1231, %parallel_loop3A_1770 : vector<16xf32>
        %parallel_loop3A_1776 = arith.addf %parallel_loop3A_1768, %parallel_loop3A_1775 : vector<16xf32>
        %parallel_loop3A_1777 = arith.constant 0.000000e+00 : f32
        %parallel_loop3A_1778 = vector.broadcast %parallel_loop3A_1777 : f32 to vector<16xf32>
        %parallel_loop3A_1779 = arith.maximumf %parallel_loop3A_1772, %parallel_loop3A_1778 : vector<16xf32>
        %parallel_loop3A_1780 = arith.constant 0.000000e+00 : f32
        %parallel_loop3A_1781 = vector.broadcast %parallel_loop3A_1780 : f32 to vector<16xf32>
        %parallel_loop3A_1782 = arith.maximumf %parallel_loop3A_1774, %parallel_loop3A_1781 : vector<16xf32>
        %parallel_loop3A_1783 = arith.constant 0.000000e+00 : f32
        %parallel_loop3A_1784 = vector.broadcast %parallel_loop3A_1783 : f32 to vector<16xf32>
        %parallel_loop3A_1785 = arith.maximumf %parallel_loop3A_1776, %parallel_loop3A_1784 : vector<16xf32>
        %parallel_loop3A_1786 = arith.constant 2752 : index
        %parallel_loop3A_1787 = tpu.vector_load %arg15[%parallel_loop3A_1786] {strides = array<i32>} : memref<3376xf32, #tpu.memory_space<vmem>>, vector<16xf32>,
        %parallel_loop3A_1788 = arith.constant 2768 : index
        %parallel_loop3A_1789 = tpu.vector_load %arg15[%parallel_loop3A_1788] {strides = array<i32>} : memref<3376xf32, #tpu.memory_space<vmem>>, vector<16xf32>,
        %parallel_loop3A_1790 = arith.constant 2784 : index
        %parallel_loop3A_1791 = tpu.vector_load %arg15[%parallel_loop3A_1790] {strides = array<i32>} : memref<3376xf32, #tpu.memory_space<vmem>>, vector<16xf32>,
        %parallel_loop3A_1792 = arith.mulf %parallel_loop3A_1779, %parallel_loop3A_1787 : vector<16xf32>
        %parallel_loop3A_1793 = arith.addf %parallel_loop3A_1686, %parallel_loop3A_1792 : vector<16xf32>
        %parallel_loop3A_1794 = arith.mulf %parallel_loop3A_1782, %parallel_loop3A_1787 : vector<16xf32>
        %parallel_loop3A_1795 = arith.addf %parallel_loop3A_1688, %parallel_loop3A_1794 : vector<16xf32>
        %parallel_loop3A_1796 = arith.mulf %parallel_loop3A_1785, %parallel_loop3A_1787 : vector<16xf32>
        %parallel_loop3A_1797 = arith.addf %parallel_loop3A_1690, %parallel_loop3A_1796 : vector<16xf32>
        %parallel_loop3A_1798 = arith.mulf %parallel_loop3A_1779, %parallel_loop3A_1789 : vector<16xf32>
        %parallel_loop3A_1799 = arith.addf %parallel_loop3A_1692, %parallel_loop3A_1798 : vector<16xf32>
        %parallel_loop3A_1800 = arith.mulf %parallel_loop3A_1782, %parallel_loop3A_1789 : vector<16xf32>
        %parallel_loop3A_1801 = arith.addf %parallel_loop3A_1694, %parallel_loop3A_1800 : vector<16xf32>
        %parallel_loop3A_1802 = arith.mulf %parallel_loop3A_1785, %parallel_loop3A_1789 : vector<16xf32>
        %parallel_loop3A_1803 = arith.addf %parallel_loop3A_1696, %parallel_loop3A_1802 : vector<16xf32>
        %parallel_loop3A_1804 = arith.mulf %parallel_loop3A_1779, %parallel_loop3A_1791 : vector<16xf32>
        %parallel_loop3A_1805 = arith.addf %parallel_loop3A_1698, %parallel_loop3A_1804 : vector<16xf32>
        %parallel_loop3A_1806 = arith.mulf %parallel_loop3A_1782, %parallel_loop3A_1791 : vector<16xf32>
        %parallel_loop3A_1807 = arith.addf %parallel_loop3A_1700, %parallel_loop3A_1806 : vector<16xf32>
        %parallel_loop3A_1808 = arith.mulf %parallel_loop3A_1785, %parallel_loop3A_1791 : vector<16xf32>
        %parallel_loop3A_1809 = arith.addf %parallel_loop3A_1702, %parallel_loop3A_1808 : vector<16xf32>
        %parallel_loop3A_1810 = arith.constant 2384 : index
        %parallel_loop3A_1811 = tpu.vector_load %arg15[%parallel_loop3A_1810] {strides = array<i32>} : memref<3376xf32, #tpu.memory_space<vmem>>, vector<16xf32>,
        %parallel_loop3A_1812 = arith.constant 80 : index
        %parallel_loop3A_1813 = tpu.vector_load %arg15[%parallel_loop3A_1812] {strides = array<i32>} : memref<3376xf32, #tpu.memory_space<vmem>>, vector<16xf32>,
        %parallel_loop3A_1814 = arith.mulf %parallel_loop3A_600, %parallel_loop3A_1813 : vector<16xf32>
        %parallel_loop3A_1815 = arith.addf %parallel_loop3A_1811, %parallel_loop3A_1814 : vector<16xf32>
        %parallel_loop3A_1816 = arith.mulf %parallel_loop3A_825, %parallel_loop3A_1813 : vector<16xf32>
        %parallel_loop3A_1817 = arith.addf %parallel_loop3A_1811, %parallel_loop3A_1816 : vector<16xf32>
        %parallel_loop3A_1818 = arith.mulf %parallel_loop3A_1050, %parallel_loop3A_1813 : vector<16xf32>
        %parallel_loop3A_1819 = arith.addf %parallel_loop3A_1811, %parallel_loop3A_1818 : vector<16xf32>
        %parallel_loop3A_1820 = arith.constant 336 : index
        %parallel_loop3A_1821 = tpu.vector_load %arg15[%parallel_loop3A_1820] {strides = array<i32>} : memref<3376xf32, #tpu.memory_space<vmem>>, vector<16xf32>,
        %parallel_loop3A_1822 = arith.mulf %parallel_loop3A_602, %parallel_loop3A_1821 : vector<16xf32>
        %parallel_loop3A_1823 = arith.addf %parallel_loop3A_1815, %parallel_loop3A_1822 : vector<16xf32>
        %parallel_loop3A_1824 = arith.mulf %parallel_loop3A_827, %parallel_loop3A_1821 : vector<16xf32>
        %parallel_loop3A_1825 = arith.addf %parallel_loop3A_1817, %parallel_loop3A_1824 : vector<16xf32>
        %parallel_loop3A_1826 = arith.mulf %parallel_loop3A_1052, %parallel_loop3A_1821 : vector<16xf32>
        %parallel_loop3A_1827 = arith.addf %parallel_loop3A_1819, %parallel_loop3A_1826 : vector<16xf32>
        %parallel_loop3A_1828 = arith.constant 592 : index
        %parallel_loop3A_1829 = tpu.vector_load %arg15[%parallel_loop3A_1828] {strides = array<i32>} : memref<3376xf32, #tpu.memory_space<vmem>>, vector<16xf32>,
        %parallel_loop3A_1830 = arith.mulf %parallel_loop3A_604, %parallel_loop3A_1829 : vector<16xf32>
        %parallel_loop3A_1831 = arith.addf %parallel_loop3A_1823, %parallel_loop3A_1830 : vector<16xf32>
        %parallel_loop3A_1832 = arith.mulf %parallel_loop3A_829, %parallel_loop3A_1829 : vector<16xf32>
        %parallel_loop3A_1833 = arith.addf %parallel_loop3A_1825, %parallel_loop3A_1832 : vector<16xf32>
        %parallel_loop3A_1834 = arith.mulf %parallel_loop3A_1054, %parallel_loop3A_1829 : vector<16xf32>
        %parallel_loop3A_1835 = arith.addf %parallel_loop3A_1827, %parallel_loop3A_1834 : vector<16xf32>
        %parallel_loop3A_1836 = arith.constant 848 : index
        %parallel_loop3A_1837 = tpu.vector_load %arg15[%parallel_loop3A_1836] {strides = array<i32>} : memref<3376xf32, #tpu.memory_space<vmem>>, vector<16xf32>,
        %parallel_loop3A_1838 = arith.mulf %parallel_loop3A_816, %parallel_loop3A_1837 : vector<16xf32>
        %parallel_loop3A_1839 = arith.addf %parallel_loop3A_1831, %parallel_loop3A_1838 : vector<16xf32>
        %parallel_loop3A_1840 = arith.mulf %parallel_loop3A_1041, %parallel_loop3A_1837 : vector<16xf32>
        %parallel_loop3A_1841 = arith.addf %parallel_loop3A_1833, %parallel_loop3A_1840 : vector<16xf32>
        %parallel_loop3A_1842 = arith.mulf %parallel_loop3A_1266, %parallel_loop3A_1837 : vector<16xf32>
        %parallel_loop3A_1843 = arith.addf %parallel_loop3A_1835, %parallel_loop3A_1842 : vector<16xf32>
        %parallel_loop3A_1844 = arith.constant 1104 : index
        %parallel_loop3A_1845 = tpu.vector_load %arg15[%parallel_loop3A_1844] {strides = array<i32>} : memref<3376xf32, #tpu.memory_space<vmem>>, vector<16xf32>,
        %parallel_loop3A_1846 = arith.mulf %parallel_loop3A_817, %parallel_loop3A_1845 : vector<16xf32>
        %parallel_loop3A_1847 = arith.addf %parallel_loop3A_1839, %parallel_loop3A_1846 : vector<16xf32>
        %parallel_loop3A_1848 = arith.mulf %parallel_loop3A_1042, %parallel_loop3A_1845 : vector<16xf32>
        %parallel_loop3A_1849 = arith.addf %parallel_loop3A_1841, %parallel_loop3A_1848 : vector<16xf32>
        %parallel_loop3A_1850 = arith.mulf %parallel_loop3A_1267, %parallel_loop3A_1845 : vector<16xf32>
        %parallel_loop3A_1851 = arith.addf %parallel_loop3A_1843, %parallel_loop3A_1850 : vector<16xf32>
        %parallel_loop3A_1852 = arith.constant 1360 : index
        %parallel_loop3A_1853 = tpu.vector_load %arg15[%parallel_loop3A_1852] {strides = array<i32>} : memref<3376xf32, #tpu.memory_space<vmem>>, vector<16xf32>,
        %parallel_loop3A_1854 = arith.mulf %parallel_loop3A_818, %parallel_loop3A_1853 : vector<16xf32>
        %parallel_loop3A_1855 = arith.addf %parallel_loop3A_1847, %parallel_loop3A_1854 : vector<16xf32>
        %parallel_loop3A_1856 = arith.mulf %parallel_loop3A_1043, %parallel_loop3A_1853 : vector<16xf32>
        %parallel_loop3A_1857 = arith.addf %parallel_loop3A_1849, %parallel_loop3A_1856 : vector<16xf32>
        %parallel_loop3A_1858 = arith.mulf %parallel_loop3A_1268, %parallel_loop3A_1853 : vector<16xf32>
        %parallel_loop3A_1859 = arith.addf %parallel_loop3A_1851, %parallel_loop3A_1858 : vector<16xf32>
        %parallel_loop3A_1860 = arith.constant 1616 : index
        %parallel_loop3A_1861 = tpu.vector_load %arg15[%parallel_loop3A_1860] {strides = array<i32>} : memref<3376xf32, #tpu.memory_space<vmem>>, vector<16xf32>,
        %parallel_loop3A_1862 = arith.mulf %parallel_loop3A_773, %parallel_loop3A_1861 : vector<16xf32>
        %parallel_loop3A_1863 = arith.addf %parallel_loop3A_1855, %parallel_loop3A_1862 : vector<16xf32>
        %parallel_loop3A_1864 = arith.mulf %parallel_loop3A_998, %parallel_loop3A_1861 : vector<16xf32>
        %parallel_loop3A_1865 = arith.addf %parallel_loop3A_1857, %parallel_loop3A_1864 : vector<16xf32>
        %parallel_loop3A_1866 = arith.mulf %parallel_loop3A_1223, %parallel_loop3A_1861 : vector<16xf32>
        %parallel_loop3A_1867 = arith.addf %parallel_loop3A_1859, %parallel_loop3A_1866 : vector<16xf32>
        %parallel_loop3A_1868 = arith.constant 1872 : index
        %parallel_loop3A_1869 = tpu.vector_load %arg15[%parallel_loop3A_1868] {strides = array<i32>} : memref<3376xf32, #tpu.memory_space<vmem>>, vector<16xf32>,
        %parallel_loop3A_1870 = arith.mulf %parallel_loop3A_777, %parallel_loop3A_1869 : vector<16xf32>
        %parallel_loop3A_1871 = arith.addf %parallel_loop3A_1863, %parallel_loop3A_1870 : vector<16xf32>
        %parallel_loop3A_1872 = arith.mulf %parallel_loop3A_1002, %parallel_loop3A_1869 : vector<16xf32>
        %parallel_loop3A_1873 = arith.addf %parallel_loop3A_1865, %parallel_loop3A_1872 : vector<16xf32>
        %parallel_loop3A_1874 = arith.mulf %parallel_loop3A_1227, %parallel_loop3A_1869 : vector<16xf32>
        %parallel_loop3A_1875 = arith.addf %parallel_loop3A_1867, %parallel_loop3A_1874 : vector<16xf32>
        %parallel_loop3A_1876 = arith.constant 2128 : index
        %parallel_loop3A_1877 = tpu.vector_load %arg15[%parallel_loop3A_1876] {strides = array<i32>} : memref<3376xf32, #tpu.memory_space<vmem>>, vector<16xf32>,
        %parallel_loop3A_1878 = arith.mulf %parallel_loop3A_781, %parallel_loop3A_1877 : vector<16xf32>
        %parallel_loop3A_1879 = arith.addf %parallel_loop3A_1871, %parallel_loop3A_1878 : vector<16xf32>
        %parallel_loop3A_1880 = arith.mulf %parallel_loop3A_1006, %parallel_loop3A_1877 : vector<16xf32>
        %parallel_loop3A_1881 = arith.addf %parallel_loop3A_1873, %parallel_loop3A_1880 : vector<16xf32>
        %parallel_loop3A_1882 = arith.mulf %parallel_loop3A_1231, %parallel_loop3A_1877 : vector<16xf32>
        %parallel_loop3A_1883 = arith.addf %parallel_loop3A_1875, %parallel_loop3A_1882 : vector<16xf32>
        %parallel_loop3A_1884 = arith.constant 0.000000e+00 : f32
        %parallel_loop3A_1885 = vector.broadcast %parallel_loop3A_1884 : f32 to vector<16xf32>
        %parallel_loop3A_1886 = arith.maximumf %parallel_loop3A_1879, %parallel_loop3A_1885 : vector<16xf32>
        %parallel_loop3A_1887 = arith.constant 0.000000e+00 : f32
        %parallel_loop3A_1888 = vector.broadcast %parallel_loop3A_1887 : f32 to vector<16xf32>
        %parallel_loop3A_1889 = arith.maximumf %parallel_loop3A_1881, %parallel_loop3A_1888 : vector<16xf32>
        %parallel_loop3A_1890 = arith.constant 0.000000e+00 : f32
        %parallel_loop3A_1891 = vector.broadcast %parallel_loop3A_1890 : f32 to vector<16xf32>
        %parallel_loop3A_1892 = arith.maximumf %parallel_loop3A_1883, %parallel_loop3A_1891 : vector<16xf32>
        %parallel_loop3A_1893 = arith.constant 2800 : index
        %parallel_loop3A_1894 = tpu.vector_load %arg15[%parallel_loop3A_1893] {strides = array<i32>} : memref<3376xf32, #tpu.memory_space<vmem>>, vector<16xf32>,
        %parallel_loop3A_1895 = arith.constant 2816 : index
        %parallel_loop3A_1896 = tpu.vector_load %arg15[%parallel_loop3A_1895] {strides = array<i32>} : memref<3376xf32, #tpu.memory_space<vmem>>, vector<16xf32>,
        %parallel_loop3A_1897 = arith.constant 2832 : index
        %parallel_loop3A_1898 = tpu.vector_load %arg15[%parallel_loop3A_1897] {strides = array<i32>} : memref<3376xf32, #tpu.memory_space<vmem>>, vector<16xf32>,
        %parallel_loop3A_1899 = arith.mulf %parallel_loop3A_1886, %parallel_loop3A_1894 : vector<16xf32>
        %parallel_loop3A_1900 = arith.addf %parallel_loop3A_1793, %parallel_loop3A_1899 : vector<16xf32>
        %parallel_loop3A_1901 = arith.mulf %parallel_loop3A_1889, %parallel_loop3A_1894 : vector<16xf32>
        %parallel_loop3A_1902 = arith.addf %parallel_loop3A_1795, %parallel_loop3A_1901 : vector<16xf32>
        %parallel_loop3A_1903 = arith.mulf %parallel_loop3A_1892, %parallel_loop3A_1894 : vector<16xf32>
        %parallel_loop3A_1904 = arith.addf %parallel_loop3A_1797, %parallel_loop3A_1903 : vector<16xf32>
        %parallel_loop3A_1905 = arith.mulf %parallel_loop3A_1886, %parallel_loop3A_1896 : vector<16xf32>
        %parallel_loop3A_1906 = arith.addf %parallel_loop3A_1799, %parallel_loop3A_1905 : vector<16xf32>
        %parallel_loop3A_1907 = arith.mulf %parallel_loop3A_1889, %parallel_loop3A_1896 : vector<16xf32>
        %parallel_loop3A_1908 = arith.addf %parallel_loop3A_1801, %parallel_loop3A_1907 : vector<16xf32>
        %parallel_loop3A_1909 = arith.mulf %parallel_loop3A_1892, %parallel_loop3A_1896 : vector<16xf32>
        %parallel_loop3A_1910 = arith.addf %parallel_loop3A_1803, %parallel_loop3A_1909 : vector<16xf32>
        %parallel_loop3A_1911 = arith.mulf %parallel_loop3A_1886, %parallel_loop3A_1898 : vector<16xf32>
        %parallel_loop3A_1912 = arith.addf %parallel_loop3A_1805, %parallel_loop3A_1911 : vector<16xf32>
        %parallel_loop3A_1913 = arith.mulf %parallel_loop3A_1889, %parallel_loop3A_1898 : vector<16xf32>
        %parallel_loop3A_1914 = arith.addf %parallel_loop3A_1807, %parallel_loop3A_1913 : vector<16xf32>
        %parallel_loop3A_1915 = arith.mulf %parallel_loop3A_1892, %parallel_loop3A_1898 : vector<16xf32>
        %parallel_loop3A_1916 = arith.addf %parallel_loop3A_1809, %parallel_loop3A_1915 : vector<16xf32>
        %parallel_loop3A_1917 = arith.constant 2400 : index
        %parallel_loop3A_1918 = tpu.vector_load %arg15[%parallel_loop3A_1917] {strides = array<i32>} : memref<3376xf32, #tpu.memory_space<vmem>>, vector<16xf32>,
        %parallel_loop3A_1919 = arith.constant 96 : index
        %parallel_loop3A_1920 = tpu.vector_load %arg15[%parallel_loop3A_1919] {strides = array<i32>} : memref<3376xf32, #tpu.memory_space<vmem>>, vector<16xf32>,
        %parallel_loop3A_1921 = arith.mulf %parallel_loop3A_600, %parallel_loop3A_1920 : vector<16xf32>
        %parallel_loop3A_1922 = arith.addf %parallel_loop3A_1918, %parallel_loop3A_1921 : vector<16xf32>
        %parallel_loop3A_1923 = arith.mulf %parallel_loop3A_825, %parallel_loop3A_1920 : vector<16xf32>
        %parallel_loop3A_1924 = arith.addf %parallel_loop3A_1918, %parallel_loop3A_1923 : vector<16xf32>
        %parallel_loop3A_1925 = arith.mulf %parallel_loop3A_1050, %parallel_loop3A_1920 : vector<16xf32>
        %parallel_loop3A_1926 = arith.addf %parallel_loop3A_1918, %parallel_loop3A_1925 : vector<16xf32>
        %parallel_loop3A_1927 = arith.constant 352 : index
        %parallel_loop3A_1928 = tpu.vector_load %arg15[%parallel_loop3A_1927] {strides = array<i32>} : memref<3376xf32, #tpu.memory_space<vmem>>, vector<16xf32>,
        %parallel_loop3A_1929 = arith.mulf %parallel_loop3A_602, %parallel_loop3A_1928 : vector<16xf32>
        %parallel_loop3A_1930 = arith.addf %parallel_loop3A_1922, %parallel_loop3A_1929 : vector<16xf32>
        %parallel_loop3A_1931 = arith.mulf %parallel_loop3A_827, %parallel_loop3A_1928 : vector<16xf32>
        %parallel_loop3A_1932 = arith.addf %parallel_loop3A_1924, %parallel_loop3A_1931 : vector<16xf32>
        %parallel_loop3A_1933 = arith.mulf %parallel_loop3A_1052, %parallel_loop3A_1928 : vector<16xf32>
        %parallel_loop3A_1934 = arith.addf %parallel_loop3A_1926, %parallel_loop3A_1933 : vector<16xf32>
        %parallel_loop3A_1935 = arith.constant 608 : index
        %parallel_loop3A_1936 = tpu.vector_load %arg15[%parallel_loop3A_1935] {strides = array<i32>} : memref<3376xf32, #tpu.memory_space<vmem>>, vector<16xf32>,
        %parallel_loop3A_1937 = arith.mulf %parallel_loop3A_604, %parallel_loop3A_1936 : vector<16xf32>
        %parallel_loop3A_1938 = arith.addf %parallel_loop3A_1930, %parallel_loop3A_1937 : vector<16xf32>
        %parallel_loop3A_1939 = arith.mulf %parallel_loop3A_829, %parallel_loop3A_1936 : vector<16xf32>
        %parallel_loop3A_1940 = arith.addf %parallel_loop3A_1932, %parallel_loop3A_1939 : vector<16xf32>
        %parallel_loop3A_1941 = arith.mulf %parallel_loop3A_1054, %parallel_loop3A_1936 : vector<16xf32>
        %parallel_loop3A_1942 = arith.addf %parallel_loop3A_1934, %parallel_loop3A_1941 : vector<16xf32>
        %parallel_loop3A_1943 = arith.constant 864 : index
        %parallel_loop3A_1944 = tpu.vector_load %arg15[%parallel_loop3A_1943] {strides = array<i32>} : memref<3376xf32, #tpu.memory_space<vmem>>, vector<16xf32>,
        %parallel_loop3A_1945 = arith.mulf %parallel_loop3A_816, %parallel_loop3A_1944 : vector<16xf32>
        %parallel_loop3A_1946 = arith.addf %parallel_loop3A_1938, %parallel_loop3A_1945 : vector<16xf32>
        %parallel_loop3A_1947 = arith.mulf %parallel_loop3A_1041, %parallel_loop3A_1944 : vector<16xf32>
        %parallel_loop3A_1948 = arith.addf %parallel_loop3A_1940, %parallel_loop3A_1947 : vector<16xf32>
        %parallel_loop3A_1949 = arith.mulf %parallel_loop3A_1266, %parallel_loop3A_1944 : vector<16xf32>
        %parallel_loop3A_1950 = arith.addf %parallel_loop3A_1942, %parallel_loop3A_1949 : vector<16xf32>
        %parallel_loop3A_1951 = arith.constant 1120 : index
        %parallel_loop3A_1952 = tpu.vector_load %arg15[%parallel_loop3A_1951] {strides = array<i32>} : memref<3376xf32, #tpu.memory_space<vmem>>, vector<16xf32>,
        %parallel_loop3A_1953 = arith.mulf %parallel_loop3A_817, %parallel_loop3A_1952 : vector<16xf32>
        %parallel_loop3A_1954 = arith.addf %parallel_loop3A_1946, %parallel_loop3A_1953 : vector<16xf32>
        %parallel_loop3A_1955 = arith.mulf %parallel_loop3A_1042, %parallel_loop3A_1952 : vector<16xf32>
        %parallel_loop3A_1956 = arith.addf %parallel_loop3A_1948, %parallel_loop3A_1955 : vector<16xf32>
        %parallel_loop3A_1957 = arith.mulf %parallel_loop3A_1267, %parallel_loop3A_1952 : vector<16xf32>
        %parallel_loop3A_1958 = arith.addf %parallel_loop3A_1950, %parallel_loop3A_1957 : vector<16xf32>
        %parallel_loop3A_1959 = arith.constant 1376 : index
        %parallel_loop3A_1960 = tpu.vector_load %arg15[%parallel_loop3A_1959] {strides = array<i32>} : memref<3376xf32, #tpu.memory_space<vmem>>, vector<16xf32>,
        %parallel_loop3A_1961 = arith.mulf %parallel_loop3A_818, %parallel_loop3A_1960 : vector<16xf32>
        %parallel_loop3A_1962 = arith.addf %parallel_loop3A_1954, %parallel_loop3A_1961 : vector<16xf32>
        %parallel_loop3A_1963 = arith.mulf %parallel_loop3A_1043, %parallel_loop3A_1960 : vector<16xf32>
        %parallel_loop3A_1964 = arith.addf %parallel_loop3A_1956, %parallel_loop3A_1963 : vector<16xf32>
        %parallel_loop3A_1965 = arith.mulf %parallel_loop3A_1268, %parallel_loop3A_1960 : vector<16xf32>
        %parallel_loop3A_1966 = arith.addf %parallel_loop3A_1958, %parallel_loop3A_1965 : vector<16xf32>
        %parallel_loop3A_1967 = arith.constant 1632 : index
        %parallel_loop3A_1968 = tpu.vector_load %arg15[%parallel_loop3A_1967] {strides = array<i32>} : memref<3376xf32, #tpu.memory_space<vmem>>, vector<16xf32>,
        %parallel_loop3A_1969 = arith.mulf %parallel_loop3A_773, %parallel_loop3A_1968 : vector<16xf32>
        %parallel_loop3A_1970 = arith.addf %parallel_loop3A_1962, %parallel_loop3A_1969 : vector<16xf32>
        %parallel_loop3A_1971 = arith.mulf %parallel_loop3A_998, %parallel_loop3A_1968 : vector<16xf32>
        %parallel_loop3A_1972 = arith.addf %parallel_loop3A_1964, %parallel_loop3A_1971 : vector<16xf32>
        %parallel_loop3A_1973 = arith.mulf %parallel_loop3A_1223, %parallel_loop3A_1968 : vector<16xf32>
        %parallel_loop3A_1974 = arith.addf %parallel_loop3A_1966, %parallel_loop3A_1973 : vector<16xf32>
        %parallel_loop3A_1975 = arith.constant 1888 : index
        %parallel_loop3A_1976 = tpu.vector_load %arg15[%parallel_loop3A_1975] {strides = array<i32>} : memref<3376xf32, #tpu.memory_space<vmem>>, vector<16xf32>,
        %parallel_loop3A_1977 = arith.mulf %parallel_loop3A_777, %parallel_loop3A_1976 : vector<16xf32>
        %parallel_loop3A_1978 = arith.addf %parallel_loop3A_1970, %parallel_loop3A_1977 : vector<16xf32>
        %parallel_loop3A_1979 = arith.mulf %parallel_loop3A_1002, %parallel_loop3A_1976 : vector<16xf32>
        %parallel_loop3A_1980 = arith.addf %parallel_loop3A_1972, %parallel_loop3A_1979 : vector<16xf32>
        %parallel_loop3A_1981 = arith.mulf %parallel_loop3A_1227, %parallel_loop3A_1976 : vector<16xf32>
        %parallel_loop3A_1982 = arith.addf %parallel_loop3A_1974, %parallel_loop3A_1981 : vector<16xf32>
        %parallel_loop3A_1983 = arith.constant 2144 : index
        %parallel_loop3A_1984 = tpu.vector_load %arg15[%parallel_loop3A_1983] {strides = array<i32>} : memref<3376xf32, #tpu.memory_space<vmem>>, vector<16xf32>,
        %parallel_loop3A_1985 = arith.mulf %parallel_loop3A_781, %parallel_loop3A_1984 : vector<16xf32>
        %parallel_loop3A_1986 = arith.addf %parallel_loop3A_1978, %parallel_loop3A_1985 : vector<16xf32>
        %parallel_loop3A_1987 = arith.mulf %parallel_loop3A_1006, %parallel_loop3A_1984 : vector<16xf32>
        %parallel_loop3A_1988 = arith.addf %parallel_loop3A_1980, %parallel_loop3A_1987 : vector<16xf32>
        %parallel_loop3A_1989 = arith.mulf %parallel_loop3A_1231, %parallel_loop3A_1984 : vector<16xf32>
        %parallel_loop3A_1990 = arith.addf %parallel_loop3A_1982, %parallel_loop3A_1989 : vector<16xf32>
        %parallel_loop3A_1991 = arith.constant 0.000000e+00 : f32
        %parallel_loop3A_1992 = vector.broadcast %parallel_loop3A_1991 : f32 to vector<16xf32>
        %parallel_loop3A_1993 = arith.maximumf %parallel_loop3A_1986, %parallel_loop3A_1992 : vector<16xf32>
        %parallel_loop3A_1994 = arith.constant 0.000000e+00 : f32
        %parallel_loop3A_1995 = vector.broadcast %parallel_loop3A_1994 : f32 to vector<16xf32>
        %parallel_loop3A_1996 = arith.maximumf %parallel_loop3A_1988, %parallel_loop3A_1995 : vector<16xf32>
        %parallel_loop3A_1997 = arith.constant 0.000000e+00 : f32
        %parallel_loop3A_1998 = vector.broadcast %parallel_loop3A_1997 : f32 to vector<16xf32>
        %parallel_loop3A_1999 = arith.maximumf %parallel_loop3A_1990, %parallel_loop3A_1998 : vector<16xf32>
        %parallel_loop3A_2000 = arith.constant 2848 : index
        %parallel_loop3A_2001 = tpu.vector_load %arg15[%parallel_loop3A_2000] {strides = array<i32>} : memref<3376xf32, #tpu.memory_space<vmem>>, vector<16xf32>,
        %parallel_loop3A_2002 = arith.constant 2864 : index
        %parallel_loop3A_2003 = tpu.vector_load %arg15[%parallel_loop3A_2002] {strides = array<i32>} : memref<3376xf32, #tpu.memory_space<vmem>>, vector<16xf32>,
        %parallel_loop3A_2004 = arith.constant 2880 : index
        %parallel_loop3A_2005 = tpu.vector_load %arg15[%parallel_loop3A_2004] {strides = array<i32>} : memref<3376xf32, #tpu.memory_space<vmem>>, vector<16xf32>,
        %parallel_loop3A_2006 = arith.mulf %parallel_loop3A_1993, %parallel_loop3A_2001 : vector<16xf32>
        %parallel_loop3A_2007 = arith.addf %parallel_loop3A_1900, %parallel_loop3A_2006 : vector<16xf32>
        %parallel_loop3A_2008 = arith.mulf %parallel_loop3A_1996, %parallel_loop3A_2001 : vector<16xf32>
        %parallel_loop3A_2009 = arith.addf %parallel_loop3A_1902, %parallel_loop3A_2008 : vector<16xf32>
        %parallel_loop3A_2010 = arith.mulf %parallel_loop3A_1999, %parallel_loop3A_2001 : vector<16xf32>
        %parallel_loop3A_2011 = arith.addf %parallel_loop3A_1904, %parallel_loop3A_2010 : vector<16xf32>
        %parallel_loop3A_2012 = arith.mulf %parallel_loop3A_1993, %parallel_loop3A_2003 : vector<16xf32>
        %parallel_loop3A_2013 = arith.addf %parallel_loop3A_1906, %parallel_loop3A_2012 : vector<16xf32>
        %parallel_loop3A_2014 = arith.mulf %parallel_loop3A_1996, %parallel_loop3A_2003 : vector<16xf32>
        %parallel_loop3A_2015 = arith.addf %parallel_loop3A_1908, %parallel_loop3A_2014 : vector<16xf32>
        %parallel_loop3A_2016 = arith.mulf %parallel_loop3A_1999, %parallel_loop3A_2003 : vector<16xf32>
        %parallel_loop3A_2017 = arith.addf %parallel_loop3A_1910, %parallel_loop3A_2016 : vector<16xf32>
        %parallel_loop3A_2018 = arith.mulf %parallel_loop3A_1993, %parallel_loop3A_2005 : vector<16xf32>
        %parallel_loop3A_2019 = arith.addf %parallel_loop3A_1912, %parallel_loop3A_2018 : vector<16xf32>
        %parallel_loop3A_2020 = arith.mulf %parallel_loop3A_1996, %parallel_loop3A_2005 : vector<16xf32>
        %parallel_loop3A_2021 = arith.addf %parallel_loop3A_1914, %parallel_loop3A_2020 : vector<16xf32>
        %parallel_loop3A_2022 = arith.mulf %parallel_loop3A_1999, %parallel_loop3A_2005 : vector<16xf32>
        %parallel_loop3A_2023 = arith.addf %parallel_loop3A_1916, %parallel_loop3A_2022 : vector<16xf32>
        %parallel_loop3A_2024 = arith.constant 2416 : index
        %parallel_loop3A_2025 = tpu.vector_load %arg15[%parallel_loop3A_2024] {strides = array<i32>} : memref<3376xf32, #tpu.memory_space<vmem>>, vector<16xf32>,
        %parallel_loop3A_2026 = arith.constant 112 : index
        %parallel_loop3A_2027 = tpu.vector_load %arg15[%parallel_loop3A_2026] {strides = array<i32>} : memref<3376xf32, #tpu.memory_space<vmem>>, vector<16xf32>,
        %parallel_loop3A_2028 = arith.mulf %parallel_loop3A_600, %parallel_loop3A_2027 : vector<16xf32>
        %parallel_loop3A_2029 = arith.addf %parallel_loop3A_2025, %parallel_loop3A_2028 : vector<16xf32>
        %parallel_loop3A_2030 = arith.mulf %parallel_loop3A_825, %parallel_loop3A_2027 : vector<16xf32>
        %parallel_loop3A_2031 = arith.addf %parallel_loop3A_2025, %parallel_loop3A_2030 : vector<16xf32>
        %parallel_loop3A_2032 = arith.mulf %parallel_loop3A_1050, %parallel_loop3A_2027 : vector<16xf32>
        %parallel_loop3A_2033 = arith.addf %parallel_loop3A_2025, %parallel_loop3A_2032 : vector<16xf32>
        %parallel_loop3A_2034 = arith.constant 368 : index
        %parallel_loop3A_2035 = tpu.vector_load %arg15[%parallel_loop3A_2034] {strides = array<i32>} : memref<3376xf32, #tpu.memory_space<vmem>>, vector<16xf32>,
        %parallel_loop3A_2036 = arith.mulf %parallel_loop3A_602, %parallel_loop3A_2035 : vector<16xf32>
        %parallel_loop3A_2037 = arith.addf %parallel_loop3A_2029, %parallel_loop3A_2036 : vector<16xf32>
        %parallel_loop3A_2038 = arith.mulf %parallel_loop3A_827, %parallel_loop3A_2035 : vector<16xf32>
        %parallel_loop3A_2039 = arith.addf %parallel_loop3A_2031, %parallel_loop3A_2038 : vector<16xf32>
        %parallel_loop3A_2040 = arith.mulf %parallel_loop3A_1052, %parallel_loop3A_2035 : vector<16xf32>
        %parallel_loop3A_2041 = arith.addf %parallel_loop3A_2033, %parallel_loop3A_2040 : vector<16xf32>
        %parallel_loop3A_2042 = arith.constant 624 : index
        %parallel_loop3A_2043 = tpu.vector_load %arg15[%parallel_loop3A_2042] {strides = array<i32>} : memref<3376xf32, #tpu.memory_space<vmem>>, vector<16xf32>,
        %parallel_loop3A_2044 = arith.mulf %parallel_loop3A_604, %parallel_loop3A_2043 : vector<16xf32>
        %parallel_loop3A_2045 = arith.addf %parallel_loop3A_2037, %parallel_loop3A_2044 : vector<16xf32>
        %parallel_loop3A_2046 = arith.mulf %parallel_loop3A_829, %parallel_loop3A_2043 : vector<16xf32>
        %parallel_loop3A_2047 = arith.addf %parallel_loop3A_2039, %parallel_loop3A_2046 : vector<16xf32>
        %parallel_loop3A_2048 = arith.mulf %parallel_loop3A_1054, %parallel_loop3A_2043 : vector<16xf32>
        %parallel_loop3A_2049 = arith.addf %parallel_loop3A_2041, %parallel_loop3A_2048 : vector<16xf32>
        %parallel_loop3A_2050 = arith.constant 880 : index
        %parallel_loop3A_2051 = tpu.vector_load %arg15[%parallel_loop3A_2050] {strides = array<i32>} : memref<3376xf32, #tpu.memory_space<vmem>>, vector<16xf32>,
        %parallel_loop3A_2052 = arith.mulf %parallel_loop3A_816, %parallel_loop3A_2051 : vector<16xf32>
        %parallel_loop3A_2053 = arith.addf %parallel_loop3A_2045, %parallel_loop3A_2052 : vector<16xf32>
        %parallel_loop3A_2054 = arith.mulf %parallel_loop3A_1041, %parallel_loop3A_2051 : vector<16xf32>
        %parallel_loop3A_2055 = arith.addf %parallel_loop3A_2047, %parallel_loop3A_2054 : vector<16xf32>
        %parallel_loop3A_2056 = arith.mulf %parallel_loop3A_1266, %parallel_loop3A_2051 : vector<16xf32>
        %parallel_loop3A_2057 = arith.addf %parallel_loop3A_2049, %parallel_loop3A_2056 : vector<16xf32>
        %parallel_loop3A_2058 = arith.constant 1136 : index
        %parallel_loop3A_2059 = tpu.vector_load %arg15[%parallel_loop3A_2058] {strides = array<i32>} : memref<3376xf32, #tpu.memory_space<vmem>>, vector<16xf32>,
        %parallel_loop3A_2060 = arith.mulf %parallel_loop3A_817, %parallel_loop3A_2059 : vector<16xf32>
        %parallel_loop3A_2061 = arith.addf %parallel_loop3A_2053, %parallel_loop3A_2060 : vector<16xf32>
        %parallel_loop3A_2062 = arith.mulf %parallel_loop3A_1042, %parallel_loop3A_2059 : vector<16xf32>
        %parallel_loop3A_2063 = arith.addf %parallel_loop3A_2055, %parallel_loop3A_2062 : vector<16xf32>
        %parallel_loop3A_2064 = arith.mulf %parallel_loop3A_1267, %parallel_loop3A_2059 : vector<16xf32>
        %parallel_loop3A_2065 = arith.addf %parallel_loop3A_2057, %parallel_loop3A_2064 : vector<16xf32>
        %parallel_loop3A_2066 = arith.constant 1392 : index
        %parallel_loop3A_2067 = tpu.vector_load %arg15[%parallel_loop3A_2066] {strides = array<i32>} : memref<3376xf32, #tpu.memory_space<vmem>>, vector<16xf32>,
        %parallel_loop3A_2068 = arith.mulf %parallel_loop3A_818, %parallel_loop3A_2067 : vector<16xf32>
        %parallel_loop3A_2069 = arith.addf %parallel_loop3A_2061, %parallel_loop3A_2068 : vector<16xf32>
        %parallel_loop3A_2070 = arith.mulf %parallel_loop3A_1043, %parallel_loop3A_2067 : vector<16xf32>
        %parallel_loop3A_2071 = arith.addf %parallel_loop3A_2063, %parallel_loop3A_2070 : vector<16xf32>
        %parallel_loop3A_2072 = arith.mulf %parallel_loop3A_1268, %parallel_loop3A_2067 : vector<16xf32>
        %parallel_loop3A_2073 = arith.addf %parallel_loop3A_2065, %parallel_loop3A_2072 : vector<16xf32>
        %parallel_loop3A_2074 = arith.constant 1648 : index
        %parallel_loop3A_2075 = tpu.vector_load %arg15[%parallel_loop3A_2074] {strides = array<i32>} : memref<3376xf32, #tpu.memory_space<vmem>>, vector<16xf32>,
        %parallel_loop3A_2076 = arith.mulf %parallel_loop3A_773, %parallel_loop3A_2075 : vector<16xf32>
        %parallel_loop3A_2077 = arith.addf %parallel_loop3A_2069, %parallel_loop3A_2076 : vector<16xf32>
        %parallel_loop3A_2078 = arith.mulf %parallel_loop3A_998, %parallel_loop3A_2075 : vector<16xf32>
        %parallel_loop3A_2079 = arith.addf %parallel_loop3A_2071, %parallel_loop3A_2078 : vector<16xf32>
        %parallel_loop3A_2080 = arith.mulf %parallel_loop3A_1223, %parallel_loop3A_2075 : vector<16xf32>
        %parallel_loop3A_2081 = arith.addf %parallel_loop3A_2073, %parallel_loop3A_2080 : vector<16xf32>
        %parallel_loop3A_2082 = arith.constant 1904 : index
        %parallel_loop3A_2083 = tpu.vector_load %arg15[%parallel_loop3A_2082] {strides = array<i32>} : memref<3376xf32, #tpu.memory_space<vmem>>, vector<16xf32>,
        %parallel_loop3A_2084 = arith.mulf %parallel_loop3A_777, %parallel_loop3A_2083 : vector<16xf32>
        %parallel_loop3A_2085 = arith.addf %parallel_loop3A_2077, %parallel_loop3A_2084 : vector<16xf32>
        %parallel_loop3A_2086 = arith.mulf %parallel_loop3A_1002, %parallel_loop3A_2083 : vector<16xf32>
        %parallel_loop3A_2087 = arith.addf %parallel_loop3A_2079, %parallel_loop3A_2086 : vector<16xf32>
        %parallel_loop3A_2088 = arith.mulf %parallel_loop3A_1227, %parallel_loop3A_2083 : vector<16xf32>
        %parallel_loop3A_2089 = arith.addf %parallel_loop3A_2081, %parallel_loop3A_2088 : vector<16xf32>
        %parallel_loop3A_2090 = arith.constant 2160 : index
        %parallel_loop3A_2091 = tpu.vector_load %arg15[%parallel_loop3A_2090] {strides = array<i32>} : memref<3376xf32, #tpu.memory_space<vmem>>, vector<16xf32>,
        %parallel_loop3A_2092 = arith.mulf %parallel_loop3A_781, %parallel_loop3A_2091 : vector<16xf32>
        %parallel_loop3A_2093 = arith.addf %parallel_loop3A_2085, %parallel_loop3A_2092 : vector<16xf32>
        %parallel_loop3A_2094 = arith.mulf %parallel_loop3A_1006, %parallel_loop3A_2091 : vector<16xf32>
        %parallel_loop3A_2095 = arith.addf %parallel_loop3A_2087, %parallel_loop3A_2094 : vector<16xf32>
        %parallel_loop3A_2096 = arith.mulf %parallel_loop3A_1231, %parallel_loop3A_2091 : vector<16xf32>
        %parallel_loop3A_2097 = arith.addf %parallel_loop3A_2089, %parallel_loop3A_2096 : vector<16xf32>
        %parallel_loop3A_2098 = arith.constant 0.000000e+00 : f32
        %parallel_loop3A_2099 = vector.broadcast %parallel_loop3A_2098 : f32 to vector<16xf32>
        %parallel_loop3A_2100 = arith.maximumf %parallel_loop3A_2093, %parallel_loop3A_2099 : vector<16xf32>
        %parallel_loop3A_2101 = arith.constant 0.000000e+00 : f32
        %parallel_loop3A_2102 = vector.broadcast %parallel_loop3A_2101 : f32 to vector<16xf32>
        %parallel_loop3A_2103 = arith.maximumf %parallel_loop3A_2095, %parallel_loop3A_2102 : vector<16xf32>
        %parallel_loop3A_2104 = arith.constant 0.000000e+00 : f32
        %parallel_loop3A_2105 = vector.broadcast %parallel_loop3A_2104 : f32 to vector<16xf32>
        %parallel_loop3A_2106 = arith.maximumf %parallel_loop3A_2097, %parallel_loop3A_2105 : vector<16xf32>
        %parallel_loop3A_2107 = arith.constant 2896 : index
        %parallel_loop3A_2108 = tpu.vector_load %arg15[%parallel_loop3A_2107] {strides = array<i32>} : memref<3376xf32, #tpu.memory_space<vmem>>, vector<16xf32>,
        %parallel_loop3A_2109 = arith.constant 2912 : index
        %parallel_loop3A_2110 = tpu.vector_load %arg15[%parallel_loop3A_2109] {strides = array<i32>} : memref<3376xf32, #tpu.memory_space<vmem>>, vector<16xf32>,
        %parallel_loop3A_2111 = arith.constant 2928 : index
        %parallel_loop3A_2112 = tpu.vector_load %arg15[%parallel_loop3A_2111] {strides = array<i32>} : memref<3376xf32, #tpu.memory_space<vmem>>, vector<16xf32>,
        %parallel_loop3A_2113 = arith.mulf %parallel_loop3A_2100, %parallel_loop3A_2108 : vector<16xf32>
        %parallel_loop3A_2114 = arith.addf %parallel_loop3A_2007, %parallel_loop3A_2113 : vector<16xf32>
        %parallel_loop3A_2115 = arith.mulf %parallel_loop3A_2103, %parallel_loop3A_2108 : vector<16xf32>
        %parallel_loop3A_2116 = arith.addf %parallel_loop3A_2009, %parallel_loop3A_2115 : vector<16xf32>
        %parallel_loop3A_2117 = arith.mulf %parallel_loop3A_2106, %parallel_loop3A_2108 : vector<16xf32>
        %parallel_loop3A_2118 = arith.addf %parallel_loop3A_2011, %parallel_loop3A_2117 : vector<16xf32>
        %parallel_loop3A_2119 = arith.mulf %parallel_loop3A_2100, %parallel_loop3A_2110 : vector<16xf32>
        %parallel_loop3A_2120 = arith.addf %parallel_loop3A_2013, %parallel_loop3A_2119 : vector<16xf32>
        %parallel_loop3A_2121 = arith.mulf %parallel_loop3A_2103, %parallel_loop3A_2110 : vector<16xf32>
        %parallel_loop3A_2122 = arith.addf %parallel_loop3A_2015, %parallel_loop3A_2121 : vector<16xf32>
        %parallel_loop3A_2123 = arith.mulf %parallel_loop3A_2106, %parallel_loop3A_2110 : vector<16xf32>
        %parallel_loop3A_2124 = arith.addf %parallel_loop3A_2017, %parallel_loop3A_2123 : vector<16xf32>
        %parallel_loop3A_2125 = arith.mulf %parallel_loop3A_2100, %parallel_loop3A_2112 : vector<16xf32>
        %parallel_loop3A_2126 = arith.addf %parallel_loop3A_2019, %parallel_loop3A_2125 : vector<16xf32>
        %parallel_loop3A_2127 = arith.mulf %parallel_loop3A_2103, %parallel_loop3A_2112 : vector<16xf32>
        %parallel_loop3A_2128 = arith.addf %parallel_loop3A_2021, %parallel_loop3A_2127 : vector<16xf32>
        %parallel_loop3A_2129 = arith.mulf %parallel_loop3A_2106, %parallel_loop3A_2112 : vector<16xf32>
        %parallel_loop3A_2130 = arith.addf %parallel_loop3A_2023, %parallel_loop3A_2129 : vector<16xf32>
        %parallel_loop3A_2131 = arith.constant 2432 : index
        %parallel_loop3A_2132 = tpu.vector_load %arg15[%parallel_loop3A_2131] {strides = array<i32>} : memref<3376xf32, #tpu.memory_space<vmem>>, vector<16xf32>,
        %parallel_loop3A_2133 = arith.constant 128 : index
        %parallel_loop3A_2134 = tpu.vector_load %arg15[%parallel_loop3A_2133] {strides = array<i32>} : memref<3376xf32, #tpu.memory_space<vmem>>, vector<16xf32>,
        %parallel_loop3A_2135 = arith.mulf %parallel_loop3A_600, %parallel_loop3A_2134 : vector<16xf32>
        %parallel_loop3A_2136 = arith.addf %parallel_loop3A_2132, %parallel_loop3A_2135 : vector<16xf32>
        %parallel_loop3A_2137 = arith.mulf %parallel_loop3A_825, %parallel_loop3A_2134 : vector<16xf32>
        %parallel_loop3A_2138 = arith.addf %parallel_loop3A_2132, %parallel_loop3A_2137 : vector<16xf32>
        %parallel_loop3A_2139 = arith.mulf %parallel_loop3A_1050, %parallel_loop3A_2134 : vector<16xf32>
        %parallel_loop3A_2140 = arith.addf %parallel_loop3A_2132, %parallel_loop3A_2139 : vector<16xf32>
        %parallel_loop3A_2141 = arith.constant 384 : index
        %parallel_loop3A_2142 = tpu.vector_load %arg15[%parallel_loop3A_2141] {strides = array<i32>} : memref<3376xf32, #tpu.memory_space<vmem>>, vector<16xf32>,
        %parallel_loop3A_2143 = arith.mulf %parallel_loop3A_602, %parallel_loop3A_2142 : vector<16xf32>
        %parallel_loop3A_2144 = arith.addf %parallel_loop3A_2136, %parallel_loop3A_2143 : vector<16xf32>
        %parallel_loop3A_2145 = arith.mulf %parallel_loop3A_827, %parallel_loop3A_2142 : vector<16xf32>
        %parallel_loop3A_2146 = arith.addf %parallel_loop3A_2138, %parallel_loop3A_2145 : vector<16xf32>
        %parallel_loop3A_2147 = arith.mulf %parallel_loop3A_1052, %parallel_loop3A_2142 : vector<16xf32>
        %parallel_loop3A_2148 = arith.addf %parallel_loop3A_2140, %parallel_loop3A_2147 : vector<16xf32>
        %parallel_loop3A_2149 = arith.constant 640 : index
        %parallel_loop3A_2150 = tpu.vector_load %arg15[%parallel_loop3A_2149] {strides = array<i32>} : memref<3376xf32, #tpu.memory_space<vmem>>, vector<16xf32>,
        %parallel_loop3A_2151 = arith.mulf %parallel_loop3A_604, %parallel_loop3A_2150 : vector<16xf32>
        %parallel_loop3A_2152 = arith.addf %parallel_loop3A_2144, %parallel_loop3A_2151 : vector<16xf32>
        %parallel_loop3A_2153 = arith.mulf %parallel_loop3A_829, %parallel_loop3A_2150 : vector<16xf32>
        %parallel_loop3A_2154 = arith.addf %parallel_loop3A_2146, %parallel_loop3A_2153 : vector<16xf32>
        %parallel_loop3A_2155 = arith.mulf %parallel_loop3A_1054, %parallel_loop3A_2150 : vector<16xf32>
        %parallel_loop3A_2156 = arith.addf %parallel_loop3A_2148, %parallel_loop3A_2155 : vector<16xf32>
        %parallel_loop3A_2157 = arith.constant 896 : index
        %parallel_loop3A_2158 = tpu.vector_load %arg15[%parallel_loop3A_2157] {strides = array<i32>} : memref<3376xf32, #tpu.memory_space<vmem>>, vector<16xf32>,
        %parallel_loop3A_2159 = arith.mulf %parallel_loop3A_816, %parallel_loop3A_2158 : vector<16xf32>
        %parallel_loop3A_2160 = arith.addf %parallel_loop3A_2152, %parallel_loop3A_2159 : vector<16xf32>
        %parallel_loop3A_2161 = arith.mulf %parallel_loop3A_1041, %parallel_loop3A_2158 : vector<16xf32>
        %parallel_loop3A_2162 = arith.addf %parallel_loop3A_2154, %parallel_loop3A_2161 : vector<16xf32>
        %parallel_loop3A_2163 = arith.mulf %parallel_loop3A_1266, %parallel_loop3A_2158 : vector<16xf32>
        %parallel_loop3A_2164 = arith.addf %parallel_loop3A_2156, %parallel_loop3A_2163 : vector<16xf32>
        %parallel_loop3A_2165 = arith.constant 1152 : index
        %parallel_loop3A_2166 = tpu.vector_load %arg15[%parallel_loop3A_2165] {strides = array<i32>} : memref<3376xf32, #tpu.memory_space<vmem>>, vector<16xf32>,
        %parallel_loop3A_2167 = arith.mulf %parallel_loop3A_817, %parallel_loop3A_2166 : vector<16xf32>
        %parallel_loop3A_2168 = arith.addf %parallel_loop3A_2160, %parallel_loop3A_2167 : vector<16xf32>
        %parallel_loop3A_2169 = arith.mulf %parallel_loop3A_1042, %parallel_loop3A_2166 : vector<16xf32>
        %parallel_loop3A_2170 = arith.addf %parallel_loop3A_2162, %parallel_loop3A_2169 : vector<16xf32>
        %parallel_loop3A_2171 = arith.mulf %parallel_loop3A_1267, %parallel_loop3A_2166 : vector<16xf32>
        %parallel_loop3A_2172 = arith.addf %parallel_loop3A_2164, %parallel_loop3A_2171 : vector<16xf32>
        %parallel_loop3A_2173 = arith.constant 1408 : index
        %parallel_loop3A_2174 = tpu.vector_load %arg15[%parallel_loop3A_2173] {strides = array<i32>} : memref<3376xf32, #tpu.memory_space<vmem>>, vector<16xf32>,
        %parallel_loop3A_2175 = arith.mulf %parallel_loop3A_818, %parallel_loop3A_2174 : vector<16xf32>
        %parallel_loop3A_2176 = arith.addf %parallel_loop3A_2168, %parallel_loop3A_2175 : vector<16xf32>
        %parallel_loop3A_2177 = arith.mulf %parallel_loop3A_1043, %parallel_loop3A_2174 : vector<16xf32>
        %parallel_loop3A_2178 = arith.addf %parallel_loop3A_2170, %parallel_loop3A_2177 : vector<16xf32>
        %parallel_loop3A_2179 = arith.mulf %parallel_loop3A_1268, %parallel_loop3A_2174 : vector<16xf32>
        %parallel_loop3A_2180 = arith.addf %parallel_loop3A_2172, %parallel_loop3A_2179 : vector<16xf32>
        %parallel_loop3A_2181 = arith.constant 1664 : index
        %parallel_loop3A_2182 = tpu.vector_load %arg15[%parallel_loop3A_2181] {strides = array<i32>} : memref<3376xf32, #tpu.memory_space<vmem>>, vector<16xf32>,
        %parallel_loop3A_2183 = arith.mulf %parallel_loop3A_773, %parallel_loop3A_2182 : vector<16xf32>
        %parallel_loop3A_2184 = arith.addf %parallel_loop3A_2176, %parallel_loop3A_2183 : vector<16xf32>
        %parallel_loop3A_2185 = arith.mulf %parallel_loop3A_998, %parallel_loop3A_2182 : vector<16xf32>
        %parallel_loop3A_2186 = arith.addf %parallel_loop3A_2178, %parallel_loop3A_2185 : vector<16xf32>
        %parallel_loop3A_2187 = arith.mulf %parallel_loop3A_1223, %parallel_loop3A_2182 : vector<16xf32>
        %parallel_loop3A_2188 = arith.addf %parallel_loop3A_2180, %parallel_loop3A_2187 : vector<16xf32>
        %parallel_loop3A_2189 = arith.constant 1920 : index
        %parallel_loop3A_2190 = tpu.vector_load %arg15[%parallel_loop3A_2189] {strides = array<i32>} : memref<3376xf32, #tpu.memory_space<vmem>>, vector<16xf32>,
        %parallel_loop3A_2191 = arith.mulf %parallel_loop3A_777, %parallel_loop3A_2190 : vector<16xf32>
        %parallel_loop3A_2192 = arith.addf %parallel_loop3A_2184, %parallel_loop3A_2191 : vector<16xf32>
        %parallel_loop3A_2193 = arith.mulf %parallel_loop3A_1002, %parallel_loop3A_2190 : vector<16xf32>
        %parallel_loop3A_2194 = arith.addf %parallel_loop3A_2186, %parallel_loop3A_2193 : vector<16xf32>
        %parallel_loop3A_2195 = arith.mulf %parallel_loop3A_1227, %parallel_loop3A_2190 : vector<16xf32>
        %parallel_loop3A_2196 = arith.addf %parallel_loop3A_2188, %parallel_loop3A_2195 : vector<16xf32>
        %parallel_loop3A_2197 = arith.constant 2176 : index
        %parallel_loop3A_2198 = tpu.vector_load %arg15[%parallel_loop3A_2197] {strides = array<i32>} : memref<3376xf32, #tpu.memory_space<vmem>>, vector<16xf32>,
        %parallel_loop3A_2199 = arith.mulf %parallel_loop3A_781, %parallel_loop3A_2198 : vector<16xf32>
        %parallel_loop3A_2200 = arith.addf %parallel_loop3A_2192, %parallel_loop3A_2199 : vector<16xf32>
        %parallel_loop3A_2201 = arith.mulf %parallel_loop3A_1006, %parallel_loop3A_2198 : vector<16xf32>
        %parallel_loop3A_2202 = arith.addf %parallel_loop3A_2194, %parallel_loop3A_2201 : vector<16xf32>
        %parallel_loop3A_2203 = arith.mulf %parallel_loop3A_1231, %parallel_loop3A_2198 : vector<16xf32>
        %parallel_loop3A_2204 = arith.addf %parallel_loop3A_2196, %parallel_loop3A_2203 : vector<16xf32>
        %parallel_loop3A_2205 = arith.constant 0.000000e+00 : f32
        %parallel_loop3A_2206 = vector.broadcast %parallel_loop3A_2205 : f32 to vector<16xf32>
        %parallel_loop3A_2207 = arith.maximumf %parallel_loop3A_2200, %parallel_loop3A_2206 : vector<16xf32>
        %parallel_loop3A_2208 = arith.constant 0.000000e+00 : f32
        %parallel_loop3A_2209 = vector.broadcast %parallel_loop3A_2208 : f32 to vector<16xf32>
        %parallel_loop3A_2210 = arith.maximumf %parallel_loop3A_2202, %parallel_loop3A_2209 : vector<16xf32>
        %parallel_loop3A_2211 = arith.constant 0.000000e+00 : f32
        %parallel_loop3A_2212 = vector.broadcast %parallel_loop3A_2211 : f32 to vector<16xf32>
        %parallel_loop3A_2213 = arith.maximumf %parallel_loop3A_2204, %parallel_loop3A_2212 : vector<16xf32>
        %parallel_loop3A_2214 = arith.constant 2944 : index
        %parallel_loop3A_2215 = tpu.vector_load %arg15[%parallel_loop3A_2214] {strides = array<i32>} : memref<3376xf32, #tpu.memory_space<vmem>>, vector<16xf32>,
        %parallel_loop3A_2216 = arith.constant 2960 : index
        %parallel_loop3A_2217 = tpu.vector_load %arg15[%parallel_loop3A_2216] {strides = array<i32>} : memref<3376xf32, #tpu.memory_space<vmem>>, vector<16xf32>,
        %parallel_loop3A_2218 = arith.constant 2976 : index
        %parallel_loop3A_2219 = tpu.vector_load %arg15[%parallel_loop3A_2218] {strides = array<i32>} : memref<3376xf32, #tpu.memory_space<vmem>>, vector<16xf32>,
        %parallel_loop3A_2220 = arith.mulf %parallel_loop3A_2207, %parallel_loop3A_2215 : vector<16xf32>
        %parallel_loop3A_2221 = arith.addf %parallel_loop3A_2114, %parallel_loop3A_2220 : vector<16xf32>
        %parallel_loop3A_2222 = arith.mulf %parallel_loop3A_2210, %parallel_loop3A_2215 : vector<16xf32>
        %parallel_loop3A_2223 = arith.addf %parallel_loop3A_2116, %parallel_loop3A_2222 : vector<16xf32>
        %parallel_loop3A_2224 = arith.mulf %parallel_loop3A_2213, %parallel_loop3A_2215 : vector<16xf32>
        %parallel_loop3A_2225 = arith.addf %parallel_loop3A_2118, %parallel_loop3A_2224 : vector<16xf32>
        %parallel_loop3A_2226 = arith.mulf %parallel_loop3A_2207, %parallel_loop3A_2217 : vector<16xf32>
        %parallel_loop3A_2227 = arith.addf %parallel_loop3A_2120, %parallel_loop3A_2226 : vector<16xf32>
        %parallel_loop3A_2228 = arith.mulf %parallel_loop3A_2210, %parallel_loop3A_2217 : vector<16xf32>
        %parallel_loop3A_2229 = arith.addf %parallel_loop3A_2122, %parallel_loop3A_2228 : vector<16xf32>
        %parallel_loop3A_2230 = arith.mulf %parallel_loop3A_2213, %parallel_loop3A_2217 : vector<16xf32>
        %parallel_loop3A_2231 = arith.addf %parallel_loop3A_2124, %parallel_loop3A_2230 : vector<16xf32>
        %parallel_loop3A_2232 = arith.mulf %parallel_loop3A_2207, %parallel_loop3A_2219 : vector<16xf32>
        %parallel_loop3A_2233 = arith.addf %parallel_loop3A_2126, %parallel_loop3A_2232 : vector<16xf32>
        %parallel_loop3A_2234 = arith.mulf %parallel_loop3A_2210, %parallel_loop3A_2219 : vector<16xf32>
        %parallel_loop3A_2235 = arith.addf %parallel_loop3A_2128, %parallel_loop3A_2234 : vector<16xf32>
        %parallel_loop3A_2236 = arith.mulf %parallel_loop3A_2213, %parallel_loop3A_2219 : vector<16xf32>
        %parallel_loop3A_2237 = arith.addf %parallel_loop3A_2130, %parallel_loop3A_2236 : vector<16xf32>
        %parallel_loop3A_2238 = arith.constant 2448 : index
        %parallel_loop3A_2239 = tpu.vector_load %arg15[%parallel_loop3A_2238] {strides = array<i32>} : memref<3376xf32, #tpu.memory_space<vmem>>, vector<16xf32>,
        %parallel_loop3A_2240 = arith.constant 144 : index
        %parallel_loop3A_2241 = tpu.vector_load %arg15[%parallel_loop3A_2240] {strides = array<i32>} : memref<3376xf32, #tpu.memory_space<vmem>>, vector<16xf32>,
        %parallel_loop3A_2242 = arith.mulf %parallel_loop3A_600, %parallel_loop3A_2241 : vector<16xf32>
        %parallel_loop3A_2243 = arith.addf %parallel_loop3A_2239, %parallel_loop3A_2242 : vector<16xf32>
        %parallel_loop3A_2244 = arith.mulf %parallel_loop3A_825, %parallel_loop3A_2241 : vector<16xf32>
        %parallel_loop3A_2245 = arith.addf %parallel_loop3A_2239, %parallel_loop3A_2244 : vector<16xf32>
        %parallel_loop3A_2246 = arith.mulf %parallel_loop3A_1050, %parallel_loop3A_2241 : vector<16xf32>
        %parallel_loop3A_2247 = arith.addf %parallel_loop3A_2239, %parallel_loop3A_2246 : vector<16xf32>
        %parallel_loop3A_2248 = arith.constant 400 : index
        %parallel_loop3A_2249 = tpu.vector_load %arg15[%parallel_loop3A_2248] {strides = array<i32>} : memref<3376xf32, #tpu.memory_space<vmem>>, vector<16xf32>,
        %parallel_loop3A_2250 = arith.mulf %parallel_loop3A_602, %parallel_loop3A_2249 : vector<16xf32>
        %parallel_loop3A_2251 = arith.addf %parallel_loop3A_2243, %parallel_loop3A_2250 : vector<16xf32>
        %parallel_loop3A_2252 = arith.mulf %parallel_loop3A_827, %parallel_loop3A_2249 : vector<16xf32>
        %parallel_loop3A_2253 = arith.addf %parallel_loop3A_2245, %parallel_loop3A_2252 : vector<16xf32>
        %parallel_loop3A_2254 = arith.mulf %parallel_loop3A_1052, %parallel_loop3A_2249 : vector<16xf32>
        %parallel_loop3A_2255 = arith.addf %parallel_loop3A_2247, %parallel_loop3A_2254 : vector<16xf32>
        %parallel_loop3A_2256 = arith.constant 656 : index
        %parallel_loop3A_2257 = tpu.vector_load %arg15[%parallel_loop3A_2256] {strides = array<i32>} : memref<3376xf32, #tpu.memory_space<vmem>>, vector<16xf32>,
        %parallel_loop3A_2258 = arith.mulf %parallel_loop3A_604, %parallel_loop3A_2257 : vector<16xf32>
        %parallel_loop3A_2259 = arith.addf %parallel_loop3A_2251, %parallel_loop3A_2258 : vector<16xf32>
        %parallel_loop3A_2260 = arith.mulf %parallel_loop3A_829, %parallel_loop3A_2257 : vector<16xf32>
        %parallel_loop3A_2261 = arith.addf %parallel_loop3A_2253, %parallel_loop3A_2260 : vector<16xf32>
        %parallel_loop3A_2262 = arith.mulf %parallel_loop3A_1054, %parallel_loop3A_2257 : vector<16xf32>
        %parallel_loop3A_2263 = arith.addf %parallel_loop3A_2255, %parallel_loop3A_2262 : vector<16xf32>
        %parallel_loop3A_2264 = arith.constant 912 : index
        %parallel_loop3A_2265 = tpu.vector_load %arg15[%parallel_loop3A_2264] {strides = array<i32>} : memref<3376xf32, #tpu.memory_space<vmem>>, vector<16xf32>,
        %parallel_loop3A_2266 = arith.mulf %parallel_loop3A_816, %parallel_loop3A_2265 : vector<16xf32>
        %parallel_loop3A_2267 = arith.addf %parallel_loop3A_2259, %parallel_loop3A_2266 : vector<16xf32>
        %parallel_loop3A_2268 = arith.mulf %parallel_loop3A_1041, %parallel_loop3A_2265 : vector<16xf32>
        %parallel_loop3A_2269 = arith.addf %parallel_loop3A_2261, %parallel_loop3A_2268 : vector<16xf32>
        %parallel_loop3A_2270 = arith.mulf %parallel_loop3A_1266, %parallel_loop3A_2265 : vector<16xf32>
        %parallel_loop3A_2271 = arith.addf %parallel_loop3A_2263, %parallel_loop3A_2270 : vector<16xf32>
        %parallel_loop3A_2272 = arith.constant 1168 : index
        %parallel_loop3A_2273 = tpu.vector_load %arg15[%parallel_loop3A_2272] {strides = array<i32>} : memref<3376xf32, #tpu.memory_space<vmem>>, vector<16xf32>,
        %parallel_loop3A_2274 = arith.mulf %parallel_loop3A_817, %parallel_loop3A_2273 : vector<16xf32>
        %parallel_loop3A_2275 = arith.addf %parallel_loop3A_2267, %parallel_loop3A_2274 : vector<16xf32>
        %parallel_loop3A_2276 = arith.mulf %parallel_loop3A_1042, %parallel_loop3A_2273 : vector<16xf32>
        %parallel_loop3A_2277 = arith.addf %parallel_loop3A_2269, %parallel_loop3A_2276 : vector<16xf32>
        %parallel_loop3A_2278 = arith.mulf %parallel_loop3A_1267, %parallel_loop3A_2273 : vector<16xf32>
        %parallel_loop3A_2279 = arith.addf %parallel_loop3A_2271, %parallel_loop3A_2278 : vector<16xf32>
        %parallel_loop3A_2280 = arith.constant 1424 : index
        %parallel_loop3A_2281 = tpu.vector_load %arg15[%parallel_loop3A_2280] {strides = array<i32>} : memref<3376xf32, #tpu.memory_space<vmem>>, vector<16xf32>,
        %parallel_loop3A_2282 = arith.mulf %parallel_loop3A_818, %parallel_loop3A_2281 : vector<16xf32>
        %parallel_loop3A_2283 = arith.addf %parallel_loop3A_2275, %parallel_loop3A_2282 : vector<16xf32>
        %parallel_loop3A_2284 = arith.mulf %parallel_loop3A_1043, %parallel_loop3A_2281 : vector<16xf32>
        %parallel_loop3A_2285 = arith.addf %parallel_loop3A_2277, %parallel_loop3A_2284 : vector<16xf32>
        %parallel_loop3A_2286 = arith.mulf %parallel_loop3A_1268, %parallel_loop3A_2281 : vector<16xf32>
        %parallel_loop3A_2287 = arith.addf %parallel_loop3A_2279, %parallel_loop3A_2286 : vector<16xf32>
        %parallel_loop3A_2288 = arith.constant 1680 : index
        %parallel_loop3A_2289 = tpu.vector_load %arg15[%parallel_loop3A_2288] {strides = array<i32>} : memref<3376xf32, #tpu.memory_space<vmem>>, vector<16xf32>,
        %parallel_loop3A_2290 = arith.mulf %parallel_loop3A_773, %parallel_loop3A_2289 : vector<16xf32>
        %parallel_loop3A_2291 = arith.addf %parallel_loop3A_2283, %parallel_loop3A_2290 : vector<16xf32>
        %parallel_loop3A_2292 = arith.mulf %parallel_loop3A_998, %parallel_loop3A_2289 : vector<16xf32>
        %parallel_loop3A_2293 = arith.addf %parallel_loop3A_2285, %parallel_loop3A_2292 : vector<16xf32>
        %parallel_loop3A_2294 = arith.mulf %parallel_loop3A_1223, %parallel_loop3A_2289 : vector<16xf32>
        %parallel_loop3A_2295 = arith.addf %parallel_loop3A_2287, %parallel_loop3A_2294 : vector<16xf32>
        %parallel_loop3A_2296 = arith.constant 1936 : index
        %parallel_loop3A_2297 = tpu.vector_load %arg15[%parallel_loop3A_2296] {strides = array<i32>} : memref<3376xf32, #tpu.memory_space<vmem>>, vector<16xf32>,
        %parallel_loop3A_2298 = arith.mulf %parallel_loop3A_777, %parallel_loop3A_2297 : vector<16xf32>
        %parallel_loop3A_2299 = arith.addf %parallel_loop3A_2291, %parallel_loop3A_2298 : vector<16xf32>
        %parallel_loop3A_2300 = arith.mulf %parallel_loop3A_1002, %parallel_loop3A_2297 : vector<16xf32>
        %parallel_loop3A_2301 = arith.addf %parallel_loop3A_2293, %parallel_loop3A_2300 : vector<16xf32>
        %parallel_loop3A_2302 = arith.mulf %parallel_loop3A_1227, %parallel_loop3A_2297 : vector<16xf32>
        %parallel_loop3A_2303 = arith.addf %parallel_loop3A_2295, %parallel_loop3A_2302 : vector<16xf32>
        %parallel_loop3A_2304 = arith.constant 2192 : index
        %parallel_loop3A_2305 = tpu.vector_load %arg15[%parallel_loop3A_2304] {strides = array<i32>} : memref<3376xf32, #tpu.memory_space<vmem>>, vector<16xf32>,
        %parallel_loop3A_2306 = arith.mulf %parallel_loop3A_781, %parallel_loop3A_2305 : vector<16xf32>
        %parallel_loop3A_2307 = arith.addf %parallel_loop3A_2299, %parallel_loop3A_2306 : vector<16xf32>
        %parallel_loop3A_2308 = arith.mulf %parallel_loop3A_1006, %parallel_loop3A_2305 : vector<16xf32>
        %parallel_loop3A_2309 = arith.addf %parallel_loop3A_2301, %parallel_loop3A_2308 : vector<16xf32>
        %parallel_loop3A_2310 = arith.mulf %parallel_loop3A_1231, %parallel_loop3A_2305 : vector<16xf32>
        %parallel_loop3A_2311 = arith.addf %parallel_loop3A_2303, %parallel_loop3A_2310 : vector<16xf32>
        %parallel_loop3A_2312 = arith.constant 0.000000e+00 : f32
        %parallel_loop3A_2313 = vector.broadcast %parallel_loop3A_2312 : f32 to vector<16xf32>
        %parallel_loop3A_2314 = arith.maximumf %parallel_loop3A_2307, %parallel_loop3A_2313 : vector<16xf32>
        %parallel_loop3A_2315 = arith.constant 0.000000e+00 : f32
        %parallel_loop3A_2316 = vector.broadcast %parallel_loop3A_2315 : f32 to vector<16xf32>
        %parallel_loop3A_2317 = arith.maximumf %parallel_loop3A_2309, %parallel_loop3A_2316 : vector<16xf32>
        %parallel_loop3A_2318 = arith.constant 0.000000e+00 : f32
        %parallel_loop3A_2319 = vector.broadcast %parallel_loop3A_2318 : f32 to vector<16xf32>
        %parallel_loop3A_2320 = arith.maximumf %parallel_loop3A_2311, %parallel_loop3A_2319 : vector<16xf32>
        %parallel_loop3A_2321 = arith.constant 2992 : index
        %parallel_loop3A_2322 = tpu.vector_load %arg15[%parallel_loop3A_2321] {strides = array<i32>} : memref<3376xf32, #tpu.memory_space<vmem>>, vector<16xf32>,
        %parallel_loop3A_2323 = arith.constant 3008 : index
        %parallel_loop3A_2324 = tpu.vector_load %arg15[%parallel_loop3A_2323] {strides = array<i32>} : memref<3376xf32, #tpu.memory_space<vmem>>, vector<16xf32>,
        %parallel_loop3A_2325 = arith.constant 3024 : index
        %parallel_loop3A_2326 = tpu.vector_load %arg15[%parallel_loop3A_2325] {strides = array<i32>} : memref<3376xf32, #tpu.memory_space<vmem>>, vector<16xf32>,
        %parallel_loop3A_2327 = arith.mulf %parallel_loop3A_2314, %parallel_loop3A_2322 : vector<16xf32>
        %parallel_loop3A_2328 = arith.addf %parallel_loop3A_2221, %parallel_loop3A_2327 : vector<16xf32>
        %parallel_loop3A_2329 = arith.mulf %parallel_loop3A_2317, %parallel_loop3A_2322 : vector<16xf32>
        %parallel_loop3A_2330 = arith.addf %parallel_loop3A_2223, %parallel_loop3A_2329 : vector<16xf32>
        %parallel_loop3A_2331 = arith.mulf %parallel_loop3A_2320, %parallel_loop3A_2322 : vector<16xf32>
        %parallel_loop3A_2332 = arith.addf %parallel_loop3A_2225, %parallel_loop3A_2331 : vector<16xf32>
        %parallel_loop3A_2333 = arith.mulf %parallel_loop3A_2314, %parallel_loop3A_2324 : vector<16xf32>
        %parallel_loop3A_2334 = arith.addf %parallel_loop3A_2227, %parallel_loop3A_2333 : vector<16xf32>
        %parallel_loop3A_2335 = arith.mulf %parallel_loop3A_2317, %parallel_loop3A_2324 : vector<16xf32>
        %parallel_loop3A_2336 = arith.addf %parallel_loop3A_2229, %parallel_loop3A_2335 : vector<16xf32>
        %parallel_loop3A_2337 = arith.mulf %parallel_loop3A_2320, %parallel_loop3A_2324 : vector<16xf32>
        %parallel_loop3A_2338 = arith.addf %parallel_loop3A_2231, %parallel_loop3A_2337 : vector<16xf32>
        %parallel_loop3A_2339 = arith.mulf %parallel_loop3A_2314, %parallel_loop3A_2326 : vector<16xf32>
        %parallel_loop3A_2340 = arith.addf %parallel_loop3A_2233, %parallel_loop3A_2339 : vector<16xf32>
        %parallel_loop3A_2341 = arith.mulf %parallel_loop3A_2317, %parallel_loop3A_2326 : vector<16xf32>
        %parallel_loop3A_2342 = arith.addf %parallel_loop3A_2235, %parallel_loop3A_2341 : vector<16xf32>
        %parallel_loop3A_2343 = arith.mulf %parallel_loop3A_2320, %parallel_loop3A_2326 : vector<16xf32>
        %parallel_loop3A_2344 = arith.addf %parallel_loop3A_2237, %parallel_loop3A_2343 : vector<16xf32>
        %parallel_loop3A_2345 = arith.constant 2464 : index
        %parallel_loop3A_2346 = tpu.vector_load %arg15[%parallel_loop3A_2345] {strides = array<i32>} : memref<3376xf32, #tpu.memory_space<vmem>>, vector<16xf32>,
        %parallel_loop3A_2347 = arith.constant 160 : index
        %parallel_loop3A_2348 = tpu.vector_load %arg15[%parallel_loop3A_2347] {strides = array<i32>} : memref<3376xf32, #tpu.memory_space<vmem>>, vector<16xf32>,
        %parallel_loop3A_2349 = arith.mulf %parallel_loop3A_600, %parallel_loop3A_2348 : vector<16xf32>
        %parallel_loop3A_2350 = arith.addf %parallel_loop3A_2346, %parallel_loop3A_2349 : vector<16xf32>
        %parallel_loop3A_2351 = arith.mulf %parallel_loop3A_825, %parallel_loop3A_2348 : vector<16xf32>
        %parallel_loop3A_2352 = arith.addf %parallel_loop3A_2346, %parallel_loop3A_2351 : vector<16xf32>
        %parallel_loop3A_2353 = arith.mulf %parallel_loop3A_1050, %parallel_loop3A_2348 : vector<16xf32>
        %parallel_loop3A_2354 = arith.addf %parallel_loop3A_2346, %parallel_loop3A_2353 : vector<16xf32>
        %parallel_loop3A_2355 = arith.constant 416 : index
        %parallel_loop3A_2356 = tpu.vector_load %arg15[%parallel_loop3A_2355] {strides = array<i32>} : memref<3376xf32, #tpu.memory_space<vmem>>, vector<16xf32>,
        %parallel_loop3A_2357 = arith.mulf %parallel_loop3A_602, %parallel_loop3A_2356 : vector<16xf32>
        %parallel_loop3A_2358 = arith.addf %parallel_loop3A_2350, %parallel_loop3A_2357 : vector<16xf32>
        %parallel_loop3A_2359 = arith.mulf %parallel_loop3A_827, %parallel_loop3A_2356 : vector<16xf32>
        %parallel_loop3A_2360 = arith.addf %parallel_loop3A_2352, %parallel_loop3A_2359 : vector<16xf32>
        %parallel_loop3A_2361 = arith.mulf %parallel_loop3A_1052, %parallel_loop3A_2356 : vector<16xf32>
        %parallel_loop3A_2362 = arith.addf %parallel_loop3A_2354, %parallel_loop3A_2361 : vector<16xf32>
        %parallel_loop3A_2363 = arith.constant 672 : index
        %parallel_loop3A_2364 = tpu.vector_load %arg15[%parallel_loop3A_2363] {strides = array<i32>} : memref<3376xf32, #tpu.memory_space<vmem>>, vector<16xf32>,
        %parallel_loop3A_2365 = arith.mulf %parallel_loop3A_604, %parallel_loop3A_2364 : vector<16xf32>
        %parallel_loop3A_2366 = arith.addf %parallel_loop3A_2358, %parallel_loop3A_2365 : vector<16xf32>
        %parallel_loop3A_2367 = arith.mulf %parallel_loop3A_829, %parallel_loop3A_2364 : vector<16xf32>
        %parallel_loop3A_2368 = arith.addf %parallel_loop3A_2360, %parallel_loop3A_2367 : vector<16xf32>
        %parallel_loop3A_2369 = arith.mulf %parallel_loop3A_1054, %parallel_loop3A_2364 : vector<16xf32>
        %parallel_loop3A_2370 = arith.addf %parallel_loop3A_2362, %parallel_loop3A_2369 : vector<16xf32>
        %parallel_loop3A_2371 = arith.constant 928 : index
        %parallel_loop3A_2372 = tpu.vector_load %arg15[%parallel_loop3A_2371] {strides = array<i32>} : memref<3376xf32, #tpu.memory_space<vmem>>, vector<16xf32>,
        %parallel_loop3A_2373 = arith.mulf %parallel_loop3A_816, %parallel_loop3A_2372 : vector<16xf32>
        %parallel_loop3A_2374 = arith.addf %parallel_loop3A_2366, %parallel_loop3A_2373 : vector<16xf32>
        %parallel_loop3A_2375 = arith.mulf %parallel_loop3A_1041, %parallel_loop3A_2372 : vector<16xf32>
        %parallel_loop3A_2376 = arith.addf %parallel_loop3A_2368, %parallel_loop3A_2375 : vector<16xf32>
        %parallel_loop3A_2377 = arith.mulf %parallel_loop3A_1266, %parallel_loop3A_2372 : vector<16xf32>
        %parallel_loop3A_2378 = arith.addf %parallel_loop3A_2370, %parallel_loop3A_2377 : vector<16xf32>
        %parallel_loop3A_2379 = arith.constant 1184 : index
        %parallel_loop3A_2380 = tpu.vector_load %arg15[%parallel_loop3A_2379] {strides = array<i32>} : memref<3376xf32, #tpu.memory_space<vmem>>, vector<16xf32>,
        %parallel_loop3A_2381 = arith.mulf %parallel_loop3A_817, %parallel_loop3A_2380 : vector<16xf32>
        %parallel_loop3A_2382 = arith.addf %parallel_loop3A_2374, %parallel_loop3A_2381 : vector<16xf32>
        %parallel_loop3A_2383 = arith.mulf %parallel_loop3A_1042, %parallel_loop3A_2380 : vector<16xf32>
        %parallel_loop3A_2384 = arith.addf %parallel_loop3A_2376, %parallel_loop3A_2383 : vector<16xf32>
        %parallel_loop3A_2385 = arith.mulf %parallel_loop3A_1267, %parallel_loop3A_2380 : vector<16xf32>
        %parallel_loop3A_2386 = arith.addf %parallel_loop3A_2378, %parallel_loop3A_2385 : vector<16xf32>
        %parallel_loop3A_2387 = arith.constant 1440 : index
        %parallel_loop3A_2388 = tpu.vector_load %arg15[%parallel_loop3A_2387] {strides = array<i32>} : memref<3376xf32, #tpu.memory_space<vmem>>, vector<16xf32>,
        %parallel_loop3A_2389 = arith.mulf %parallel_loop3A_818, %parallel_loop3A_2388 : vector<16xf32>
        %parallel_loop3A_2390 = arith.addf %parallel_loop3A_2382, %parallel_loop3A_2389 : vector<16xf32>
        %parallel_loop3A_2391 = arith.mulf %parallel_loop3A_1043, %parallel_loop3A_2388 : vector<16xf32>
        %parallel_loop3A_2392 = arith.addf %parallel_loop3A_2384, %parallel_loop3A_2391 : vector<16xf32>
        %parallel_loop3A_2393 = arith.mulf %parallel_loop3A_1268, %parallel_loop3A_2388 : vector<16xf32>
        %parallel_loop3A_2394 = arith.addf %parallel_loop3A_2386, %parallel_loop3A_2393 : vector<16xf32>
        %parallel_loop3A_2395 = arith.constant 1696 : index
        %parallel_loop3A_2396 = tpu.vector_load %arg15[%parallel_loop3A_2395] {strides = array<i32>} : memref<3376xf32, #tpu.memory_space<vmem>>, vector<16xf32>,
        %parallel_loop3A_2397 = arith.mulf %parallel_loop3A_773, %parallel_loop3A_2396 : vector<16xf32>
        %parallel_loop3A_2398 = arith.addf %parallel_loop3A_2390, %parallel_loop3A_2397 : vector<16xf32>
        %parallel_loop3A_2399 = arith.mulf %parallel_loop3A_998, %parallel_loop3A_2396 : vector<16xf32>
        %parallel_loop3A_2400 = arith.addf %parallel_loop3A_2392, %parallel_loop3A_2399 : vector<16xf32>
        %parallel_loop3A_2401 = arith.mulf %parallel_loop3A_1223, %parallel_loop3A_2396 : vector<16xf32>
        %parallel_loop3A_2402 = arith.addf %parallel_loop3A_2394, %parallel_loop3A_2401 : vector<16xf32>
        %parallel_loop3A_2403 = arith.constant 1952 : index
        %parallel_loop3A_2404 = tpu.vector_load %arg15[%parallel_loop3A_2403] {strides = array<i32>} : memref<3376xf32, #tpu.memory_space<vmem>>, vector<16xf32>,
        %parallel_loop3A_2405 = arith.mulf %parallel_loop3A_777, %parallel_loop3A_2404 : vector<16xf32>
        %parallel_loop3A_2406 = arith.addf %parallel_loop3A_2398, %parallel_loop3A_2405 : vector<16xf32>
        %parallel_loop3A_2407 = arith.mulf %parallel_loop3A_1002, %parallel_loop3A_2404 : vector<16xf32>
        %parallel_loop3A_2408 = arith.addf %parallel_loop3A_2400, %parallel_loop3A_2407 : vector<16xf32>
        %parallel_loop3A_2409 = arith.mulf %parallel_loop3A_1227, %parallel_loop3A_2404 : vector<16xf32>
        %parallel_loop3A_2410 = arith.addf %parallel_loop3A_2402, %parallel_loop3A_2409 : vector<16xf32>
        %parallel_loop3A_2411 = arith.constant 2208 : index
        %parallel_loop3A_2412 = tpu.vector_load %arg15[%parallel_loop3A_2411] {strides = array<i32>} : memref<3376xf32, #tpu.memory_space<vmem>>, vector<16xf32>,
        %parallel_loop3A_2413 = arith.mulf %parallel_loop3A_781, %parallel_loop3A_2412 : vector<16xf32>
        %parallel_loop3A_2414 = arith.addf %parallel_loop3A_2406, %parallel_loop3A_2413 : vector<16xf32>
        %parallel_loop3A_2415 = arith.mulf %parallel_loop3A_1006, %parallel_loop3A_2412 : vector<16xf32>
        %parallel_loop3A_2416 = arith.addf %parallel_loop3A_2408, %parallel_loop3A_2415 : vector<16xf32>
        %parallel_loop3A_2417 = arith.mulf %parallel_loop3A_1231, %parallel_loop3A_2412 : vector<16xf32>
        %parallel_loop3A_2418 = arith.addf %parallel_loop3A_2410, %parallel_loop3A_2417 : vector<16xf32>
        %parallel_loop3A_2419 = arith.constant 0.000000e+00 : f32
        %parallel_loop3A_2420 = vector.broadcast %parallel_loop3A_2419 : f32 to vector<16xf32>
        %parallel_loop3A_2421 = arith.maximumf %parallel_loop3A_2414, %parallel_loop3A_2420 : vector<16xf32>
        %parallel_loop3A_2422 = arith.constant 0.000000e+00 : f32
        %parallel_loop3A_2423 = vector.broadcast %parallel_loop3A_2422 : f32 to vector<16xf32>
        %parallel_loop3A_2424 = arith.maximumf %parallel_loop3A_2416, %parallel_loop3A_2423 : vector<16xf32>
        %parallel_loop3A_2425 = arith.constant 0.000000e+00 : f32
        %parallel_loop3A_2426 = vector.broadcast %parallel_loop3A_2425 : f32 to vector<16xf32>
        %parallel_loop3A_2427 = arith.maximumf %parallel_loop3A_2418, %parallel_loop3A_2426 : vector<16xf32>
        %parallel_loop3A_2428 = arith.constant 3040 : index
        %parallel_loop3A_2429 = tpu.vector_load %arg15[%parallel_loop3A_2428] {strides = array<i32>} : memref<3376xf32, #tpu.memory_space<vmem>>, vector<16xf32>,
        %parallel_loop3A_2430 = arith.constant 3056 : index
        %parallel_loop3A_2431 = tpu.vector_load %arg15[%parallel_loop3A_2430] {strides = array<i32>} : memref<3376xf32, #tpu.memory_space<vmem>>, vector<16xf32>,
        %parallel_loop3A_2432 = arith.constant 3072 : index
        %parallel_loop3A_2433 = tpu.vector_load %arg15[%parallel_loop3A_2432] {strides = array<i32>} : memref<3376xf32, #tpu.memory_space<vmem>>, vector<16xf32>,
        %parallel_loop3A_2434 = arith.mulf %parallel_loop3A_2421, %parallel_loop3A_2429 : vector<16xf32>
        %parallel_loop3A_2435 = arith.addf %parallel_loop3A_2328, %parallel_loop3A_2434 : vector<16xf32>
        %parallel_loop3A_2436 = arith.mulf %parallel_loop3A_2424, %parallel_loop3A_2429 : vector<16xf32>
        %parallel_loop3A_2437 = arith.addf %parallel_loop3A_2330, %parallel_loop3A_2436 : vector<16xf32>
        %parallel_loop3A_2438 = arith.mulf %parallel_loop3A_2427, %parallel_loop3A_2429 : vector<16xf32>
        %parallel_loop3A_2439 = arith.addf %parallel_loop3A_2332, %parallel_loop3A_2438 : vector<16xf32>
        %parallel_loop3A_2440 = arith.mulf %parallel_loop3A_2421, %parallel_loop3A_2431 : vector<16xf32>
        %parallel_loop3A_2441 = arith.addf %parallel_loop3A_2334, %parallel_loop3A_2440 : vector<16xf32>
        %parallel_loop3A_2442 = arith.mulf %parallel_loop3A_2424, %parallel_loop3A_2431 : vector<16xf32>
        %parallel_loop3A_2443 = arith.addf %parallel_loop3A_2336, %parallel_loop3A_2442 : vector<16xf32>
        %parallel_loop3A_2444 = arith.mulf %parallel_loop3A_2427, %parallel_loop3A_2431 : vector<16xf32>
        %parallel_loop3A_2445 = arith.addf %parallel_loop3A_2338, %parallel_loop3A_2444 : vector<16xf32>
        %parallel_loop3A_2446 = arith.mulf %parallel_loop3A_2421, %parallel_loop3A_2433 : vector<16xf32>
        %parallel_loop3A_2447 = arith.addf %parallel_loop3A_2340, %parallel_loop3A_2446 : vector<16xf32>
        %parallel_loop3A_2448 = arith.mulf %parallel_loop3A_2424, %parallel_loop3A_2433 : vector<16xf32>
        %parallel_loop3A_2449 = arith.addf %parallel_loop3A_2342, %parallel_loop3A_2448 : vector<16xf32>
        %parallel_loop3A_2450 = arith.mulf %parallel_loop3A_2427, %parallel_loop3A_2433 : vector<16xf32>
        %parallel_loop3A_2451 = arith.addf %parallel_loop3A_2344, %parallel_loop3A_2450 : vector<16xf32>
        %parallel_loop3A_2452 = arith.constant 2480 : index
        %parallel_loop3A_2453 = tpu.vector_load %arg15[%parallel_loop3A_2452] {strides = array<i32>} : memref<3376xf32, #tpu.memory_space<vmem>>, vector<16xf32>,
        %parallel_loop3A_2454 = arith.constant 176 : index
        %parallel_loop3A_2455 = tpu.vector_load %arg15[%parallel_loop3A_2454] {strides = array<i32>} : memref<3376xf32, #tpu.memory_space<vmem>>, vector<16xf32>,
        %parallel_loop3A_2456 = arith.mulf %parallel_loop3A_600, %parallel_loop3A_2455 : vector<16xf32>
        %parallel_loop3A_2457 = arith.addf %parallel_loop3A_2453, %parallel_loop3A_2456 : vector<16xf32>
        %parallel_loop3A_2458 = arith.mulf %parallel_loop3A_825, %parallel_loop3A_2455 : vector<16xf32>
        %parallel_loop3A_2459 = arith.addf %parallel_loop3A_2453, %parallel_loop3A_2458 : vector<16xf32>
        %parallel_loop3A_2460 = arith.mulf %parallel_loop3A_1050, %parallel_loop3A_2455 : vector<16xf32>
        %parallel_loop3A_2461 = arith.addf %parallel_loop3A_2453, %parallel_loop3A_2460 : vector<16xf32>
        %parallel_loop3A_2462 = arith.constant 432 : index
        %parallel_loop3A_2463 = tpu.vector_load %arg15[%parallel_loop3A_2462] {strides = array<i32>} : memref<3376xf32, #tpu.memory_space<vmem>>, vector<16xf32>,
        %parallel_loop3A_2464 = arith.mulf %parallel_loop3A_602, %parallel_loop3A_2463 : vector<16xf32>
        %parallel_loop3A_2465 = arith.addf %parallel_loop3A_2457, %parallel_loop3A_2464 : vector<16xf32>
        %parallel_loop3A_2466 = arith.mulf %parallel_loop3A_827, %parallel_loop3A_2463 : vector<16xf32>
        %parallel_loop3A_2467 = arith.addf %parallel_loop3A_2459, %parallel_loop3A_2466 : vector<16xf32>
        %parallel_loop3A_2468 = arith.mulf %parallel_loop3A_1052, %parallel_loop3A_2463 : vector<16xf32>
        %parallel_loop3A_2469 = arith.addf %parallel_loop3A_2461, %parallel_loop3A_2468 : vector<16xf32>
        %parallel_loop3A_2470 = arith.constant 688 : index
        %parallel_loop3A_2471 = tpu.vector_load %arg15[%parallel_loop3A_2470] {strides = array<i32>} : memref<3376xf32, #tpu.memory_space<vmem>>, vector<16xf32>,
        %parallel_loop3A_2472 = arith.mulf %parallel_loop3A_604, %parallel_loop3A_2471 : vector<16xf32>
        %parallel_loop3A_2473 = arith.addf %parallel_loop3A_2465, %parallel_loop3A_2472 : vector<16xf32>
        %parallel_loop3A_2474 = arith.mulf %parallel_loop3A_829, %parallel_loop3A_2471 : vector<16xf32>
        %parallel_loop3A_2475 = arith.addf %parallel_loop3A_2467, %parallel_loop3A_2474 : vector<16xf32>
        %parallel_loop3A_2476 = arith.mulf %parallel_loop3A_1054, %parallel_loop3A_2471 : vector<16xf32>
        %parallel_loop3A_2477 = arith.addf %parallel_loop3A_2469, %parallel_loop3A_2476 : vector<16xf32>
        %parallel_loop3A_2478 = arith.constant 944 : index
        %parallel_loop3A_2479 = tpu.vector_load %arg15[%parallel_loop3A_2478] {strides = array<i32>} : memref<3376xf32, #tpu.memory_space<vmem>>, vector<16xf32>,
        %parallel_loop3A_2480 = arith.mulf %parallel_loop3A_816, %parallel_loop3A_2479 : vector<16xf32>
        %parallel_loop3A_2481 = arith.addf %parallel_loop3A_2473, %parallel_loop3A_2480 : vector<16xf32>
        %parallel_loop3A_2482 = arith.mulf %parallel_loop3A_1041, %parallel_loop3A_2479 : vector<16xf32>
        %parallel_loop3A_2483 = arith.addf %parallel_loop3A_2475, %parallel_loop3A_2482 : vector<16xf32>
        %parallel_loop3A_2484 = arith.mulf %parallel_loop3A_1266, %parallel_loop3A_2479 : vector<16xf32>
        %parallel_loop3A_2485 = arith.addf %parallel_loop3A_2477, %parallel_loop3A_2484 : vector<16xf32>
        %parallel_loop3A_2486 = arith.constant 1200 : index
        %parallel_loop3A_2487 = tpu.vector_load %arg15[%parallel_loop3A_2486] {strides = array<i32>} : memref<3376xf32, #tpu.memory_space<vmem>>, vector<16xf32>,
        %parallel_loop3A_2488 = arith.mulf %parallel_loop3A_817, %parallel_loop3A_2487 : vector<16xf32>
        %parallel_loop3A_2489 = arith.addf %parallel_loop3A_2481, %parallel_loop3A_2488 : vector<16xf32>
        %parallel_loop3A_2490 = arith.mulf %parallel_loop3A_1042, %parallel_loop3A_2487 : vector<16xf32>
        %parallel_loop3A_2491 = arith.addf %parallel_loop3A_2483, %parallel_loop3A_2490 : vector<16xf32>
        %parallel_loop3A_2492 = arith.mulf %parallel_loop3A_1267, %parallel_loop3A_2487 : vector<16xf32>
        %parallel_loop3A_2493 = arith.addf %parallel_loop3A_2485, %parallel_loop3A_2492 : vector<16xf32>
        %parallel_loop3A_2494 = arith.constant 1456 : index
        %parallel_loop3A_2495 = tpu.vector_load %arg15[%parallel_loop3A_2494] {strides = array<i32>} : memref<3376xf32, #tpu.memory_space<vmem>>, vector<16xf32>,
        %parallel_loop3A_2496 = arith.mulf %parallel_loop3A_818, %parallel_loop3A_2495 : vector<16xf32>
        %parallel_loop3A_2497 = arith.addf %parallel_loop3A_2489, %parallel_loop3A_2496 : vector<16xf32>
        %parallel_loop3A_2498 = arith.mulf %parallel_loop3A_1043, %parallel_loop3A_2495 : vector<16xf32>
        %parallel_loop3A_2499 = arith.addf %parallel_loop3A_2491, %parallel_loop3A_2498 : vector<16xf32>
        %parallel_loop3A_2500 = arith.mulf %parallel_loop3A_1268, %parallel_loop3A_2495 : vector<16xf32>
        %parallel_loop3A_2501 = arith.addf %parallel_loop3A_2493, %parallel_loop3A_2500 : vector<16xf32>
        %parallel_loop3A_2502 = arith.constant 1712 : index
        %parallel_loop3A_2503 = tpu.vector_load %arg15[%parallel_loop3A_2502] {strides = array<i32>} : memref<3376xf32, #tpu.memory_space<vmem>>, vector<16xf32>,
        %parallel_loop3A_2504 = arith.mulf %parallel_loop3A_773, %parallel_loop3A_2503 : vector<16xf32>
        %parallel_loop3A_2505 = arith.addf %parallel_loop3A_2497, %parallel_loop3A_2504 : vector<16xf32>
        %parallel_loop3A_2506 = arith.mulf %parallel_loop3A_998, %parallel_loop3A_2503 : vector<16xf32>
        %parallel_loop3A_2507 = arith.addf %parallel_loop3A_2499, %parallel_loop3A_2506 : vector<16xf32>
        %parallel_loop3A_2508 = arith.mulf %parallel_loop3A_1223, %parallel_loop3A_2503 : vector<16xf32>
        %parallel_loop3A_2509 = arith.addf %parallel_loop3A_2501, %parallel_loop3A_2508 : vector<16xf32>
        %parallel_loop3A_2510 = arith.constant 1968 : index
        %parallel_loop3A_2511 = tpu.vector_load %arg15[%parallel_loop3A_2510] {strides = array<i32>} : memref<3376xf32, #tpu.memory_space<vmem>>, vector<16xf32>,
        %parallel_loop3A_2512 = arith.mulf %parallel_loop3A_777, %parallel_loop3A_2511 : vector<16xf32>
        %parallel_loop3A_2513 = arith.addf %parallel_loop3A_2505, %parallel_loop3A_2512 : vector<16xf32>
        %parallel_loop3A_2514 = arith.mulf %parallel_loop3A_1002, %parallel_loop3A_2511 : vector<16xf32>
        %parallel_loop3A_2515 = arith.addf %parallel_loop3A_2507, %parallel_loop3A_2514 : vector<16xf32>
        %parallel_loop3A_2516 = arith.mulf %parallel_loop3A_1227, %parallel_loop3A_2511 : vector<16xf32>
        %parallel_loop3A_2517 = arith.addf %parallel_loop3A_2509, %parallel_loop3A_2516 : vector<16xf32>
        %parallel_loop3A_2518 = arith.constant 2224 : index
        %parallel_loop3A_2519 = tpu.vector_load %arg15[%parallel_loop3A_2518] {strides = array<i32>} : memref<3376xf32, #tpu.memory_space<vmem>>, vector<16xf32>,
        %parallel_loop3A_2520 = arith.mulf %parallel_loop3A_781, %parallel_loop3A_2519 : vector<16xf32>
        %parallel_loop3A_2521 = arith.addf %parallel_loop3A_2513, %parallel_loop3A_2520 : vector<16xf32>
        %parallel_loop3A_2522 = arith.mulf %parallel_loop3A_1006, %parallel_loop3A_2519 : vector<16xf32>
        %parallel_loop3A_2523 = arith.addf %parallel_loop3A_2515, %parallel_loop3A_2522 : vector<16xf32>
        %parallel_loop3A_2524 = arith.mulf %parallel_loop3A_1231, %parallel_loop3A_2519 : vector<16xf32>
        %parallel_loop3A_2525 = arith.addf %parallel_loop3A_2517, %parallel_loop3A_2524 : vector<16xf32>
        %parallel_loop3A_2526 = arith.constant 0.000000e+00 : f32
        %parallel_loop3A_2527 = vector.broadcast %parallel_loop3A_2526 : f32 to vector<16xf32>
        %parallel_loop3A_2528 = arith.maximumf %parallel_loop3A_2521, %parallel_loop3A_2527 : vector<16xf32>
        %parallel_loop3A_2529 = arith.constant 0.000000e+00 : f32
        %parallel_loop3A_2530 = vector.broadcast %parallel_loop3A_2529 : f32 to vector<16xf32>
        %parallel_loop3A_2531 = arith.maximumf %parallel_loop3A_2523, %parallel_loop3A_2530 : vector<16xf32>
        %parallel_loop3A_2532 = arith.constant 0.000000e+00 : f32
        %parallel_loop3A_2533 = vector.broadcast %parallel_loop3A_2532 : f32 to vector<16xf32>
        %parallel_loop3A_2534 = arith.maximumf %parallel_loop3A_2525, %parallel_loop3A_2533 : vector<16xf32>
        %parallel_loop3A_2535 = arith.constant 3088 : index
        %parallel_loop3A_2536 = tpu.vector_load %arg15[%parallel_loop3A_2535] {strides = array<i32>} : memref<3376xf32, #tpu.memory_space<vmem>>, vector<16xf32>,
        %parallel_loop3A_2537 = arith.constant 3104 : index
        %parallel_loop3A_2538 = tpu.vector_load %arg15[%parallel_loop3A_2537] {strides = array<i32>} : memref<3376xf32, #tpu.memory_space<vmem>>, vector<16xf32>,
        %parallel_loop3A_2539 = arith.constant 3120 : index
        %parallel_loop3A_2540 = tpu.vector_load %arg15[%parallel_loop3A_2539] {strides = array<i32>} : memref<3376xf32, #tpu.memory_space<vmem>>, vector<16xf32>,
        %parallel_loop3A_2541 = arith.mulf %parallel_loop3A_2528, %parallel_loop3A_2536 : vector<16xf32>
        %parallel_loop3A_2542 = arith.addf %parallel_loop3A_2435, %parallel_loop3A_2541 : vector<16xf32>
        %parallel_loop3A_2543 = arith.mulf %parallel_loop3A_2531, %parallel_loop3A_2536 : vector<16xf32>
        %parallel_loop3A_2544 = arith.addf %parallel_loop3A_2437, %parallel_loop3A_2543 : vector<16xf32>
        %parallel_loop3A_2545 = arith.mulf %parallel_loop3A_2534, %parallel_loop3A_2536 : vector<16xf32>
        %parallel_loop3A_2546 = arith.addf %parallel_loop3A_2439, %parallel_loop3A_2545 : vector<16xf32>
        %parallel_loop3A_2547 = arith.mulf %parallel_loop3A_2528, %parallel_loop3A_2538 : vector<16xf32>
        %parallel_loop3A_2548 = arith.addf %parallel_loop3A_2441, %parallel_loop3A_2547 : vector<16xf32>
        %parallel_loop3A_2549 = arith.mulf %parallel_loop3A_2531, %parallel_loop3A_2538 : vector<16xf32>
        %parallel_loop3A_2550 = arith.addf %parallel_loop3A_2443, %parallel_loop3A_2549 : vector<16xf32>
        %parallel_loop3A_2551 = arith.mulf %parallel_loop3A_2534, %parallel_loop3A_2538 : vector<16xf32>
        %parallel_loop3A_2552 = arith.addf %parallel_loop3A_2445, %parallel_loop3A_2551 : vector<16xf32>
        %parallel_loop3A_2553 = arith.mulf %parallel_loop3A_2528, %parallel_loop3A_2540 : vector<16xf32>
        %parallel_loop3A_2554 = arith.addf %parallel_loop3A_2447, %parallel_loop3A_2553 : vector<16xf32>
        %parallel_loop3A_2555 = arith.mulf %parallel_loop3A_2531, %parallel_loop3A_2540 : vector<16xf32>
        %parallel_loop3A_2556 = arith.addf %parallel_loop3A_2449, %parallel_loop3A_2555 : vector<16xf32>
        %parallel_loop3A_2557 = arith.mulf %parallel_loop3A_2534, %parallel_loop3A_2540 : vector<16xf32>
        %parallel_loop3A_2558 = arith.addf %parallel_loop3A_2451, %parallel_loop3A_2557 : vector<16xf32>
        %parallel_loop3A_2559 = arith.constant 2496 : index
        %parallel_loop3A_2560 = tpu.vector_load %arg15[%parallel_loop3A_2559] {strides = array<i32>} : memref<3376xf32, #tpu.memory_space<vmem>>, vector<16xf32>,
        %parallel_loop3A_2561 = arith.constant 192 : index
        %parallel_loop3A_2562 = tpu.vector_load %arg15[%parallel_loop3A_2561] {strides = array<i32>} : memref<3376xf32, #tpu.memory_space<vmem>>, vector<16xf32>,
        %parallel_loop3A_2563 = arith.mulf %parallel_loop3A_600, %parallel_loop3A_2562 : vector<16xf32>
        %parallel_loop3A_2564 = arith.addf %parallel_loop3A_2560, %parallel_loop3A_2563 : vector<16xf32>
        %parallel_loop3A_2565 = arith.mulf %parallel_loop3A_825, %parallel_loop3A_2562 : vector<16xf32>
        %parallel_loop3A_2566 = arith.addf %parallel_loop3A_2560, %parallel_loop3A_2565 : vector<16xf32>
        %parallel_loop3A_2567 = arith.mulf %parallel_loop3A_1050, %parallel_loop3A_2562 : vector<16xf32>
        %parallel_loop3A_2568 = arith.addf %parallel_loop3A_2560, %parallel_loop3A_2567 : vector<16xf32>
        %parallel_loop3A_2569 = arith.constant 448 : index
        %parallel_loop3A_2570 = tpu.vector_load %arg15[%parallel_loop3A_2569] {strides = array<i32>} : memref<3376xf32, #tpu.memory_space<vmem>>, vector<16xf32>,
        %parallel_loop3A_2571 = arith.mulf %parallel_loop3A_602, %parallel_loop3A_2570 : vector<16xf32>
        %parallel_loop3A_2572 = arith.addf %parallel_loop3A_2564, %parallel_loop3A_2571 : vector<16xf32>
        %parallel_loop3A_2573 = arith.mulf %parallel_loop3A_827, %parallel_loop3A_2570 : vector<16xf32>
        %parallel_loop3A_2574 = arith.addf %parallel_loop3A_2566, %parallel_loop3A_2573 : vector<16xf32>
        %parallel_loop3A_2575 = arith.mulf %parallel_loop3A_1052, %parallel_loop3A_2570 : vector<16xf32>
        %parallel_loop3A_2576 = arith.addf %parallel_loop3A_2568, %parallel_loop3A_2575 : vector<16xf32>
        %parallel_loop3A_2577 = arith.constant 704 : index
        %parallel_loop3A_2578 = tpu.vector_load %arg15[%parallel_loop3A_2577] {strides = array<i32>} : memref<3376xf32, #tpu.memory_space<vmem>>, vector<16xf32>,
        %parallel_loop3A_2579 = arith.mulf %parallel_loop3A_604, %parallel_loop3A_2578 : vector<16xf32>
        %parallel_loop3A_2580 = arith.addf %parallel_loop3A_2572, %parallel_loop3A_2579 : vector<16xf32>
        %parallel_loop3A_2581 = arith.mulf %parallel_loop3A_829, %parallel_loop3A_2578 : vector<16xf32>
        %parallel_loop3A_2582 = arith.addf %parallel_loop3A_2574, %parallel_loop3A_2581 : vector<16xf32>
        %parallel_loop3A_2583 = arith.mulf %parallel_loop3A_1054, %parallel_loop3A_2578 : vector<16xf32>
        %parallel_loop3A_2584 = arith.addf %parallel_loop3A_2576, %parallel_loop3A_2583 : vector<16xf32>
        %parallel_loop3A_2585 = arith.constant 960 : index
        %parallel_loop3A_2586 = tpu.vector_load %arg15[%parallel_loop3A_2585] {strides = array<i32>} : memref<3376xf32, #tpu.memory_space<vmem>>, vector<16xf32>,
        %parallel_loop3A_2587 = arith.mulf %parallel_loop3A_816, %parallel_loop3A_2586 : vector<16xf32>
        %parallel_loop3A_2588 = arith.addf %parallel_loop3A_2580, %parallel_loop3A_2587 : vector<16xf32>
        %parallel_loop3A_2589 = arith.mulf %parallel_loop3A_1041, %parallel_loop3A_2586 : vector<16xf32>
        %parallel_loop3A_2590 = arith.addf %parallel_loop3A_2582, %parallel_loop3A_2589 : vector<16xf32>
        %parallel_loop3A_2591 = arith.mulf %parallel_loop3A_1266, %parallel_loop3A_2586 : vector<16xf32>
        %parallel_loop3A_2592 = arith.addf %parallel_loop3A_2584, %parallel_loop3A_2591 : vector<16xf32>
        %parallel_loop3A_2593 = arith.constant 1216 : index
        %parallel_loop3A_2594 = tpu.vector_load %arg15[%parallel_loop3A_2593] {strides = array<i32>} : memref<3376xf32, #tpu.memory_space<vmem>>, vector<16xf32>,
        %parallel_loop3A_2595 = arith.mulf %parallel_loop3A_817, %parallel_loop3A_2594 : vector<16xf32>
        %parallel_loop3A_2596 = arith.addf %parallel_loop3A_2588, %parallel_loop3A_2595 : vector<16xf32>
        %parallel_loop3A_2597 = arith.mulf %parallel_loop3A_1042, %parallel_loop3A_2594 : vector<16xf32>
        %parallel_loop3A_2598 = arith.addf %parallel_loop3A_2590, %parallel_loop3A_2597 : vector<16xf32>
        %parallel_loop3A_2599 = arith.mulf %parallel_loop3A_1267, %parallel_loop3A_2594 : vector<16xf32>
        %parallel_loop3A_2600 = arith.addf %parallel_loop3A_2592, %parallel_loop3A_2599 : vector<16xf32>
        %parallel_loop3A_2601 = arith.constant 1472 : index
        %parallel_loop3A_2602 = tpu.vector_load %arg15[%parallel_loop3A_2601] {strides = array<i32>} : memref<3376xf32, #tpu.memory_space<vmem>>, vector<16xf32>,
        %parallel_loop3A_2603 = arith.mulf %parallel_loop3A_818, %parallel_loop3A_2602 : vector<16xf32>
        %parallel_loop3A_2604 = arith.addf %parallel_loop3A_2596, %parallel_loop3A_2603 : vector<16xf32>
        %parallel_loop3A_2605 = arith.mulf %parallel_loop3A_1043, %parallel_loop3A_2602 : vector<16xf32>
        %parallel_loop3A_2606 = arith.addf %parallel_loop3A_2598, %parallel_loop3A_2605 : vector<16xf32>
        %parallel_loop3A_2607 = arith.mulf %parallel_loop3A_1268, %parallel_loop3A_2602 : vector<16xf32>
        %parallel_loop3A_2608 = arith.addf %parallel_loop3A_2600, %parallel_loop3A_2607 : vector<16xf32>
        %parallel_loop3A_2609 = arith.constant 1728 : index
        %parallel_loop3A_2610 = tpu.vector_load %arg15[%parallel_loop3A_2609] {strides = array<i32>} : memref<3376xf32, #tpu.memory_space<vmem>>, vector<16xf32>,
        %parallel_loop3A_2611 = arith.mulf %parallel_loop3A_773, %parallel_loop3A_2610 : vector<16xf32>
        %parallel_loop3A_2612 = arith.addf %parallel_loop3A_2604, %parallel_loop3A_2611 : vector<16xf32>
        %parallel_loop3A_2613 = arith.mulf %parallel_loop3A_998, %parallel_loop3A_2610 : vector<16xf32>
        %parallel_loop3A_2614 = arith.addf %parallel_loop3A_2606, %parallel_loop3A_2613 : vector<16xf32>
        %parallel_loop3A_2615 = arith.mulf %parallel_loop3A_1223, %parallel_loop3A_2610 : vector<16xf32>
        %parallel_loop3A_2616 = arith.addf %parallel_loop3A_2608, %parallel_loop3A_2615 : vector<16xf32>
        %parallel_loop3A_2617 = arith.constant 1984 : index
        %parallel_loop3A_2618 = tpu.vector_load %arg15[%parallel_loop3A_2617] {strides = array<i32>} : memref<3376xf32, #tpu.memory_space<vmem>>, vector<16xf32>,
        %parallel_loop3A_2619 = arith.mulf %parallel_loop3A_777, %parallel_loop3A_2618 : vector<16xf32>
        %parallel_loop3A_2620 = arith.addf %parallel_loop3A_2612, %parallel_loop3A_2619 : vector<16xf32>
        %parallel_loop3A_2621 = arith.mulf %parallel_loop3A_1002, %parallel_loop3A_2618 : vector<16xf32>
        %parallel_loop3A_2622 = arith.addf %parallel_loop3A_2614, %parallel_loop3A_2621 : vector<16xf32>
        %parallel_loop3A_2623 = arith.mulf %parallel_loop3A_1227, %parallel_loop3A_2618 : vector<16xf32>
        %parallel_loop3A_2624 = arith.addf %parallel_loop3A_2616, %parallel_loop3A_2623 : vector<16xf32>
        %parallel_loop3A_2625 = arith.constant 2240 : index
        %parallel_loop3A_2626 = tpu.vector_load %arg15[%parallel_loop3A_2625] {strides = array<i32>} : memref<3376xf32, #tpu.memory_space<vmem>>, vector<16xf32>,
        %parallel_loop3A_2627 = arith.mulf %parallel_loop3A_781, %parallel_loop3A_2626 : vector<16xf32>
        %parallel_loop3A_2628 = arith.addf %parallel_loop3A_2620, %parallel_loop3A_2627 : vector<16xf32>
        %parallel_loop3A_2629 = arith.mulf %parallel_loop3A_1006, %parallel_loop3A_2626 : vector<16xf32>
        %parallel_loop3A_2630 = arith.addf %parallel_loop3A_2622, %parallel_loop3A_2629 : vector<16xf32>
        %parallel_loop3A_2631 = arith.mulf %parallel_loop3A_1231, %parallel_loop3A_2626 : vector<16xf32>
        %parallel_loop3A_2632 = arith.addf %parallel_loop3A_2624, %parallel_loop3A_2631 : vector<16xf32>
        %parallel_loop3A_2633 = arith.constant 0.000000e+00 : f32
        %parallel_loop3A_2634 = vector.broadcast %parallel_loop3A_2633 : f32 to vector<16xf32>
        %parallel_loop3A_2635 = arith.maximumf %parallel_loop3A_2628, %parallel_loop3A_2634 : vector<16xf32>
        %parallel_loop3A_2636 = arith.constant 0.000000e+00 : f32
        %parallel_loop3A_2637 = vector.broadcast %parallel_loop3A_2636 : f32 to vector<16xf32>
        %parallel_loop3A_2638 = arith.maximumf %parallel_loop3A_2630, %parallel_loop3A_2637 : vector<16xf32>
        %parallel_loop3A_2639 = arith.constant 0.000000e+00 : f32
        %parallel_loop3A_2640 = vector.broadcast %parallel_loop3A_2639 : f32 to vector<16xf32>
        %parallel_loop3A_2641 = arith.maximumf %parallel_loop3A_2632, %parallel_loop3A_2640 : vector<16xf32>
        %parallel_loop3A_2642 = arith.constant 3136 : index
        %parallel_loop3A_2643 = tpu.vector_load %arg15[%parallel_loop3A_2642] {strides = array<i32>} : memref<3376xf32, #tpu.memory_space<vmem>>, vector<16xf32>,
        %parallel_loop3A_2644 = arith.constant 3152 : index
        %parallel_loop3A_2645 = tpu.vector_load %arg15[%parallel_loop3A_2644] {strides = array<i32>} : memref<3376xf32, #tpu.memory_space<vmem>>, vector<16xf32>,
        %parallel_loop3A_2646 = arith.constant 3168 : index
        %parallel_loop3A_2647 = tpu.vector_load %arg15[%parallel_loop3A_2646] {strides = array<i32>} : memref<3376xf32, #tpu.memory_space<vmem>>, vector<16xf32>,
        %parallel_loop3A_2648 = arith.mulf %parallel_loop3A_2635, %parallel_loop3A_2643 : vector<16xf32>
        %parallel_loop3A_2649 = arith.addf %parallel_loop3A_2542, %parallel_loop3A_2648 : vector<16xf32>
        %parallel_loop3A_2650 = arith.mulf %parallel_loop3A_2638, %parallel_loop3A_2643 : vector<16xf32>
        %parallel_loop3A_2651 = arith.addf %parallel_loop3A_2544, %parallel_loop3A_2650 : vector<16xf32>
        %parallel_loop3A_2652 = arith.mulf %parallel_loop3A_2641, %parallel_loop3A_2643 : vector<16xf32>
        %parallel_loop3A_2653 = arith.addf %parallel_loop3A_2546, %parallel_loop3A_2652 : vector<16xf32>
        %parallel_loop3A_2654 = arith.mulf %parallel_loop3A_2635, %parallel_loop3A_2645 : vector<16xf32>
        %parallel_loop3A_2655 = arith.addf %parallel_loop3A_2548, %parallel_loop3A_2654 : vector<16xf32>
        %parallel_loop3A_2656 = arith.mulf %parallel_loop3A_2638, %parallel_loop3A_2645 : vector<16xf32>
        %parallel_loop3A_2657 = arith.addf %parallel_loop3A_2550, %parallel_loop3A_2656 : vector<16xf32>
        %parallel_loop3A_2658 = arith.mulf %parallel_loop3A_2641, %parallel_loop3A_2645 : vector<16xf32>
        %parallel_loop3A_2659 = arith.addf %parallel_loop3A_2552, %parallel_loop3A_2658 : vector<16xf32>
        %parallel_loop3A_2660 = arith.mulf %parallel_loop3A_2635, %parallel_loop3A_2647 : vector<16xf32>
        %parallel_loop3A_2661 = arith.addf %parallel_loop3A_2554, %parallel_loop3A_2660 : vector<16xf32>
        %parallel_loop3A_2662 = arith.mulf %parallel_loop3A_2638, %parallel_loop3A_2647 : vector<16xf32>
        %parallel_loop3A_2663 = arith.addf %parallel_loop3A_2556, %parallel_loop3A_2662 : vector<16xf32>
        %parallel_loop3A_2664 = arith.mulf %parallel_loop3A_2641, %parallel_loop3A_2647 : vector<16xf32>
        %parallel_loop3A_2665 = arith.addf %parallel_loop3A_2558, %parallel_loop3A_2664 : vector<16xf32>
        %parallel_loop3A_2666 = arith.constant 2512 : index
        %parallel_loop3A_2667 = tpu.vector_load %arg15[%parallel_loop3A_2666] {strides = array<i32>} : memref<3376xf32, #tpu.memory_space<vmem>>, vector<16xf32>,
        %parallel_loop3A_2668 = arith.constant 208 : index
        %parallel_loop3A_2669 = tpu.vector_load %arg15[%parallel_loop3A_2668] {strides = array<i32>} : memref<3376xf32, #tpu.memory_space<vmem>>, vector<16xf32>,
        %parallel_loop3A_2670 = arith.mulf %parallel_loop3A_600, %parallel_loop3A_2669 : vector<16xf32>
        %parallel_loop3A_2671 = arith.addf %parallel_loop3A_2667, %parallel_loop3A_2670 : vector<16xf32>
        %parallel_loop3A_2672 = arith.mulf %parallel_loop3A_825, %parallel_loop3A_2669 : vector<16xf32>
        %parallel_loop3A_2673 = arith.addf %parallel_loop3A_2667, %parallel_loop3A_2672 : vector<16xf32>
        %parallel_loop3A_2674 = arith.mulf %parallel_loop3A_1050, %parallel_loop3A_2669 : vector<16xf32>
        %parallel_loop3A_2675 = arith.addf %parallel_loop3A_2667, %parallel_loop3A_2674 : vector<16xf32>
        %parallel_loop3A_2676 = arith.constant 464 : index
        %parallel_loop3A_2677 = tpu.vector_load %arg15[%parallel_loop3A_2676] {strides = array<i32>} : memref<3376xf32, #tpu.memory_space<vmem>>, vector<16xf32>,
        %parallel_loop3A_2678 = arith.mulf %parallel_loop3A_602, %parallel_loop3A_2677 : vector<16xf32>
        %parallel_loop3A_2679 = arith.addf %parallel_loop3A_2671, %parallel_loop3A_2678 : vector<16xf32>
        %parallel_loop3A_2680 = arith.mulf %parallel_loop3A_827, %parallel_loop3A_2677 : vector<16xf32>
        %parallel_loop3A_2681 = arith.addf %parallel_loop3A_2673, %parallel_loop3A_2680 : vector<16xf32>
        %parallel_loop3A_2682 = arith.mulf %parallel_loop3A_1052, %parallel_loop3A_2677 : vector<16xf32>
        %parallel_loop3A_2683 = arith.addf %parallel_loop3A_2675, %parallel_loop3A_2682 : vector<16xf32>
        %parallel_loop3A_2684 = arith.constant 720 : index
        %parallel_loop3A_2685 = tpu.vector_load %arg15[%parallel_loop3A_2684] {strides = array<i32>} : memref<3376xf32, #tpu.memory_space<vmem>>, vector<16xf32>,
        %parallel_loop3A_2686 = arith.mulf %parallel_loop3A_604, %parallel_loop3A_2685 : vector<16xf32>
        %parallel_loop3A_2687 = arith.addf %parallel_loop3A_2679, %parallel_loop3A_2686 : vector<16xf32>
        %parallel_loop3A_2688 = arith.mulf %parallel_loop3A_829, %parallel_loop3A_2685 : vector<16xf32>
        %parallel_loop3A_2689 = arith.addf %parallel_loop3A_2681, %parallel_loop3A_2688 : vector<16xf32>
        %parallel_loop3A_2690 = arith.mulf %parallel_loop3A_1054, %parallel_loop3A_2685 : vector<16xf32>
        %parallel_loop3A_2691 = arith.addf %parallel_loop3A_2683, %parallel_loop3A_2690 : vector<16xf32>
        %parallel_loop3A_2692 = arith.constant 976 : index
        %parallel_loop3A_2693 = tpu.vector_load %arg15[%parallel_loop3A_2692] {strides = array<i32>} : memref<3376xf32, #tpu.memory_space<vmem>>, vector<16xf32>,
        %parallel_loop3A_2694 = arith.mulf %parallel_loop3A_816, %parallel_loop3A_2693 : vector<16xf32>
        %parallel_loop3A_2695 = arith.addf %parallel_loop3A_2687, %parallel_loop3A_2694 : vector<16xf32>
        %parallel_loop3A_2696 = arith.mulf %parallel_loop3A_1041, %parallel_loop3A_2693 : vector<16xf32>
        %parallel_loop3A_2697 = arith.addf %parallel_loop3A_2689, %parallel_loop3A_2696 : vector<16xf32>
        %parallel_loop3A_2698 = arith.mulf %parallel_loop3A_1266, %parallel_loop3A_2693 : vector<16xf32>
        %parallel_loop3A_2699 = arith.addf %parallel_loop3A_2691, %parallel_loop3A_2698 : vector<16xf32>
        %parallel_loop3A_2700 = arith.constant 1232 : index
        %parallel_loop3A_2701 = tpu.vector_load %arg15[%parallel_loop3A_2700] {strides = array<i32>} : memref<3376xf32, #tpu.memory_space<vmem>>, vector<16xf32>,
        %parallel_loop3A_2702 = arith.mulf %parallel_loop3A_817, %parallel_loop3A_2701 : vector<16xf32>
        %parallel_loop3A_2703 = arith.addf %parallel_loop3A_2695, %parallel_loop3A_2702 : vector<16xf32>
        %parallel_loop3A_2704 = arith.mulf %parallel_loop3A_1042, %parallel_loop3A_2701 : vector<16xf32>
        %parallel_loop3A_2705 = arith.addf %parallel_loop3A_2697, %parallel_loop3A_2704 : vector<16xf32>
        %parallel_loop3A_2706 = arith.mulf %parallel_loop3A_1267, %parallel_loop3A_2701 : vector<16xf32>
        %parallel_loop3A_2707 = arith.addf %parallel_loop3A_2699, %parallel_loop3A_2706 : vector<16xf32>
        %parallel_loop3A_2708 = arith.constant 1488 : index
        %parallel_loop3A_2709 = tpu.vector_load %arg15[%parallel_loop3A_2708] {strides = array<i32>} : memref<3376xf32, #tpu.memory_space<vmem>>, vector<16xf32>,
        %parallel_loop3A_2710 = arith.mulf %parallel_loop3A_818, %parallel_loop3A_2709 : vector<16xf32>
        %parallel_loop3A_2711 = arith.addf %parallel_loop3A_2703, %parallel_loop3A_2710 : vector<16xf32>
        %parallel_loop3A_2712 = arith.mulf %parallel_loop3A_1043, %parallel_loop3A_2709 : vector<16xf32>
        %parallel_loop3A_2713 = arith.addf %parallel_loop3A_2705, %parallel_loop3A_2712 : vector<16xf32>
        %parallel_loop3A_2714 = arith.mulf %parallel_loop3A_1268, %parallel_loop3A_2709 : vector<16xf32>
        %parallel_loop3A_2715 = arith.addf %parallel_loop3A_2707, %parallel_loop3A_2714 : vector<16xf32>
        %parallel_loop3A_2716 = arith.constant 1744 : index
        %parallel_loop3A_2717 = tpu.vector_load %arg15[%parallel_loop3A_2716] {strides = array<i32>} : memref<3376xf32, #tpu.memory_space<vmem>>, vector<16xf32>,
        %parallel_loop3A_2718 = arith.mulf %parallel_loop3A_773, %parallel_loop3A_2717 : vector<16xf32>
        %parallel_loop3A_2719 = arith.addf %parallel_loop3A_2711, %parallel_loop3A_2718 : vector<16xf32>
        %parallel_loop3A_2720 = arith.mulf %parallel_loop3A_998, %parallel_loop3A_2717 : vector<16xf32>
        %parallel_loop3A_2721 = arith.addf %parallel_loop3A_2713, %parallel_loop3A_2720 : vector<16xf32>
        %parallel_loop3A_2722 = arith.mulf %parallel_loop3A_1223, %parallel_loop3A_2717 : vector<16xf32>
        %parallel_loop3A_2723 = arith.addf %parallel_loop3A_2715, %parallel_loop3A_2722 : vector<16xf32>
        %parallel_loop3A_2724 = arith.constant 2000 : index
        %parallel_loop3A_2725 = tpu.vector_load %arg15[%parallel_loop3A_2724] {strides = array<i32>} : memref<3376xf32, #tpu.memory_space<vmem>>, vector<16xf32>,
        %parallel_loop3A_2726 = arith.mulf %parallel_loop3A_777, %parallel_loop3A_2725 : vector<16xf32>
        %parallel_loop3A_2727 = arith.addf %parallel_loop3A_2719, %parallel_loop3A_2726 : vector<16xf32>
        %parallel_loop3A_2728 = arith.mulf %parallel_loop3A_1002, %parallel_loop3A_2725 : vector<16xf32>
        %parallel_loop3A_2729 = arith.addf %parallel_loop3A_2721, %parallel_loop3A_2728 : vector<16xf32>
        %parallel_loop3A_2730 = arith.mulf %parallel_loop3A_1227, %parallel_loop3A_2725 : vector<16xf32>
        %parallel_loop3A_2731 = arith.addf %parallel_loop3A_2723, %parallel_loop3A_2730 : vector<16xf32>
        %parallel_loop3A_2732 = arith.constant 2256 : index
        %parallel_loop3A_2733 = tpu.vector_load %arg15[%parallel_loop3A_2732] {strides = array<i32>} : memref<3376xf32, #tpu.memory_space<vmem>>, vector<16xf32>,
        %parallel_loop3A_2734 = arith.mulf %parallel_loop3A_781, %parallel_loop3A_2733 : vector<16xf32>
        %parallel_loop3A_2735 = arith.addf %parallel_loop3A_2727, %parallel_loop3A_2734 : vector<16xf32>
        %parallel_loop3A_2736 = arith.mulf %parallel_loop3A_1006, %parallel_loop3A_2733 : vector<16xf32>
        %parallel_loop3A_2737 = arith.addf %parallel_loop3A_2729, %parallel_loop3A_2736 : vector<16xf32>
        %parallel_loop3A_2738 = arith.mulf %parallel_loop3A_1231, %parallel_loop3A_2733 : vector<16xf32>
        %parallel_loop3A_2739 = arith.addf %parallel_loop3A_2731, %parallel_loop3A_2738 : vector<16xf32>
        %parallel_loop3A_2740 = arith.constant 0.000000e+00 : f32
        %parallel_loop3A_2741 = vector.broadcast %parallel_loop3A_2740 : f32 to vector<16xf32>
        %parallel_loop3A_2742 = arith.maximumf %parallel_loop3A_2735, %parallel_loop3A_2741 : vector<16xf32>
        %parallel_loop3A_2743 = arith.constant 0.000000e+00 : f32
        %parallel_loop3A_2744 = vector.broadcast %parallel_loop3A_2743 : f32 to vector<16xf32>
        %parallel_loop3A_2745 = arith.maximumf %parallel_loop3A_2737, %parallel_loop3A_2744 : vector<16xf32>
        %parallel_loop3A_2746 = arith.constant 0.000000e+00 : f32
        %parallel_loop3A_2747 = vector.broadcast %parallel_loop3A_2746 : f32 to vector<16xf32>
        %parallel_loop3A_2748 = arith.maximumf %parallel_loop3A_2739, %parallel_loop3A_2747 : vector<16xf32>
        %parallel_loop3A_2749 = arith.constant 3184 : index
        %parallel_loop3A_2750 = tpu.vector_load %arg15[%parallel_loop3A_2749] {strides = array<i32>} : memref<3376xf32, #tpu.memory_space<vmem>>, vector<16xf32>,
        %parallel_loop3A_2751 = arith.constant 3200 : index
        %parallel_loop3A_2752 = tpu.vector_load %arg15[%parallel_loop3A_2751] {strides = array<i32>} : memref<3376xf32, #tpu.memory_space<vmem>>, vector<16xf32>,
        %parallel_loop3A_2753 = arith.constant 3216 : index
        %parallel_loop3A_2754 = tpu.vector_load %arg15[%parallel_loop3A_2753] {strides = array<i32>} : memref<3376xf32, #tpu.memory_space<vmem>>, vector<16xf32>,
        %parallel_loop3A_2755 = arith.mulf %parallel_loop3A_2742, %parallel_loop3A_2750 : vector<16xf32>
        %parallel_loop3A_2756 = arith.addf %parallel_loop3A_2649, %parallel_loop3A_2755 : vector<16xf32>
        %parallel_loop3A_2757 = arith.mulf %parallel_loop3A_2745, %parallel_loop3A_2750 : vector<16xf32>
        %parallel_loop3A_2758 = arith.addf %parallel_loop3A_2651, %parallel_loop3A_2757 : vector<16xf32>
        %parallel_loop3A_2759 = arith.mulf %parallel_loop3A_2748, %parallel_loop3A_2750 : vector<16xf32>
        %parallel_loop3A_2760 = arith.addf %parallel_loop3A_2653, %parallel_loop3A_2759 : vector<16xf32>
        %parallel_loop3A_2761 = arith.mulf %parallel_loop3A_2742, %parallel_loop3A_2752 : vector<16xf32>
        %parallel_loop3A_2762 = arith.addf %parallel_loop3A_2655, %parallel_loop3A_2761 : vector<16xf32>
        %parallel_loop3A_2763 = arith.mulf %parallel_loop3A_2745, %parallel_loop3A_2752 : vector<16xf32>
        %parallel_loop3A_2764 = arith.addf %parallel_loop3A_2657, %parallel_loop3A_2763 : vector<16xf32>
        %parallel_loop3A_2765 = arith.mulf %parallel_loop3A_2748, %parallel_loop3A_2752 : vector<16xf32>
        %parallel_loop3A_2766 = arith.addf %parallel_loop3A_2659, %parallel_loop3A_2765 : vector<16xf32>
        %parallel_loop3A_2767 = arith.mulf %parallel_loop3A_2742, %parallel_loop3A_2754 : vector<16xf32>
        %parallel_loop3A_2768 = arith.addf %parallel_loop3A_2661, %parallel_loop3A_2767 : vector<16xf32>
        %parallel_loop3A_2769 = arith.mulf %parallel_loop3A_2745, %parallel_loop3A_2754 : vector<16xf32>
        %parallel_loop3A_2770 = arith.addf %parallel_loop3A_2663, %parallel_loop3A_2769 : vector<16xf32>
        %parallel_loop3A_2771 = arith.mulf %parallel_loop3A_2748, %parallel_loop3A_2754 : vector<16xf32>
        %parallel_loop3A_2772 = arith.addf %parallel_loop3A_2665, %parallel_loop3A_2771 : vector<16xf32>
        %parallel_loop3A_2773 = arith.constant 2528 : index
        %parallel_loop3A_2774 = tpu.vector_load %arg15[%parallel_loop3A_2773] {strides = array<i32>} : memref<3376xf32, #tpu.memory_space<vmem>>, vector<16xf32>,
        %parallel_loop3A_2775 = arith.constant 224 : index
        %parallel_loop3A_2776 = tpu.vector_load %arg15[%parallel_loop3A_2775] {strides = array<i32>} : memref<3376xf32, #tpu.memory_space<vmem>>, vector<16xf32>,
        %parallel_loop3A_2777 = arith.mulf %parallel_loop3A_600, %parallel_loop3A_2776 : vector<16xf32>
        %parallel_loop3A_2778 = arith.addf %parallel_loop3A_2774, %parallel_loop3A_2777 : vector<16xf32>
        %parallel_loop3A_2779 = arith.mulf %parallel_loop3A_825, %parallel_loop3A_2776 : vector<16xf32>
        %parallel_loop3A_2780 = arith.addf %parallel_loop3A_2774, %parallel_loop3A_2779 : vector<16xf32>
        %parallel_loop3A_2781 = arith.mulf %parallel_loop3A_1050, %parallel_loop3A_2776 : vector<16xf32>
        %parallel_loop3A_2782 = arith.addf %parallel_loop3A_2774, %parallel_loop3A_2781 : vector<16xf32>
        %parallel_loop3A_2783 = arith.constant 480 : index
        %parallel_loop3A_2784 = tpu.vector_load %arg15[%parallel_loop3A_2783] {strides = array<i32>} : memref<3376xf32, #tpu.memory_space<vmem>>, vector<16xf32>,
        %parallel_loop3A_2785 = arith.mulf %parallel_loop3A_602, %parallel_loop3A_2784 : vector<16xf32>
        %parallel_loop3A_2786 = arith.addf %parallel_loop3A_2778, %parallel_loop3A_2785 : vector<16xf32>
        %parallel_loop3A_2787 = arith.mulf %parallel_loop3A_827, %parallel_loop3A_2784 : vector<16xf32>
        %parallel_loop3A_2788 = arith.addf %parallel_loop3A_2780, %parallel_loop3A_2787 : vector<16xf32>
        %parallel_loop3A_2789 = arith.mulf %parallel_loop3A_1052, %parallel_loop3A_2784 : vector<16xf32>
        %parallel_loop3A_2790 = arith.addf %parallel_loop3A_2782, %parallel_loop3A_2789 : vector<16xf32>
        %parallel_loop3A_2791 = arith.constant 736 : index
        %parallel_loop3A_2792 = tpu.vector_load %arg15[%parallel_loop3A_2791] {strides = array<i32>} : memref<3376xf32, #tpu.memory_space<vmem>>, vector<16xf32>,
        %parallel_loop3A_2793 = arith.mulf %parallel_loop3A_604, %parallel_loop3A_2792 : vector<16xf32>
        %parallel_loop3A_2794 = arith.addf %parallel_loop3A_2786, %parallel_loop3A_2793 : vector<16xf32>
        %parallel_loop3A_2795 = arith.mulf %parallel_loop3A_829, %parallel_loop3A_2792 : vector<16xf32>
        %parallel_loop3A_2796 = arith.addf %parallel_loop3A_2788, %parallel_loop3A_2795 : vector<16xf32>
        %parallel_loop3A_2797 = arith.mulf %parallel_loop3A_1054, %parallel_loop3A_2792 : vector<16xf32>
        %parallel_loop3A_2798 = arith.addf %parallel_loop3A_2790, %parallel_loop3A_2797 : vector<16xf32>
        %parallel_loop3A_2799 = arith.constant 992 : index
        %parallel_loop3A_2800 = tpu.vector_load %arg15[%parallel_loop3A_2799] {strides = array<i32>} : memref<3376xf32, #tpu.memory_space<vmem>>, vector<16xf32>,
        %parallel_loop3A_2801 = arith.mulf %parallel_loop3A_816, %parallel_loop3A_2800 : vector<16xf32>
        %parallel_loop3A_2802 = arith.addf %parallel_loop3A_2794, %parallel_loop3A_2801 : vector<16xf32>
        %parallel_loop3A_2803 = arith.mulf %parallel_loop3A_1041, %parallel_loop3A_2800 : vector<16xf32>
        %parallel_loop3A_2804 = arith.addf %parallel_loop3A_2796, %parallel_loop3A_2803 : vector<16xf32>
        %parallel_loop3A_2805 = arith.mulf %parallel_loop3A_1266, %parallel_loop3A_2800 : vector<16xf32>
        %parallel_loop3A_2806 = arith.addf %parallel_loop3A_2798, %parallel_loop3A_2805 : vector<16xf32>
        %parallel_loop3A_2807 = arith.constant 1248 : index
        %parallel_loop3A_2808 = tpu.vector_load %arg15[%parallel_loop3A_2807] {strides = array<i32>} : memref<3376xf32, #tpu.memory_space<vmem>>, vector<16xf32>,
        %parallel_loop3A_2809 = arith.mulf %parallel_loop3A_817, %parallel_loop3A_2808 : vector<16xf32>
        %parallel_loop3A_2810 = arith.addf %parallel_loop3A_2802, %parallel_loop3A_2809 : vector<16xf32>
        %parallel_loop3A_2811 = arith.mulf %parallel_loop3A_1042, %parallel_loop3A_2808 : vector<16xf32>
        %parallel_loop3A_2812 = arith.addf %parallel_loop3A_2804, %parallel_loop3A_2811 : vector<16xf32>
        %parallel_loop3A_2813 = arith.mulf %parallel_loop3A_1267, %parallel_loop3A_2808 : vector<16xf32>
        %parallel_loop3A_2814 = arith.addf %parallel_loop3A_2806, %parallel_loop3A_2813 : vector<16xf32>
        %parallel_loop3A_2815 = arith.constant 1504 : index
        %parallel_loop3A_2816 = tpu.vector_load %arg15[%parallel_loop3A_2815] {strides = array<i32>} : memref<3376xf32, #tpu.memory_space<vmem>>, vector<16xf32>,
        %parallel_loop3A_2817 = arith.mulf %parallel_loop3A_818, %parallel_loop3A_2816 : vector<16xf32>
        %parallel_loop3A_2818 = arith.addf %parallel_loop3A_2810, %parallel_loop3A_2817 : vector<16xf32>
        %parallel_loop3A_2819 = arith.mulf %parallel_loop3A_1043, %parallel_loop3A_2816 : vector<16xf32>
        %parallel_loop3A_2820 = arith.addf %parallel_loop3A_2812, %parallel_loop3A_2819 : vector<16xf32>
        %parallel_loop3A_2821 = arith.mulf %parallel_loop3A_1268, %parallel_loop3A_2816 : vector<16xf32>
        %parallel_loop3A_2822 = arith.addf %parallel_loop3A_2814, %parallel_loop3A_2821 : vector<16xf32>
        %parallel_loop3A_2823 = arith.constant 1760 : index
        %parallel_loop3A_2824 = tpu.vector_load %arg15[%parallel_loop3A_2823] {strides = array<i32>} : memref<3376xf32, #tpu.memory_space<vmem>>, vector<16xf32>,
        %parallel_loop3A_2825 = arith.mulf %parallel_loop3A_773, %parallel_loop3A_2824 : vector<16xf32>
        %parallel_loop3A_2826 = arith.addf %parallel_loop3A_2818, %parallel_loop3A_2825 : vector<16xf32>
        %parallel_loop3A_2827 = arith.mulf %parallel_loop3A_998, %parallel_loop3A_2824 : vector<16xf32>
        %parallel_loop3A_2828 = arith.addf %parallel_loop3A_2820, %parallel_loop3A_2827 : vector<16xf32>
        %parallel_loop3A_2829 = arith.mulf %parallel_loop3A_1223, %parallel_loop3A_2824 : vector<16xf32>
        %parallel_loop3A_2830 = arith.addf %parallel_loop3A_2822, %parallel_loop3A_2829 : vector<16xf32>
        %parallel_loop3A_2831 = arith.constant 2016 : index
        %parallel_loop3A_2832 = tpu.vector_load %arg15[%parallel_loop3A_2831] {strides = array<i32>} : memref<3376xf32, #tpu.memory_space<vmem>>, vector<16xf32>,
        %parallel_loop3A_2833 = arith.mulf %parallel_loop3A_777, %parallel_loop3A_2832 : vector<16xf32>
        %parallel_loop3A_2834 = arith.addf %parallel_loop3A_2826, %parallel_loop3A_2833 : vector<16xf32>
        %parallel_loop3A_2835 = arith.mulf %parallel_loop3A_1002, %parallel_loop3A_2832 : vector<16xf32>
        %parallel_loop3A_2836 = arith.addf %parallel_loop3A_2828, %parallel_loop3A_2835 : vector<16xf32>
        %parallel_loop3A_2837 = arith.mulf %parallel_loop3A_1227, %parallel_loop3A_2832 : vector<16xf32>
        %parallel_loop3A_2838 = arith.addf %parallel_loop3A_2830, %parallel_loop3A_2837 : vector<16xf32>
        %parallel_loop3A_2839 = arith.constant 2272 : index
        %parallel_loop3A_2840 = tpu.vector_load %arg15[%parallel_loop3A_2839] {strides = array<i32>} : memref<3376xf32, #tpu.memory_space<vmem>>, vector<16xf32>,
        %parallel_loop3A_2841 = arith.mulf %parallel_loop3A_781, %parallel_loop3A_2840 : vector<16xf32>
        %parallel_loop3A_2842 = arith.addf %parallel_loop3A_2834, %parallel_loop3A_2841 : vector<16xf32>
        %parallel_loop3A_2843 = arith.mulf %parallel_loop3A_1006, %parallel_loop3A_2840 : vector<16xf32>
        %parallel_loop3A_2844 = arith.addf %parallel_loop3A_2836, %parallel_loop3A_2843 : vector<16xf32>
        %parallel_loop3A_2845 = arith.mulf %parallel_loop3A_1231, %parallel_loop3A_2840 : vector<16xf32>
        %parallel_loop3A_2846 = arith.addf %parallel_loop3A_2838, %parallel_loop3A_2845 : vector<16xf32>
        %parallel_loop3A_2847 = arith.constant 0.000000e+00 : f32
        %parallel_loop3A_2848 = vector.broadcast %parallel_loop3A_2847 : f32 to vector<16xf32>
        %parallel_loop3A_2849 = arith.maximumf %parallel_loop3A_2842, %parallel_loop3A_2848 : vector<16xf32>
        %parallel_loop3A_2850 = arith.constant 0.000000e+00 : f32
        %parallel_loop3A_2851 = vector.broadcast %parallel_loop3A_2850 : f32 to vector<16xf32>
        %parallel_loop3A_2852 = arith.maximumf %parallel_loop3A_2844, %parallel_loop3A_2851 : vector<16xf32>
        %parallel_loop3A_2853 = arith.constant 0.000000e+00 : f32
        %parallel_loop3A_2854 = vector.broadcast %parallel_loop3A_2853 : f32 to vector<16xf32>
        %parallel_loop3A_2855 = arith.maximumf %parallel_loop3A_2846, %parallel_loop3A_2854 : vector<16xf32>
        %parallel_loop3A_2856 = arith.constant 3232 : index
        %parallel_loop3A_2857 = tpu.vector_load %arg15[%parallel_loop3A_2856] {strides = array<i32>} : memref<3376xf32, #tpu.memory_space<vmem>>, vector<16xf32>,
        %parallel_loop3A_2858 = arith.constant 3248 : index
        %parallel_loop3A_2859 = tpu.vector_load %arg15[%parallel_loop3A_2858] {strides = array<i32>} : memref<3376xf32, #tpu.memory_space<vmem>>, vector<16xf32>,
        %parallel_loop3A_2860 = arith.constant 3264 : index
        %parallel_loop3A_2861 = tpu.vector_load %arg15[%parallel_loop3A_2860] {strides = array<i32>} : memref<3376xf32, #tpu.memory_space<vmem>>, vector<16xf32>,
        %parallel_loop3A_2862 = arith.mulf %parallel_loop3A_2849, %parallel_loop3A_2857 : vector<16xf32>
        %parallel_loop3A_2863 = arith.addf %parallel_loop3A_2756, %parallel_loop3A_2862 : vector<16xf32>
        %parallel_loop3A_2864 = arith.mulf %parallel_loop3A_2852, %parallel_loop3A_2857 : vector<16xf32>
        %parallel_loop3A_2865 = arith.addf %parallel_loop3A_2758, %parallel_loop3A_2864 : vector<16xf32>
        %parallel_loop3A_2866 = arith.mulf %parallel_loop3A_2855, %parallel_loop3A_2857 : vector<16xf32>
        %parallel_loop3A_2867 = arith.addf %parallel_loop3A_2760, %parallel_loop3A_2866 : vector<16xf32>
        %parallel_loop3A_2868 = arith.mulf %parallel_loop3A_2849, %parallel_loop3A_2859 : vector<16xf32>
        %parallel_loop3A_2869 = arith.addf %parallel_loop3A_2762, %parallel_loop3A_2868 : vector<16xf32>
        %parallel_loop3A_2870 = arith.mulf %parallel_loop3A_2852, %parallel_loop3A_2859 : vector<16xf32>
        %parallel_loop3A_2871 = arith.addf %parallel_loop3A_2764, %parallel_loop3A_2870 : vector<16xf32>
        %parallel_loop3A_2872 = arith.mulf %parallel_loop3A_2855, %parallel_loop3A_2859 : vector<16xf32>
        %parallel_loop3A_2873 = arith.addf %parallel_loop3A_2766, %parallel_loop3A_2872 : vector<16xf32>
        %parallel_loop3A_2874 = arith.mulf %parallel_loop3A_2849, %parallel_loop3A_2861 : vector<16xf32>
        %parallel_loop3A_2875 = arith.addf %parallel_loop3A_2768, %parallel_loop3A_2874 : vector<16xf32>
        %parallel_loop3A_2876 = arith.mulf %parallel_loop3A_2852, %parallel_loop3A_2861 : vector<16xf32>
        %parallel_loop3A_2877 = arith.addf %parallel_loop3A_2770, %parallel_loop3A_2876 : vector<16xf32>
        %parallel_loop3A_2878 = arith.mulf %parallel_loop3A_2855, %parallel_loop3A_2861 : vector<16xf32>
        %parallel_loop3A_2879 = arith.addf %parallel_loop3A_2772, %parallel_loop3A_2878 : vector<16xf32>
        %parallel_loop3A_2880 = arith.constant 2544 : index
        %parallel_loop3A_2881 = tpu.vector_load %arg15[%parallel_loop3A_2880] {strides = array<i32>} : memref<3376xf32, #tpu.memory_space<vmem>>, vector<16xf32>,
        %parallel_loop3A_2882 = arith.constant 240 : index
        %parallel_loop3A_2883 = tpu.vector_load %arg15[%parallel_loop3A_2882] {strides = array<i32>} : memref<3376xf32, #tpu.memory_space<vmem>>, vector<16xf32>,
        %parallel_loop3A_2884 = arith.mulf %parallel_loop3A_600, %parallel_loop3A_2883 : vector<16xf32>
        %parallel_loop3A_2885 = arith.addf %parallel_loop3A_2881, %parallel_loop3A_2884 : vector<16xf32>
        %parallel_loop3A_2886 = arith.mulf %parallel_loop3A_825, %parallel_loop3A_2883 : vector<16xf32>
        %parallel_loop3A_2887 = arith.addf %parallel_loop3A_2881, %parallel_loop3A_2886 : vector<16xf32>
        %parallel_loop3A_2888 = arith.mulf %parallel_loop3A_1050, %parallel_loop3A_2883 : vector<16xf32>
        %parallel_loop3A_2889 = arith.addf %parallel_loop3A_2881, %parallel_loop3A_2888 : vector<16xf32>
        %parallel_loop3A_2890 = arith.constant 496 : index
        %parallel_loop3A_2891 = tpu.vector_load %arg15[%parallel_loop3A_2890] {strides = array<i32>} : memref<3376xf32, #tpu.memory_space<vmem>>, vector<16xf32>,
        %parallel_loop3A_2892 = arith.mulf %parallel_loop3A_602, %parallel_loop3A_2891 : vector<16xf32>
        %parallel_loop3A_2893 = arith.addf %parallel_loop3A_2885, %parallel_loop3A_2892 : vector<16xf32>
        %parallel_loop3A_2894 = arith.mulf %parallel_loop3A_827, %parallel_loop3A_2891 : vector<16xf32>
        %parallel_loop3A_2895 = arith.addf %parallel_loop3A_2887, %parallel_loop3A_2894 : vector<16xf32>
        %parallel_loop3A_2896 = arith.mulf %parallel_loop3A_1052, %parallel_loop3A_2891 : vector<16xf32>
        %parallel_loop3A_2897 = arith.addf %parallel_loop3A_2889, %parallel_loop3A_2896 : vector<16xf32>
        %parallel_loop3A_2898 = arith.constant 752 : index
        %parallel_loop3A_2899 = tpu.vector_load %arg15[%parallel_loop3A_2898] {strides = array<i32>} : memref<3376xf32, #tpu.memory_space<vmem>>, vector<16xf32>,
        %parallel_loop3A_2900 = arith.mulf %parallel_loop3A_604, %parallel_loop3A_2899 : vector<16xf32>
        %parallel_loop3A_2901 = arith.addf %parallel_loop3A_2893, %parallel_loop3A_2900 : vector<16xf32>
        %parallel_loop3A_2902 = arith.mulf %parallel_loop3A_829, %parallel_loop3A_2899 : vector<16xf32>
        %parallel_loop3A_2903 = arith.addf %parallel_loop3A_2895, %parallel_loop3A_2902 : vector<16xf32>
        %parallel_loop3A_2904 = arith.mulf %parallel_loop3A_1054, %parallel_loop3A_2899 : vector<16xf32>
        %parallel_loop3A_2905 = arith.addf %parallel_loop3A_2897, %parallel_loop3A_2904 : vector<16xf32>
        %parallel_loop3A_2906 = arith.constant 1008 : index
        %parallel_loop3A_2907 = tpu.vector_load %arg15[%parallel_loop3A_2906] {strides = array<i32>} : memref<3376xf32, #tpu.memory_space<vmem>>, vector<16xf32>,
        %parallel_loop3A_2908 = arith.mulf %parallel_loop3A_816, %parallel_loop3A_2907 : vector<16xf32>
        %parallel_loop3A_2909 = arith.addf %parallel_loop3A_2901, %parallel_loop3A_2908 : vector<16xf32>
        %parallel_loop3A_2910 = arith.mulf %parallel_loop3A_1041, %parallel_loop3A_2907 : vector<16xf32>
        %parallel_loop3A_2911 = arith.addf %parallel_loop3A_2903, %parallel_loop3A_2910 : vector<16xf32>
        %parallel_loop3A_2912 = arith.mulf %parallel_loop3A_1266, %parallel_loop3A_2907 : vector<16xf32>
        %parallel_loop3A_2913 = arith.addf %parallel_loop3A_2905, %parallel_loop3A_2912 : vector<16xf32>
        %parallel_loop3A_2914 = arith.constant 1264 : index
        %parallel_loop3A_2915 = tpu.vector_load %arg15[%parallel_loop3A_2914] {strides = array<i32>} : memref<3376xf32, #tpu.memory_space<vmem>>, vector<16xf32>,
        %parallel_loop3A_2916 = arith.mulf %parallel_loop3A_817, %parallel_loop3A_2915 : vector<16xf32>
        %parallel_loop3A_2917 = arith.addf %parallel_loop3A_2909, %parallel_loop3A_2916 : vector<16xf32>
        %parallel_loop3A_2918 = arith.mulf %parallel_loop3A_1042, %parallel_loop3A_2915 : vector<16xf32>
        %parallel_loop3A_2919 = arith.addf %parallel_loop3A_2911, %parallel_loop3A_2918 : vector<16xf32>
        %parallel_loop3A_2920 = arith.mulf %parallel_loop3A_1267, %parallel_loop3A_2915 : vector<16xf32>
        %parallel_loop3A_2921 = arith.addf %parallel_loop3A_2913, %parallel_loop3A_2920 : vector<16xf32>
        %parallel_loop3A_2922 = arith.constant 1520 : index
        %parallel_loop3A_2923 = tpu.vector_load %arg15[%parallel_loop3A_2922] {strides = array<i32>} : memref<3376xf32, #tpu.memory_space<vmem>>, vector<16xf32>,
        %parallel_loop3A_2924 = arith.mulf %parallel_loop3A_818, %parallel_loop3A_2923 : vector<16xf32>
        %parallel_loop3A_2925 = arith.addf %parallel_loop3A_2917, %parallel_loop3A_2924 : vector<16xf32>
        %parallel_loop3A_2926 = arith.mulf %parallel_loop3A_1043, %parallel_loop3A_2923 : vector<16xf32>
        %parallel_loop3A_2927 = arith.addf %parallel_loop3A_2919, %parallel_loop3A_2926 : vector<16xf32>
        %parallel_loop3A_2928 = arith.mulf %parallel_loop3A_1268, %parallel_loop3A_2923 : vector<16xf32>
        %parallel_loop3A_2929 = arith.addf %parallel_loop3A_2921, %parallel_loop3A_2928 : vector<16xf32>
        %parallel_loop3A_2930 = arith.constant 1776 : index
        %parallel_loop3A_2931 = tpu.vector_load %arg15[%parallel_loop3A_2930] {strides = array<i32>} : memref<3376xf32, #tpu.memory_space<vmem>>, vector<16xf32>,
        %parallel_loop3A_2932 = arith.mulf %parallel_loop3A_773, %parallel_loop3A_2931 : vector<16xf32>
        %parallel_loop3A_2933 = arith.addf %parallel_loop3A_2925, %parallel_loop3A_2932 : vector<16xf32>
        %parallel_loop3A_2934 = arith.mulf %parallel_loop3A_998, %parallel_loop3A_2931 : vector<16xf32>
        %parallel_loop3A_2935 = arith.addf %parallel_loop3A_2927, %parallel_loop3A_2934 : vector<16xf32>
        %parallel_loop3A_2936 = arith.mulf %parallel_loop3A_1223, %parallel_loop3A_2931 : vector<16xf32>
        %parallel_loop3A_2937 = arith.addf %parallel_loop3A_2929, %parallel_loop3A_2936 : vector<16xf32>
        %parallel_loop3A_2938 = arith.constant 2032 : index
        %parallel_loop3A_2939 = tpu.vector_load %arg15[%parallel_loop3A_2938] {strides = array<i32>} : memref<3376xf32, #tpu.memory_space<vmem>>, vector<16xf32>,
        %parallel_loop3A_2940 = arith.mulf %parallel_loop3A_777, %parallel_loop3A_2939 : vector<16xf32>
        %parallel_loop3A_2941 = arith.addf %parallel_loop3A_2933, %parallel_loop3A_2940 : vector<16xf32>
        %parallel_loop3A_2942 = arith.mulf %parallel_loop3A_1002, %parallel_loop3A_2939 : vector<16xf32>
        %parallel_loop3A_2943 = arith.addf %parallel_loop3A_2935, %parallel_loop3A_2942 : vector<16xf32>
        %parallel_loop3A_2944 = arith.mulf %parallel_loop3A_1227, %parallel_loop3A_2939 : vector<16xf32>
        %parallel_loop3A_2945 = arith.addf %parallel_loop3A_2937, %parallel_loop3A_2944 : vector<16xf32>
        %parallel_loop3A_2946 = arith.constant 2288 : index
        %parallel_loop3A_2947 = tpu.vector_load %arg15[%parallel_loop3A_2946] {strides = array<i32>} : memref<3376xf32, #tpu.memory_space<vmem>>, vector<16xf32>,
        %parallel_loop3A_2948 = arith.mulf %parallel_loop3A_781, %parallel_loop3A_2947 : vector<16xf32>
        %parallel_loop3A_2949 = arith.addf %parallel_loop3A_2941, %parallel_loop3A_2948 : vector<16xf32>
        %parallel_loop3A_2950 = arith.mulf %parallel_loop3A_1006, %parallel_loop3A_2947 : vector<16xf32>
        %parallel_loop3A_2951 = arith.addf %parallel_loop3A_2943, %parallel_loop3A_2950 : vector<16xf32>
        %parallel_loop3A_2952 = arith.mulf %parallel_loop3A_1231, %parallel_loop3A_2947 : vector<16xf32>
        %parallel_loop3A_2953 = arith.addf %parallel_loop3A_2945, %parallel_loop3A_2952 : vector<16xf32>
        %parallel_loop3A_2954 = arith.constant 0.000000e+00 : f32
        %parallel_loop3A_2955 = vector.broadcast %parallel_loop3A_2954 : f32 to vector<16xf32>
        %parallel_loop3A_2956 = arith.maximumf %parallel_loop3A_2949, %parallel_loop3A_2955 : vector<16xf32>
        %parallel_loop3A_2957 = arith.constant 0.000000e+00 : f32
        %parallel_loop3A_2958 = vector.broadcast %parallel_loop3A_2957 : f32 to vector<16xf32>
        %parallel_loop3A_2959 = arith.maximumf %parallel_loop3A_2951, %parallel_loop3A_2958 : vector<16xf32>
        %parallel_loop3A_2960 = arith.constant 0.000000e+00 : f32
        %parallel_loop3A_2961 = vector.broadcast %parallel_loop3A_2960 : f32 to vector<16xf32>
        %parallel_loop3A_2962 = arith.maximumf %parallel_loop3A_2953, %parallel_loop3A_2961 : vector<16xf32>
        %parallel_loop3A_2963 = arith.constant 3280 : index
        %parallel_loop3A_2964 = tpu.vector_load %arg15[%parallel_loop3A_2963] {strides = array<i32>} : memref<3376xf32, #tpu.memory_space<vmem>>, vector<16xf32>,
        %parallel_loop3A_2965 = arith.constant 3296 : index
        %parallel_loop3A_2966 = tpu.vector_load %arg15[%parallel_loop3A_2965] {strides = array<i32>} : memref<3376xf32, #tpu.memory_space<vmem>>, vector<16xf32>,
        %parallel_loop3A_2967 = arith.constant 3312 : index
        %parallel_loop3A_2968 = tpu.vector_load %arg15[%parallel_loop3A_2967] {strides = array<i32>} : memref<3376xf32, #tpu.memory_space<vmem>>, vector<16xf32>,
        %parallel_loop3A_2969 = arith.mulf %parallel_loop3A_2956, %parallel_loop3A_2964 : vector<16xf32>
        %parallel_loop3A_2970 = arith.addf %parallel_loop3A_2863, %parallel_loop3A_2969 : vector<16xf32>
        %parallel_loop3A_2971 = arith.mulf %parallel_loop3A_2959, %parallel_loop3A_2964 : vector<16xf32>
        %parallel_loop3A_2972 = arith.addf %parallel_loop3A_2865, %parallel_loop3A_2971 : vector<16xf32>
        %parallel_loop3A_2973 = arith.mulf %parallel_loop3A_2962, %parallel_loop3A_2964 : vector<16xf32>
        %parallel_loop3A_2974 = arith.addf %parallel_loop3A_2867, %parallel_loop3A_2973 : vector<16xf32>
        %parallel_loop3A_2975 = arith.mulf %parallel_loop3A_2956, %parallel_loop3A_2966 : vector<16xf32>
        %parallel_loop3A_2976 = arith.addf %parallel_loop3A_2869, %parallel_loop3A_2975 : vector<16xf32>
        %parallel_loop3A_2977 = arith.mulf %parallel_loop3A_2959, %parallel_loop3A_2966 : vector<16xf32>
        %parallel_loop3A_2978 = arith.addf %parallel_loop3A_2871, %parallel_loop3A_2977 : vector<16xf32>
        %parallel_loop3A_2979 = arith.mulf %parallel_loop3A_2962, %parallel_loop3A_2966 : vector<16xf32>
        %parallel_loop3A_2980 = arith.addf %parallel_loop3A_2873, %parallel_loop3A_2979 : vector<16xf32>
        %parallel_loop3A_2981 = arith.mulf %parallel_loop3A_2956, %parallel_loop3A_2968 : vector<16xf32>
        %parallel_loop3A_2982 = arith.addf %parallel_loop3A_2875, %parallel_loop3A_2981 : vector<16xf32>
        %parallel_loop3A_2983 = arith.mulf %parallel_loop3A_2959, %parallel_loop3A_2968 : vector<16xf32>
        %parallel_loop3A_2984 = arith.addf %parallel_loop3A_2877, %parallel_loop3A_2983 : vector<16xf32>
        %parallel_loop3A_2985 = arith.mulf %parallel_loop3A_2962, %parallel_loop3A_2968 : vector<16xf32>
        %parallel_loop3A_2986 = arith.addf %parallel_loop3A_2879, %parallel_loop3A_2985 : vector<16xf32>
        %parallel_loop3A_2987 = arith.constant 16 : i32
        %parallel_loop3A_2988 = arith.muli %parallel_loop3A_585, %parallel_loop3A_2987 : i32
        %parallel_loop3A_2989 = vector.broadcast %scan3A_502 : f32 to vector<16xf32>
        %parallel_loop3A_2990 = arith.mulf %parallel_loop3A_2989, %parallel_loop3A_2970 : vector<16xf32>
        %parallel_loop3A_2991 = arith.addf %parallel_loop3A_600, %parallel_loop3A_2990 : vector<16xf32>
        %parallel_loop3A_2992 = arith.index_cast %parallel_loop3A_2988 : i32 to index
        %parallel_loop3A_2993 = tpu.vector_load %arg16[%parallel_loop3A_2992] {strides = array<i32>} : memref<2592xf32, #tpu.memory_space<vmem>>, vector<16xf32>,
        tpu.vector_store %arg16[%parallel_loop3A_2992], %parallel_loop3A_2991 {strides = array<i32>} : memref<2592xf32, #tpu.memory_space<vmem>>, vector<16xf32>,
        %parallel_loop3A_2994 = vector.broadcast %scan3A_502 : f32 to vector<16xf32>
        %parallel_loop3A_2995 = arith.mulf %parallel_loop3A_2994, %parallel_loop3A_2976 : vector<16xf32>
        %parallel_loop3A_2996 = arith.addf %parallel_loop3A_602, %parallel_loop3A_2995 : vector<16xf32>
        %parallel_loop3A_2997 = arith.index_cast %parallel_loop3A_2988 : i32 to index
        %parallel_loop3A_2998 = tpu.vector_load %arg17[%parallel_loop3A_2997] {strides = array<i32>} : memref<2592xf32, #tpu.memory_space<vmem>>, vector<16xf32>,
        tpu.vector_store %arg17[%parallel_loop3A_2997], %parallel_loop3A_2996 {strides = array<i32>} : memref<2592xf32, #tpu.memory_space<vmem>>, vector<16xf32>,
        %parallel_loop3A_2999 = vector.broadcast %scan3A_502 : f32 to vector<16xf32>
        %parallel_loop3A_3000 = arith.mulf %parallel_loop3A_2999, %parallel_loop3A_2982 : vector<16xf32>
        %parallel_loop3A_3001 = arith.addf %parallel_loop3A_604, %parallel_loop3A_3000 : vector<16xf32>
        %parallel_loop3A_3002 = arith.index_cast %parallel_loop3A_2988 : i32 to index
        %parallel_loop3A_3003 = tpu.vector_load %arg18[%parallel_loop3A_3002] {strides = array<i32>} : memref<2592xf32, #tpu.memory_space<vmem>>, vector<16xf32>,
        tpu.vector_store %arg18[%parallel_loop3A_3002], %parallel_loop3A_3001 {strides = array<i32>} : memref<2592xf32, #tpu.memory_space<vmem>>, vector<16xf32>,
        %parallel_loop3A_3004 = arith.index_cast %parallel_loop3A_2988 : i32 to index
        %parallel_loop3A_3005 = tpu.vector_load %arg19[%parallel_loop3A_3004] {strides = array<i32>} : memref<2592xf32, #tpu.memory_space<vmem>>, vector<16xf32>,
        %parallel_loop3A_3006 = arith.mulf %parallel_loop3A_816, %parallel_loop3A_2970 : vector<16xf32>
        %parallel_loop3A_3007 = arith.mulf %parallel_loop3A_817, %parallel_loop3A_2976 : vector<16xf32>
        %parallel_loop3A_3008 = arith.addf %parallel_loop3A_3006, %parallel_loop3A_3007 : vector<16xf32>
        %parallel_loop3A_3009 = arith.mulf %parallel_loop3A_818, %parallel_loop3A_2982 : vector<16xf32>
        %parallel_loop3A_3010 = arith.addf %parallel_loop3A_3008, %parallel_loop3A_3009 : vector<16xf32>
        %parallel_loop3A_3011 = vector.broadcast %scan3A_502 : f32 to vector<16xf32>
        %parallel_loop3A_3012 = arith.mulf %parallel_loop3A_3011, %parallel_loop3A_3010 : vector<16xf32>
        %parallel_loop3A_3013 = arith.addf %parallel_loop3A_3005, %parallel_loop3A_3012 : vector<16xf32>
        %parallel_loop3A_3014 = arith.index_cast %parallel_loop3A_2988 : i32 to index
        %parallel_loop3A_3015 = tpu.vector_load %arg19[%parallel_loop3A_3014] {strides = array<i32>} : memref<2592xf32, #tpu.memory_space<vmem>>, vector<16xf32>,
        tpu.vector_store %arg19[%parallel_loop3A_3014], %parallel_loop3A_3013 {strides = array<i32>} : memref<2592xf32, #tpu.memory_space<vmem>>, vector<16xf32>,
        %parallel_loop3A_3016 = arith.constant 16 : i32
        %parallel_loop3A_3017 = arith.muli %parallel_loop3A_589, %parallel_loop3A_3016 : i32
        %parallel_loop3A_3018 = vector.broadcast %scan3A_502 : f32 to vector<16xf32>
        %parallel_loop3A_3019 = arith.mulf %parallel_loop3A_3018, %parallel_loop3A_2972 : vector<16xf32>
        %parallel_loop3A_3020 = arith.addf %parallel_loop3A_825, %parallel_loop3A_3019 : vector<16xf32>
        %parallel_loop3A_3021 = arith.index_cast %parallel_loop3A_3017 : i32 to index
        %parallel_loop3A_3022 = tpu.vector_load %arg16[%parallel_loop3A_3021] {strides = array<i32>} : memref<2592xf32, #tpu.memory_space<vmem>>, vector<16xf32>,
        tpu.vector_store %arg16[%parallel_loop3A_3021], %parallel_loop3A_3020 {strides = array<i32>} : memref<2592xf32, #tpu.memory_space<vmem>>, vector<16xf32>,
        %parallel_loop3A_3023 = vector.broadcast %scan3A_502 : f32 to vector<16xf32>
        %parallel_loop3A_3024 = arith.mulf %parallel_loop3A_3023, %parallel_loop3A_2978 : vector<16xf32>
        %parallel_loop3A_3025 = arith.addf %parallel_loop3A_827, %parallel_loop3A_3024 : vector<16xf32>
        %parallel_loop3A_3026 = arith.index_cast %parallel_loop3A_3017 : i32 to index
        %parallel_loop3A_3027 = tpu.vector_load %arg17[%parallel_loop3A_3026] {strides = array<i32>} : memref<2592xf32, #tpu.memory_space<vmem>>, vector<16xf32>,
        tpu.vector_store %arg17[%parallel_loop3A_3026], %parallel_loop3A_3025 {strides = array<i32>} : memref<2592xf32, #tpu.memory_space<vmem>>, vector<16xf32>,
        %parallel_loop3A_3028 = vector.broadcast %scan3A_502 : f32 to vector<16xf32>
        %parallel_loop3A_3029 = arith.mulf %parallel_loop3A_3028, %parallel_loop3A_2984 : vector<16xf32>
        %parallel_loop3A_3030 = arith.addf %parallel_loop3A_829, %parallel_loop3A_3029 : vector<16xf32>
        %parallel_loop3A_3031 = arith.index_cast %parallel_loop3A_3017 : i32 to index
        %parallel_loop3A_3032 = tpu.vector_load %arg18[%parallel_loop3A_3031] {strides = array<i32>} : memref<2592xf32, #tpu.memory_space<vmem>>, vector<16xf32>,
        tpu.vector_store %arg18[%parallel_loop3A_3031], %parallel_loop3A_3030 {strides = array<i32>} : memref<2592xf32, #tpu.memory_space<vmem>>, vector<16xf32>,
        %parallel_loop3A_3033 = arith.index_cast %parallel_loop3A_3017 : i32 to index
        %parallel_loop3A_3034 = tpu.vector_load %arg19[%parallel_loop3A_3033] {strides = array<i32>} : memref<2592xf32, #tpu.memory_space<vmem>>, vector<16xf32>,
        %parallel_loop3A_3035 = arith.mulf %parallel_loop3A_1041, %parallel_loop3A_2972 : vector<16xf32>
        %parallel_loop3A_3036 = arith.mulf %parallel_loop3A_1042, %parallel_loop3A_2978 : vector<16xf32>
        %parallel_loop3A_3037 = arith.addf %parallel_loop3A_3035, %parallel_loop3A_3036 : vector<16xf32>
        %parallel_loop3A_3038 = arith.mulf %parallel_loop3A_1043, %parallel_loop3A_2984 : vector<16xf32>
        %parallel_loop3A_3039 = arith.addf %parallel_loop3A_3037, %parallel_loop3A_3038 : vector<16xf32>
        %parallel_loop3A_3040 = vector.broadcast %scan3A_502 : f32 to vector<16xf32>
        %parallel_loop3A_3041 = arith.mulf %parallel_loop3A_3040, %parallel_loop3A_3039 : vector<16xf32>
        %parallel_loop3A_3042 = arith.addf %parallel_loop3A_3034, %parallel_loop3A_3041 : vector<16xf32>
        %parallel_loop3A_3043 = arith.index_cast %parallel_loop3A_3017 : i32 to index
        %parallel_loop3A_3044 = tpu.vector_load %arg19[%parallel_loop3A_3043] {strides = array<i32>} : memref<2592xf32, #tpu.memory_space<vmem>>, vector<16xf32>,
        tpu.vector_store %arg19[%parallel_loop3A_3043], %parallel_loop3A_3042 {strides = array<i32>} : memref<2592xf32, #tpu.memory_space<vmem>>, vector<16xf32>,
        %parallel_loop3A_3045 = arith.constant 16 : i32
        %parallel_loop3A_3046 = arith.muli %parallel_loop3A_593, %parallel_loop3A_3045 : i32
        %parallel_loop3A_3047 = vector.broadcast %scan3A_502 : f32 to vector<16xf32>
        %parallel_loop3A_3048 = arith.mulf %parallel_loop3A_3047, %parallel_loop3A_2974 : vector<16xf32>
        %parallel_loop3A_3049 = arith.addf %parallel_loop3A_1050, %parallel_loop3A_3048 : vector<16xf32>
        %parallel_loop3A_3050 = arith.index_cast %parallel_loop3A_3046 : i32 to index
        %parallel_loop3A_3051 = tpu.vector_load %arg16[%parallel_loop3A_3050] {strides = array<i32>} : memref<2592xf32, #tpu.memory_space<vmem>>, vector<16xf32>,
        tpu.vector_store %arg16[%parallel_loop3A_3050], %parallel_loop3A_3049 {strides = array<i32>} : memref<2592xf32, #tpu.memory_space<vmem>>, vector<16xf32>,
        %parallel_loop3A_3052 = vector.broadcast %scan3A_502 : f32 to vector<16xf32>
        %parallel_loop3A_3053 = arith.mulf %parallel_loop3A_3052, %parallel_loop3A_2980 : vector<16xf32>
        %parallel_loop3A_3054 = arith.addf %parallel_loop3A_1052, %parallel_loop3A_3053 : vector<16xf32>
        %parallel_loop3A_3055 = arith.index_cast %parallel_loop3A_3046 : i32 to index
        %parallel_loop3A_3056 = tpu.vector_load %arg17[%parallel_loop3A_3055] {strides = array<i32>} : memref<2592xf32, #tpu.memory_space<vmem>>, vector<16xf32>,
        tpu.vector_store %arg17[%parallel_loop3A_3055], %parallel_loop3A_3054 {strides = array<i32>} : memref<2592xf32, #tpu.memory_space<vmem>>, vector<16xf32>,
        %parallel_loop3A_3057 = vector.broadcast %scan3A_502 : f32 to vector<16xf32>
        %parallel_loop3A_3058 = arith.mulf %parallel_loop3A_3057, %parallel_loop3A_2986 : vector<16xf32>
        %parallel_loop3A_3059 = arith.addf %parallel_loop3A_1054, %parallel_loop3A_3058 : vector<16xf32>
        %parallel_loop3A_3060 = arith.index_cast %parallel_loop3A_3046 : i32 to index
        %parallel_loop3A_3061 = tpu.vector_load %arg18[%parallel_loop3A_3060] {strides = array<i32>} : memref<2592xf32, #tpu.memory_space<vmem>>, vector<16xf32>,
        tpu.vector_store %arg18[%parallel_loop3A_3060], %parallel_loop3A_3059 {strides = array<i32>} : memref<2592xf32, #tpu.memory_space<vmem>>, vector<16xf32>,
        %parallel_loop3A_3062 = arith.index_cast %parallel_loop3A_3046 : i32 to index
        %parallel_loop3A_3063 = tpu.vector_load %arg19[%parallel_loop3A_3062] {strides = array<i32>} : memref<2592xf32, #tpu.memory_space<vmem>>, vector<16xf32>,
        %parallel_loop3A_3064 = arith.mulf %parallel_loop3A_1266, %parallel_loop3A_2974 : vector<16xf32>
        %parallel_loop3A_3065 = arith.mulf %parallel_loop3A_1267, %parallel_loop3A_2980 : vector<16xf32>
        %parallel_loop3A_3066 = arith.addf %parallel_loop3A_3064, %parallel_loop3A_3065 : vector<16xf32>
        %parallel_loop3A_3067 = arith.mulf %parallel_loop3A_1268, %parallel_loop3A_2986 : vector<16xf32>
        %parallel_loop3A_3068 = arith.addf %parallel_loop3A_3066, %parallel_loop3A_3067 : vector<16xf32>
        %parallel_loop3A_3069 = vector.broadcast %scan3A_502 : f32 to vector<16xf32>
        %parallel_loop3A_3070 = arith.mulf %parallel_loop3A_3069, %parallel_loop3A_3068 : vector<16xf32>
        %parallel_loop3A_3071 = arith.addf %parallel_loop3A_3063, %parallel_loop3A_3070 : vector<16xf32>
        %parallel_loop3A_3072 = arith.index_cast %parallel_loop3A_3046 : i32 to index
        %parallel_loop3A_3073 = tpu.vector_load %arg19[%parallel_loop3A_3072] {strides = array<i32>} : memref<2592xf32, #tpu.memory_space<vmem>>, vector<16xf32>,
        tpu.vector_store %arg19[%parallel_loop3A_3072], %parallel_loop3A_3071 {strides = array<i32>} : memref<2592xf32, #tpu.memory_space<vmem>>, vector<16xf32>,
      } {sc.loop_unroll_factor = 1 : i64, sc.parallel_access}
      %mul3A_541 = arith.constant 3 : i32
      %mul3A_542 = arith.muli %select_n3A_40, %mul3A_541 : i32
      %add3A_543 = arith.constant 0 : i32
      %add3A_544 = arith.addi %mul3A_542, %add3A_543 : i32
      %mul3A_545 = arith.constant 10368 : i32
      %mul3A_546 = arith.muli %add3A_544, %mul3A_545 : i32
      %add3A_547 = arith.addi %mul3A_546, %mul3A_56 : i32
      "tpu.region"() ({
        %run_scoped3A = tpu.sem_alloc : memref<!tpu.dma_semaphore, #tpu.memory_space<semaphore_mem>>
        %dma_start3A = tpu.memref_slice %arg20[%add3A_547] : memref<124416xf32, #tpu.memory_space<vmem_shared>> -> memref<2592xf32, #tpu.memory_space<vmem_shared>>
        %dma_start3A_581 = tpu.memref_slice %arg20[%add3A_547] : memref<124416xf32, #tpu.memory_space<vmem_shared>> -> memref<2592xf32, #tpu.memory_space<vmem_shared>>
        tpu.enqueue_dma source(%arg16 : memref<2592xf32, #tpu.memory_space<vmem>>) target(%dma_start3A_581 : memref<2592xf32, #tpu.memory_space<vmem_shared>>) target_semaphore(%run_scoped3A : memref<!tpu.dma_semaphore, #tpu.memory_space<semaphore_mem>>)
        %dma_wait3A = tpu.memref_slice %arg20[%add3A_547] : memref<124416xf32, #tpu.memory_space<vmem_shared>> -> memref<2592xf32, #tpu.memory_space<vmem_shared>>
        %dma_wait3A_582 = tpu.memref_slice %arg20[%add3A_547] : memref<124416xf32, #tpu.memory_space<vmem_shared>> -> memref<2592xf32, #tpu.memory_space<vmem_shared>>
        tpu.wait_dma2 semaphore(%run_scoped3A : memref<!tpu.dma_semaphore, #tpu.memory_space<semaphore_mem>>) src(%arg16 : memref<2592xf32, #tpu.memory_space<vmem>>) dst(%dma_wait3A_582 : memref<2592xf32, #tpu.memory_space<vmem_shared>>)
        tpu.yield
      }) : () -> ()
      %mul3A_548 = arith.constant 3 : i32
      %mul3A_549 = arith.muli %select_n3A_40, %mul3A_548 : i32
      %add3A_550 = arith.constant 1 : i32
      %add3A_551 = arith.addi %mul3A_549, %add3A_550 : i32
      %mul3A_552 = arith.constant 10368 : i32
      %mul3A_553 = arith.muli %add3A_551, %mul3A_552 : i32
      %add3A_554 = arith.addi %mul3A_553, %mul3A_56 : i32
      "tpu.region"() ({
        %run_scoped3A = tpu.sem_alloc : memref<!tpu.dma_semaphore, #tpu.memory_space<semaphore_mem>>
        %dma_start3A = tpu.memref_slice %arg20[%add3A_554] : memref<124416xf32, #tpu.memory_space<vmem_shared>> -> memref<2592xf32, #tpu.memory_space<vmem_shared>>
        %dma_start3A_581 = tpu.memref_slice %arg20[%add3A_554] : memref<124416xf32, #tpu.memory_space<vmem_shared>> -> memref<2592xf32, #tpu.memory_space<vmem_shared>>
        tpu.enqueue_dma source(%arg17 : memref<2592xf32, #tpu.memory_space<vmem>>) target(%dma_start3A_581 : memref<2592xf32, #tpu.memory_space<vmem_shared>>) target_semaphore(%run_scoped3A : memref<!tpu.dma_semaphore, #tpu.memory_space<semaphore_mem>>)
        %dma_wait3A = tpu.memref_slice %arg20[%add3A_554] : memref<124416xf32, #tpu.memory_space<vmem_shared>> -> memref<2592xf32, #tpu.memory_space<vmem_shared>>
        %dma_wait3A_582 = tpu.memref_slice %arg20[%add3A_554] : memref<124416xf32, #tpu.memory_space<vmem_shared>> -> memref<2592xf32, #tpu.memory_space<vmem_shared>>
        tpu.wait_dma2 semaphore(%run_scoped3A : memref<!tpu.dma_semaphore, #tpu.memory_space<semaphore_mem>>) src(%arg17 : memref<2592xf32, #tpu.memory_space<vmem>>) dst(%dma_wait3A_582 : memref<2592xf32, #tpu.memory_space<vmem_shared>>)
        tpu.yield
      }) : () -> ()
      %mul3A_555 = arith.constant 3 : i32
      %mul3A_556 = arith.muli %select_n3A_40, %mul3A_555 : i32
      %add3A_557 = arith.constant 2 : i32
      %add3A_558 = arith.addi %mul3A_556, %add3A_557 : i32
      %mul3A_559 = arith.constant 10368 : i32
      %mul3A_560 = arith.muli %add3A_558, %mul3A_559 : i32
      %add3A_561 = arith.addi %mul3A_560, %mul3A_56 : i32
      "tpu.region"() ({
        %run_scoped3A = tpu.sem_alloc : memref<!tpu.dma_semaphore, #tpu.memory_space<semaphore_mem>>
        %dma_start3A = tpu.memref_slice %arg20[%add3A_561] : memref<124416xf32, #tpu.memory_space<vmem_shared>> -> memref<2592xf32, #tpu.memory_space<vmem_shared>>
        %dma_start3A_581 = tpu.memref_slice %arg20[%add3A_561] : memref<124416xf32, #tpu.memory_space<vmem_shared>> -> memref<2592xf32, #tpu.memory_space<vmem_shared>>
        tpu.enqueue_dma source(%arg18 : memref<2592xf32, #tpu.memory_space<vmem>>) target(%dma_start3A_581 : memref<2592xf32, #tpu.memory_space<vmem_shared>>) target_semaphore(%run_scoped3A : memref<!tpu.dma_semaphore, #tpu.memory_space<semaphore_mem>>)
        %dma_wait3A = tpu.memref_slice %arg20[%add3A_561] : memref<124416xf32, #tpu.memory_space<vmem_shared>> -> memref<2592xf32, #tpu.memory_space<vmem_shared>>
        %dma_wait3A_582 = tpu.memref_slice %arg20[%add3A_561] : memref<124416xf32, #tpu.memory_space<vmem_shared>> -> memref<2592xf32, #tpu.memory_space<vmem_shared>>
        tpu.wait_dma2 semaphore(%run_scoped3A : memref<!tpu.dma_semaphore, #tpu.memory_space<semaphore_mem>>) src(%arg18 : memref<2592xf32, #tpu.memory_space<vmem>>) dst(%dma_wait3A_582 : memref<2592xf32, #tpu.memory_space<vmem_shared>>)
        tpu.yield
      }) : () -> ()
      %barrier3A = arith.constant 0 : index
      tpu.barrier barrier_id(%barrier3A)
      %mul3A_562 = arith.constant 3 : i32
      %mul3A_563 = arith.muli %select_n3A_40, %mul3A_562 : i32
      %add3A_564 = arith.constant 0 : i32
      %add3A_565 = arith.addi %mul3A_563, %add3A_564 : i32
      %mul3A_566 = arith.constant 10368 : i32
      %mul3A_567 = arith.muli %add3A_565, %mul3A_566 : i32
      "tpu.region"() ({
        %run_scoped3A = tpu.sem_alloc : memref<!tpu.dma_semaphore, #tpu.memory_space<semaphore_mem>>
        %dma_start3A = tpu.memref_slice %arg20[%mul3A_567] : memref<124416xf32, #tpu.memory_space<vmem_shared>> -> memref<10368xf32, #tpu.memory_space<vmem_shared>>
        %dma_start3A_581 = tpu.memref_slice %arg20[%mul3A_567] : memref<124416xf32, #tpu.memory_space<vmem_shared>> -> memref<10368xf32, #tpu.memory_space<vmem_shared>>
        tpu.enqueue_dma source(%dma_start3A_581 : memref<10368xf32, #tpu.memory_space<vmem_shared>>) target(%arg9 : memref<10368xf32, #tpu.memory_space<vmem>>) target_semaphore(%run_scoped3A : memref<!tpu.dma_semaphore, #tpu.memory_space<semaphore_mem>>)
        %dma_wait3A = tpu.memref_slice %arg20[%mul3A_567] : memref<124416xf32, #tpu.memory_space<vmem_shared>> -> memref<10368xf32, #tpu.memory_space<vmem_shared>>
        %dma_wait3A_582 = tpu.memref_slice %arg20[%mul3A_567] : memref<124416xf32, #tpu.memory_space<vmem_shared>> -> memref<10368xf32, #tpu.memory_space<vmem_shared>>
        tpu.wait_dma2 semaphore(%run_scoped3A : memref<!tpu.dma_semaphore, #tpu.memory_space<semaphore_mem>>) src(%dma_wait3A_582 : memref<10368xf32, #tpu.memory_space<vmem_shared>>) dst(%arg9 : memref<10368xf32, #tpu.memory_space<vmem>>)
        tpu.yield
      }) : () -> ()
      %mul3A_568 = arith.constant 3 : i32
      %mul3A_569 = arith.muli %select_n3A_40, %mul3A_568 : i32
      %add3A_570 = arith.constant 1 : i32
      %add3A_571 = arith.addi %mul3A_569, %add3A_570 : i32
      %mul3A_572 = arith.constant 10368 : i32
      %mul3A_573 = arith.muli %add3A_571, %mul3A_572 : i32
      "tpu.region"() ({
        %run_scoped3A = tpu.sem_alloc : memref<!tpu.dma_semaphore, #tpu.memory_space<semaphore_mem>>
        %dma_start3A = tpu.memref_slice %arg20[%mul3A_573] : memref<124416xf32, #tpu.memory_space<vmem_shared>> -> memref<10368xf32, #tpu.memory_space<vmem_shared>>
        %dma_start3A_581 = tpu.memref_slice %arg20[%mul3A_573] : memref<124416xf32, #tpu.memory_space<vmem_shared>> -> memref<10368xf32, #tpu.memory_space<vmem_shared>>
        tpu.enqueue_dma source(%dma_start3A_581 : memref<10368xf32, #tpu.memory_space<vmem_shared>>) target(%arg10 : memref<10368xf32, #tpu.memory_space<vmem>>) target_semaphore(%run_scoped3A : memref<!tpu.dma_semaphore, #tpu.memory_space<semaphore_mem>>)
        %dma_wait3A = tpu.memref_slice %arg20[%mul3A_573] : memref<124416xf32, #tpu.memory_space<vmem_shared>> -> memref<10368xf32, #tpu.memory_space<vmem_shared>>
        %dma_wait3A_582 = tpu.memref_slice %arg20[%mul3A_573] : memref<124416xf32, #tpu.memory_space<vmem_shared>> -> memref<10368xf32, #tpu.memory_space<vmem_shared>>
        tpu.wait_dma2 semaphore(%run_scoped3A : memref<!tpu.dma_semaphore, #tpu.memory_space<semaphore_mem>>) src(%dma_wait3A_582 : memref<10368xf32, #tpu.memory_space<vmem_shared>>) dst(%arg10 : memref<10368xf32, #tpu.memory_space<vmem>>)
        tpu.yield
      }) : () -> ()
      %mul3A_574 = arith.constant 3 : i32
      %mul3A_575 = arith.muli %select_n3A_40, %mul3A_574 : i32
      %add3A_576 = arith.constant 2 : i32
      %add3A_577 = arith.addi %mul3A_575, %add3A_576 : i32
      %mul3A_578 = arith.constant 10368 : i32
      %mul3A_579 = arith.muli %add3A_577, %mul3A_578 : i32
      "tpu.region"() ({
        %run_scoped3A = tpu.sem_alloc : memref<!tpu.dma_semaphore, #tpu.memory_space<semaphore_mem>>
        %dma_start3A = tpu.memref_slice %arg20[%mul3A_579] : memref<124416xf32, #tpu.memory_space<vmem_shared>> -> memref<10368xf32, #tpu.memory_space<vmem_shared>>
        %dma_start3A_581 = tpu.memref_slice %arg20[%mul3A_579] : memref<124416xf32, #tpu.memory_space<vmem_shared>> -> memref<10368xf32, #tpu.memory_space<vmem_shared>>
        tpu.enqueue_dma source(%dma_start3A_581 : memref<10368xf32, #tpu.memory_space<vmem_shared>>) target(%arg11 : memref<10368xf32, #tpu.memory_space<vmem>>) target_semaphore(%run_scoped3A : memref<!tpu.dma_semaphore, #tpu.memory_space<semaphore_mem>>)
        %dma_wait3A = tpu.memref_slice %arg20[%mul3A_579] : memref<124416xf32, #tpu.memory_space<vmem_shared>> -> memref<10368xf32, #tpu.memory_space<vmem_shared>>
        %dma_wait3A_582 = tpu.memref_slice %arg20[%mul3A_579] : memref<124416xf32, #tpu.memory_space<vmem_shared>> -> memref<10368xf32, #tpu.memory_space<vmem_shared>>
        tpu.wait_dma2 semaphore(%run_scoped3A : memref<!tpu.dma_semaphore, #tpu.memory_space<semaphore_mem>>) src(%dma_wait3A_582 : memref<10368xf32, #tpu.memory_space<vmem_shared>>) dst(%arg11 : memref<10368xf32, #tpu.memory_space<vmem>>)
        tpu.yield
      }) : () -> ()
      %barrier3A_580 = arith.constant 0 : index
      tpu.barrier barrier_id(%barrier3A_580)
    }
    %scan3A_507 = arith.constant 10 : i32
    %scan3A_508 = arith.constant 0 : i32
    %scan3A_509 = arith.constant 0 : i32
    %scan3A_510 = arith.constant 162 : i32
    %scan3A_511 = arith.addi %scan3A_509, %scan3A_510 : i32
    %scan3A_512 = arith.constant 1 : i32
    scf.for %scan3A_538 = %scan3A_509 to %scan3A_511 step %scan3A_512  : i32 {
      %mul3A_539 = arith.constant 16 : i32
      %mul3A_540 = arith.muli %scan3A_538, %mul3A_539 : i32
      %add3A_541 = arith.addi %mul3A_56, %mul3A_540 : i32
      %mul3A_542 = arith.constant 16 : i32
      %mul3A_543 = arith.muli %scan3A_538, %mul3A_542 : i32
      %get3A = arith.index_cast %add3A_541 : i32 to index
      %get3A_544 = tpu.vector_load %arg9[%get3A] {strides = array<i32>} : memref<10368xf32, #tpu.memory_space<vmem>>, vector<16xf32>,
      %mul3A_545 = arith.mulf %get3A_544, %sub3A_242 : vector<16xf32>
      %swap3A = arith.index_cast %mul3A_543 : i32 to index
      %swap3A_546 = tpu.vector_load %arg16[%swap3A] {strides = array<i32>} : memref<2592xf32, #tpu.memory_space<vmem>>, vector<16xf32>,
      tpu.vector_store %arg16[%swap3A], %mul3A_545 {strides = array<i32>} : memref<2592xf32, #tpu.memory_space<vmem>>, vector<16xf32>,
      %get3A_547 = arith.index_cast %add3A_541 : i32 to index
      %get3A_548 = tpu.vector_load %arg10[%get3A_547] {strides = array<i32>} : memref<10368xf32, #tpu.memory_space<vmem>>, vector<16xf32>,
      %mul3A_549 = arith.mulf %get3A_548, %sub3A_363 : vector<16xf32>
      %swap3A_550 = arith.index_cast %mul3A_543 : i32 to index
      %swap3A_551 = tpu.vector_load %arg17[%swap3A_550] {strides = array<i32>} : memref<2592xf32, #tpu.memory_space<vmem>>, vector<16xf32>,
      tpu.vector_store %arg17[%swap3A_550], %mul3A_549 {strides = array<i32>} : memref<2592xf32, #tpu.memory_space<vmem>>, vector<16xf32>,
      %get3A_552 = arith.index_cast %add3A_541 : i32 to index
      %get3A_553 = tpu.vector_load %arg11[%get3A_552] {strides = array<i32>} : memref<10368xf32, #tpu.memory_space<vmem>>, vector<16xf32>,
      %mul3A_554 = arith.mulf %get3A_553, %sub3A_484 : vector<16xf32>
      %swap3A_555 = arith.index_cast %mul3A_543 : i32 to index
      %swap3A_556 = tpu.vector_load %arg18[%swap3A_555] {strides = array<i32>} : memref<2592xf32, #tpu.memory_space<vmem>>, vector<16xf32>,
      tpu.vector_store %arg18[%swap3A_555], %mul3A_554 {strides = array<i32>} : memref<2592xf32, #tpu.memory_space<vmem>>, vector<16xf32>,
    }
    %scan3A_513 = arith.constant 162 : i32
    %mul3A_514 = arith.constant 3 : i32
    %mul3A_515 = arith.muli %add3A, %mul3A_514 : i32
    %add3A_516 = arith.constant 0 : i32
    %add3A_517 = arith.addi %mul3A_515, %add3A_516 : i32
    %mul3A_518 = arith.constant 10368 : i32
    %mul3A_519 = arith.muli %add3A_517, %mul3A_518 : i32
    %add3A_520 = arith.addi %mul3A_519, %mul3A_56 : i32
    "tpu.region"() ({
      %run_scoped3A = tpu.sem_alloc : memref<!tpu.dma_semaphore, #tpu.memory_space<semaphore_mem>>
      %dma_start3A = tpu.memref_slice %arg7[%add3A_520] : memref<248832xf32, #tpu.memory_space<hbm>> -> memref<2592xf32, #tpu.memory_space<hbm>>
      %dma_start3A_538 = tpu.memref_slice %arg7[%add3A_520] : memref<248832xf32, #tpu.memory_space<hbm>> -> memref<2592xf32, #tpu.memory_space<hbm>>
      tpu.enqueue_dma source(%arg16 : memref<2592xf32, #tpu.memory_space<vmem>>) target(%dma_start3A_538 : memref<2592xf32, #tpu.memory_space<hbm>>) target_semaphore(%run_scoped3A : memref<!tpu.dma_semaphore, #tpu.memory_space<semaphore_mem>>)
      %dma_wait3A = tpu.memref_slice %arg7[%add3A_520] : memref<248832xf32, #tpu.memory_space<hbm>> -> memref<2592xf32, #tpu.memory_space<hbm>>
      %dma_wait3A_539 = tpu.memref_slice %arg7[%add3A_520] : memref<248832xf32, #tpu.memory_space<hbm>> -> memref<2592xf32, #tpu.memory_space<hbm>>
      tpu.wait_dma2 semaphore(%run_scoped3A : memref<!tpu.dma_semaphore, #tpu.memory_space<semaphore_mem>>) src(%arg16 : memref<2592xf32, #tpu.memory_space<vmem>>) dst(%dma_wait3A_539 : memref<2592xf32, #tpu.memory_space<hbm>>)
      tpu.yield
    }) : () -> ()
    %mul3A_521 = arith.constant 3 : i32
    %mul3A_522 = arith.muli %add3A, %mul3A_521 : i32
    %add3A_523 = arith.constant 1 : i32
    %add3A_524 = arith.addi %mul3A_522, %add3A_523 : i32
    %mul3A_525 = arith.constant 10368 : i32
    %mul3A_526 = arith.muli %add3A_524, %mul3A_525 : i32
    %add3A_527 = arith.addi %mul3A_526, %mul3A_56 : i32
    "tpu.region"() ({
      %run_scoped3A = tpu.sem_alloc : memref<!tpu.dma_semaphore, #tpu.memory_space<semaphore_mem>>
      %dma_start3A = tpu.memref_slice %arg7[%add3A_527] : memref<248832xf32, #tpu.memory_space<hbm>> -> memref<2592xf32, #tpu.memory_space<hbm>>
      %dma_start3A_538 = tpu.memref_slice %arg7[%add3A_527] : memref<248832xf32, #tpu.memory_space<hbm>> -> memref<2592xf32, #tpu.memory_space<hbm>>
      tpu.enqueue_dma source(%arg17 : memref<2592xf32, #tpu.memory_space<vmem>>) target(%dma_start3A_538 : memref<2592xf32, #tpu.memory_space<hbm>>) target_semaphore(%run_scoped3A : memref<!tpu.dma_semaphore, #tpu.memory_space<semaphore_mem>>)
      %dma_wait3A = tpu.memref_slice %arg7[%add3A_527] : memref<248832xf32, #tpu.memory_space<hbm>> -> memref<2592xf32, #tpu.memory_space<hbm>>
      %dma_wait3A_539 = tpu.memref_slice %arg7[%add3A_527] : memref<248832xf32, #tpu.memory_space<hbm>> -> memref<2592xf32, #tpu.memory_space<hbm>>
      tpu.wait_dma2 semaphore(%run_scoped3A : memref<!tpu.dma_semaphore, #tpu.memory_space<semaphore_mem>>) src(%arg17 : memref<2592xf32, #tpu.memory_space<vmem>>) dst(%dma_wait3A_539 : memref<2592xf32, #tpu.memory_space<hbm>>)
      tpu.yield
    }) : () -> ()
    %mul3A_528 = arith.constant 3 : i32
    %mul3A_529 = arith.muli %add3A, %mul3A_528 : i32
    %add3A_530 = arith.constant 2 : i32
    %add3A_531 = arith.addi %mul3A_529, %add3A_530 : i32
    %mul3A_532 = arith.constant 10368 : i32
    %mul3A_533 = arith.muli %add3A_531, %mul3A_532 : i32
    %add3A_534 = arith.addi %mul3A_533, %mul3A_56 : i32
    "tpu.region"() ({
      %run_scoped3A = tpu.sem_alloc : memref<!tpu.dma_semaphore, #tpu.memory_space<semaphore_mem>>
      %dma_start3A = tpu.memref_slice %arg7[%add3A_534] : memref<248832xf32, #tpu.memory_space<hbm>> -> memref<2592xf32, #tpu.memory_space<hbm>>
      %dma_start3A_538 = tpu.memref_slice %arg7[%add3A_534] : memref<248832xf32, #tpu.memory_space<hbm>> -> memref<2592xf32, #tpu.memory_space<hbm>>
      tpu.enqueue_dma source(%arg18 : memref<2592xf32, #tpu.memory_space<vmem>>) target(%dma_start3A_538 : memref<2592xf32, #tpu.memory_space<hbm>>) target_semaphore(%run_scoped3A : memref<!tpu.dma_semaphore, #tpu.memory_space<semaphore_mem>>)
      %dma_wait3A = tpu.memref_slice %arg7[%add3A_534] : memref<248832xf32, #tpu.memory_space<hbm>> -> memref<2592xf32, #tpu.memory_space<hbm>>
      %dma_wait3A_539 = tpu.memref_slice %arg7[%add3A_534] : memref<248832xf32, #tpu.memory_space<hbm>> -> memref<2592xf32, #tpu.memory_space<hbm>>
      tpu.wait_dma2 semaphore(%run_scoped3A : memref<!tpu.dma_semaphore, #tpu.memory_space<semaphore_mem>>) src(%arg18 : memref<2592xf32, #tpu.memory_space<vmem>>) dst(%dma_wait3A_539 : memref<2592xf32, #tpu.memory_space<hbm>>)
      tpu.yield
    }) : () -> ()
    %mul3A_535 = arith.constant 10368 : i32
    %mul3A_536 = arith.muli %add3A, %mul3A_535 : i32
    %add3A_537 = arith.addi %mul3A_536, %mul3A_56 : i32
    "tpu.region"() ({
      %run_scoped3A = tpu.sem_alloc : memref<!tpu.dma_semaphore, #tpu.memory_space<semaphore_mem>>
      %dma_start3A = tpu.memref_slice %arg8[%add3A_537] : memref<82944xf32, #tpu.memory_space<hbm>> -> memref<2592xf32, #tpu.memory_space<hbm>>
      %dma_start3A_538 = tpu.memref_slice %arg8[%add3A_537] : memref<82944xf32, #tpu.memory_space<hbm>> -> memref<2592xf32, #tpu.memory_space<hbm>>
      tpu.enqueue_dma source(%arg19 : memref<2592xf32, #tpu.memory_space<vmem>>) target(%dma_start3A_538 : memref<2592xf32, #tpu.memory_space<hbm>>) target_semaphore(%run_scoped3A : memref<!tpu.dma_semaphore, #tpu.memory_space<semaphore_mem>>)
      %dma_wait3A = tpu.memref_slice %arg8[%add3A_537] : memref<82944xf32, #tpu.memory_space<hbm>> -> memref<2592xf32, #tpu.memory_space<hbm>>
      %dma_wait3A_539 = tpu.memref_slice %arg8[%add3A_537] : memref<82944xf32, #tpu.memory_space<hbm>> -> memref<2592xf32, #tpu.memory_space<hbm>>
      tpu.wait_dma2 semaphore(%run_scoped3A : memref<!tpu.dma_semaphore, #tpu.memory_space<semaphore_mem>>) src(%arg19 : memref<2592xf32, #tpu.memory_space<vmem>>) dst(%dma_wait3A_539 : memref<2592xf32, #tpu.memory_space<hbm>>)
      tpu.yield
    }) : () -> ()
    return
  }
}

</mosaic_0001>

<sc_bundles>
// kernel: kernel.3.cloned.1.call-start
scs
__scs_entry_jumppad:
0x0: {  	(pc) =	sbr.rel $0x88, $3  }
0x1: {  	(tag) =	ssettag $0x0;
	lr =	simm.s32 $0x1  }
0x2: {  	[smem:$0x3F9B] =	sst lr;
	_ =	strace $0xD0000000  }
0x3: {  	_ = 	snop  }
0x4: {  	_ = 	snop  }
0x5: {  	_ = 	snop  }
0x6: {  	_ = 	snop  }
0x7: {  	_ = 	snop  }
__scs_overlays_trampoline_lowered:
0x8: {  	[smem:$0x3FAA] =	sst s0  }
0x9: {  	[smem:$0x3FAB] =	sst s1  }
0xa: {  	[smem:$0x3FAC] =	sst s2  }
0xb: {  	[smem:$0x3FAD] =	sst s3  }
0xc: {  	[smem:$0x3FAE] =	sst s4  }
0xd: {  	[smem:$0x3FAF] =	sst s5  }
0xe: {  	[smem:$0x3FB0] =	sst s6  }
0xf: {  	[smem:$0x3FB1] =	sst s7  }
0x10: {  	[smem:$0x3FB2] =	sst s8  }
0x11: {  	[smem:$0x3FB3] =	sst s9;
	s0 =	simm.s32 @!p0 $0x0  }
0x12: {  	s1 =	sld [smem:$0x3F99];
	s0 =	simm.s32 @p0 $0x1  }
0x13: {  	[smem:$0x3FB4] =	sst s0;
	s0 =	simm.s32 @!p1 $0x0  }
0x14: {  	s2 =	sld [smem:$0x3F98];
	s0 =	simm.s32 @p1 $0x1  }
0x15: {  	[smem:$0x3FB5] =	sst s0;
	s0 =	simm.s32 @!p2 $0x0  }
0x16: {  	s3 =	sld [smem:$0x3FDB];
	s0 =	simm.s32 @p2 $0x1  }
0x17: {  	s4 =	simm.s32 $0x1BF5;
	[smem:$0x3FB7] =	sst s0  }
0x18: {  	s0 =	sld [smem:$0x3F9A];
	_ =	swait.ge [sflag:s4], $0x0  }
0x19: {  	s7 =	sld [smem:$0x3F9B]  }
0x1a: {  	s8 =	sadd.s32 $0xFFFFE003, lr  }
0x1b: {  	s9 =	sadd.s32 $0xFFFFFEF7, lr;
	s5 =	simm.s32 $0xFFFFFFFF;
	p2 =	slt.u32 s8, $0xFFFFF086  }
0x1c: {  	p1 =	slt.u32 s9, $0xF7A;
	s5 =	simm.s32 @!p2 $0x0  }
0x1d: {  	s5 =	simm.s32 @p1 $0x1;
	p0 =	seq.s32 s7, s2  }
0x1e: {  	s7 =	smul.u32 @!p0 $0xF7A, s2;
	p2 =	seq.s32 @!p0 s5, $0x0  }
0x1f: {  	s9 =	smul.u32 $0xF7A, s1;
	s8 =	simm.s32 @!p0 $0x1BF5;
	p2 =	por !p2, p0  }
0x20: {  	[sflag:s8] =	ssyncset.s32 @!p0 $0xFFFFF086;
	s6 =	sadd.s32 @!p0 s3, s7;
	s7 =	simm.s32 @!p0 $0x108  }
0x21: {  	s3 =	sadd.s32 s3, s9;
	s6 =	sadd.s32 @!p0 $0x88, s6;
	s7 =	simm.s32 @p2 $0x1082  }
0x22: {  	[simem:s7], [sflag:s8] =	dma.local @!p0 [hbm:s6], $0xF7A  }
0x23: {  	s9 =	sor.u32 $0xD0000000, s2;
	s6 =	simm.s32 $0x108;
	_ =	swait.ge @!p0 [sflag:s8], $0x0  }
0x24: {  	s3 =	sadd.s32 $0x88, s3;
	s6 =	simm.s32 @!p1 $0x1082;
	[sflag:s4] =	ssyncset.s32 $0xFFFFF086  }
0x25: {  	[simem:s6], [sflag:s4] =	dma.local [hbm:s3], $0xF7A  }
0x26: {  	[smem:$0x3F9B] =	sst s1;
	(tag) =	ssettag s2;
	_ =	strace s9  }
0x27: {  	s1 =	sld [smem:$0x3FAB]  }
0x28: {  	s2 =	sld [smem:$0x3FAC]  }
0x29: {  	s4 =	sld [smem:$0x3FAE]  }
0x2a: {  	p0 =	seq.s32 s5, $0x0;
	s5 =	sld [smem:$0x3FAF]  }
0x2b: {  	s6 =	sld [smem:$0x3FB0]  }
0x2c: {  	s7 =	sld [smem:$0x3FB1]  }
0x2d: {  	s3 =	simm.s32 $0x108;
	s8 =	sld [smem:$0x3FB2]  }
0x2e: {  	s3 =	simm.s32 @!p0 $0x1082;
	s9 =	sld [smem:$0x3FB3]  }
0x2f: {  	lr =	sadd.s32 s0, s3;
	s0 =	sld [smem:$0x3FAA]  }
0x30: {  	s3 =	sld [smem:$0x3FAD]  }
0x31: {  	[smem:$0x3FB6] =	sst s10  }
0x32: {  	s10 =	sld [smem:$0x3FB4];
	_ =	sdelay $0x3  }
0x33: {  	p0 =	seq.s32 s10, $0x1;
	s10 =	sld [smem:$0x3FB6];
	_ =	sdelay $0x3  }
0x34: {  	[smem:$0x3FB6] =	sst s10  }
0x35: {  	s10 =	sld [smem:$0x3FB5];
	_ =	sdelay $0x3  }
0x36: {  	p1 =	seq.s32 s10, $0x1;
	s10 =	sld [smem:$0x3FB6];
	_ =	sdelay $0x3  }
0x37: {  	[smem:$0x3FB6] =	sst s10  }
0x38: {  	s10 =	sld [smem:$0x3FB7]  }
0x39: {  	_ = 	snop;
	(pc) =	sbr.ind lr, $3  }
0x3a: {  	_ = 	snop  }
0x3b: {  	_ = 	snop  }
0x3c: {  	p2 =	seq.s32 s10, $0x1;
	s10 =	sld [smem:$0x3FB6]  }
0x3d: {  	_ =	shalt  }
0x3e: {  	_ =	shalt  }
0x3f: {  	_ =	shalt  }
0x40: {  	_ =	shalt  }
0x41: {  	_ =	shalt  }
0x42: {  	_ =	shalt  }
0x43: {  	_ =	shalt  }
0x44: {  	_ =	shalt  }
0x45: {  	_ =	shalt  }
0x46: {  	_ =	shalt  }
0x47: {  	_ =	shalt  }
0x48: {  	_ =	shalt  }
0x49: {  	_ =	shalt  }
0x4a: {  	_ =	shalt  }
0x4b: {  	_ =	shalt  }
0x4c: {  	_ =	shalt  }
0x4d: {  	_ =	shalt  }
0x4e: {  	_ =	shalt  }
0x4f: {  	_ =	shalt  }
0x50: {  	_ =	shalt  }
0x51: {  	_ =	shalt  }
0x52: {  	_ =	shalt  }
0x53: {  	_ =	shalt  }
0x54: {  	_ =	shalt  }
0x55: {  	_ =	shalt  }
0x56: {  	_ =	shalt  }
0x57: {  	_ =	shalt  }
0x58: {  	_ =	shalt  }
0x59: {  	_ =	shalt  }
0x5a: {  	_ =	shalt  }
0x5b: {  	_ =	shalt  }
0x5c: {  	_ =	shalt  }
0x5d: {  	_ =	shalt  }
0x5e: {  	_ =	shalt  }
0x5f: {  	_ =	shalt  }
0x60: {  	_ =	shalt  }
0x61: {  	_ =	shalt  }
0x62: {  	_ =	shalt  }
0x63: {  	_ =	shalt  }
0x64: {  	_ =	shalt  }
0x65: {  	_ =	shalt  }
0x66: {  	_ =	shalt  }
0x67: {  	_ =	shalt  }
0x68: {  	_ =	shalt  }
0x69: {  	_ =	shalt  }
0x6a: {  	_ =	shalt  }
0x6b: {  	_ =	shalt  }
0x6c: {  	_ =	shalt  }
0x6d: {  	_ =	shalt  }
0x6e: {  	_ =	shalt  }
0x6f: {  	_ =	shalt  }
0x70: {  	_ =	shalt  }
0x71: {  	_ =	shalt  }
0x72: {  	_ =	shalt  }
0x73: {  	_ =	shalt  }
0x74: {  	_ =	shalt  }
0x75: {  	_ =	shalt  }
0x76: {  	_ =	shalt  }
0x77: {  	_ =	shalt  }
0x78: {  	_ =	shalt  }
0x79: {  	_ =	shalt  }
0x7a: {  	_ =	shalt  }
0x7b: {  	_ =	shalt  }
0x7c: {  	_ =	shalt  }
0x7d: {  	_ =	shalt  }
0x7e: {  	_ =	shalt  }
0x7f: {  	_ =	shalt  }
0x80: {  	_ =	shalt  }
0x81: {  	_ =	shalt  }
0x82: {  	_ =	shalt  }
0x83: {  	_ =	shalt  }
0x84: {  	_ =	shalt  }
0x85: {  	_ =	shalt  }
0x86: {  	_ =	shalt  }
0x87: {  	_ =	shalt  }
.Lfunc_end0:
.L_simem_size_0:
called_computation_lowered:
.L_overlay_start_0:
0x88: {  	s2 =	sld [smem:$0x3FD9]  }
0x89: {  	s3 =	sld [smem:$0x3FFE];
	_ =	sdelay $0x1  }
0x8a: {  	s1 =	srdreg.scid  }
0x8b: {  	s0 =	sand.u32 $0x1, s1  }
0x8c: {  	s17 =	sshll.u32 s0, $0xA;
	s2 =	sadd.s32 s3, s2  }
0x8d: {  	s2 =	sadd.s32 s2, s17  }
0x8e: {  	[smem:$0x3FC2] =	sst s2  }
0x8f: {  	_ = 	snop  }
0x90: {  	s2 =	sld [smem:$0x3FD0];
	(tm) =	ssettm $0x1  }
0x91: {  	s18 =	sld [smem:$0x3FFB];
	_ =	sdelay $0x3  }
0x92: {  	_ =	strace s18  }
0x93: {  	s3 =	sld [smem:$0x3FFC];
	_ =	sdelay $0x3  }
0x94: {  	_ =	strace s3  }
0x95: {  	s3 =	sld [smem:$0x3FFD];
	_ =	sdelay $0x3  }
0x96: {  	_ =	strace s3  }
0x97: {  	_ =	strace $0x8FFFFFFF  }
0x98: {  	s19 =	sld [smem:$0x3FDB];
	_ =	sdelay $0x1  }
0x99: {  	s4 =	simm.s32 $_scs_section_size  }
0x9a: {  	s5 =	simm.s32 $_size__tile_overlayer_lowered;
	s6 =	simm.s32 $_tile_overlayer_lowered  }
0x9b: {  	s22 =	simm.s32 $0x1BFF;
	s21 =	sshll.u32 s6, $0x1;
	s3 =	sadd.s32 s4, s19  }
0x9c: {  	s7 =	simm.s32 $0x0;
	s20 =	sshll.u32 s5, $0x1;
	s5 =	sadd.s32 s21, s3  }
0x9d: {  	[timem:s7], [sflag:s22] =	dma.local [hbm:s5], s20  }
0x9e: {  	_ =	swait.ge [sflag:s22], s20  }
0x9f: {  	s4 =	ssub.s32 $0x0, s20;
	[sflag:s22] =	ssyncset.done $0x0  }
0xa0: {  	[sflag:s22] =	ssyncadd.s32 s4;
	_ =	sdelay $0x1  }
0xa1: {  	s23 =	simm.s32 $0x1B8B  }
0xa2: {  	_ =	swait.ge [sflag:s23], $0x1  }
0xa3: {  	[sflag:s23] =	ssyncset.done $0x0  }
0xa4: {  	s25 =	simm.s32 $0x1B8E;
	s24 =	sld [smem:$0x3FFE];
	[sflag:s23] =	ssyncadd.s32 $0xFFFFFFFF  }
0xa5: {  	s26 =	simm.s32 $execute0_lowered;
	[smem:$0x3FD2] =	sst s25  }
0xa6: {  	s5 =	sshll.u32 s26, $0x1;
	_ =	strace $0x80000046;
	[dreg:$0x1] =	wrdreg $0xFFFFFFFF  }
0xa7: {  	s28 =	simm.s32 $_size_execute0_lowered;
	s3 =	sadd.s32 s3, s5;
	[dreg:$0x0] =	wrdreg $0x0  }
0xa8: {  	s5 =	sshll.u32 s28, $0x1;
	[dreg:$0x2] =	wrdreg s3  }
0xa9: {  	[dreg:$0x3] =	wrdreg s5  }
0xaa: {  	[dreg:$0x4] =	wrdreg $0xC0  }
0xab: {  	_ =	task [dreg:s7], $0x5FFFF  }
0xac: {  	[dreg:$0x1] =	wrdreg $0xFFFFFFFF  }
0xad: {  	[dreg:$0x0] =	wrdreg $0x60  }
0xae: {  	[dreg:$0x2] =	wrdreg s2  }
0xaf: {  	[dreg:$0x3] =	wrdreg s24  }
0xb0: {  	[dreg:$0x4] =	wrdreg $0x100300  }
0xb1: {  	[dreg:$0x5] =	wrdreg $0x9  }
0xb2: {  	_ =	task.clear_ibuf [dreg:s7], $0x6FFFF;
	_ =	strace $0x90000046  }
0xb3: {  	s29 =	simm.s32 $0x9;
	_ =	strace $0x80000048  }
0xb4: {  	_ =	swait.ge [sflag:s29], $0x1  }
0xb5: {  	[sflag:s29] =	ssyncadd.s32 $0xFFFFFFFF  }
0xb6: {  	_ =	strace $0x90000048  }
0xb7: {  	_ =	sfence  }
0xb8: {  	s30 =	sld [smem:$0x0];
	_ =	sdelay $0x2  }
0xb9: {  	s31 =	sshll.u32 s1, $0xD;
	s1 =	sshrl.u32 s1, $0x2  }
0xba: {  	s3 =	sand.u32 $0x4000, s31;
	s1 =	sadd.s32 s1, s30  }
0xbb: {  	s0 =	sor.u32 s3, s0;
	s1 =	sshll.u32 s1, $0x11  }
0xbc: {  	s0 =	sor.u32 s1, s0  }
0xbd: {  	s0 =	sadd.s32 $0x8F2B, s0  }
0xbe: {  	[sflag:s0] =	ssyncadd.remote.s32 $0x1  }
0xbf: {  	_ =	sfence.sel $0xFFFF  }
0xc0: {  	[dreg:$0x0] =	wrdreg $0xFFFFFFFF;
	(pc) =	sbr.abs _section_cstart, $3  }
0xc1: {  	[dreg:$0x1] =	wrdreg $0xFFFFFFFF  }
0xc2: {  	_ =	task.clear_ibuf [dreg:s7], $0x2FFFF;
	_ =	strace $0x9FFFFFFF  }
0xc3: {  	(tm) =	ssettm $0x7FFFFFFF  }
tec
execute0_lowered:
.L_overlay_start_1:
0x0: {  	(tag) =	ssettag $0x1  }
0x1: {  	s1 =	rddreg [dreg:$0x0];
	s9 =	stileid.u32  }
0x2: {  	s3 =	rddreg [dreg:$0x1];
	s0 =	srdreg.scid  }
0x3: {  	s5 =	rddreg [dreg:$0x2];
	s2 =	simm.s32 $0x0;
	s28 =	simm.s32 $0x2880  }
0x4: {  	s29 =	simm.s32 $0x5100;
	s31 =	simm.s32 $0xD7B0;
	s4 =	sand.u32 $0x3, s9  }
0x5: {  	s30 =	simm.s32 $0x0;
	s6 =	sand.u32 $0x1, s0;
	s0 =	smul.u32 $0xA20, s4  }
0x6: {  	s9 =	sshrl.u32 s9, $0x2;
	[smem:$0x7FF] =	sst s2;
	s7 =	smul.u32 $0xF300, s6  }
0x7: {  	s24 =	sadd.s32 $0x1400, s3;
	s19 =	sadd.s32 $0x8A00, s3;
	s10 =	smul.u32 $0x144, s4  }
0x8: {  	s8 =	sshll.u32 s6, $0x2;
	_ =	strace $0x80000047;
	s15 =	smul.u32 $0x1E600, s9  }
0x9: {  	[dreg:$0x4] =	wrdreg s24;
	s6 =	ssub.s32 $0x2, s6;
	s4 =	smul.u32 $0x2880, s4  }
0xa: {  	s8 =	sor.u32 s9, s8;
	s26 =	sshrl.u32 s6, $0x1;
	s7 =	sadd.s32 s7, s0  }
0xb: {  	v0 =	vimm.s32 $0xFEDCBA98;
	s11 =	smul.u32 $0x2880, s8;
	s14 =	sadd.s32 s10, s3;
	s4 =	sshrl.u32 s4, $0x2  }
0xc: {  	v2 =	vimm.s32 $0x76543210;
	v3 =	vimm.s32 $0x32107654;
	s16 =	smul.u32 $0x7980, s8;
	s7 =	sshrl.u32 s7, $0x3;
	s21 =	sadd.s32 $0x20, s4  }
0xd: {  	v10 =	vimm.s32 $0x67452301;
	v1 =	vunpack.c.l.s4.s8 v0;
	v5 =	vunpack.c.l.s4.s8 v2;
	s22 =	sadd.s32 $0x28A0, s4;
	s12 =	sadd.s32 s7, s3;
	s25 =	sadd.s32 s0, s11  }
0xe: {  	v2 =	vimm.s32 $0xBA98FEDC;
	v7 =	vunpack.c.l.s4.s8 v3;
	v3 =	vimm.s32 $0x54761032;
	s18 =	sadd.s32 $0x2880, s16;
	s20 =	sadd.s32 $0x5100, s16;
	s8 =	sshrl.u32 s16, $0x3  }
0xf: {  	v10 =	vunpack.c.l.s4.s8 v10;
	v4 =	vunpack.c.l.s4.s8 v2;
	s17 =	sadd.s32 s0, s16;
	v0 =	vmov s21;
	s21 =	sadd.s32 $0x5120, s4;
	s7 =	sshrl.u32 s25, $0x3  }
0x10: {  	v2 =	vimm.s32 $0xDCFE98BA;
	v9 =	vunpack.c.l.s4.s8 v3;
	v3 =	vimm.s32 $0xEFCDAB89;
	s25 =	ssub.s32 s6, s26;
	s10 =	sshrl.u32 s18, $0x3;
	s11 =	sshrl.u32 s20, $0x3  }
0x11: {  	v6 =	vunpack.c.0.s8.s32 v1;
	v8 =	vunpack.c.l.s4.s8 v2;
	v11 =	vunpack.c.l.s4.s8 v3;
	s6 =	sadd.s32 s1, s8;
	s8 =	sadd.s32 $0x2710, s12;
	s9 =	sadd.s32 $0x2C20, s12  }
0x12: {  	v7 =	vunpack.c.0.s8.s32 v7;
	v59 =	vunpack.c.0.s8.s32 v5;
	v3 =	vmov s4;
	s23 =	sadd.s32 s0, s18;
	s24 =	sadd.s32 s0, s20;
	s3 =	sadd.s32 s7, s3  }
0x13: {  	v12 =	vunpack.c.0.s8.s32 v4;
	v9 =	vunpack.c.0.s8.s32 v9;
	v6 =	vand.u32 $0xF, v6;
	[tilespmem:$0x1FFD0] =	vst v3;
	[dreg:$0x5] =	wrdreg s6;
	s13 =	sadd.s32 s1, s10;
	s6 =	sadd.s32 s1, s11  }
0x14: {  	v8 =	vunpack.c.0.s8.s32 v8;
	v1 =	vmov s22;
	v6 =	vcombine.low v6, v59;
	[tilespmem:$0x1FFA0] =	vst v0;
	s7 =	sadd.s32 $0x2200, s12;
	s10 =	sadd.s32 $0x3130, s12;
	s11 =	sadd.s32 $0x3640, s12  }
0x15: {  	v10 =	vunpack.c.0.s8.s32 v10;
	v11 =	vunpack.c.0.s8.s32 v11;
	v7 =	vcombine.low v7, v12;
	[tilespmem:$0x1FFB0] =	vst v1;
	s12 =	sadd.s32 $0x3B50, s12;
	s1 =	sshrl.u32 s15, $0x2;
	s26 =	sshrl.u32 s24, $0x3  }
0x16: {  	v2 =	vmov s21;
	v8 =	vcombine.low v9, v8;
	s25 =	smax.u32 s25, $0x1;
	[tilespmem:$0x1FF60] =	vst v6;
	[dreg:$0x6] =	wrdreg s13;
	s13 =	sadd.s32 $0x1C00, s14  }
0x17: {  	v9 =	vcombine.low v10, v11;
	v61 =	vand.u32 $0xF, v7;
	[tilespmem:$0x1FFC0] =	vst v2;
	s14 =	sadd.s32 $0x1600, s14;
	s15 =	sadd.s32 s1, s5;
	s1 =	sshrl.u32 s17, $0x3  }
0x18: {  	s24 =	sadd.s32 $0x6000, s3;
	s3 =	sadd.s32 $0x2880, s4;
	s5 =	sadd.s32 $0x5100, s4;
	[tilespmem:$0x1FF70] =	vst v61;
	v62 =	vand.u32 $0xF, v8  }
0x19: {  	v63 =	vand.u32 $0xF, v9;
	s16 =	sadd.s32 $0x2880, s15;
	s17 =	sadd.s32 s19, s1;
	s1 =	sshrl.u32 s23, $0x3;
	[tilespmem:$0x1FF80] =	vst v62  }
0x1a: {  	s20 =	sadd.s32 $0x5100, s15;
	s21 =	sadd.s32 s0, s15;
	v58 =	vmov s3;
	[tilespmem:$0x1FF90] =	vst v63;
	s18 =	sadd.s32 s19, s1  }
0x1b: {  	v60 =	vmov s5;
	s19 =	sadd.s32 s19, s26;
	s22 =	sadd.s32 s0, s16;
	s23 =	sadd.s32 s0, s20;
	[tilespmem:$0x1FFE0] =	vst v58  }
0x1c: {  	v10 =	vimm.f32 $0.0e+00;
	s26 =	simm.s32 $0x1;
	s1 =	simm.s32 $0xE1D0;
	s0 =	simm.s32 $0xEBF0;
	[tilespmem:$0x1FFF0] =	vst v60  }
.LBB2_1:
0x1d: {  	s3 =	rddreg [dreg:$0x5]  }
0x1e: {  	[tilespmem:s2], [sflag:$0x1] =	stream.linear.gather [hbm4b:s3+s2], $0x2880, $0x38;
	[tilespmem:$0x11E90] =	vst v63  }
0x1f: {  	_ =	swait.ge [sflag:s26], $0x2880  }
0x20: {  	[sflag:s26] =	ssyncset.done $0x0  }
0x21: {  	s4 =	rddreg [dreg:$0x6];
	[sflag:s26] =	ssyncadd.s32 $0xFFFFD780  }
0x22: {  	[tilespmem:s28], [sflag:$0x1] =	stream.linear.gather [hbm4b:s4+s2], $0x2880, $0x38;
	[tilespmem:$0x11E90] =	vst v63  }
0x23: {  	_ =	swait.ge [sflag:s26], $0x2880  }
0x24: {  	[sflag:s26] =	ssyncset.done $0x0  }
0x25: {  	[sflag:s26] =	ssyncadd.s32 $0xFFFFD780  }
0x26: {  	[tilespmem:s29], [sflag:$0x1] =	stream.linear.gather [hbm4b:s6+s2], $0x2880, $0x38;
	[tilespmem:$0x11E90] =	vst v63  }
0x27: {  	_ =	swait.ge [sflag:s26], $0x2880  }
0x28: {  	[sflag:s26] =	ssyncset.done $0x0  }
0x29: {  	s5 =	simm.s32 $0x7980;
	[sflag:s26] =	ssyncadd.s32 $0xFFFFD780  }
0x2a: {  	[tilespmem:s5], [sflag:$0x1] =	stream.linear.gather [hbm4b:s7+s2], $0xA20, $0x38;
	[tilespmem:$0x11E90] =	vst v63  }
0x2b: {  	_ =	swait.ge [sflag:s26], $0xA20  }
0x2c: {  	[sflag:s26] =	ssyncset.done $0x0  }
0x2d: {  	s4 =	simm.s32 $0x83A0;
	[sflag:s26] =	ssyncadd.s32 $0xFFFFF5E0  }
0x2e: {  	[tilespmem:s4], [sflag:$0x1] =	stream.linear.gather [hbm4b:s8+s2], $0xA20, $0x38;
	[tilespmem:$0x11E90] =	vst v63  }
0x2f: {  	_ =	swait.ge [sflag:s26], $0xA20  }
0x30: {  	[sflag:s26] =	ssyncset.done $0x0  }
0x31: {  	s5 =	simm.s32 $0x8DC0;
	[sflag:s26] =	ssyncadd.s32 $0xFFFFF5E0  }
0x32: {  	[tilespmem:s5], [sflag:$0x1] =	stream.linear.gather [hbm4b:s9+s2], $0xA20, $0x38;
	[tilespmem:$0x11E90] =	vst v63  }
0x33: {  	_ =	swait.ge [sflag:s26], $0xA20  }
0x34: {  	[sflag:s26] =	ssyncset.done $0x0  }
0x35: {  	s4 =	simm.s32 $0x97E0;
	[sflag:s26] =	ssyncadd.s32 $0xFFFFF5E0  }
0x36: {  	[tilespmem:s4], [sflag:$0x1] =	stream.linear.gather [hbm4b:s10+s2], $0xA20, $0x38;
	[tilespmem:$0x11E90] =	vst v63  }
0x37: {  	_ =	swait.ge [sflag:s26], $0xA20  }
0x38: {  	[sflag:s26] =	ssyncset.done $0x0  }
0x39: {  	s5 =	simm.s32 $0xA200;
	[sflag:s26] =	ssyncadd.s32 $0xFFFFF5E0  }
0x3a: {  	[tilespmem:s5], [sflag:$0x1] =	stream.linear.gather [hbm4b:s11+s2], $0xA20, $0x38;
	[tilespmem:$0x11E90] =	vst v63  }
0x3b: {  	_ =	swait.ge [sflag:s26], $0xA20  }
0x3c: {  	[sflag:s26] =	ssyncset.done $0x0  }
0x3d: {  	s4 =	simm.s32 $0xAC20;
	[sflag:s26] =	ssyncadd.s32 $0xFFFFF5E0  }
0x3e: {  	[tilespmem:s4], [sflag:$0x1] =	stream.linear.gather [hbm4b:s12+s2], $0xA20, $0x38;
	[tilespmem:$0x11E90] =	vst v63  }
0x3f: {  	_ =	swait.ge [sflag:s26], $0xA20  }
0x40: {  	[sflag:s26] =	ssyncset.done $0x0  }
0x41: {  	s5 =	simm.s32 $0xB640;
	[sflag:s26] =	ssyncadd.s32 $0xFFFFF5E0  }
0x42: {  	[tilespmem:s5], [sflag:$0x1] =	stream.linear.gather [hbm4b:s13+s2], $0xA20, $0x38;
	[tilespmem:$0x11E90] =	vst v63  }
0x43: {  	_ =	swait.ge [sflag:s26], $0xA20  }
0x44: {  	[sflag:s26] =	ssyncset.done $0x0  }
0x45: {  	s4 =	simm.s32 $0xC060;
	[sflag:s26] =	ssyncadd.s32 $0xFFFFF5E0  }
0x46: {  	[tilespmem:s4], [sflag:$0x1] =	stream.linear.gather [hbm4b:s14+s2], $0xA20, $0x38;
	[tilespmem:$0x11E90] =	vst v63  }
0x47: {  	_ =	swait.ge [sflag:s26], $0xA20  }
0x48: {  	[sflag:s26] =	ssyncset.done $0x0  }
0x49: {  	s4 =	simm.s32 $0xCA80;
	s5 =	rddreg [dreg:$0x4];
	[sflag:s26] =	ssyncadd.s32 $0xFFFFF5E0  }
0x4a: {  	[tilespmem:s4], [sflag:$0x1] =	stream.linear.gather [hbm4b:s5+s2], $0xD30, $0x38;
	[tilespmem:$0x11E90] =	vst v63  }
0x4b: {  	_ =	swait.ge [sflag:s26], $0xD30  }
0x4c: {  	[sflag:s26] =	ssyncset.done $0x0  }
0x4d: {  	s5 =	simm.s32 $0x0;
	[sflag:s26] =	ssyncadd.s32 $0xFFFFF2D0  }
0x4e: {  	v11 =	vld [tilespmem:s5+$0x5100]  }
0x4f: {  	v14 =	vimm.f32 $+Inf;
	v12 =	vimm.f32 $-Inf;
	v19 =	vimm.f32 $+Inf;
	v17 =	vld [tilespmem:s5+$0x0]  }
0x50: {  	v18 =	vimm.f32 $-Inf;
	v16 =	vimm.f32 $+Inf;
	v15 =	vimm.f32 $-Inf;
	s3 =	simm.s32 $0x40;
	v13 =	vld [tilespmem:s5+$0x2880]  }
.LBB2_2:
0x51: {  	p0 =	sne.s32 s3, $0xA1C0  }
.Ltmp0:
0x52: {  	_ = 	snop;
	(pc) =	sbr.rel @p0 .LBB2_2-.Ltmp0, $4  }
0x53: {  	s4 =	sshra.s32 s3, $0x2  }
0x54: {  	v14 =	vmin.f32 v14, v11;
	v12 =	vmax.f32 v12, v11;
	v11 =	vld [tilespmem:s4+$0x5100]  }
0x55: {  	v19 =	vmin.f32 v19, v17;
	v18 =	vmax.f32 v18, v17;
	v17 =	vld [tilespmem:s4+$0x0]  }
0x56: {  	s3 =	sadd.s32 $0x40, s3;
	v16 =	vmin.f32 v16, v13;
	v15 =	vmax.f32 v15, v13;
	v13 =	vld [tilespmem:s4+$0x2880]  }
0x57: {  	v6 =	vld [tilespmem:$0x1FF60];
	_ =	sdelay $0x2  }
0x58: {  	v7 =	vld [tilespmem:$0x1FF70]  }
0x59: {  	v19 =	vmin.f32 v19, v17  }
0x5a: {  	v20 =	vperm.xlane v19, v6  }
0x5b: {  	v8 =	vld [tilespmem:$0x1FF80]  }
0x5c: {  	v19 =	vmin.f32 v19, v20  }
0x5d: {  	v20 =	vperm.xlane v19, v7  }
0x5e: {  	v9 =	vld [tilespmem:$0x1FF90]  }
0x5f: {  	v17 =	vmax.f32 v18, v17;
	v18 =	vmin.f32 v19, v20  }
0x60: {  	v14 =	vmin.f32 v14, v11;
	v19 =	vperm.xlane v18, v8  }
0x61: {  	v11 =	vmax.f32 v12, v11;
	v16 =	vmin.f32 v16, v13;
	v12 =	vmax.f32 v15, v13  }
0x62: {  	v13 =	vperm.xlane v16, v6;
	v20 =	vperm.xlane v17, v6;
	v18 =	vmin.f32 v18, v19  }
0x63: {  	v19 =	vperm.xlane v18, v9  }
0x64: {  	v13 =	vmin.f32 v16, v13;
	v16 =	vperm.xlane v14, v6;
	v17 =	vmax.f32 v17, v20  }
0x65: {  	v20 =	vperm.xlane v17, v7;
	v15 =	vmin.f32 v18, v19;
	v18 =	vperm.xlane v12, v6  }
0x66: {  	v21 =	vperm.xlane v13, v7;
	v14 =	vmin.f32 v14, v16;
	v19 =	vperm.xlane v11, v6  }
0x67: {  	v16 =	vperm.xlane v14, v7;
	v17 =	vmax.f32 v17, v20;
	v12 =	vmax.f32 v12, v18  }
0x68: {  	v20 =	vperm.xlane v17, v8;
	v11 =	vmax.f32 v11, v19;
	v18 =	vperm.xlane v12, v7  }
0x69: {  	v13 =	vmin.f32 v13, v21;
	v14 =	vmin.f32 v14, v16;
	v19 =	vperm.xlane v11, v7  }
0x6a: {  	v16 =	vperm.xlane v14, v8;
	v17 =	vmax.f32 v17, v20;
	v12 =	vmax.f32 v12, v18  }
0x6b: {  	v20 =	vperm.xlane v13, v8;
	v11 =	vmax.f32 v11, v19;
	v18 =	vperm.xlane v12, v8  }
0x6c: {  	v14 =	vmin.f32 v14, v16;
	v19 =	vperm.xlane v11, v8  }
0x6d: {  	v13 =	vmin.f32 v13, v20;
	v20 =	vperm.xlane v17, v9;
	v12 =	vmax.f32 v12, v18  }
0x6e: {  	v21 =	vperm.xlane v13, v9;
	v11 =	vmax.f32 v11, v19;
	v18 =	vperm.xlane v12, v9  }
0x6f: {  	v16 =	vmax.f32 v17, v20;
	v17 =	vperm.xlane v14, v9;
	v19 =	vperm.xlane v11, v9  }
0x70: {  	v15 =	vadd.f32 v16, v15;
	v13 =	vmin.f32 v13, v21;
	v12 =	vmax.f32 v12, v18  }
0x71: {  	v17 =	vmin.f32 v14, v17;
	v11 =	vmax.f32 v11, v19;
	v13 =	vadd.f32 v12, v13  }
0x72: {  	v14 =	vmul.f32 $5.000000000e-01, v15;
	v17 =	vadd.f32 v11, v17  }
0x73: {  	v15 =	vmul.f32 $5.000000000e-01, v13  }
0x74: {  	v8 =	vsub.f32 v16, v14;
	v16 =	vmul.f32 $5.000000000e-01, v17  }
0x75: {  	v7 =	vsub.f32 v12, v15  }
0x76: {  	(erf) = vrcp.f32 v8;
	v6 =	vsub.f32 v11, v16  }
0x77: {  	(erf) = vrcp.f32 v7  }
0x78: {  	(erf) = vrcp.f32 v6;
	_ =	sdelay $0x6  }
0x79: {  	s3 =	simm.s32 $0x0;
	v17 =	vpop (erf)  }
0x7a: {  	v20 =	vld [tilespmem:s3+$0x0];
	v18 =	vpop (erf)  }
0x7b: {  	s4 =	simm.s32 $0x40;
	v21 =	vld [tilespmem:s3+$0x2880];
	v19 =	vpop (erf)  }
.LBB2_4:
0x7c: {  	p0 =	sne.s32 s4, $0xA1C0;
	v22 =	vld [tilespmem:s3+$0x5100];
	_ =	sdelay $0x2  }
0x7d: {  	v20 =	vsub.f32 v20, v14  }
0x7e: {  	v21 =	vsub.f32 v21, v15  }
.Ltmp1:
0x7f: {  	v20 =	vmul.f32 v20, v17;
	v22 =	vsub.f32 v22, v16;
	(pc) =	sbr.rel @p0 .LBB2_4-.Ltmp1, $4  }
0x80: {  	v21 =	vmul.f32 v21, v18  }
0x81: {  	s5 =	sshra.s32 s4, $0x2;
	[tilespmem:s3+$0x0] =	vst v20;
	v22 =	vmul.f32 v22, v19  }
0x82: {  	v20 =	vld [tilespmem:s5+$0x0];
	[tilespmem:s3+$0x2880] =	vst v21  }
0x83: {  	s4 =	sadd.s32 $0x40, s4;
	v21 =	vld [tilespmem:s5+$0x2880];
	[tilespmem:s3+$0x5100] =	vst v22;
	s3 =	smov.u32 s5  }
0x84: {  	v22 =	vld [tilespmem:s3+$0x5100];
	_ =	sdelay $0x2  }
0x85: {  	v14 =	vsub.f32 v20, v14  }
0x86: {  	[tilespmem:$0x1FF30] =	vst v8;
	v15 =	vsub.f32 v21, v15  }
0x87: {  	[tilespmem:$0x1FF40] =	vst v7;
	v14 =	vmul.f32 v14, v17;
	v16 =	vsub.f32 v22, v16  }
0x88: {  	[tilespmem:$0x1FF50] =	vst v6;
	v15 =	vmul.f32 v15, v18  }
0x89: {  	[tilespmem:s3+$0x0] =	vst v14;
	v63 =	vmul.f32 v16, v19  }
0x8a: {  	[tilespmem:s3+$0x2880] =	vst v15  }
0x8b: {  	s4 =	simm.s32 $0x0;
	[tilespmem:s3+$0x5100] =	vst v63;
	s3 =	simm.s32 $0x40  }
.LBB2_6:
0x8c: {  	p0 =	sne.s32 s3, $0x2840;
	[tilespmem:s4+$0xF610] =	vst v10;
	s4 =	smov.u32 s3;
	s3 =	sadd.s32 $0x40, s3  }
.Ltmp2:
0x8d: {  	(pc) =	sbr.rel @p0 .LBB2_6-.Ltmp2, $2  }
0x8e: {  	_ =	sdelay $0x2  }
0x8f: {  	s4 =	sshra.s32 s4, $0x2  }
0x90: {  	[tilespmem:s4+$0xF610] =	vst v10;
	s3 =	simm.s32 $0x0  }
.LBB2_8:
0x91: {  	s4 =	simm.s32 $0x0  }
.LBB2_9:
0x92: {  	s5 =	sshra.s32 s4, $0x2  }
0x93: {  	v14 =	vld [tilespmem:s5+$0x7980];
	_ =	sdelay $0x1  }
0x94: {  	v15 =	vld [tilespmem:s5+$0x83A0]  }
0x95: {  	v16 =	vld [tilespmem:s5+$0x8DC0]  }
0x96: {  	v51 =	vld [tilespmem:s5+$0x97E0]  }
0x97: {  	v19 =	vld [tilespmem:s5+$0xA200]  }
0x98: {  	v52 =	vld [tilespmem:s5+$0xAC20]  }
0x99: {  	v3 =	vld.idx.msk [tilespmem:v0+s5+$0xFFFFFFE0 ss:$0x1], $0xffff  }
0x9a: {  	v20 =	vld.idx.msk [tilespmem:v14+s2+$0x0], $0xffff  }
0x9b: {  	v21 =	vld.idx.msk [tilespmem:v14+s28+$0x0], $0xffff  }
0x9c: {  	v33 =	vld.idx.msk [tilespmem:v14+s29+$0x0], $0xffff  }
0x9d: {  	v17 =	vld.idx.msk [tilespmem:v15+s2+$0x0], $0xffff  }
0x9e: {  	v18 =	vld.idx.msk [tilespmem:v15+s28+$0x0], $0xffff  }
0x9f: {  	v22 =	vld.idx.msk [tilespmem:v15+s29+$0x0], $0xffff  }
0xa0: {  	v23 =	vld.idx.msk [tilespmem:v16+s2+$0x0], $0xffff  }
0xa1: {  	v24 =	vld.idx.msk [tilespmem:v16+s28+$0x0], $0xffff  }
0xa2: {  	v25 =	vld.idx.msk [tilespmem:v16+s29+$0x0], $0xffff  }
0xa3: {  	v26 =	vld.idx.msk [tilespmem:v51+s2+$0x0], $0xffff  }
0xa4: {  	v27 =	vld.idx.msk [tilespmem:v51+s28+$0x0], $0xffff  }
0xa5: {  	v28 =	vld.idx.msk [tilespmem:v19+s2+$0x0], $0xffff  }
0xa6: {  	v29 =	vld.idx.msk [tilespmem:v19+s28+$0x0], $0xffff  }
0xa7: {  	v30 =	vld.idx.msk [tilespmem:v52+s2+$0x0], $0xffff  }
0xa8: {  	v31 =	vld.idx.msk [tilespmem:v52+s28+$0x0], $0xffff  }
0xa9: {  	v32 =	vld.idx.msk [tilespmem:v51+s29+$0x0], $0xffff  }
0xaa: {  	v53 =	vadd.f32 v17, v20  }
0xab: {  	v34 =	vadd.f32 v26, v23;
	v35 =	vadd.f32 v18, v21  }
0xac: {  	v4 =	vld.idx.msk [tilespmem:v1+s5+$0xFFFFFFE0 ss:$0x1], $0xffff;
	v36 =	vadd.f32 v27, v24;
	v54 =	vadd.f32 v30, v28  }
0xad: {  	v55 =	vadd.f32 v31, v29;
	v38 =	vadd.f32 v22, v33  }
0xae: {  	v5 =	vld.idx.msk [tilespmem:v2+s5+$0xFFFFFFE0 ss:$0x1], $0xffff;
	v39 =	vadd.f32 v32, v25;
	v56 =	vsub.f32 v20, v3  }
0xaf: {  	v17 =	vsub.f32 v17, v3;
	v23 =	vsub.f32 v23, v3  }
0xb0: {  	v26 =	vsub.f32 v26, v3;
	v28 =	vsub.f32 v28, v3  }
0xb1: {  	v40 =	vsub.f32 v30, v3;
	v41 =	vsub.f32 v21, v4  }
0xb2: {  	v18 =	vsub.f32 v18, v4;
	v24 =	vsub.f32 v24, v4  }
0xb3: {  	v19 =	vld.idx.msk [tilespmem:v19+s29+$0x0], $0xffff;
	v57 =	vsub.f32 v33, v5;
	v22 =	vsub.f32 v22, v5  }
0xb4: {  	v27 =	vsub.f32 v27, v4;
	v29 =	vsub.f32 v29, v4  }
0xb5: {  	v31 =	vsub.f32 v31, v4;
	v42 =	vmul.f32 v22, v41;
	v43 =	vmul.f32 v18, v57  }
0xb6: {  	v25 =	vsub.f32 v25, v5;
	v58 =	vmul.f32 v17, v57;
	v45 =	vmul.f32 v22, v56  }
0xb7: {  	v37 =	vld.idx.msk [tilespmem:v52+s29+$0x0], $0xffff;
	v32 =	vsub.f32 v32, v5;
	v59 =	vmul.f32 v18, v56;
	v60 =	vmul.f32 v17, v41  }
0xb8: {  	v44 =	vsub.f32 v19, v5;
	v46 =	vmul.f32 v25, v18;
	v47 =	vmul.f32 v24, v22  }
0xb9: {  	v16 =	vadd.f32 v34, v53;
	v22 =	vmul.f32 v23, v22;
	v62 =	vmul.f32 v25, v17  }
0xba: {  	v35 =	vadd.f32 v36, v35;
	v17 =	vmul.f32 v24, v17;
	v18 =	vmul.f32 v23, v18  }
0xbb: {  	v36 =	vadd.f32 v39, v38;
	v8 =	vmul.f32 v32, v24;
	v9 =	vmul.f32 v27, v25  }
0xbc: {  	v6 =	vld [tilespmem:s5+$0xA210];
	v38 =	vadd.f32 v37, v19;
	v10 =	vmul.f32 v26, v25;
	v11 =	vmul.f32 v32, v23  }
0xbd: {  	v37 =	vsub.f32 v37, v5;
	v23 =	vmul.f32 v27, v23;
	v24 =	vmul.f32 v26, v24  }
0xbe: {  	v63 =	vld [tilespmem:s5+$0x7990];
	v12 =	vmul.f32 v44, v27;
	v48 =	vmul.f32 v29, v32;
	v34 =	vadd.f32 v54, v16  }
0xbf: {  	v50 =	vld [tilespmem:s5+$0x97F0];
	v32 =	vmul.f32 v28, v32;
	v35 =	vadd.f32 v55, v35;
	v42 =	vsub.f32 v42, v43  }
0xc0: {  	v49 =	vld [tilespmem:s5+$0x83B0];
	[tilespmem:$0x1FED0] =	vst v3;
	v13 =	vmul.f32 v44, v26;
	v19 =	vsub.f32 v58, v45;
	v43 =	vsub.f32 v59, v60  }
0xc1: {  	v7 =	vld [tilespmem:s5+$0xAC30];
	[tilespmem:$0x1FEF0] =	vst v5;
	v14 =	vmul.f32 v29, v26;
	v61 =	vsub.f32 v46, v47;
	v22 =	vsub.f32 v22, v62  }
0xc2: {  	v3 =	vld.idx.msk [tilespmem:v0+s5+$0xFFFFFFF0 ss:$0x1], $0xffff;
	v15 =	vmul.f32 v28, v27;
	v17 =	vsub.f32 v17, v18;
	v18 =	vsub.f32 v8, v9  }
0xc3: {  	v5 =	vld.idx.msk [tilespmem:v1+s5+$0xFFFFFFF0 ss:$0x1], $0xffff;
	v25 =	vsub.f32 v10, v11;
	v24 =	vsub.f32 v23, v24;
	v59 =	vmul.f32 v37, v29  }
0xc4: {  	v53 =	vld.idx.msk [tilespmem:v6+s2+$0x0], $0xffff;
	v46 =	vsub.f32 v12, v48;
	v60 =	vmul.f32 v31, v44;
	v62 =	vmul.f32 v37, v28  }
0xc5: {  	v45 =	vld [tilespmem:s5+$0xC060];
	v32 =	vsub.f32 v32, v13;
	v28 =	vmul.f32 v31, v28;
	v29 =	vmul.f32 v40, v29  }
0xc6: {  	v23 =	vld.idx.msk [tilespmem:v63+s2+$0x0], $0xffff;
	v26 =	vsub.f32 v14, v15;
	v8 =	vmul.f32 v31, v57;
	v12 =	vmul.f32 v40, v41  }
0xc7: {  	v31 =	vmul.f32 v31, v56;
	v55 =	vld.idx.msk [tilespmem:v50+s28+$0x0], $0xffff;
	v42 =	vadd.f32 $0.0e+00, v42;
	v19 =	vadd.f32 $0.0e+00, v19  }
0xc8: {  	[tilespmem:$0x1FEE0] =	vst v4;
	v4 =	vld.idx.msk [tilespmem:v2+s5+$0xFFFFFFF0 ss:$0x1], $0xffff;
	v43 =	vadd.f32 $0.0e+00, v43;
	v28 =	vsub.f32 v28, v29  }
0xc9: {  	v39 =	vld.idx.msk [tilespmem:v50+s29+$0x0], $0xffff;
	v9 =	vmul.f32 v37, v41;
	v13 =	vsub.f32 v12, v31;
	v41 =	vsub.f32 v53, v3  }
0xca: {  	v11 =	vmul.f32 v40, v57;
	v29 =	vld.idx.msk [tilespmem:v49+s29+$0x0], $0xffff;
	v42 =	vadd.f32 v61, v42;
	v22 =	vadd.f32 v22, v19  }
0xcb: {  	v54 =	vld.idx.msk [tilespmem:v7+s2+$0x0], $0xffff;
	v43 =	vadd.f32 v17, v43;
	v61 =	vmul.f32 v40, v44;
	v40 =	vsub.f32 v23, v3  }
0xcc: {  	v17 =	vld [tilespmem:s5+$0x8DD0];
	v20 =	vmul.f32 v45, v20;
	v44 =	vsub.f32 v55, v5;
	v42 =	vadd.f32 v18, v42  }
0xcd: {  	v22 =	vadd.f32 v25, v22;
	v43 =	vadd.f32 v24, v43;
	v25 =	vld.idx.msk [tilespmem:v63+s28+$0x0], $0xffff  }
0xce: {  	v24 =	vld.idx.msk [tilespmem:v63+s29+$0x0], $0xffff;
	v63 =	vsub.f32 v59, v60;
	v31 =	vsub.f32 v34, v20  }
0xcf: {  	v59 =	vsub.f32 v29, v4;
	v16 =	vadd.f32 v46, v42  }
0xd0: {  	v52 =	vld.idx.msk [tilespmem:v50+s2+$0x0], $0xffff;
	v22 =	vadd.f32 v32, v22;
	v26 =	vadd.f32 v26, v43  }
0xd1: {  	v30 =	vld.idx.msk [tilespmem:v49+s28+$0x0], $0xffff;
	v32 =	vsub.f32 v61, v62;
	v43 =	vsub.f32 v8, v9  }
0xd2: {  	v10 =	vmul.f32 v37, v56;
	v46 =	vld.idx.msk [tilespmem:v49+s2+$0x0], $0xffff;
	v49 =	vadd.f32 v38, v36;
	v42 =	vsub.f32 v54, v3  }
0xd3: {  	v34 =	vld.idx.msk [tilespmem:v6+s29+$0x0], $0xffff;
	v62 =	vsub.f32 v39, v4;
	v27 =	vadd.f32 v63, v16  }
0xd4: {  	v36 =	vld.idx.msk [tilespmem:v6+s28+$0x0], $0xffff;
	v22 =	vadd.f32 v32, v22;
	v32 =	vsub.f32 v10, v11  }
0xd5: {  	v21 =	vmul.f32 v45, v21;
	v38 =	vld.idx.msk [tilespmem:v7+s28+$0x0], $0xffff;
	v28 =	vadd.f32 v28, v26;
	v58 =	vsub.f32 v24, v4  }
0xd6: {  	v51 =	vld.idx.msk [tilespmem:v17+s2+$0x0], $0xffff;
	v26 =	vadd.f32 v27, v43;
	v27 =	vadd.f32 v22, v32  }
0xd7: {  	v47 =	vld.idx.msk [tilespmem:v17+s28+$0x0], $0xffff;
	v28 =	vadd.f32 v28, v13;
	v32 =	vsub.f32 v35, v21  }
0xd8: {  	v37 =	vld.idx.msk [tilespmem:v17+s29+$0x0], $0xffff;
	v22 =	vsub.f32 v52, v3;
	v43 =	vsub.f32 v25, v5  }
0xd9: {  	v9 =	vmul.f32 v59, v40;
	v17 =	vsub.f32 v30, v5;
	v35 =	vld.idx.msk [tilespmem:v7+s29+$0x0], $0xffff;
	v7 =	vsub.f32 v34, v4  }
0xda: {  	v16 =	vsub.f32 v46, v3;
	v14 =	vmul.f32 v26, v26;
	v15 =	vmul.f32 v27, v27  }
0xdb: {  	v56 =	vsub.f32 v36, v5;
	v63 =	vmul.f32 v59, v43;
	v6 =	vmul.f32 v17, v58  }
0xdc: {  	v60 =	vsub.f32 v38, v5;
	v36 =	vadd.f32 v38, v36;
	v19 =	vmul.f32 v17, v40  }
0xdd: {  	v18 =	vmul.f32 v7, v22;
	v57 =	vadd.f32 v15, v14;
	v6 =	vsub.f32 v63, v6  }
0xde: {  	v8 =	vmul.f32 v16, v58;
	v50 =	vsub.f32 v47, v5;
	v61 =	vsub.f32 v37, v4  }
0xdf: {  	v12 =	vmul.f32 v16, v43;
	v21 =	vsub.f32 v51, v3;
	v10 =	vsub.f32 v35, v4  }
0xe0: {  	[tilespmem:$0x1FF00] =	vst v3;
	v8 =	vsub.f32 v8, v9;
	v3 =	vmul.f32 v61, v17;
	v13 =	vmul.f32 v50, v59  }
0xe1: {  	v9 =	vsub.f32 v19, v12;
	v14 =	vmul.f32 v21, v59;
	v15 =	vmul.f32 v61, v16  }
0xe2: {  	v6 =	vadd.f32 $0.0e+00, v6;
	v20 =	vmul.f32 v50, v16;
	v48 =	vmul.f32 v21, v17  }
0xe3: {  	v8 =	vadd.f32 $0.0e+00, v8;
	v17 =	vmul.f32 v62, v50;
	v19 =	vmul.f32 v44, v61  }
0xe4: {  	v9 =	vadd.f32 $0.0e+00, v9;
	v61 =	vmul.f32 v22, v61;
	v63 =	vmul.f32 v62, v21  }
0xe5: {  	[tilespmem:$0x1FF20] =	vst v4;
	v12 =	vmul.f32 v44, v21;
	v3 =	vsub.f32 v3, v13;
	v4 =	vsub.f32 v14, v15  }
0xe6: {  	v16 =	vsub.f32 v20, v48;
	v13 =	vmul.f32 v22, v50;
	v14 =	vmul.f32 v7, v44  }
0xe7: {  	[tilespmem:$0x1FF10] =	vst v5;
	v5 =	vsub.f32 v17, v19;
	v15 =	vmul.f32 v56, v62;
	v17 =	vmul.f32 v41, v62  }
0xe8: {  	v19 =	vmul.f32 v56, v22;
	v44 =	vmul.f32 v41, v44;
	v3 =	vadd.f32 v3, v6  }
0xe9: {  	v48 =	vld [tilespmem:s5+$0x79A0];
	v62 =	vmul.f32 v60, v7;
	v4 =	vadd.f32 v4, v8;
	v6 =	vadd.f32 v16, v9  }
0xea: {  	v7 =	vmul.f32 v42, v7;
	v8 =	vsub.f32 v61, v63;
	v16 =	vsub.f32 v12, v13  }
0xeb: {  	v50 =	vld [tilespmem:s5+$0x83C0];
	v9 =	vsub.f32 v14, v15;
	v59 =	vsub.f32 v17, v18;
	v61 =	vmul.f32 v10, v56  }
0xec: {  	v21 =	vld.idx.msk [tilespmem:v1+s5+$0x0 ss:$0x1], $0xffff;
	v63 =	vmul.f32 v10, v41;
	v13 =	vmul.f32 v60, v41;
	v3 =	vadd.f32 v5, v3  }
0xed: {  	v20 =	vld.idx.msk [tilespmem:v0+s5+$0x0 ss:$0x1], $0xffff;
	v14 =	vmul.f32 v42, v56;
	v4 =	vadd.f32 v8, v4;
	v6 =	vadd.f32 v16, v6  }
0xee: {  	v22 =	vld.idx.msk [tilespmem:v2+s5+$0x0 ss:$0x1], $0xffff;
	v15 =	vmul.f32 v60, v58;
	v8 =	vsub.f32 v19, v44;
	v12 =	vsub.f32 v61, v62  }
0xef: {  	v18 =	vmul.f32 v42, v58;
	v58 =	vld [tilespmem:s5+$0x8DE0];
	v7 =	vsub.f32 v7, v63;
	v62 =	vadd.f32 v46, v23  }
0xf0: {  	v16 =	vmul.f32 v10, v43;
	v63 =	vadd.f32 v52, v51;
	v4 =	vadd.f32 v59, v4;
	v59 =	vld [tilespmem:s5+$0x9800]  }
0xf1: {  	v17 =	vmul.f32 v10, v40;
	v3 =	vadd.f32 v9, v3;
	v6 =	vadd.f32 v8, v6;
	v41 =	vld.idx.msk [tilespmem:v48+s2+$0x0], $0xffff  }
0xf2: {  	v19 =	vmul.f32 v42, v43;
	v9 =	vsub.f32 v13, v14;
	v8 =	vsub.f32 v15, v16;
	v42 =	vld.idx.msk [tilespmem:v48+s28+$0x0], $0xffff  }
0xf3: {  	v40 =	vmul.f32 v60, v40;
	v14 =	vadd.f32 v54, v53;
	v3 =	vadd.f32 v12, v3;
	v46 =	vld.idx.msk [tilespmem:v50+s28+$0x0], $0xffff  }
0xf4: {  	v61 =	vmul.f32 v45, v33;
	v4 =	vadd.f32 v7, v4;
	v7 =	vsub.f32 v17, v18;
	v45 =	vld.idx.msk [tilespmem:v50+s29+$0x0], $0xffff  }
0xf5: {  	v44 =	vadd.f32 v3, v8;
	v3 =	vsub.f32 v19, v40;
	v40 =	vld.idx.msk [tilespmem:v48+s29+$0x0], $0xffff  }
0xf6: {  	v56 =	vsub.f32 v49, v61;
	v6 =	vadd.f32 v9, v6;
	v48 =	vld.idx.msk [tilespmem:v50+s2+$0x0], $0xffff  }
0xf7: {  	v13 =	vmul.f32 v28, v28;
	v43 =	vadd.f32 v4, v7;
	v7 =	vadd.f32 v63, v62;
	v52 =	vld.idx.msk [tilespmem:v58+s2+$0x0], $0xffff  }
0xf8: {  	v50 =	vld.idx.msk [tilespmem:v58+s28+$0x0], $0xffff;
	v19 =	vadd.f32 v55, v47;
	v33 =	vadd.f32 v6, v3;
	v3 =	vmul.f32 v44, v44  }
0xf9: {  	v12 =	vmul.f32 v43, v43;
	v6 =	vadd.f32 v57, v13;
	v54 =	vadd.f32 v14, v7  }
0xfa: {  	v47 =	vld.idx.msk [tilespmem:v58+s29+$0x0], $0xffff;
	v8 =	vsub.f32 v46, v21;
	v18 =	vsub.f32 v45, v22  }
0xfb: {  	v60 =	vsub.f32 v41, v20;
	v3 =	vadd.f32 v12, v3;
	v51 =	vld.idx.msk [tilespmem:v59+s28+$0x0], $0xffff  }
0xfc: {  	v15 =	vmul.f32 v33, v33;
	v49 =	vld.idx.msk [tilespmem:v59+s29+$0x0], $0xffff;
	v14 =	vsub.f32 v40, v22;
	v53 =	vsub.f32 v48, v20  }
0xfd: {  	v61 =	vsub.f32 v52, v20;
	v62 =	vsub.f32 v50, v21;
	v1 =	vmul.f32 v8, v60  }
0xfe: {  	v58 =	vld [tilespmem:s5+$0xA220];
	v16 =	vadd.f32 v3, v15;
	v15 =	vsub.f32 v42, v21;
	v13 =	vmul.f32 v8, v14  }
0xff: {  	v38 =	vadd.f32 v39, v37;
	v17 =	vmul.f32 v53, v14;
	v0 =	vmul.f32 v62, v18  }
0x100: {  	v5 =	vsub.f32 v47, v22;
	v10 =	vmul.f32 v61, v18;
	v12 =	vmul.f32 v18, v15  }
0x101: {  	v2 =	vmul.f32 v53, v15;
	v63 =	vsub.f32 v51, v21;
	v11 =	vsub.f32 v49, v22  }
0x102: {  	v55 =	vsub.f32 v12, v13;
	v12 =	vmul.f32 v18, v60;
	v13 =	vmul.f32 v5, v8  }
0x103: {  	v57 =	vld.idx.msk [tilespmem:v59+s2+$0x0], $0xffff;
	v18 =	vmul.f32 v5, v53;
	v1 =	vsub.f32 v1, v2;
	v2 =	vmul.f32 v62, v53  }
0x104: {  	v59 =	vld [tilespmem:s5+$0xAC40];
	v8 =	vmul.f32 v61, v8;
	v53 =	vshra.s32 v6, $0x1;
	v55 =	vadd.f32 $0.0e+00, v55  }
0x105: {  	v4 =	vmul.f32 v11, v62;
	v12 =	vsub.f32 v17, v12;
	v0 =	vsub.f32 v13, v0  }
0x106: {  	v13 =	vsub.f32 v10, v18;
	v18 =	vld.idx.msk [tilespmem:v58+s29+$0x0], $0xffff;
	v2 =	vsub.f32 v2, v8;
	v10 =	vmul.f32 $5.000000000e-01, v6  }
0x107: {  	v1 =	vadd.f32 $0.0e+00, v1;
	v3 =	vadd.f32 v0, v55;
	v55 =	vld.idx.msk [tilespmem:v58+s28+$0x0], $0xffff;
	v0 =	vmul.f32 v63, v5  }
0x108: {  	v8 =	vsub.s32 $0x5F3759DF, v53;
	v53 =	vsub.f32 v57, v20;
	v12 =	vadd.f32 $0.0e+00, v12  }
0x109: {  	v6 =	vadd.f32 v2, v1;
	v2 =	vmul.f32 v8, v10;
	v0 =	vsub.f32 v4, v0  }
0x10a: {  	v17 =	vmul.f32 v11, v61;
	v9 =	vmul.f32 v53, v62;
	v12 =	vadd.f32 v13, v12;
	v13 =	vld.idx.msk [tilespmem:v58+s2+$0x0], $0xffff  }
0x10b: {  	v2 =	vmul.f32 v8, v2;
	v7 =	vadd.f32 v0, v3;
	v3 =	vmul.f32 v53, v5  }
0x10c: {  	v62 =	vld.idx.msk [tilespmem:v59+s28+$0x0], $0xffff;
	v0 =	vsub.f32 v18, v22;
	v5 =	vmul.f32 v63, v61;
	v58 =	vsub.f32 v55, v21  }
0x10d: {  	v4 =	vsub.f32 v3, v17;
	v3 =	vsub.f32 $1.500000000e+00, v2  }
0x10e: {  	v17 =	vld.idx.msk [tilespmem:v59+s29+$0x0], $0xffff;
	v2 =	vmul.f32 v0, v63;
	v5 =	vsub.f32 v5, v9;
	v1 =	vmul.f32 v58, v11  }
0x10f: {  	v59 =	vld.idx.msk [tilespmem:v59+s2+$0x0], $0xffff;
	v61 =	vsub.f32 v13, v20;
	v3 =	vmul.f32 v8, v3;
	v4 =	vadd.f32 v4, v12  }
0x110: {  	v9 =	vadd.f32 v5, v6;
	v6 =	vmul.f32 v0, v53;
	v1 =	vsub.f32 v2, v1  }
0x111: {  	v12 =	vsub.f32 v62, v21;
	v5 =	vmul.f32 v61, v11;
	v63 =	vmul.f32 v61, v63  }
0x112: {  	v8 =	vmul.f32 v3, v10;
	v2 =	vadd.f32 v1, v7;
	v7 =	vmul.f32 v58, v53  }
0x113: {  	v53 =	vsub.f32 v17, v22;
	v5 =	vsub.f32 v5, v6  }
0x114: {  	v6 =	vmul.f32 v8, v3;
	v8 =	vsub.f32 v59, v20;
	v7 =	vsub.f32 v7, v63  }
0x115: {  	v11 =	vmul.f32 v53, v58;
	v63 =	vmul.f32 v12, v0;
	v4 =	vadd.f32 v5, v4  }
0x116: {  	v6 =	vsub.f32 $1.500000000e+00, v6;
	v1 =	vmul.f32 v8, v0;
	v0 =	vmul.f32 v53, v61  }
0x117: {  	v63 =	vsub.f32 v11, v63;
	v11 =	vmul.f32 v8, v58;
	v58 =	vshra.s32 v16, $0x1  }
0x118: {  	v3 =	vmul.f32 v6, v3;
	v6 =	vadd.f32 v7, v9;
	v7 =	vmul.f32 $5.000000000e-01, v16  }
0x119: {  	v0 =	vsub.f32 v1, v0;
	v16 =	vmul.f32 v53, v60;
	v60 =	vmul.f32 v12, v60  }
0x11a: {  	v1 =	vadd.f32 v63, v2;
	v2 =	vmul.f32 v12, v61;
	v61 =	vmul.f32 v12, v14  }
0x11b: {  	v37 =	vadd.f32 v35, v34;
	v63 =	vmul.f32 v53, v15;
	v14 =	vmul.f32 v8, v14  }
0x11c: {  	v8 =	vmul.f32 v8, v15;
	v0 =	vadd.f32 v0, v4;
	v4 =	vsub.s32 $0x5F3759DF, v58  }
0x11d: {  	v10 =	vmul.f32 v3, v10;
	v2 =	vsub.f32 v2, v11;
	v5 =	vsub.f32 v61, v63  }
0x11e: {  	v53 =	vmul.f32 v4, v7;
	v58 =	vsub.f32 v16, v14;
	v61 =	vadd.f32 v30, v25  }
0x11f: {  	v8 =	vsub.f32 v8, v60;
	v63 =	vld [tilespmem:s5+$0xB640];
	v60 =	vadd.f32 v29, v24;
	v10 =	vmul.f32 v10, v3  }
0x120: {  	v2 =	vadd.f32 v2, v6;
	v1 =	vadd.f32 v1, v5;
	v6 =	vmul.f32 v4, v53  }
0x121: {  	v0 =	vadd.f32 v0, v58;
	v5 =	vadd.f32 v19, v61  }
0x122: {  	v35 =	vld [tilespmem:$0x1FEE0];
	v10 =	vsub.f32 $1.500000000e+00, v10;
	v6 =	vsub.f32 $1.500000000e+00, v6  }
0x123: {  	v16 =	vld [tilespmem:$0x1FEF0];
	v2 =	vadd.f32 v2, v8;
	v19 =	vmul.f32 v1, v1;
	v30 =	vmul.f32 v0, v0  }
0x124: {  	v5 =	vadd.f32 v36, v5;
	v15 =	vmul.f32 v31, v63;
	v4 =	vmul.f32 v4, v6  }
0x125: {  	v53 =	vmul.f32 v32, v63;
	v6 =	vld [tilespmem:s5+$0xC070];
	v8 =	vadd.f32 v30, v19;
	v39 =	vmul.f32 v2, v2  }
0x126: {  	v9 =	vmul.f32 v56, v63;
	v63 =	vadd.f32 v38, v60;
	v19 =	vld [tilespmem:$0x1FED0];
	v61 =	vmul.f32 v4, v7  }
0x127: {  	v3 =	vmul.f32 v10, v3;
	v31 =	vsub.f32 v53, v35;
	v8 =	vadd.f32 v8, v39  }
0x128: {  	v29 =	vsub.f32 v9, v16;
	v39 =	vadd.f32 v37, v63;
	v11 =	vmul.f32 v61, v4  }
0x129: {  	v36 =	vshra.s32 v8, $0x1;
	v8 =	vmul.f32 $5.000000000e-01, v8;
	v61 =	vadd.f32 v57, v52  }
0x12a: {  	v57 =	vadd.f32 v45, v40;
	v23 =	vmul.f32 v6, v23;
	v14 =	vsub.s32 $0x5F3759DF, v36  }
0x12b: {  	v30 =	vld [tilespmem:s5+$0xB650];
	v25 =	vmul.f32 v6, v25;
	v6 =	vmul.f32 v6, v24;
	v32 =	vsub.f32 v15, v19  }
0x12c: {  	v24 =	vmul.f32 v3, v26;
	v26 =	vadd.f32 v59, v13;
	v11 =	vsub.f32 $1.500000000e+00, v11  }
0x12d: {  	v38 =	vmul.f32 v14, v8;
	v56 =	vsub.f32 v54, v23;
	v5 =	vsub.f32 v5, v25  }
0x12e: {  	v53 =	vld [tilespmem:$0x1FF00];
	v25 =	vmul.f32 v3, v27;
	v23 =	vmul.f32 v3, v28;
	v3 =	vadd.f32 v48, v41  }
0x12f: {  	v6 =	vsub.f32 v39, v6;
	v48 =	vld [tilespmem:$0x1FF10];
	v4 =	vmul.f32 v11, v4;
	v58 =	vmul.f32 v14, v38  }
0x130: {  	v12 =	vmul.f32 v56, v30;
	v3 =	vadd.f32 v61, v3;
	v56 =	vadd.f32 v62, v55;
	v61 =	vld [tilespmem:$0xCA80]  }
0x131: {  	v62 =	vadd.f32 v17, v18;
	v17 =	vld [tilespmem:$0xCB80];
	v7 =	vmul.f32 v4, v7;
	v11 =	vsub.f32 $1.500000000e+00, v58  }
0x132: {  	v27 =	vadd.f32 v46, v42;
	v28 =	vadd.f32 v51, v50;
	v5 =	vmul.f32 v5, v30  }
0x133: {  	v34 =	vsub.f32 v12, v53;
	v12 =	vld [tilespmem:s5+$0xC080];
	v7 =	vmul.f32 v7, v4;
	v60 =	vmul.f32 v14, v11  }
0x134: {  	v46 =	vmul.f32 v6, v30;
	v52 =	vadd.f32 v28, v27;
	v58 =	vadd.f32 v49, v47  }
0x135: {  	v7 =	vsub.f32 $1.500000000e+00, v7;
	v63 =	vmul.f32 v60, v8;
	v30 =	vmul.f32 v61, v19  }
0x136: {  	v13 =	vld [tilespmem:s5+$0xB660];
	v3 =	vadd.f32 v26, v3;
	v47 =	vmul.f32 v17, v48;
	v50 =	vmul.f32 v17, v21  }
0x137: {  	v51 =	vld [tilespmem:$0xCE80];
	v6 =	vadd.f32 v56, v52;
	v10 =	vmul.f32 v63, v60;
	v4 =	vmul.f32 v7, v4  }
0x138: {  	v49 =	vld [tilespmem:$0x1FF20];
	v11 =	vadd.f32 v58, v57;
	v59 =	vmul.f32 v12, v41;
	v18 =	vmul.f32 v12, v40  }
0x139: {  	v57 =	vld [tilespmem:$0xCF80];
	v40 =	vmul.f32 v61, v53;
	v41 =	vmul.f32 v61, v20;
	v54 =	vsub.f32 $1.500000000e+00, v10  }
0x13a: {  	v36 =	vsub.f32 v5, v48;
	v63 =	vld [tilespmem:$0xD380];
	v26 =	vmul.f32 v4, v44;
	v27 =	vmul.f32 v4, v43  }
0x13b: {  	v3 =	vsub.f32 v3, v59;
	v28 =	vmul.f32 v4, v33;
	v7 =	vmul.f32 v54, v60  }
0x13c: {  	v4 =	vadd.f32 v62, v11;
	v33 =	vld [tilespmem:$0xCC80];
	v43 =	vmul.f32 v17, v35;
	v60 =	vmul.f32 v12, v42  }
0x13d: {  	v37 =	vsub.f32 v46, v49;
	v3 =	vmul.f32 v3, v13;
	v8 =	vmul.f32 v7, v8  }
0x13e: {  	v61 =	vld [tilespmem:$0xD080];
	v4 =	vsub.f32 v4, v18;
	v12 =	vmul.f32 v57, v28;
	v6 =	vsub.f32 v6, v60  }
0x13f: {  	v42 =	vld [tilespmem:$0xCD80];
	v5 =	vadd.f32 v30, v63;
	v60 =	vmul.f32 v51, v25;
	v15 =	vmul.f32 v8, v7  }
0x140: {  	v39 =	vsub.f32 v3, v20;
	v4 =	vmul.f32 v4, v13;
	v6 =	vmul.f32 v6, v13  }
0x141: {  	v52 =	vmul.f32 v33, v16;
	v54 =	vmul.f32 v33, v49;
	v3 =	vsub.f32 $1.500000000e+00, v15  }
0x142: {  	v55 =	vmul.f32 v33, v22;
	v38 =	vsub.f32 v6, v21;
	v6 =	vadd.f32 v40, v63  }
0x143: {  	v46 =	vmovc v16;
	v5 =	vadd.f32 v43, v5;
	v16 =	vmul.f32 v61, v34;
	v15 =	vld [tilespmem:$0xD280];
	v3 =	vmul.f32 v3, v7  }
0x144: {  	v17 =	vmul.f32 v61, v39;
	v56 =	vmul.f32 v42, v24;
	v6 =	vadd.f32 v47, v6  }
0x145: {  	v58 =	vmul.f32 v42, v26;
	v30 =	vmul.f32 v3, v1;
	v1 =	vadd.f32 v41, v63  }
0x146: {  	v33 =	vmul.f32 v3, v0;
	v0 =	vadd.f32 v52, v5;
	v6 =	vadd.f32 v54, v6;
	v63 =	vld [tilespmem:$0xD180]  }
0x147: {  	v45 =	vmovc v35;
	v35 =	vmul.f32 v3, v2;
	v3 =	vmul.f32 v51, v27;
	v52 =	vld [tilespmem:$0xCB90];
	v1 =	vadd.f32 v50, v1  }
0x148: {  	v47 =	vmul.f32 v15, v37;
	v0 =	vadd.f32 v56, v0;
	v59 =	vmul.f32 v30, v42  }
0x149: {  	v2 =	vadd.f32 v58, v6;
	v62 =	vmul.f32 v33, v51;
	v1 =	vadd.f32 v55, v1  }
0x14a: {  	v14 =	vmul.f32 v35, v57;
	v42 =	vmul.f32 v15, v29;
	v0 =	vadd.f32 v60, v0  }
0x14b: {  	v50 =	vld [tilespmem:$0xCA90];
	v2 =	vadd.f32 v3, v2;
	v3 =	vmul.f32 v57, v23;
	v1 =	vadd.f32 v59, v1  }
0x14c: {  	v40 =	vsub.f32 v4, v22;
	v41 =	vmul.f32 v63, v36;
	v10 =	vmul.f32 v52, v21  }
0x14d: {  	v55 =	vld [tilespmem:$0xCC90];
	v0 =	vadd.f32 v3, v0;
	v3 =	vmul.f32 v61, v32;
	v1 =	vadd.f32 v1, v62  }
0x14e: {  	v2 =	vadd.f32 v12, v2;
	v59 =	vmul.f32 v52, v45;
	v61 =	vmul.f32 v52, v48  }
0x14f: {  	v60 =	vld [tilespmem:$0xCD90];
	v0 =	vadd.f32 v3, v0;
	v3 =	vmul.f32 v63, v31;
	v1 =	vadd.f32 v1, v14  }
0x150: {  	v9 =	vld [tilespmem:$0xD790];
	v57 =	vmul.f32 v50, v19;
	v58 =	vmul.f32 v50, v53;
	v2 =	vadd.f32 v16, v2  }
0x151: {  	v43 =	vld [tilespmem:$0xD480];
	v0 =	vadd.f32 v3, v0;
	v3 =	vmul.f32 v63, v38;
	v1 =	vadd.f32 v1, v17  }
0x152: {  	v6 =	vld [tilespmem:$0xD490];
	v5 =	vmul.f32 v50, v20;
	v62 =	vmul.f32 v55, v46;
	v2 =	vadd.f32 v41, v2  }
0x153: {  	v18 =	vld [tilespmem:$0xD780];
	v0 =	vadd.f32 v42, v0;
	v1 =	vadd.f32 v1, v3;
	v3 =	vmul.f32 v15, v40  }
0x154: {  	v12 =	vmul.f32 v55, v22;
	v50 =	vmul.f32 v60, v24;
	v63 =	vld [tilespmem:$0xCE90];
	v2 =	vadd.f32 v47, v2  }
0x155: {  	v52 =	vmul.f32 v30, v60;
	v0 =	vmax.f32 v0, $0.0e+00;
	v1 =	vadd.f32 v1, v3  }
0x156: {  	v42 =	vmul.f32 v55, v49;
	v2 =	vmax.f32 v2, $0.0e+00;
	v51 =	vmul.f32 v0, v43;
	v3 =	vld [tilespmem:$0xD390]  }
0x157: {  	v54 =	vmul.f32 v2, v43;
	v56 =	vmul.f32 v0, v6;
	v1 =	vmax.f32 v1, $0.0e+00  }
0x158: {  	v47 =	vld [tilespmem:$0xCF90];
	v41 =	vmul.f32 v2, v6;
	v8 =	vadd.f32 v51, v18;
	v7 =	vmul.f32 v1, v43  }
0x159: {  	v55 =	vmul.f32 v63, v25;
	v11 =	vadd.f32 v54, v18;
	v13 =	vadd.f32 v56, v9;
	v54 =	vld [tilespmem:$0xD090]  }
0x15a: {  	v51 =	vmul.f32 v60, v26;
	v56 =	vmul.f32 v63, v27;
	v60 =	vld [tilespmem:$0xD4A0];
	v4 =	vadd.f32 v7, v18  }
0x15b: {  	v6 =	vmul.f32 v1, v6;
	v14 =	vadd.f32 v57, v3;
	v7 =	vadd.f32 v58, v3  }
0x15c: {  	v3 =	vadd.f32 v5, v3;
	v18 =	vadd.f32 v41, v9;
	v57 =	vmul.f32 v33, v63  }
0x15d: {  	v58 =	vmul.f32 v47, v23;
	v14 =	vadd.f32 v59, v14;
	v5 =	vadd.f32 v61, v7  }
0x15e: {  	v6 =	vadd.f32 v6, v9;
	v63 =	vmul.f32 v54, v32;
	v3 =	vadd.f32 v10, v3  }
0x15f: {  	v41 =	vld [tilespmem:$0xD290];
	v0 =	vmul.f32 v60, v0;
	v43 =	vadd.f32 v62, v14;
	v5 =	vadd.f32 v42, v5  }
0x160: {  	v2 =	vmul.f32 v60, v2;
	v1 =	vmul.f32 v1, v60;
	v59 =	vld [tilespmem:$0xD190];
	v3 =	vadd.f32 v12, v3  }
0x161: {  	v61 =	vmul.f32 v47, v28;
	v7 =	vadd.f32 v50, v43;
	v5 =	vadd.f32 v51, v5;
	v43 =	vld [tilespmem:$0xD7A0]  }
0x162: {  	v62 =	vmul.f32 v47, v35;
	v42 =	vmul.f32 v54, v34;
	v3 =	vadd.f32 v52, v3  }
0x163: {  	v47 =	vmul.f32 v54, v39;
	v7 =	vadd.f32 v55, v7;
	v5 =	vadd.f32 v56, v5  }
0x164: {  	v54 =	vmul.f32 v41, v29;
	v15 =	vmul.f32 v41, v40;
	v3 =	vadd.f32 v3, v57;
	v57 =	vld [tilespmem:$0xCAA0]  }
0x165: {  	v60 =	vld [tilespmem:$0xCBA0];
	v50 =	vmul.f32 v59, v31;
	v7 =	vadd.f32 v58, v7;
	v5 =	vadd.f32 v61, v5  }
0x166: {  	v51 =	vmul.f32 v59, v36;
	v3 =	vadd.f32 v3, v62;
	v58 =	vld [tilespmem:$0xD3A0];
	v0 =	vadd.f32 v0, v43  }
0x167: {  	v52 =	vmul.f32 v59, v38;
	v2 =	vadd.f32 v2, v43;
	v7 =	vadd.f32 v63, v7  }
0x168: {  	v44 =	vmovc v19;
	v56 =	vmul.f32 v41, v37;
	v5 =	vadd.f32 v42, v5;
	v3 =	vadd.f32 v3, v47;
	v63 =	vld [tilespmem:$0xCCA0]  }
0x169: {  	v1 =	vadd.f32 v1, v43;
	v62 =	vmul.f32 v57, v44;
	v7 =	vadd.f32 v50, v7  }
0x16a: {  	v55 =	vld [tilespmem:$0xD4B0];
	v47 =	vmul.f32 v57, v53;
	v5 =	vadd.f32 v51, v5;
	v3 =	vadd.f32 v3, v52  }
0x16b: {  	v10 =	vld [tilespmem:$0xD4C0];
	v52 =	vmul.f32 v60, v45;
	v12 =	vadd.f32 v62, v58;
	v7 =	vadd.f32 v54, v7  }
0x16c: {  	v9 =	vmul.f32 v57, v20;
	v5 =	vadd.f32 v56, v5;
	v3 =	vadd.f32 v3, v15  }
0x16d: {  	v51 =	vld [tilespmem:$0xCDA0];
	v54 =	vmul.f32 v60, v48;
	v12 =	vadd.f32 v52, v12;
	v57 =	vmul.f32 v63, v46  }
0x16e: {  	v16 =	vmul.f32 v63, v22;
	v7 =	vmax.f32 v7, $0.0e+00;
	v5 =	vmax.f32 v5, $0.0e+00  }
0x16f: {  	v3 =	vmax.f32 v3, $0.0e+00;
	v59 =	vmul.f32 v7, v55;
	v61 =	vmul.f32 v5, v55  }
0x170: {  	v9 =	vadd.f32 v9, v58;
	v56 =	vld [tilespmem:$0xCEA0];
	v14 =	vmul.f32 v3, v55;
	v50 =	vmul.f32 v7, v10  }
0x171: {  	v55 =	vmul.f32 v60, v21;
	v12 =	vadd.f32 v57, v12;
	v8 =	vadd.f32 v59, v8  }
0x172: {  	v60 =	vmul.f32 v51, v24;
	v11 =	vadd.f32 v61, v11;
	v4 =	vadd.f32 v4, v14  }
0x173: {  	v62 =	vmul.f32 v51, v26;
	v14 =	vadd.f32 v47, v58;
	v13 =	vadd.f32 v50, v13;
	v61 =	vld [tilespmem:$0xCFA0]  }
0x174: {  	v9 =	vadd.f32 v55, v9;
	v58 =	vmul.f32 v63, v49;
	v59 =	vmul.f32 v5, v10  }
0x175: {  	v12 =	vadd.f32 v60, v12;
	v63 =	vmul.f32 v51, v30;
	v47 =	vmul.f32 v56, v25;
	v50 =	vld [tilespmem:$0xD0A0]  }
0x176: {  	v51 =	vmul.f32 v56, v27;
	v10 =	vmul.f32 v3, v10;
	v14 =	vadd.f32 v54, v14  }
0x177: {  	v52 =	vmul.f32 v56, v33;
	v9 =	vadd.f32 v16, v9;
	v18 =	vadd.f32 v59, v18;
	v54 =	vld [tilespmem:$0xD1A0]  }
0x178: {  	v12 =	vadd.f32 v47, v12;
	v6 =	vadd.f32 v6, v10;
	v55 =	vmul.f32 v61, v23  }
0x179: {  	v59 =	vld [tilespmem:$0xD4D0];
	v14 =	vadd.f32 v58, v14;
	v56 =	vmul.f32 v61, v28;
	v57 =	vmul.f32 v61, v35  }
0x17a: {  	v9 =	vadd.f32 v63, v9;
	v58 =	vld [tilespmem:$0xD2A0];
	v60 =	vmul.f32 v50, v32;
	v61 =	vmul.f32 v50, v34  }
0x17b: {  	v14 =	vadd.f32 v62, v14;
	v62 =	vmul.f32 v50, v39;
	v12 =	vadd.f32 v55, v12  }
0x17c: {  	v9 =	vadd.f32 v52, v9;
	v41 =	vmul.f32 v54, v31;
	v47 =	vmul.f32 v54, v36  }
0x17d: {  	v43 =	vld [tilespmem:$0xD500];
	v50 =	vmul.f32 v54, v38;
	v14 =	vadd.f32 v51, v14;
	v63 =	vadd.f32 v60, v12  }
0x17e: {  	v7 =	vmul.f32 v59, v7;
	v5 =	vmul.f32 v59, v5;
	v9 =	vadd.f32 v57, v9;
	v57 =	vld [tilespmem:$0xCAB0]  }
0x17f: {  	v52 =	vld [tilespmem:$0xD4E0];
	v51 =	vmul.f32 v58, v29;
	v14 =	vadd.f32 v56, v14;
	v10 =	vadd.f32 v41, v63  }
0x180: {  	v16 =	vld [tilespmem:$0xD4F0];
	v3 =	vmul.f32 v3, v59;
	v0 =	vadd.f32 v7, v0;
	v9 =	vadd.f32 v62, v9  }
0x181: {  	v54 =	vmul.f32 v58, v37;
	v60 =	vld [tilespmem:$0xCBB0];
	v14 =	vadd.f32 v61, v14;
	v10 =	vadd.f32 v51, v10  }
0x182: {  	v55 =	vmul.f32 v58, v40;
	v2 =	vadd.f32 v5, v2;
	v63 =	vld [tilespmem:$0xCCB0];
	v9 =	vadd.f32 v50, v9  }
0x183: {  	v50 =	vmul.f32 v57, v44;
	v14 =	vadd.f32 v47, v14;
	v10 =	vmax.f32 v10, $0.0e+00  }
0x184: {  	v58 =	vld [tilespmem:$0xD3B0];
	v51 =	vmul.f32 v57, v53;
	v9 =	vadd.f32 v55, v9;
	v59 =	vmul.f32 v10, v52  }
0x185: {  	v56 =	vadd.f32 v54, v14;
	v47 =	vmul.f32 v10, v16;
	v14 =	vmul.f32 v57, v20  }
0x186: {  	v1 =	vadd.f32 v1, v3;
	v54 =	vmul.f32 v60, v45;
	v57 =	vmul.f32 v60, v21  }
0x187: {  	v55 =	vld [tilespmem:$0xCDB0];
	v5 =	vmax.f32 v9, $0.0e+00;
	v15 =	vmul.f32 v63, v22;
	v10 =	vmul.f32 v43, v10  }
0x188: {  	v62 =	vmul.f32 v5, v52;
	v7 =	vmax.f32 v56, $0.0e+00;
	v3 =	vadd.f32 v59, v8  }
0x189: {  	v8 =	vadd.f32 v51, v58;
	v12 =	vadd.f32 v14, v58;
	v56 =	vmul.f32 v60, v48  }
0x18a: {  	v0 =	vadd.f32 v10, v0;
	v61 =	vmul.f32 v7, v52;
	v4 =	vadd.f32 v62, v4  }
0x18b: {  	v52 =	vadd.f32 v50, v58;
	v58 =	vmul.f32 v63, v46;
	v60 =	vmul.f32 v7, v16  }
0x18c: {  	v59 =	vld [tilespmem:$0xCEB0];
	v50 =	vmul.f32 v55, v30;
	v16 =	vmul.f32 v5, v16;
	v8 =	vadd.f32 v56, v8  }
0x18d: {  	v7 =	vmul.f32 v43, v7;
	v12 =	vadd.f32 v57, v12;
	v9 =	vadd.f32 v61, v11  }
0x18e: {  	v62 =	vld [tilespmem:$0xCFB0];
	v5 =	vmul.f32 v43, v5;
	v11 =	vadd.f32 v47, v13;
	v13 =	vadd.f32 v54, v52  }
0x18f: {  	v61 =	vmul.f32 v63, v49;
	v63 =	vmul.f32 v55, v24;
	v18 =	vadd.f32 v60, v18  }
0x190: {  	v57 =	vld [tilespmem:$0xD1B0];
	v47 =	vmul.f32 v55, v26;
	v6 =	vadd.f32 v16, v6;
	v2 =	vadd.f32 v7, v2  }
0x191: {  	v12 =	vadd.f32 v15, v12;
	v13 =	vadd.f32 v58, v13;
	v52 =	vmul.f32 v59, v25  }
0x192: {  	v51 =	vld [tilespmem:$0xD0B0];
	v8 =	vadd.f32 v61, v8;
	v54 =	vmul.f32 v59, v27;
	v55 =	vmul.f32 v59, v33  }
0x193: {  	v12 =	vadd.f32 v50, v12;
	v56 =	vmul.f32 v62, v23;
	v58 =	vmul.f32 v62, v28  }
0x194: {  	v59 =	vmul.f32 v62, v35;
	v13 =	vadd.f32 v63, v13;
	v8 =	vadd.f32 v47, v8  }
0x195: {  	v61 =	vld [tilespmem:$0xD2B0];
	v41 =	vmul.f32 v57, v31;
	v47 =	vmul.f32 v57, v36;
	v12 =	vadd.f32 v55, v12  }
0x196: {  	v50 =	vmul.f32 v57, v38;
	v57 =	vld [tilespmem:$0xCAC0];
	v13 =	vadd.f32 v52, v13;
	v8 =	vadd.f32 v54, v8  }
0x197: {  	v60 =	vmul.f32 v51, v32;
	v63 =	vmul.f32 v51, v39;
	v12 =	vadd.f32 v59, v12  }
0x198: {  	v62 =	vmul.f32 v51, v34;
	v13 =	vadd.f32 v56, v13;
	v8 =	vadd.f32 v58, v8;
	v58 =	vld [tilespmem:$0xD3C0]  }
0x199: {  	v1 =	vadd.f32 v5, v1;
	v52 =	vld [tilespmem:$0xD510];
	v12 =	vadd.f32 v63, v12  }
0x19a: {  	v51 =	vmul.f32 v61, v29;
	v63 =	vld [tilespmem:$0xCCC0];
	v13 =	vadd.f32 v60, v13;
	v8 =	vadd.f32 v62, v8  }
0x19b: {  	v55 =	vmul.f32 v61, v40;
	v60 =	vld [tilespmem:$0xCBC0];
	v62 =	vmul.f32 v57, v44;
	v12 =	vadd.f32 v50, v12  }
0x19c: {  	v54 =	vmul.f32 v61, v37;
	v13 =	vadd.f32 v41, v13;
	v8 =	vadd.f32 v47, v8  }
0x19d: {  	v47 =	vmul.f32 v57, v53;
	v12 =	vadd.f32 v55, v12;
	v5 =	vadd.f32 v62, v58  }
0x19e: {  	v14 =	vld [tilespmem:$0xD520];
	v56 =	vadd.f32 v51, v13;
	v8 =	vadd.f32 v54, v8;
	v13 =	vmul.f32 v57, v20  }
0x19f: {  	v57 =	vmul.f32 v63, v46;
	v17 =	vmul.f32 v63, v22;
	v12 =	vmax.f32 v12, $0.0e+00  }
0x1a0: {  	v55 =	vmul.f32 v60, v21;
	v10 =	vmax.f32 v56, $0.0e+00;
	v16 =	vmul.f32 v12, v52  }
0x1a1: {  	v51 =	vld [tilespmem:$0xCDC0];
	v8 =	vmax.f32 v8, $0.0e+00;
	v13 =	vadd.f32 v13, v58;
	v59 =	vmul.f32 v10, v52  }
0x1a2: {  	v54 =	vmul.f32 v60, v48;
	v61 =	vmul.f32 v8, v52;
	v4 =	vadd.f32 v16, v4  }
0x1a3: {  	v56 =	vld [tilespmem:$0xCEC0];
	v50 =	vmul.f32 v10, v14;
	v13 =	vadd.f32 v55, v13;
	v3 =	vadd.f32 v59, v3  }
0x1a4: {  	v52 =	vmul.f32 v60, v45;
	v7 =	vadd.f32 v61, v9;
	v9 =	vadd.f32 v47, v58  }
0x1a5: {  	v11 =	vadd.f32 v50, v11;
	v58 =	vmul.f32 v63, v49;
	v59 =	vmul.f32 v8, v14;
	v61 =	vld [tilespmem:$0xCFC0]  }
0x1a6: {  	v5 =	vadd.f32 v52, v5;
	v60 =	vmul.f32 v51, v24;
	v62 =	vmul.f32 v51, v26  }
0x1a7: {  	v63 =	vmul.f32 v51, v30;
	v50 =	vld [tilespmem:$0xD0C0];
	v14 =	vmul.f32 v12, v14;
	v13 =	vadd.f32 v17, v13  }
0x1a8: {  	v52 =	vld [tilespmem:$0xD1C0];
	v9 =	vadd.f32 v54, v9;
	v5 =	vadd.f32 v57, v5;
	v47 =	vmul.f32 v56, v25  }
0x1a9: {  	v18 =	vadd.f32 v59, v18;
	v51 =	vmul.f32 v56, v27;
	v16 =	vmul.f32 v56, v33  }
0x1aa: {  	v57 =	vld [tilespmem:$0xD2C0];
	v6 =	vadd.f32 v14, v6;
	v13 =	vadd.f32 v63, v13;
	v54 =	vmul.f32 v61, v23  }
0x1ab: {  	v9 =	vadd.f32 v58, v9;
	v55 =	vmul.f32 v61, v28;
	v56 =	vmul.f32 v61, v35  }
0x1ac: {  	v5 =	vadd.f32 v60, v5;
	v58 =	vld [tilespmem:$0xD530];
	v59 =	vmul.f32 v50, v32;
	v61 =	vmul.f32 v50, v39  }
0x1ad: {  	v13 =	vadd.f32 v16, v13;
	v63 =	vmul.f32 v52, v36;
	v41 =	vmul.f32 v52, v38  }
0x1ae: {  	v9 =	vadd.f32 v62, v9;
	v5 =	vadd.f32 v47, v5;
	v62 =	vmul.f32 v52, v31  }
0x1af: {  	v13 =	vadd.f32 v56, v13;
	v47 =	vmul.f32 v57, v29;
	v52 =	vmul.f32 v57, v40  }
0x1b0: {  	v9 =	vadd.f32 v51, v9;
	v5 =	vadd.f32 v54, v5;
	v51 =	vmul.f32 v57, v37;
	v54 =	vld [tilespmem:$0xCAD0]  }
0x1b1: {  	v57 =	vld [tilespmem:$0xCBD0];
	v13 =	vadd.f32 v61, v13;
	v10 =	vmul.f32 v58, v10;
	v8 =	vmul.f32 v58, v8  }
0x1b2: {  	v12 =	vmul.f32 v58, v12;
	v9 =	vadd.f32 v55, v9;
	v5 =	vadd.f32 v59, v5  }
0x1b3: {  	v60 =	vmul.f32 v50, v34;
	v55 =	vld [tilespmem:$0xD3D0];
	v13 =	vadd.f32 v41, v13;
	v0 =	vadd.f32 v10, v0  }
0x1b4: {  	v50 =	vld [tilespmem:$0xD540];
	v2 =	vadd.f32 v8, v2;
	v1 =	vadd.f32 v12, v1  }
0x1b5: {  	v16 =	vld [tilespmem:$0xD550];
	v9 =	vadd.f32 v60, v9;
	v5 =	vadd.f32 v62, v5;
	v62 =	vmul.f32 v54, v44  }
0x1b6: {  	v60 =	vld [tilespmem:$0xCCD0];
	v13 =	vadd.f32 v52, v13;
	v10 =	vmul.f32 v54, v20;
	v52 =	vmul.f32 v57, v48  }
0x1b7: {  	v9 =	vadd.f32 v63, v9;
	v5 =	vadd.f32 v47, v5;
	v63 =	vmul.f32 v54, v53  }
0x1b8: {  	v54 =	vmul.f32 v57, v21;
	v8 =	vmax.f32 v13, $0.0e+00;
	v47 =	vadd.f32 v62, v55  }
0x1b9: {  	v10 =	vadd.f32 v10, v55;
	v9 =	vadd.f32 v51, v9;
	v5 =	vmax.f32 v5, $0.0e+00  }
0x1ba: {  	v59 =	vmul.f32 v8, v50;
	v51 =	vld [tilespmem:$0xCDD0];
	v12 =	vadd.f32 v63, v55;
	v56 =	vmul.f32 v5, v50  }
0x1bb: {  	v63 =	vld [tilespmem:$0xD0D0];
	v61 =	vmul.f32 v5, v16;
	v55 =	vmul.f32 v60, v46;
	v10 =	vadd.f32 v54, v10  }
0x1bc: {  	v15 =	vmul.f32 v60, v22;
	v54 =	vld [tilespmem:$0xD560];
	v9 =	vmax.f32 v9, $0.0e+00;
	v4 =	vadd.f32 v59, v4  }
0x1bd: {  	v12 =	vadd.f32 v52, v12;
	v59 =	vld [tilespmem:$0xCFD0];
	v58 =	vmul.f32 v9, v50;
	v3 =	vadd.f32 v56, v3  }
0x1be: {  	v52 =	vld [tilespmem:$0xD1D0];
	v11 =	vadd.f32 v61, v11;
	v50 =	vmul.f32 v57, v45;
	v57 =	vmul.f32 v9, v16  }
0x1bf: {  	v56 =	vld [tilespmem:$0xCED0];
	v16 =	vmul.f32 v8, v16;
	v7 =	vadd.f32 v58, v7;
	v58 =	vmul.f32 v60, v49  }
0x1c0: {  	v13 =	vadd.f32 v50, v47;
	v60 =	vmul.f32 v51, v24;
	v61 =	vmul.f32 v51, v26  }
0x1c1: {  	v18 =	vadd.f32 v57, v18;
	v62 =	vmul.f32 v51, v30;
	v57 =	vmul.f32 v63, v32  }
0x1c2: {  	v10 =	vadd.f32 v15, v10;
	v5 =	vmul.f32 v54, v5;
	v9 =	vmul.f32 v54, v9  }
0x1c3: {  	v13 =	vadd.f32 v55, v13;
	v51 =	vmul.f32 v59, v23;
	v55 =	vmul.f32 v59, v28  }
0x1c4: {  	v10 =	vadd.f32 v62, v10;
	v62 =	vmul.f32 v52, v36;
	v43 =	vmul.f32 v56, v25  }
0x1c5: {  	v6 =	vadd.f32 v16, v6;
	v47 =	vmul.f32 v56, v27;
	v50 =	vmul.f32 v56, v33  }
0x1c6: {  	v12 =	vadd.f32 v58, v12;
	v58 =	vld [tilespmem:$0xD2D0];
	v56 =	vmul.f32 v59, v35;
	v59 =	vmul.f32 v63, v34  }
0x1c7: {  	v0 =	vadd.f32 v5, v0;
	v13 =	vadd.f32 v60, v13;
	v60 =	vmul.f32 v63, v39  }
0x1c8: {  	v12 =	vadd.f32 v61, v12;
	v61 =	vmul.f32 v52, v31;
	v63 =	vmul.f32 v52, v38;
	v52 =	vld [tilespmem:$0xCAE0]  }
0x1c9: {  	v8 =	vmul.f32 v54, v8;
	v2 =	vadd.f32 v9, v2;
	v10 =	vadd.f32 v50, v10  }
0x1ca: {  	v54 =	vld [tilespmem:$0xD3E0];
	v13 =	vadd.f32 v43, v13;
	v12 =	vadd.f32 v47, v12  }
0x1cb: {  	v1 =	vadd.f32 v8, v1;
	v10 =	vadd.f32 v56, v10;
	v41 =	vmul.f32 v58, v29  }
0x1cc: {  	v47 =	vmul.f32 v58, v37;
	v56 =	vld [tilespmem:$0xCBE0];
	v13 =	vadd.f32 v51, v13;
	v12 =	vadd.f32 v55, v12  }
0x1cd: {  	v50 =	vmul.f32 v58, v40;
	v10 =	vadd.f32 v60, v10;
	v58 =	vmul.f32 v52, v44  }
0x1ce: {  	v13 =	vadd.f32 v57, v13;
	v12 =	vadd.f32 v59, v12  }
0x1cf: {  	v60 =	vmul.f32 v52, v53;
	v59 =	vld [tilespmem:$0xCCE0];
	v10 =	vadd.f32 v63, v10;
	v8 =	vadd.f32 v58, v54  }
0x1d0: {  	v42 =	vld [tilespmem:$0xD570];
	v13 =	vadd.f32 v61, v13;
	v12 =	vadd.f32 v62, v12  }
0x1d1: {  	v9 =	vadd.f32 v60, v54;
	v63 =	vmul.f32 v56, v45;
	v10 =	vadd.f32 v50, v10  }
0x1d2: {  	v14 =	vld [tilespmem:$0xD580];
	v50 =	vmul.f32 v56, v21;
	v51 =	vadd.f32 v41, v13;
	v12 =	vadd.f32 v47, v12  }
0x1d3: {  	v62 =	vld [tilespmem:$0xCDE0];
	v13 =	vmul.f32 v52, v20;
	v47 =	vmul.f32 v56, v48;
	v8 =	vadd.f32 v63, v8  }
0x1d4: {  	v10 =	vmax.f32 v10, $0.0e+00;
	v52 =	vmul.f32 v59, v46;
	v17 =	vmul.f32 v59, v22  }
0x1d5: {  	v5 =	vmax.f32 v51, $0.0e+00;
	v12 =	vmax.f32 v12, $0.0e+00;
	v16 =	vmul.f32 v10, v42  }
0x1d6: {  	v13 =	vadd.f32 v13, v54;
	v54 =	vmul.f32 v59, v49;
	v55 =	vmul.f32 v5, v42  }
0x1d7: {  	v63 =	vld [tilespmem:$0xD1E0];
	v9 =	vadd.f32 v47, v9;
	v57 =	vmul.f32 v12, v42;
	v61 =	vmul.f32 v5, v14  }
0x1d8: {  	v51 =	vld [tilespmem:$0xCEE0];
	v8 =	vadd.f32 v52, v8;
	v56 =	vmul.f32 v62, v24;
	v4 =	vadd.f32 v16, v4  }
0x1d9: {  	v58 =	vmul.f32 v62, v26;
	v13 =	vadd.f32 v50, v13;
	v9 =	vadd.f32 v54, v9  }
0x1da: {  	v59 =	vmul.f32 v62, v30;
	v52 =	vld [tilespmem:$0xD2E0];
	v3 =	vadd.f32 v55, v3;
	v7 =	vadd.f32 v57, v7  }
0x1db: {  	v54 =	vld [tilespmem:$0xD590];
	v11 =	vadd.f32 v61, v11;
	v55 =	vmul.f32 v12, v14;
	v14 =	vmul.f32 v10, v14  }
0x1dc: {  	v13 =	vadd.f32 v17, v13;
	v9 =	vadd.f32 v58, v9;
	v58 =	vmul.f32 v63, v31  }
0x1dd: {  	v57 =	vld [tilespmem:$0xCFE0];
	v8 =	vadd.f32 v56, v8;
	v60 =	vmul.f32 v51, v25;
	v62 =	vmul.f32 v51, v27  }
0x1de: {  	v61 =	vld [tilespmem:$0xD0E0];
	v16 =	vmul.f32 v51, v33;
	v13 =	vadd.f32 v59, v13;
	v59 =	vmul.f32 v63, v36  }
0x1df: {  	v41 =	vmul.f32 v52, v40;
	v8 =	vadd.f32 v60, v8;
	v60 =	vmul.f32 v63, v38  }
0x1e0: {  	v5 =	vmul.f32 v54, v5;
	v63 =	vmul.f32 v52, v37  }
0x1e1: {  	v18 =	vadd.f32 v55, v18;
	v12 =	vmul.f32 v54, v12;
	v10 =	vmul.f32 v54, v10  }
0x1e2: {  	v9 =	vadd.f32 v62, v9;
	v47 =	vmul.f32 v57, v23;
	v50 =	vmul.f32 v57, v28  }
0x1e3: {  	v13 =	vadd.f32 v16, v13;
	v51 =	vmul.f32 v57, v35;
	v55 =	vmul.f32 v61, v32  }
0x1e4: {  	v56 =	vmul.f32 v61, v34;
	v0 =	vadd.f32 v5, v0;
	v8 =	vadd.f32 v47, v8  }
0x1e5: {  	v57 =	vmul.f32 v61, v39;
	v9 =	vadd.f32 v50, v9;
	v13 =	vadd.f32 v51, v13;
	v47 =	vld [tilespmem:$0xCAF0]  }
0x1e6: {  	v61 =	vmul.f32 v52, v29;
	v52 =	vld [tilespmem:$0xCBF0];
	v2 =	vadd.f32 v12, v2;
	v8 =	vadd.f32 v55, v8  }
0x1e7: {  	v50 =	vld [tilespmem:$0xD3F0];
	v9 =	vadd.f32 v56, v9;
	v13 =	vadd.f32 v57, v13  }
0x1e8: {  	v1 =	vadd.f32 v10, v1;
	v56 =	vld [tilespmem:$0xCCF0];
	v8 =	vadd.f32 v58, v8  }
0x1e9: {  	v9 =	vadd.f32 v59, v9;
	v13 =	vadd.f32 v60, v13  }
0x1ea: {  	v62 =	vld [tilespmem:$0xD5A0];
	v58 =	vmul.f32 v47, v44;
	v59 =	vmul.f32 v47, v53;
	v8 =	vadd.f32 v61, v8  }
0x1eb: {  	v42 =	vadd.f32 v63, v9;
	v9 =	vmul.f32 v47, v20;
	v61 =	vmul.f32 v52, v45  }
0x1ec: {  	v16 =	vld [tilespmem:$0xD5B0];
	v13 =	vadd.f32 v41, v13;
	v63 =	vmul.f32 v52, v48;
	v47 =	vmul.f32 v52, v21  }
0x1ed: {  	v60 =	vadd.f32 v58, v50;
	v10 =	vadd.f32 v59, v50;
	v15 =	vmul.f32 v56, v22  }
0x1ee: {  	v8 =	vmax.f32 v8, $0.0e+00;
	v5 =	vmax.f32 v42, $0.0e+00;
	v12 =	vmax.f32 v13, $0.0e+00  }
0x1ef: {  	v59 =	vld [tilespmem:$0xD0F0];
	v9 =	vadd.f32 v9, v50;
	v50 =	vmul.f32 v56, v46;
	v51 =	vmul.f32 v8, v62  }
0x1f0: {  	v6 =	vadd.f32 v14, v6;
	v54 =	vmul.f32 v5, v62;
	v55 =	vmul.f32 v12, v62;
	v62 =	vld [tilespmem:$0xCDF0]  }
0x1f1: {  	v57 =	vmul.f32 v8, v16;
	v13 =	vadd.f32 v61, v60;
	v10 =	vadd.f32 v63, v10  }
0x1f2: {  	v52 =	vmul.f32 v5, v16;
	v9 =	vadd.f32 v47, v9;
	v3 =	vadd.f32 v51, v3;
	v51 =	vld [tilespmem:$0xCEF0]  }
0x1f3: {  	v7 =	vadd.f32 v54, v7;
	v4 =	vadd.f32 v55, v4;
	v54 =	vmul.f32 v56, v49;
	v55 =	vld [tilespmem:$0xCFF0]  }
0x1f4: {  	v16 =	vmul.f32 v12, v16;
	v11 =	vadd.f32 v57, v11;
	v13 =	vadd.f32 v50, v13  }
0x1f5: {  	v10 =	vadd.f32 v54, v10;
	v54 =	vmul.f32 v59, v32;
	v56 =	vmul.f32 v62, v24  }
0x1f6: {  	v47 =	vld [tilespmem:$0xD1F0];
	v18 =	vadd.f32 v52, v18;
	v57 =	vmul.f32 v62, v26;
	v58 =	vmul.f32 v62, v30  }
0x1f7: {  	v50 =	vld [tilespmem:$0xD5C0];
	v6 =	vadd.f32 v16, v6;
	v60 =	vmul.f32 v51, v25;
	v61 =	vmul.f32 v51, v27  }
0x1f8: {  	v9 =	vadd.f32 v15, v9;
	v62 =	vmul.f32 v51, v33;
	v63 =	vmul.f32 v55, v23  }
0x1f9: {  	v13 =	vadd.f32 v56, v13;
	v51 =	vmul.f32 v55, v28;
	v52 =	vmul.f32 v55, v35  }
0x1fa: {  	v10 =	vadd.f32 v57, v10;
	v56 =	vmul.f32 v59, v34;
	v57 =	vmul.f32 v59, v39  }
0x1fb: {  	v9 =	vadd.f32 v58, v9;
	v55 =	vld [tilespmem:$0xD2F0];
	v58 =	vmul.f32 v47, v31;
	v59 =	vmul.f32 v47, v36  }
0x1fc: {  	v8 =	vmul.f32 v50, v8;
	v5 =	vmul.f32 v50, v5;
	v13 =	vadd.f32 v60, v13  }
0x1fd: {  	v10 =	vadd.f32 v61, v10;
	v9 =	vadd.f32 v62, v9;
	v60 =	vmul.f32 v47, v38;
	v47 =	vld [tilespmem:$0xCB00]  }
0x1fe: {  	v12 =	vmul.f32 v50, v12;
	v0 =	vadd.f32 v8, v0;
	v2 =	vadd.f32 v5, v2  }
0x1ff: {  	v50 =	vld [tilespmem:$0xD400];
	v13 =	vadd.f32 v63, v13;
	v10 =	vadd.f32 v51, v10  }
0x200: {  	v1 =	vadd.f32 v12, v1;
	v9 =	vadd.f32 v52, v9;
	v52 =	vld [tilespmem:$0xCC00];
	v61 =	vmul.f32 v55, v29  }
0x201: {  	v63 =	vmul.f32 v55, v37;
	v13 =	vadd.f32 v54, v13;
	v10 =	vadd.f32 v56, v10  }
0x202: {  	v41 =	vmul.f32 v55, v40;
	v9 =	vadd.f32 v57, v9;
	v56 =	vld [tilespmem:$0xCD00];
	v55 =	vmul.f32 v47, v44  }
0x203: {  	v62 =	vld [tilespmem:$0xD5D0];
	v13 =	vadd.f32 v58, v13;
	v10 =	vadd.f32 v59, v10  }
0x204: {  	v57 =	vmul.f32 v47, v53;
	v9 =	vadd.f32 v60, v9;
	v12 =	vadd.f32 v55, v50  }
0x205: {  	v14 =	vld [tilespmem:$0xD5E0];
	v60 =	vmul.f32 v52, v45;
	v42 =	vadd.f32 v61, v13;
	v10 =	vadd.f32 v63, v10  }
0x206: {  	v59 =	vld [tilespmem:$0xCE00];
	v9 =	vadd.f32 v41, v9;
	v13 =	vmul.f32 v47, v20;
	v61 =	vmul.f32 v52, v48  }
0x207: {  	v47 =	vmul.f32 v56, v46;
	v17 =	vmul.f32 v56, v22;
	v8 =	vmax.f32 v42, $0.0e+00  }
0x208: {  	v10 =	vmax.f32 v10, $0.0e+00;
	v9 =	vmax.f32 v9, $0.0e+00;
	v51 =	vmul.f32 v8, v62  }
0x209: {  	v12 =	vadd.f32 v60, v12;
	v54 =	vmul.f32 v10, v62;
	v16 =	vmul.f32 v9, v62  }
0x20a: {  	v63 =	vld [tilespmem:$0xCF00];
	v13 =	vadd.f32 v13, v50;
	v58 =	vmul.f32 v8, v14;
	v62 =	vmul.f32 v52, v21  }
0x20b: {  	v12 =	vadd.f32 v47, v12;
	v52 =	vmul.f32 v59, v24;
	v3 =	vadd.f32 v51, v3  }
0x20c: {  	v55 =	vmul.f32 v59, v26;
	v5 =	vadd.f32 v54, v7;
	v4 =	vadd.f32 v16, v4  }
0x20d: {  	v60 =	vld [tilespmem:$0xD200];
	v7 =	vadd.f32 v57, v50;
	v11 =	vadd.f32 v58, v11;
	v50 =	vmul.f32 v56, v49  }
0x20e: {  	v13 =	vadd.f32 v62, v13;
	v51 =	vmul.f32 v10, v14;
	v54 =	vld [tilespmem:$0xD000];
	v56 =	vmul.f32 v59, v30  }
0x20f: {  	v12 =	vadd.f32 v52, v12;
	v57 =	vmul.f32 v63, v25;
	v58 =	vld [tilespmem:$0xD100];
	v59 =	vmul.f32 v63, v27  }
0x210: {  	v16 =	vmul.f32 v63, v33;
	v7 =	vadd.f32 v61, v7;
	v13 =	vadd.f32 v17, v13  }
0x211: {  	v47 =	vld [tilespmem:$0xD300];
	v14 =	vmul.f32 v9, v14;
	v18 =	vadd.f32 v51, v18;
	v12 =	vadd.f32 v57, v12  }
0x212: {  	v57 =	vmul.f32 v60, v38;
	v13 =	vadd.f32 v56, v13;
	v56 =	vmul.f32 v60, v36  }
0x213: {  	v7 =	vadd.f32 v50, v7;
	v61 =	vmul.f32 v54, v23;
	v62 =	vmul.f32 v54, v28  }
0x214: {  	v6 =	vadd.f32 v14, v6;
	v50 =	vld [tilespmem:$0xD5F0];
	v63 =	vmul.f32 v54, v35;
	v51 =	vmul.f32 v58, v32  }
0x215: {  	v52 =	vmul.f32 v58, v34;
	v54 =	vmul.f32 v58, v39;
	v7 =	vadd.f32 v55, v7  }
0x216: {  	v58 =	vmul.f32 v47, v29;
	v13 =	vadd.f32 v16, v13;
	v12 =	vadd.f32 v61, v12  }
0x217: {  	v55 =	vmul.f32 v60, v31;
	v60 =	vmul.f32 v47, v37;
	v7 =	vadd.f32 v59, v7  }
0x218: {  	v61 =	vmul.f32 v47, v40;
	v13 =	vadd.f32 v63, v13;
	v12 =	vadd.f32 v51, v12  }
0x219: {  	v47 =	vld [tilespmem:$0xCC10];
	v8 =	vmul.f32 v50, v8;
	v10 =	vmul.f32 v50, v10;
	v7 =	vadd.f32 v62, v7  }
0x21a: {  	v13 =	vadd.f32 v54, v13;
	v62 =	vld [tilespmem:$0xCB10];
	v12 =	vadd.f32 v55, v12  }
0x21b: {  	v16 =	vld [tilespmem:$0xD610];
	v9 =	vmul.f32 v50, v9;
	v0 =	vadd.f32 v8, v0;
	v2 =	vadd.f32 v10, v2  }
0x21c: {  	v59 =	vld [tilespmem:$0xD600];
	v7 =	vadd.f32 v52, v7;
	v13 =	vadd.f32 v57, v13  }
0x21d: {  	v63 =	vld [tilespmem:$0xD410];
	v1 =	vadd.f32 v9, v1;
	v12 =	vadd.f32 v58, v12  }
0x21e: {  	v52 =	vld [tilespmem:$0xCD10];
	v58 =	vmul.f32 v47, v45;
	v7 =	vadd.f32 v56, v7;
	v13 =	vadd.f32 v61, v13  }
0x21f: {  	v61 =	vmul.f32 v47, v21;
	v12 =	vmax.f32 v12, $0.0e+00;
	v55 =	vmul.f32 v62, v44  }
0x220: {  	v56 =	vmul.f32 v62, v53;
	v8 =	vmul.f32 v62, v20;
	v7 =	vadd.f32 v60, v7  }
0x221: {  	v43 =	vmul.f32 v12, v59;
	v10 =	vmax.f32 v13, $0.0e+00;
	v54 =	vmul.f32 v12, v16  }
0x222: {  	v60 =	vmul.f32 v47, v48;
	v51 =	vmul.f32 v10, v59;
	v57 =	vadd.f32 v55, v63  }
0x223: {  	v9 =	vadd.f32 v56, v63;
	v8 =	vadd.f32 v8, v63;
	v62 =	vmul.f32 v52, v46;
	v63 =	vld [tilespmem:$0xCF10]  }
0x224: {  	v15 =	vmul.f32 v52, v22;
	v56 =	vld [tilespmem:$0xD110];
	v7 =	vmax.f32 v7, $0.0e+00;
	v3 =	vadd.f32 v43, v3  }
0x225: {  	v11 =	vadd.f32 v54, v11;
	v43 =	vld [tilespmem:$0xD620];
	v50 =	vmul.f32 v7, v59;
	v4 =	vadd.f32 v51, v4  }
0x226: {  	v59 =	vld [tilespmem:$0xCE10];
	v13 =	vadd.f32 v58, v57;
	v47 =	vmul.f32 v7, v16;
	v9 =	vadd.f32 v60, v9  }
0x227: {  	v8 =	vadd.f32 v61, v8;
	v16 =	vmul.f32 v10, v16;
	v5 =	vadd.f32 v50, v5  }
0x228: {  	v51 =	vld [tilespmem:$0xD010];
	v50 =	vmul.f32 v52, v49;
	v13 =	vadd.f32 v62, v13;
	v57 =	vmul.f32 v63, v25  }
0x229: {  	v18 =	vadd.f32 v47, v18;
	v58 =	vmul.f32 v63, v27;
	v47 =	vmul.f32 v56, v32  }
0x22a: {  	v8 =	vadd.f32 v15, v8;
	v12 =	vmul.f32 v43, v12;
	v7 =	vmul.f32 v43, v7  }
0x22b: {  	v6 =	vadd.f32 v16, v6;
	v10 =	vmul.f32 v43, v10;
	v52 =	vmul.f32 v59, v24  }
0x22c: {  	v61 =	vld [tilespmem:$0xD210];
	v9 =	vadd.f32 v50, v9;
	v54 =	vmul.f32 v59, v26;
	v55 =	vmul.f32 v59, v30  }
0x22d: {  	v59 =	vmul.f32 v63, v33;
	v60 =	vmul.f32 v51, v23;
	v0 =	vadd.f32 v12, v0  }
0x22e: {  	v50 =	vld [tilespmem:$0xD310];
	v62 =	vmul.f32 v51, v28;
	v13 =	vadd.f32 v52, v13;
	v9 =	vadd.f32 v54, v9  }
0x22f: {  	v63 =	vmul.f32 v51, v35;
	v2 =	vadd.f32 v7, v2;
	v8 =	vadd.f32 v55, v8  }
0x230: {  	v51 =	vmul.f32 v56, v34;
	v13 =	vadd.f32 v57, v13;
	v9 =	vadd.f32 v58, v9  }
0x231: {  	v52 =	vmul.f32 v56, v39;
	v54 =	vmul.f32 v61, v31;
	v8 =	vadd.f32 v59, v8  }
0x232: {  	v55 =	vmul.f32 v61, v36;
	v13 =	vadd.f32 v60, v13;
	v9 =	vadd.f32 v62, v9;
	v62 =	vld [tilespmem:$0xCB20]  }
0x233: {  	v57 =	vmul.f32 v50, v29;
	v59 =	vmul.f32 v50, v37;
	v8 =	vadd.f32 v63, v8  }
0x234: {  	v60 =	vmul.f32 v50, v40;
	v50 =	vld [tilespmem:$0xCC20];
	v13 =	vadd.f32 v47, v13;
	v9 =	vadd.f32 v51, v9  }
0x235: {  	v1 =	vadd.f32 v10, v1;
	v56 =	vmul.f32 v61, v38;
	v63 =	vld [tilespmem:$0xD420];
	v8 =	vadd.f32 v52, v8  }
0x236: {  	v58 =	vld [tilespmem:$0xD630];
	v13 =	vadd.f32 v54, v13;
	v9 =	vadd.f32 v55, v9  }
0x237: {  	v8 =	vadd.f32 v56, v8;
	v52 =	vmul.f32 v62, v44;
	v55 =	vmul.f32 v62, v53  }
0x238: {  	v14 =	vld [tilespmem:$0xD640];
	v61 =	vadd.f32 v57, v13;
	v9 =	vadd.f32 v59, v9;
	v13 =	vmul.f32 v62, v20  }
0x239: {  	v54 =	vld [tilespmem:$0xCD20];
	v8 =	vadd.f32 v60, v8;
	v59 =	vmul.f32 v50, v48;
	v60 =	vmul.f32 v50, v21  }
0x23a: {  	v10 =	vadd.f32 v52, v63;
	v7 =	vadd.f32 v55, v63;
	v12 =	vmax.f32 v61, $0.0e+00  }
0x23b: {  	v9 =	vmax.f32 v9, $0.0e+00;
	v8 =	vmax.f32 v8, $0.0e+00;
	v47 =	vmul.f32 v12, v58  }
0x23c: {  	v57 =	vld [tilespmem:$0xCE20];
	v13 =	vadd.f32 v13, v63;
	v51 =	vmul.f32 v9, v58;
	v16 =	vmul.f32 v8, v58  }
0x23d: {  	v56 =	vmul.f32 v12, v14;
	v58 =	vmul.f32 v50, v45;
	v7 =	vadd.f32 v59, v7  }
0x23e: {  	v61 =	vld [tilespmem:$0xCF20];
	v62 =	vmul.f32 v54, v46;
	v63 =	vmul.f32 v54, v49;
	v13 =	vadd.f32 v60, v13  }
0x23f: {  	v17 =	vmul.f32 v54, v22;
	v3 =	vadd.f32 v47, v3;
	v5 =	vadd.f32 v51, v5  }
0x240: {  	v4 =	vadd.f32 v16, v4;
	v11 =	vadd.f32 v56, v11;
	v47 =	vmul.f32 v9, v14;
	v51 =	vld [tilespmem:$0xD020]  }
0x241: {  	v10 =	vadd.f32 v58, v10;
	v50 =	vmul.f32 v57, v24;
	v52 =	vmul.f32 v57, v26  }
0x242: {  	v7 =	vadd.f32 v63, v7;
	v54 =	vmul.f32 v57, v30;
	v56 =	vld [tilespmem:$0xD120];
	v14 =	vmul.f32 v8, v14  }
0x243: {  	v58 =	vld [tilespmem:$0xD220];
	v13 =	vadd.f32 v17, v13;
	v10 =	vadd.f32 v62, v10;
	v55 =	vmul.f32 v61, v25  }
0x244: {  	v63 =	vld [tilespmem:$0xD650];
	v18 =	vadd.f32 v47, v18;
	v7 =	vadd.f32 v52, v7;
	v57 =	vmul.f32 v61, v27  }
0x245: {  	v16 =	vmul.f32 v61, v33;
	v6 =	vadd.f32 v14, v6;
	v59 =	vmul.f32 v51, v23  }
0x246: {  	v13 =	vadd.f32 v54, v13;
	v60 =	vmul.f32 v51, v28;
	v61 =	vmul.f32 v51, v35  }
0x247: {  	v10 =	vadd.f32 v50, v10;
	v47 =	vmul.f32 v56, v32;
	v50 =	vmul.f32 v56, v34  }
0x248: {  	v62 =	vld [tilespmem:$0xD320];
	v7 =	vadd.f32 v57, v7;
	v51 =	vmul.f32 v56, v39;
	v52 =	vmul.f32 v58, v31  }
0x249: {  	v13 =	vadd.f32 v16, v13;
	v54 =	vmul.f32 v58, v36;
	v12 =	vmul.f32 v63, v12  }
0x24a: {  	v9 =	vmul.f32 v63, v9;
	v10 =	vadd.f32 v55, v10;
	v7 =	vadd.f32 v60, v7  }
0x24b: {  	v8 =	vmul.f32 v63, v8;
	v13 =	vadd.f32 v61, v13;
	v0 =	vadd.f32 v12, v0;
	v60 =	vld [tilespmem:$0xCB30]  }
0x24c: {  	v55 =	vmul.f32 v58, v38;
	v2 =	vadd.f32 v9, v2;
	v10 =	vadd.f32 v59, v10  }
0x24d: {  	v63 =	vld [tilespmem:$0xCC30];
	v56 =	vmul.f32 v62, v29;
	v7 =	vadd.f32 v50, v7;
	v13 =	vadd.f32 v51, v13  }
0x24e: {  	v58 =	vmul.f32 v62, v37;
	v61 =	vld [tilespmem:$0xD430];
	v1 =	vadd.f32 v8, v1;
	v10 =	vadd.f32 v47, v10  }
0x24f: {  	v59 =	vmul.f32 v62, v40;
	v50 =	vld [tilespmem:$0xCD30];
	v7 =	vadd.f32 v54, v7;
	v13 =	vadd.f32 v55, v13  }
0x250: {  	v10 =	vadd.f32 v52, v10;
	v52 =	vmul.f32 v60, v44;
	v54 =	vmul.f32 v60, v53  }
0x251: {  	v57 =	vld [tilespmem:$0xD660];
	v12 =	vmul.f32 v60, v20;
	v7 =	vadd.f32 v58, v7;
	v13 =	vadd.f32 v59, v13  }
0x252: {  	v58 =	vmul.f32 v63, v48;
	v59 =	vmul.f32 v63, v21;
	v10 =	vadd.f32 v56, v10  }
0x253: {  	v16 =	vld [tilespmem:$0xD670];
	v55 =	vadd.f32 v52, v61;
	v56 =	vmul.f32 v63, v45;
	v8 =	vadd.f32 v54, v61  }
0x254: {  	v12 =	vadd.f32 v12, v61;
	v60 =	vmul.f32 v50, v46;
	v63 =	vmul.f32 v50, v49  }
0x255: {  	v61 =	vld [tilespmem:$0xCF30];
	v15 =	vmul.f32 v50, v22;
	v7 =	vmax.f32 v7, $0.0e+00;
	v9 =	vmax.f32 v13, $0.0e+00  }
0x256: {  	v54 =	vld [tilespmem:$0xD130];
	v10 =	vmax.f32 v10, $0.0e+00;
	v43 =	vmul.f32 v7, v57;
	v47 =	vmul.f32 v9, v57  }
0x257: {  	v13 =	vadd.f32 v56, v55;
	v8 =	vadd.f32 v58, v8;
	v62 =	vmul.f32 v10, v57;
	v57 =	vld [tilespmem:$0xCE30]  }
0x258: {  	v12 =	vadd.f32 v59, v12;
	v51 =	vmul.f32 v10, v16;
	v5 =	vadd.f32 v43, v5  }
0x259: {  	v4 =	vadd.f32 v47, v4;
	v47 =	vld [tilespmem:$0xD030];
	v3 =	vadd.f32 v62, v3;
	v62 =	vmul.f32 v7, v16  }
0x25a: {  	v13 =	vadd.f32 v60, v13;
	v55 =	vmul.f32 v61, v25;
	v56 =	vmul.f32 v61, v27  }
0x25b: {  	v43 =	vld [tilespmem:$0xD680];
	v16 =	vmul.f32 v9, v16;
	v18 =	vadd.f32 v62, v18;
	v62 =	vmul.f32 v54, v32  }
0x25c: {  	v11 =	vadd.f32 v51, v11;
	v50 =	vmul.f32 v57, v24;
	v51 =	vmul.f32 v57, v26  }
0x25d: {  	v8 =	vadd.f32 v63, v8;
	v52 =	vmul.f32 v57, v30;
	v57 =	vmul.f32 v61, v33  }
0x25e: {  	v59 =	vld [tilespmem:$0xD230];
	v12 =	vadd.f32 v15, v12;
	v58 =	vmul.f32 v47, v23;
	v60 =	vmul.f32 v47, v28  }
0x25f: {  	v6 =	vadd.f32 v16, v6;
	v61 =	vmul.f32 v47, v35;
	v47 =	vmul.f32 v54, v34  }
0x260: {  	v63 =	vld [tilespmem:$0xD330];
	v10 =	vmul.f32 v43, v10;
	v13 =	vadd.f32 v50, v13;
	v8 =	vadd.f32 v51, v8  }
0x261: {  	v7 =	vmul.f32 v43, v7;
	v9 =	vmul.f32 v43, v9;
	v12 =	vadd.f32 v52, v12  }
0x262: {  	v50 =	vmul.f32 v54, v39;
	v13 =	vadd.f32 v55, v13;
	v8 =	vadd.f32 v56, v8  }
0x263: {  	v51 =	vmul.f32 v59, v31;
	v0 =	vadd.f32 v10, v0;
	v12 =	vadd.f32 v57, v12  }
0x264: {  	v52 =	vmul.f32 v59, v36;
	v13 =	vadd.f32 v58, v13;
	v8 =	vadd.f32 v60, v8;
	v60 =	vld [tilespmem:$0xCB40]  }
0x265: {  	v55 =	vmul.f32 v63, v29;
	v57 =	vmul.f32 v63, v37;
	v12 =	vadd.f32 v61, v12  }
0x266: {  	v58 =	vmul.f32 v63, v40;
	v63 =	vld [tilespmem:$0xCC40];
	v13 =	vadd.f32 v62, v13;
	v8 =	vadd.f32 v47, v8  }
0x267: {  	v54 =	vmul.f32 v59, v38;
	v2 =	vadd.f32 v7, v2;
	v61 =	vld [tilespmem:$0xD440];
	v12 =	vadd.f32 v50, v12  }
0x268: {  	v56 =	vld [tilespmem:$0xD690];
	v13 =	vadd.f32 v51, v13;
	v8 =	vadd.f32 v52, v8  }
0x269: {  	v1 =	vadd.f32 v9, v1;
	v12 =	vadd.f32 v54, v12;
	v50 =	vmul.f32 v60, v44  }
0x26a: {  	v14 =	vld [tilespmem:$0xD6A0];
	v52 =	vmul.f32 v60, v53;
	v59 =	vadd.f32 v55, v13;
	v8 =	vadd.f32 v57, v8  }
0x26b: {  	v51 =	vld [tilespmem:$0xCD40];
	v12 =	vadd.f32 v58, v12;
	v13 =	vmul.f32 v60, v20;
	v57 =	vmul.f32 v63, v48  }
0x26c: {  	v58 =	vmul.f32 v63, v21;
	v7 =	vadd.f32 v52, v61;
	v10 =	vmax.f32 v59, $0.0e+00  }
0x26d: {  	v8 =	vmax.f32 v8, $0.0e+00;
	v12 =	vmax.f32 v12, $0.0e+00;
	v62 =	vmul.f32 v10, v56  }
0x26e: {  	v55 =	vld [tilespmem:$0xCE40];
	v13 =	vadd.f32 v13, v61;
	v47 =	vmul.f32 v8, v56;
	v16 =	vmul.f32 v12, v56  }
0x26f: {  	v9 =	vadd.f32 v50, v61;
	v54 =	vmul.f32 v10, v14;
	v56 =	vmul.f32 v63, v45  }
0x270: {  	v7 =	vadd.f32 v57, v7;
	v60 =	vmul.f32 v51, v46;
	v13 =	vadd.f32 v58, v13  }
0x271: {  	v59 =	vld [tilespmem:$0xCF40];
	v61 =	vmul.f32 v51, v49;
	v3 =	vadd.f32 v62, v3;
	v5 =	vadd.f32 v47, v5  }
0x272: {  	v17 =	vmul.f32 v51, v22;
	v4 =	vadd.f32 v16, v4;
	v11 =	vadd.f32 v54, v11  }
0x273: {  	v9 =	vadd.f32 v56, v9;
	v62 =	vmul.f32 v8, v14;
	v63 =	vmul.f32 v55, v24;
	v47 =	vld [tilespmem:$0xD040]  }
0x274: {  	v7 =	vadd.f32 v61, v7;
	v50 =	vmul.f32 v55, v26;
	v51 =	vmul.f32 v55, v30;
	v54 =	vld [tilespmem:$0xD140]  }
0x275: {  	v56 =	vld [tilespmem:$0xD240];
	v14 =	vmul.f32 v12, v14;
	v13 =	vadd.f32 v17, v13;
	v9 =	vadd.f32 v60, v9  }
0x276: {  	v52 =	vmul.f32 v59, v25;
	v18 =	vadd.f32 v62, v18;
	v7 =	vadd.f32 v50, v7  }
0x277: {  	v61 =	vld [tilespmem:$0xD6B0];
	v55 =	vmul.f32 v59, v27;
	v16 =	vmul.f32 v59, v33;
	v6 =	vadd.f32 v14, v6  }
0x278: {  	v60 =	vld [tilespmem:$0xD340];
	v13 =	vadd.f32 v51, v13;
	v57 =	vmul.f32 v47, v23;
	v58 =	vmul.f32 v47, v28  }
0x279: {  	v9 =	vadd.f32 v63, v9;
	v59 =	vmul.f32 v47, v35;
	v63 =	vmul.f32 v54, v34  }
0x27a: {  	v7 =	vadd.f32 v55, v7;
	v41 =	vmul.f32 v54, v39;
	v47 =	vmul.f32 v56, v31  }
0x27b: {  	v13 =	vadd.f32 v16, v13;
	v50 =	vmul.f32 v56, v36;
	v51 =	vmul.f32 v56, v38  }
0x27c: {  	v10 =	vmul.f32 v61, v10;
	v8 =	vmul.f32 v61, v8;
	v9 =	vadd.f32 v52, v9  }
0x27d: {  	v7 =	vadd.f32 v58, v7;
	v13 =	vadd.f32 v59, v13;
	v52 =	vmul.f32 v60, v29  }
0x27e: {  	v55 =	vmul.f32 v60, v37;
	v56 =	vmul.f32 v60, v40;
	v0 =	vadd.f32 v10, v0;
	v60 =	vld [tilespmem:$0xCC50]  }
0x27f: {  	v62 =	vmul.f32 v54, v32;
	v9 =	vadd.f32 v57, v9;
	v57 =	vld [tilespmem:$0xCB50];
	v7 =	vadd.f32 v63, v7  }
0x280: {  	v12 =	vmul.f32 v61, v12;
	v58 =	vld [tilespmem:$0xD450];
	v2 =	vadd.f32 v8, v2;
	v13 =	vadd.f32 v41, v13  }
0x281: {  	v63 =	vld [tilespmem:$0xCD50];
	v9 =	vadd.f32 v62, v9;
	v7 =	vadd.f32 v50, v7  }
0x282: {  	v1 =	vadd.f32 v12, v1;
	v13 =	vadd.f32 v51, v13  }
0x283: {  	v54 =	vld [tilespmem:$0xD6C0];
	v9 =	vadd.f32 v47, v9;
	v19 =	vmul.f32 v60, v21;
	v7 =	vadd.f32 v55, v7  }
0x284: {  	v16 =	vld [tilespmem:$0xD6D0];
	v13 =	vadd.f32 v56, v13;
	v47 =	vmul.f32 v57, v44;
	v50 =	vmul.f32 v57, v53  }
0x285: {  	v10 =	vmul.f32 v57, v20;
	v55 =	vmul.f32 v60, v48;
	v9 =	vadd.f32 v52, v9  }
0x286: {  	v57 =	vmul.f32 v63, v46;
	v8 =	vmax.f32 v13, $0.0e+00;
	v13 =	vadd.f32 v47, v58  }
0x287: {  	v52 =	vld [tilespmem:$0xCE50];
	v7 =	vmax.f32 v7, $0.0e+00;
	v17 =	vadd.f32 v50, v58;
	v10 =	vadd.f32 v10, v58  }
0x288: {  	v9 =	vmax.f32 v9, $0.0e+00;
	v61 =	vmul.f32 v7, v54;
	v62 =	vmul.f32 v8, v54  }
0x289: {  	v59 =	vmul.f32 v9, v54;
	v51 =	vmul.f32 v9, v16;
	v14 =	vadd.f32 v55, v17  }
0x28a: {  	v58 =	vld [tilespmem:$0xCF50];
	v54 =	vmul.f32 v60, v45;
	v10 =	vadd.f32 v19, v10;
	v5 =	vadd.f32 v61, v5  }
0x28b: {  	v60 =	vmul.f32 v63, v22;
	v4 =	vadd.f32 v62, v4;
	v3 =	vadd.f32 v59, v3  }
0x28c: {  	v62 =	vld [tilespmem:$0xD050];
	v11 =	vadd.f32 v51, v11;
	v59 =	vmul.f32 v63, v49;
	v61 =	vmul.f32 v52, v24  }
0x28d: {  	v56 =	vadd.f32 v54, v13;
	v63 =	vmul.f32 v7, v16;
	v47 =	vmul.f32 v52, v26;
	v51 =	vld [tilespmem:$0xD150]  }
0x28e: {  	v10 =	vadd.f32 v60, v10;
	v50 =	vmul.f32 v52, v30;
	v16 =	vmul.f32 v8, v16  }
0x28f: {  	v60 =	vld [tilespmem:$0xD350];
	v52 =	vmul.f32 v58, v25;
	v54 =	vmul.f32 v58, v27;
	v12 =	vadd.f32 v57, v56  }
0x290: {  	v55 =	vmul.f32 v58, v33;
	v14 =	vadd.f32 v59, v14;
	v18 =	vadd.f32 v63, v18  }
0x291: {  	v10 =	vadd.f32 v50, v10;
	v56 =	vld [tilespmem:$0xD250];
	v57 =	vmul.f32 v62, v23;
	v58 =	vmul.f32 v62, v28  }
0x292: {  	v12 =	vadd.f32 v61, v12;
	v19 =	vmul.f32 v62, v35;
	v59 =	vmul.f32 v51, v32  }
0x293: {  	v14 =	vadd.f32 v47, v14;
	v61 =	vld [tilespmem:$0xD6E0];
	v62 =	vmul.f32 v51, v34;
	v15 =	vmul.f32 v51, v39  }
0x294: {  	v10 =	vadd.f32 v55, v10;
	v50 =	vmul.f32 v60, v29;
	v51 =	vmul.f32 v60, v37  }
0x295: {  	v12 =	vadd.f32 v52, v12;
	v14 =	vadd.f32 v54, v14;
	v54 =	vmul.f32 v60, v40  }
0x296: {  	v10 =	vadd.f32 v19, v10;
	v60 =	vld [tilespmem:$0xCC60];
	v63 =	vmul.f32 v56, v31;
	v19 =	vmul.f32 v56, v36  }
0x297: {  	v47 =	vmul.f32 v56, v38;
	v56 =	vld [tilespmem:$0xCB60];
	v12 =	vadd.f32 v57, v12;
	v13 =	vadd.f32 v58, v14  }
0x298: {  	v6 =	vadd.f32 v16, v6;
	v10 =	vadd.f32 v15, v10;
	v9 =	vmul.f32 v61, v9  }
0x299: {  	v7 =	vmul.f32 v61, v7;
	v12 =	vadd.f32 v59, v12;
	v13 =	vadd.f32 v62, v13  }
0x29a: {  	v57 =	vld [tilespmem:$0xD460];
	v8 =	vmul.f32 v61, v8;
	v10 =	vadd.f32 v47, v10;
	v0 =	vadd.f32 v9, v0  }
0x29b: {  	v52 =	vld [tilespmem:$0xD6F0];
	v2 =	vadd.f32 v7, v2;
	v41 =	vmul.f32 v60, v21;
	v12 =	vadd.f32 v63, v12  }
0x29c: {  	v13 =	vadd.f32 v19, v13;
	v55 =	vadd.f32 v54, v10;
	v42 =	vmul.f32 v56, v44  }
0x29d: {  	v14 =	vld [tilespmem:$0xD700];
	v1 =	vadd.f32 v8, v1;
	v43 =	vmul.f32 v56, v53;
	v10 =	vmul.f32 v56, v20  }
0x29e: {  	v12 =	vadd.f32 v50, v12;
	v13 =	vadd.f32 v51, v13;
	v9 =	vmax.f32 v55, $0.0e+00  }
0x29f: {  	v63 =	vld [tilespmem:$0xCD60];
	v7 =	vadd.f32 v42, v57;
	v17 =	vadd.f32 v43, v57;
	v51 =	vmul.f32 v60, v45  }
0x2a0: {  	v10 =	vadd.f32 v10, v57;
	v61 =	vmul.f32 v9, v52;
	v12 =	vmax.f32 v12, $0.0e+00  }
0x2a1: {  	v13 =	vmax.f32 v13, $0.0e+00;
	v7 =	vadd.f32 v51, v7;
	v58 =	vmul.f32 v12, v52  }
0x2a2: {  	v50 =	vld [tilespmem:$0xCE60];
	v10 =	vadd.f32 v41, v10;
	v59 =	vmul.f32 v13, v52;
	v62 =	vmul.f32 v12, v14  }
0x2a3: {  	v55 =	vld [tilespmem:$0xCF60];
	v4 =	vadd.f32 v61, v4;
	v47 =	vmul.f32 v13, v14;
	v52 =	vmul.f32 v60, v48  }
0x2a4: {  	v43 =	vld [tilespmem:$0xD710];
	v54 =	vmul.f32 v63, v46;
	v56 =	vmul.f32 v63, v49;
	v3 =	vadd.f32 v58, v3  }
0x2a5: {  	v16 =	vmul.f32 v63, v22;
	v5 =	vadd.f32 v59, v5;
	v8 =	vadd.f32 v62, v11  }
0x2a6: {  	v14 =	vmul.f32 v9, v14;
	v11 =	vadd.f32 v47, v18;
	v15 =	vadd.f32 v52, v17  }
0x2a7: {  	v7 =	vadd.f32 v54, v7;
	v57 =	vmul.f32 v50, v24;
	v59 =	vmul.f32 v50, v26  }
0x2a8: {  	v61 =	vld [tilespmem:$0xD160];
	v10 =	vadd.f32 v16, v10;
	v60 =	vmul.f32 v50, v30;
	v62 =	vmul.f32 v55, v25  }
0x2a9: {  	v58 =	vld [tilespmem:$0xD060];
	v6 =	vadd.f32 v14, v6;
	v12 =	vmul.f32 v43, v12;
	v13 =	vmul.f32 v43, v13  }
0x2aa: {  	v9 =	vmul.f32 v43, v9;
	v15 =	vadd.f32 v56, v15;
	v7 =	vadd.f32 v57, v7  }
0x2ab: {  	v63 =	vmul.f32 v55, v27;
	v10 =	vadd.f32 v60, v10;
	v0 =	vadd.f32 v12, v0  }
0x2ac: {  	v42 =	vmul.f32 v55, v33;
	v47 =	vld [tilespmem:$0xD260];
	v2 =	vadd.f32 v13, v2;
	v1 =	vadd.f32 v9, v1  }
0x2ad: {  	v54 =	vmul.f32 v61, v32;
	v15 =	vadd.f32 v59, v15;
	v7 =	vadd.f32 v62, v7  }
0x2ae: {  	v55 =	vld [tilespmem:$0xD360];
	v10 =	vadd.f32 v42, v10;
	v50 =	vmul.f32 v58, v23;
	v52 =	vmul.f32 v58, v35  }
0x2af: {  	v56 =	vmul.f32 v61, v34;
	v51 =	vmul.f32 v58, v28;
	v15 =	vadd.f32 v63, v15  }
0x2b0: {  	v57 =	vmul.f32 v61, v39;
	v7 =	vadd.f32 v50, v7;
	v10 =	vadd.f32 v52, v10;
	v50 =	vld [tilespmem:$0xCB70]  }
0x2b1: {  	v58 =	vmul.f32 v47, v31;
	v60 =	vmul.f32 v47, v36;
	v52 =	vld [tilespmem:$0xCC70];
	v14 =	vadd.f32 v51, v15  }
0x2b2: {  	v61 =	vmul.f32 v47, v38;
	v7 =	vadd.f32 v54, v7;
	v10 =	vadd.f32 v57, v10  }
0x2b3: {  	v62 =	vmul.f32 v55, v29;
	v47 =	vmul.f32 v55, v40;
	v51 =	vld [tilespmem:$0xD470];
	v59 =	vadd.f32 v56, v14  }
0x2b4: {  	v18 =	vld [tilespmem:$0xD730];
	v63 =	vmul.f32 v55, v37;
	v7 =	vadd.f32 v58, v7;
	v10 =	vadd.f32 v61, v10  }
0x2b5: {  	v42 =	vld [tilespmem:$0xD720];
	v12 =	vadd.f32 v60, v59;
	v58 =	vmul.f32 v50, v44;
	v60 =	vmul.f32 v50, v53  }
0x2b6: {  	v43 =	vld [tilespmem:$0xD740];
	v14 =	vmul.f32 v50, v20;
	v61 =	vmul.f32 v52, v45;
	v7 =	vadd.f32 v62, v7  }
0x2b7: {  	v15 =	vmul.f32 v52, v21;
	v10 =	vadd.f32 v47, v10;
	v12 =	vadd.f32 v63, v12  }
0x2b8: {  	v59 =	vld [tilespmem:$0xCD70];
	v47 =	vmul.f32 v52, v48;
	v16 =	vadd.f32 v58, v51;
	v9 =	vadd.f32 v60, v51  }
0x2b9: {  	v13 =	vadd.f32 v14, v51;
	v7 =	vmax.f32 v7, $0.0e+00;
	v10 =	vmax.f32 v10, $0.0e+00  }
0x2ba: {  	v12 =	vmax.f32 v12, $0.0e+00;
	v54 =	vmul.f32 v7, v42;
	v56 =	vmul.f32 v10, v42  }
0x2bb: {  	v62 =	vld [tilespmem:$0xCE70];
	v57 =	vmul.f32 v7, v18;
	v50 =	vadd.f32 v61, v16;
	v7 =	vmul.f32 v43, v7  }
0x2bc: {  	v9 =	vadd.f32 v47, v9;
	v55 =	vmul.f32 v12, v42;
	v63 =	vmul.f32 v12, v18  }
0x2bd: {  	v13 =	vadd.f32 v15, v13;
	v52 =	vmul.f32 v59, v46;
	v18 =	vmul.f32 v10, v18  }
0x2be: {  	v51 =	vld [tilespmem:$0xCF70];
	v12 =	vmul.f32 v43, v12;
	v10 =	vmul.f32 v43, v10;
	v3 =	vadd.f32 v54, v3  }
0x2bf: {  	v4 =	vadd.f32 v56, v4;
	v8 =	vadd.f32 v57, v8;
	v54 =	vmul.f32 v59, v49  }
0x2c0: {  	v56 =	vld [tilespmem:$0xD070];
	v57 =	vmul.f32 v62, v24;
	v58 =	vmul.f32 v62, v26;
	v0 =	vadd.f32 v7, v0  }
0x2c1: {  	v5 =	vadd.f32 v55, v5;
	v55 =	vmul.f32 v59, v22;
	v14 =	vadd.f32 v52, v50  }
0x2c2: {  	v41 =	vmul.f32 v62, v30;
	v11 =	vadd.f32 v63, v11;
	v59 =	vld [tilespmem:$0xD170];
	v9 =	vadd.f32 v54, v9  }
0x2c3: {  	v62 =	vld [tilespmem:$0xD270];
	v60 =	vmul.f32 v51, v25;
	v13 =	vadd.f32 v55, v13;
	v14 =	vadd.f32 v57, v14  }
0x2c4: {  	v61 =	vmul.f32 v51, v27;
	v16 =	vmul.f32 v51, v33;
	v9 =	vadd.f32 v58, v9  }
0x2c5: {  	v50 =	vld [tilespmem:$0xD370];
	v13 =	vadd.f32 v41, v13;
	v14 =	vadd.f32 v60, v14;
	v63 =	vmul.f32 v56, v23  }
0x2c6: {  	v47 =	vmul.f32 v56, v28;
	v52 =	vmul.f32 v56, v35;
	v9 =	vadd.f32 v61, v9  }
0x2c7: {  	v51 =	vmul.f32 v59, v32;
	v13 =	vadd.f32 v16, v13;
	v14 =	vadd.f32 v63, v14  }
0x2c8: {  	v55 =	vmul.f32 v62, v31;
	v54 =	vmul.f32 v59, v34;
	v9 =	vadd.f32 v47, v9  }
0x2c9: {  	v56 =	vmul.f32 v59, v39;
	v14 =	vadd.f32 v51, v14;
	v13 =	vadd.f32 v52, v13  }
0x2ca: {  	v57 =	vmul.f32 v62, v36;
	v58 =	vmul.f32 v50, v29;
	v59 =	vld [tilespmem:$0xD750];
	v9 =	vadd.f32 v54, v9  }
0x2cb: {  	v61 =	vmul.f32 v62, v38;
	v62 =	vld [tilespmem:$0xD760];
	v14 =	vadd.f32 v55, v14;
	v60 =	vadd.f32 v56, v13  }
0x2cc: {  	v6 =	vadd.f32 v18, v6;
	v31 =	vld [tilespmem:$0xD770];
	v63 =	vmul.f32 v50, v37;
	v9 =	vadd.f32 v57, v9  }
0x2cd: {  	v29 =	vmul.f32 v50, v40;
	v14 =	vadd.f32 v58, v14;
	v7 =	vadd.f32 v61, v60  }
0x2ce: {  	v2 =	vadd.f32 v12, v2;
	v9 =	vadd.f32 v63, v9  }
0x2cf: {  	v1 =	vadd.f32 v10, v1;
	v14 =	vmax.f32 v14, $0.0e+00;
	v7 =	vadd.f32 v29, v7  }
0x2d0: {  	v32 =	vmul.f32 v14, v59;
	v9 =	vmax.f32 v9, $0.0e+00;
	v34 =	vmul.f32 v14, v62  }
0x2d1: {  	v38 =	vmul.f32 v31, v14;
	v7 =	vmax.f32 v7, $0.0e+00;
	v36 =	vmul.f32 v9, v59  }
0x2d2: {  	v39 =	vmul.f32 v9, v62;
	v9 =	vmul.f32 v31, v9;
	v3 =	vadd.f32 v32, v3  }
0x2d3: {  	v37 =	vmul.f32 v7, v59;
	v8 =	vadd.f32 v34, v8;
	v0 =	vadd.f32 v38, v0  }
0x2d4: {  	v40 =	vmul.f32 v7, v62;
	v5 =	vadd.f32 v36, v5;
	v11 =	vadd.f32 v39, v11  }
0x2d5: {  	v2 =	vadd.f32 v9, v2;
	v41 =	vmul.f32 v3, v24;
	v42 =	vmul.f32 v8, v25  }
0x2d6: {  	v7 =	vmul.f32 v31, v7;
	v4 =	vadd.f32 v37, v4;
	v6 =	vadd.f32 v40, v6  }
0x2d7: {  	v43 =	vmul.f32 v0, v23;
	v3 =	vmul.f32 $1.000000010e-01, v3;
	v10 =	vadd.f32 v42, v41  }
0x2d8: {  	v47 =	vld [tilespmem:s5+$0xF610];
	v8 =	vmul.f32 $1.000000010e-01, v8;
	v0 =	vmul.f32 $1.000000010e-01, v0;
	v1 =	vadd.f32 v7, v1  }
0x2d9: {  	v50 =	vmul.f32 v5, v26;
	v51 =	vmul.f32 v11, v27;
	v10 =	vadd.f32 v10, v43  }
0x2da: {  	v52 =	vmul.f32 v2, v28;
	v5 =	vmul.f32 $1.000000010e-01, v5;
	v3 =	vadd.f32 v3, v44  }
0x2db: {  	v8 =	vadd.f32 v8, v45;
	v7 =	vadd.f32 v51, v50;
	v10 =	vmul.f32 $1.000000010e-01, v10  }
0x2dc: {  	v55 =	vld [tilespmem:s5+$0xF620];
	v54 =	vmul.f32 $1.000000010e-01, v11;
	v0 =	vadd.f32 v0, v46;
	v56 =	vmul.f32 v4, v30;
	[tilespmem:s5+$0xD7B0] =	vst v3  }
0x2dd: {  	v57 =	vmul.f32 v6, v33;
	[tilespmem:s5+$0xE1D0] =	vst v8;
	v7 =	vadd.f32 v7, v52;
	v3 =	vadd.f32 v10, v47  }
0x2de: {  	v2 =	vmul.f32 $1.000000010e-01, v2;
	v60 =	vmul.f32 v1, v35;
	[tilespmem:s5+$0xEBF0] =	vst v0;
	v0 =	vadd.f32 v5, v53  }
0x2df: {  	v58 =	vadd.f32 v54, v48;
	v59 =	vadd.f32 v57, v56;
	[tilespmem:s5+$0xF610] =	vst v3;
	v3 =	vmul.f32 $1.000000010e-01, v7  }
0x2e0: {  	v61 =	vld [tilespmem:s5+$0xF630];
	[tilespmem:s5+$0xD7C0] =	vst v0;
	v0 =	vadd.f32 v2, v49;
	v2 =	vmul.f32 $1.000000010e-01, v4  }
0x2e1: {  	v62 =	vmul.f32 $1.000000010e-01, v6;
	[tilespmem:s5+$0xE1E0] =	vst v58;
	v63 =	vadd.f32 v59, v60;
	v3 =	vadd.f32 v55, v3  }
0x2e2: {  	p0 =	sne.s32 s4, $0x27C0;
	v1 =	vmul.f32 $1.000000010e-01, v1;
	[tilespmem:s5+$0xEC00] =	vst v0;
	v0 =	vadd.f32 v2, v20  }
.Ltmp3:
0x2e3: {  	v2 =	vadd.f32 v62, v21;
	[tilespmem:s5+$0xF620] =	vst v3;
	v3 =	vmul.f32 $1.000000010e-01, v63;
	(pc) =	sbr.rel @p0 .LBB2_9-.Ltmp3, $4  }
0x2e4: {  	[tilespmem:s5+$0xD7D0] =	vst v0;
	v0 =	vadd.f32 v1, v22  }
0x2e5: {  	[tilespmem:s5+$0xE1F0] =	vst v2;
	v2 =	vld [tilespmem:$0x1FFC0];
	v1 =	vadd.f32 v61, v3  }
0x2e6: {  	[tilespmem:s5+$0xEC10] =	vst v0;
	v0 =	vld [tilespmem:$0x1FFA0]  }
0x2e7: {  	s4 =	sadd.s32 $0xC0, s4;
	[tilespmem:s5+$0xF630] =	vst v1;
	v1 =	vld [tilespmem:$0x1FFB0]  }
0x2e8: {  	[spmem:s21] =	stream.linear.scatter [tilespmem:s31], [sflag:$0x1], $0xA20, $0x38;
	[tilespmem:$0x11E90] =	vst v63  }
0x2e9: {  	_ =	swait.ge [sflag:s26], $0xA20  }
0x2ea: {  	[sflag:s26] =	ssyncset.done $0x0  }
0x2eb: {  	[sflag:s26] =	ssyncadd.s32 $0xFFFFF5E0  }
0x2ec: {  	[spmem:s22] =	stream.linear.scatter [tilespmem:s1], [sflag:$0x1], $0xA20, $0x38;
	[tilespmem:$0x11E90] =	vst v63  }
0x2ed: {  	_ =	swait.ge [sflag:s26], $0xA20  }
0x2ee: {  	[sflag:s26] =	ssyncset.done $0x0  }
0x2ef: {  	[sflag:s26] =	ssyncadd.s32 $0xFFFFF5E0  }
0x2f0: {  	[spmem:s23] =	stream.linear.scatter [tilespmem:s0], [sflag:$0x1], $0xA20, $0x38;
	[tilespmem:$0x11E90] =	vst v63  }
0x2f1: {  	_ =	swait.ge [sflag:s26], $0xA20  }
0x2f2: {  	[sflag:s26] =	ssyncset.done $0x0  }
0x2f3: {  	[sflag:s26] =	ssyncadd.s32 $0xFFFFF5E0  }
0x2f4: {  	s4 =	simm.s32 $0x0;
	[bflag:$0x0] =	sbarrier.arrive $0xFFFF  }
0x2f5: {  	[tilespmem:s4], [sflag:$0x1] =	stream.linear.gather [spmem:s15], $0x2880, $0x38;
	[tilespmem:$0x11E90] =	vst v63  }
0x2f6: {  	_ =	swait.ge [sflag:s26], $0x2880  }
0x2f7: {  	[sflag:s26] =	ssyncset.done $0x0  }
0x2f8: {  	[sflag:s26] =	ssyncadd.s32 $0xFFFFD780  }
0x2f9: {  	[tilespmem:s28], [sflag:$0x1] =	stream.linear.gather [spmem:s16], $0x2880, $0x38;
	[tilespmem:$0x11E90] =	vst v63  }
0x2fa: {  	_ =	swait.ge [sflag:s26], $0x2880  }
0x2fb: {  	s3 =	sadd.s32 $0x1, s3;
	[sflag:s26] =	ssyncset.done $0x0  }
0x2fc: {  	p0 =	sne.s32 s3, $0xA;
	[sflag:s26] =	ssyncadd.s32 $0xFFFFD780  }
0x2fd: {  	[tilespmem:s29], [sflag:$0x1] =	stream.linear.gather [spmem:s20], $0x2880, $0x38;
	[tilespmem:$0x11E90] =	vst v63  }
.Ltmp4:
0x2fe: {  	_ =	swait.ge [sflag:s26], $0x2880;
	(pc) =	sbr.rel @p0 .LBB2_8-.Ltmp4, $3  }
0x2ff: {  	[sflag:s26] =	ssyncset.done $0x0  }
0x300: {  	[sflag:s26] =	ssyncadd.s32 $0xFFFFD780  }
0x301: {  	[bflag:$0x0] =	sbarrier.arrive $0xFFFF;
	_ =	sdelay $0x1  }
0x302: {  	v3 =	vld [tilespmem:$0x1FFD0];
	_ =	sdelay $0x2  }
0x303: {  	v4 =	vld [tilespmem:$0x1FFE0]  }
0x304: {  	v5 =	vld [tilespmem:$0x1FFF0]  }
0x305: {  	v6 =	vld [tilespmem:$0x1FF50]  }
0x306: {  	v7 =	vld [tilespmem:$0x1FF40]  }
0x307: {  	s3 =	sshra.s32 s4, $0x2;
	s4 =	sadd.s32 $0x40, s4;
	v8 =	vld [tilespmem:$0x1FF30]  }
.LBB2_12:
0x308: {  	p0 =	sne.s32 s4, $0x2840;
	v0 =	vld.idx.msk [tilespmem:v3+s3+$0x0 ss:$0x1], $0xffff;
	_ =	sdelay $0x5  }
0x309: {  	v0 =	vmul.f32 v0, v8;
	_ =	sdelay $0x1  }
0x30a: {  	[tilespmem:s3+$0xD7B0] =	vst v0  }
0x30b: {  	v0 =	vld.idx.msk [tilespmem:v4+s3+$0x0 ss:$0x1], $0xffff;
	_ =	sdelay $0x5  }
0x30c: {  	v0 =	vmul.f32 v0, v7;
	_ =	sdelay $0x1  }
0x30d: {  	[tilespmem:s3+$0xE1D0] =	vst v0  }
0x30e: {  	v0 =	vld.idx.msk [tilespmem:v5+s3+$0x0 ss:$0x1], $0xffff;
	_ =	sdelay $0x3  }
.Ltmp5:
0x30f: {  	(pc) =	sbr.rel @p0 .LBB2_12-.Ltmp5, $3  }
0x310: {  	_ = 	snop  }
0x311: {  	v0 =	vmul.f32 v0, v6;
	_ =	sdelay $0x1  }
0x312: {  	[tilespmem:s3+$0xEBF0] =	vst v0;
	s3 =	sshra.s32 s4, $0x2;
	s4 =	sadd.s32 $0x40, s4  }
0x313: {  	_ =	sdelay $0x3  }
0x314: {  	v0 =	vld.idx.msk [tilespmem:v3+s3+$0x0 ss:$0x1], $0xffff;
	_ =	sdelay $0x4  }
0x315: {  	v0 =	vmul.f32 v0, v8;
	_ =	sdelay $0x1  }
0x316: {  	[tilespmem:s3+$0xD7B0] =	vst v0  }
0x317: {  	v0 =	vld.idx.msk [tilespmem:v4+s3+$0x0 ss:$0x1], $0xffff;
	_ =	sdelay $0x4  }
0x318: {  	v0 =	vmul.f32 v0, v7;
	_ =	sdelay $0x1  }
0x319: {  	[tilespmem:s3+$0xE1D0] =	vst v0  }
0x31a: {  	v0 =	vld.idx.msk [tilespmem:v5+s3+$0x0 ss:$0x1], $0xffff;
	_ =	sdelay $0x4  }
0x31b: {  	v0 =	vmul.f32 v0, v6;
	_ =	sdelay $0x1  }
0x31c: {  	[tilespmem:s3+$0xEBF0] =	vst v0  }
0x31d: {  	[hbm4b:s17+s2] =	stream.linear.scatter [tilespmem:s31], [sflag:$0x1], $0xA20, $0x38;
	[tilespmem:$0x11E90] =	vst v63  }
0x31e: {  	_ =	swait.ge [sflag:s26], $0xA20  }
0x31f: {  	[sflag:s26] =	ssyncset.done $0x0  }
0x320: {  	[sflag:s26] =	ssyncadd.s32 $0xFFFFF5E0  }
0x321: {  	[hbm4b:s18+s2] =	stream.linear.scatter [tilespmem:s1], [sflag:$0x1], $0xA20, $0x38;
	[tilespmem:$0x11E90] =	vst v63  }
0x322: {  	_ =	swait.ge [sflag:s26], $0xA20  }
0x323: {  	[sflag:s26] =	ssyncset.done $0x0  }
0x324: {  	[sflag:s26] =	ssyncadd.s32 $0xFFFFF5E0  }
0x325: {  	[hbm4b:s19+s2] =	stream.linear.scatter [tilespmem:s0], [sflag:$0x1], $0xA20, $0x38;
	[tilespmem:$0x11E90] =	vst v63  }
0x326: {  	s30 =	sadd.s32 $0x1, s30;
	_ =	swait.ge [sflag:s26], $0xA20  }
0x327: {  	p0 =	sne.s32 s30, s25;
	[sflag:s26] =	ssyncset.done $0x0  }
.Ltmp6:
0x328: {  	s5 =	simm.s32 $0xF610;
	[sflag:s26] =	ssyncadd.s32 $0xFFFFF5E0;
	(pc) =	sbr.rel @p0 .LBB2_1-.Ltmp6, $4  }
0x329: {  	[hbm4b:s24+s2] =	stream.linear.scatter [tilespmem:s5], [sflag:$0x1], $0xA20, $0x38;
	[tilespmem:$0x11E90] =	vst v63  }
0x32a: {  	_ =	swait.ge [sflag:s26], $0xA20  }
0x32b: {  	[sflag:s26] =	ssyncset.done $0x0  }
0x32c: {  	v10 =	vimm.f32 $0.0e+00;
	v0 =	vld [tilespmem:$0x1FFA0];
	[sflag:s26] =	ssyncadd.s32 $0xFFFFF5E0  }
0x32d: {  	_ =	sfence.sel $0x180000  }
0x32e: {  	[bflag:$0x0] =	sbarrier.arrive $0xFFFF  }
0x32f: {  	_ =	strace $0x90000047  }
0x330: {  	s0 =	stileid.u32;
	[bflag:$0x2] =	sbarrier.arrive $0xFFFF  }
0x331: {  	p0 =	sne.s32 s0, $0x0;
	s0 =	rddreg [dreg:$0x3]  }
0x332: {  	s0 =	sadd.s32 @!p0 $0x100000, s0  }
0x333: {  	[sflag:s0] =	ssyncadd.tile.s32 @!p0 $0x1;
	_ =	shalt  }
.Lfunc_end2:
_tile_overlayer_lowered:
.L_overlay_start_2:
0x334: {  	(tag) =	ssettag $0x2  }
0x335: {  	s0 =	rddreg [dreg:$0x0];
	s2 =	stileid.u32  }
0x336: {  	s1 =	rddreg [dreg:$0x1];
	p0 =	sne.s32 s2, $0x0  }
0x337: {  	s3 =	rddreg [dreg:$0x2];
	[bflag:$0x3] =	sbarrier.arrive $0xFFFF;
	s2 =	simm.s32 @!p0 $0x1C01  }
0x338: {  	[timem:s3], [sflag:s2] =	dma.local @!p0 [hbm:s0], s1  }
0x339: {  	s0 =	simm.s32 @!p0 $0x1  }
0x33a: {  	_ =	swait.ge @!p0 [sflag:s0], s1  }
0x33b: {  	s1 =	ssub.s32 @!p0 $0x0, s1;
	[sflag:s0] =	ssyncset.done @!p0 $0x0  }
0x33c: {  	[sflag:s0] =	ssyncadd.s32 @!p0 s1  }
0x33d: {  	[bflag:$0x3] =	sbarrier.arrive $0xFFFF  }
0x33e: {  	_ =	shalt  }

</sc_bundles>
